<compile_context>
chip_gen: v7x
topology: tpu7x:2x2x1
jax: 0.10.2.dev20260603
libtpu: 0.0.44.dev20260713+nightly
codegen_flags: <defaults>
</compile_context>

<pallas_src>
import functools

import jax
import jax.numpy as jnp
from jax import lax
from jax.experimental import pallas as pl
from jax.experimental.pallas import tpu as pltpu
from jax.experimental.pallas import tpu_sc as plsc

N_NODES = 10000
N_EDGES = 320000
D = 128
N_PAD = 10240

NC = 2
NS = 16
W_HALF = 80
CHUNK = 128
K_TILE = 160
E_PAD = NS * CHUNK * K_TILE
ROWS_2D = E_PAD // CHUNK

TC_BLK = 2048

NBUF = 2
IBUF = 4



def _make_sc_agg(w):
    mesh = plsc.VectorSubcoreMesh(core_axis_name="c", subcore_axis_name="s")

    @functools.partial(
        pl.kernel,
        out_type=jax.ShapeDtypeStruct((NC, N_PAD, w), jnp.float32),
        mesh=mesh,
        scratch_types=[
            pltpu.VMEM((IBUF, 1, CHUNK), jnp.int32),
            pltpu.VMEM((IBUF, 1, CHUNK), jnp.int32),
            pltpu.VMEM((NBUF, CHUNK, w), jnp.float32),
            pltpu.VMEM_SHARED((N_PAD, w), jnp.float32),
            pltpu.VMEM_SHARED((N_PAD, w), jnp.float32),
        ] + [pltpu.SemaphoreType.DMA] * (IBUF + 2 * NBUF),
        compiler_params=pltpu.CompilerParams(use_tc_tiling_on_sc=False),
        name="sc_agg_w%d" % w,
    )
    def sc_agg(t01, src2d, dst2d, zeros, acc, src_v, dst_v, rows_v, tab_sh,
               acc_sh, *sems):
        isem = sems[:IBUF]
        gsem = sems[IBUF:IBUF + NBUF]
        ssem = sems[IBUF + NBUF:]
        c = lax.axis_index("c")
        s = lax.axis_index("s")
        base = s * K_TILE

        def i_issue(i, q):
            pltpu.async_copy(src2d.at[pl.ds(base + i, 1)], src_v.at[q], isem[q])
            pltpu.async_copy(dst2d.at[pl.ds(base + i, 1)], dst_v.at[q], isem[q])

        def i_wait(i, q):
            pltpu.make_async_copy(src2d.at[pl.ds(base + i, 1)], src_v.at[q],
                                  isem[q]).wait()
            pltpu.make_async_copy(dst2d.at[pl.ds(base + i, 1)], dst_v.at[q],
                                  isem[q]).wait()

        def g_issue(q, b):
            pltpu.async_copy(tab_sh.at[src_v.at[q, 0]], rows_v.at[b], gsem[b])

        def g_wait(q, b):
            pltpu.make_async_copy(tab_sh.at[src_v.at[q, 0]], rows_v.at[b],
                                  gsem[b]).wait()

        def s_issue(q, b):
            pltpu.async_copy(rows_v.at[b], acc_sh.at[dst_v.at[q, 0]], ssem[b],
                             add=True)

        def s_wait(q, b):
            pltpu.make_async_copy(rows_v.at[b], acc_sh.at[dst_v.at[q, 0]],
                                  ssem[b]).wait()

        rows_per_tec = N_PAD // NS
        i_issue(0, 0)
        i_issue(1, 1)
        sl = pl.ds(s * rows_per_tec, rows_per_tec)
        pltpu.sync_copy(t01.at[c, sl], tab_sh.at[sl])
        pltpu.sync_copy(zeros.at[sl], acc_sh.at[sl])
        plsc.subcore_barrier()

        i_wait(0, 0)
        g_issue(0, 0)
        i_issue(2, 2)
        i_wait(1, 1)
        g_issue(1, 1)
        i_issue(3, 3)
        g_wait(0, 0)
        s_issue(0, 0)

        s_wait(0, 0)
        i_wait(2, 2)
        g_issue(2, 0)
        i_issue(4, 0)
        g_wait(1, 1)
        s_issue(1, 1)
        s_wait(1, 1)
        i_wait(3, 3)
        g_issue(3, 1)
        i_issue(5, 1)
        g_wait(2, 0)
        s_issue(2, 0)

        def steady(g, carry):
            i0 = 4 + g * 4
            for b in range(4):
                i = i0 + b
                q = b
                rb = b % NBUF
                s_wait((b + 2) % IBUF, rb)
                i_wait(i, q)
                g_issue(q, rb)
                @pl.when(i + 2 < K_TILE)
                def _(i=i, b=b):
                    i_issue(i + 2, (b + 2) % IBUF)
                g_wait((b + 3) % IBUF, (b + 1) % NBUF)
                s_issue((b + 3) % IBUF, (b + 1) % NBUF)
            return carry

        lax.fori_loop(0, (K_TILE - 4) // 4, steady, 0)

        g_wait(3, 1)
        s_issue(3, 1)
        s_wait(2, 0)
        s_wait(3, 1)

        plsc.subcore_barrier()

        pltpu.sync_copy(acc_sh.at[sl], acc.at[c, sl])

    return sc_agg


_SC_AGG_CACHE = {}


def _sc_agg(w, *args):
    if w not in _SC_AGG_CACHE:
        _SC_AGG_CACHE[w] = _make_sc_agg(w)
    return _SC_AGG_CACHE[w](*args)



W1 = 64


def _unstack80(blk):
    feat = jnp.concatenate([blk[0], blk[1][:, :D - W_HALF]], axis=1)
    cnt = blk[1][:, D - W_HALF:D - W_HALF + 1]
    return feat, cnt


def _tc_layer0_body(acc_ref, xa_ref, wl_ref, bl_ref, wr_ref, out_ref):
    agg, cnt = _unstack80(acc_ref[...])
    mean = agg / jnp.maximum(cnt, 1.0)
    x, _ = _unstack80(xa_ref[...])
    h = mean @ wl_ref[...] + bl_ref[...] + x @ wr_ref[...]
    h = jnp.maximum(h, 0.0)
    i = pl.program_id(0)
    row = i * TC_BLK + lax.broadcasted_iota(jnp.int32, (TC_BLK, 1), 0)
    valid = row < N_NODES
    half0 = jnp.where(valid, h[:, :W1], 0.0)
    half1 = jnp.where(valid, h[:, W1:], 0.0)
    out_ref[...] = jnp.stack([half0, half1], axis=0)


def _tc_layer1_body(acc1_ref, acc0_ref, ha_ref, wl_ref, bl_ref, wr_ref,
                    wf_ref, bf_ref, out_ref):
    agg = jnp.concatenate([acc1_ref[0], acc1_ref[1]], axis=1)
    cnt = acc0_ref[1][:, D - W_HALF:D - W_HALF + 1]
    mean = agg / jnp.maximum(cnt, 1.0)
    h = jnp.concatenate([ha_ref[0], ha_ref[1]], axis=1)
    t = mean @ wl_ref[...] + bl_ref[...] + h @ wr_ref[...]
    t = jnp.maximum(t, 0.0)
    out_ref[...] = t @ wf_ref[...] + bf_ref[...]


def _tc_layer0(acc, x01, Wl0, bl0, Wr0):
    grid = (N_PAD // TC_BLK,)
    return pl.pallas_call(
        _tc_layer0_body,
        grid=grid,
        in_specs=[
            pl.BlockSpec((NC, TC_BLK, W_HALF), lambda i: (0, i, 0)),
            pl.BlockSpec((NC, TC_BLK, W_HALF), lambda i: (0, i, 0)),
            pl.BlockSpec((D, D), lambda i: (0, 0)),
            pl.BlockSpec((1, D), lambda i: (0, 0)),
            pl.BlockSpec((D, D), lambda i: (0, 0)),
        ],
        out_specs=pl.BlockSpec((NC, TC_BLK, W1), lambda i: (0, i, 0)),
        out_shape=jax.ShapeDtypeStruct((NC, N_PAD, W1), jnp.float32),
    )(acc, x01, Wl0, bl0, Wr0)


def _tc_layer1(acc1, acc0, h01, Wl1, bl1, Wr1, Wf, bf):
    grid = (N_PAD // TC_BLK,)
    return pl.pallas_call(
        _tc_layer1_body,
        grid=grid,
        in_specs=[
            pl.BlockSpec((NC, TC_BLK, W1), lambda i: (0, i, 0)),
            pl.BlockSpec((NC, TC_BLK, W_HALF), lambda i: (0, i, 0)),
            pl.BlockSpec((NC, TC_BLK, W1), lambda i: (0, i, 0)),
            pl.BlockSpec((D, D), lambda i: (0, 0)),
            pl.BlockSpec((1, D), lambda i: (0, 0)),
            pl.BlockSpec((D, D), lambda i: (0, 0)),
            pl.BlockSpec((D, D), lambda i: (0, 0)),
            pl.BlockSpec((1, D), lambda i: (0, 0)),
        ],
        out_specs=pl.BlockSpec((TC_BLK, D), lambda i: (i, 0)),
        out_shape=jax.ShapeDtypeStruct((N_NODES, D), jnp.float32),
    )(acc1, acc0, h01, Wl1, bl1, Wr1, Wf, bf)



def kernel(x, edge_index, Wl0, bl0, Wr0, Wl1, bl1, Wr1, Wf, bf):
    src = edge_index[0].astype(jnp.int32)
    dst = edge_index[1].astype(jnp.int32)
    pad_e = E_PAD - N_EDGES
    src_p = jnp.concatenate(
        [src, jnp.full((pad_e,), N_NODES, jnp.int32)]).reshape(ROWS_2D, CHUNK)
    dst_p = jnp.concatenate(
        [dst, jnp.zeros((pad_e,), jnp.int32)]).reshape(ROWS_2D, CHUNK)

    x01 = jnp.zeros((NC, N_PAD, W_HALF), jnp.float32)
    x01 = x01.at[0, :N_NODES, :].set(x[:, :W_HALF])
    x01 = x01.at[1, :N_NODES, :D - W_HALF].set(x[:, W_HALF:])
    x01 = x01.at[1, :N_NODES, D - W_HALF].set(1.0)

    zeros80 = jnp.zeros((N_PAD, W_HALF), jnp.float32)
    zeros64 = jnp.zeros((N_PAD, W1), jnp.float32)
    bl0r = bl0.reshape(1, D)
    bl1r = bl1.reshape(1, D)
    bfr = bf.reshape(1, D)

    acc0 = _sc_agg(W_HALF, x01, src_p, dst_p, zeros80)
    h01 = _tc_layer0(acc0, x01, Wl0, bl0r, Wr0)
    acc1 = _sc_agg(W1, h01, src_p, dst_p, zeros64)
    return _tc_layer1(acc1, acc0, h01, Wl1, bl1r, Wr1, Wf, bfr)

# --- scband reference (transcript-rebuilt; emitter-appended) ---
"""Pipeline reference for scband-graph-sage-40089224741075 (READ-ONLY COPY).

The authoritative reference and input builder live on the scoring server;
editing this copy changes nothing except your own understanding.
"""

import jax, jax.numpy as jnp
import numpy as np

N_NODES = 10000
N_EDGES = 320000
D_IN = 128
D_HID = 128
D_OUT = 128


def _glorot(key, shape):
    fan_in, fan_out = shape[0], shape[1]
    limit = np.sqrt(6.0 / (fan_in + fan_out))
    return jax.random.uniform(key, shape, dtype=jnp.float32, minval=-limit, maxval=limit)


def setup_inputs(seed: int = 0) -> dict:
    key = jax.random.key(seed)
    ks = jax.random.split(key, 12)
    x = jax.random.normal(ks[0], (N_NODES, D_IN), dtype=jnp.float32)
    edge_index = jax.random.randint(ks[1], (2, N_EDGES), 0, N_NODES, dtype=jnp.int64)
    # SAGEConv layer 0: lin_l (applied to aggregated neighbors, with bias), lin_r (root, no bias)
    Wl0 = _glorot(ks[2], (D_IN, D_HID))
    bl0 = jnp.zeros((D_HID,), dtype=jnp.float32)
    Wr0 = _glorot(ks[3], (D_IN, D_HID))
    # SAGEConv layer 1
    Wl1 = _glorot(ks[4], (D_HID, D_HID))
    bl1 = jnp.zeros((D_HID,), dtype=jnp.float32)
    Wr1 = _glorot(ks[5], (D_HID, D_HID))
    # final fc
    Wf = _glorot(ks[6], (D_HID, D_OUT))
    bf = jnp.zeros((D_OUT,), dtype=jnp.float32)
    return {"x": x, "edge_index": edge_index, "Wl0": Wl0, "bl0": bl0, "Wr0": Wr0,
            "Wl1": Wl1, "bl1": bl1, "Wr1": Wr1, "Wf": Wf, "bf": bf}


def _sage_conv(x, src, dst, Wl, bl, Wr):
    # message: x_j from source nodes, mean-aggregated at destination nodes
    msg = jnp.take(x, src, axis=0)                       # gather [E, d]
    agg = jax.ops.segment_sum(msg, dst, num_segments=N_NODES)   # scatter-add
    cnt = jax.ops.segment_sum(jnp.ones((msg.shape[0], 1), dtype=x.dtype), dst, num_segments=N_NODES)
    mean = agg / jnp.maximum(cnt, 1.0)
    return mean @ Wl + bl + x @ Wr


def reference(x, edge_index, Wl0, bl0, Wr0, Wl1, bl1, Wr1, Wf, bf):
    src = edge_index[0]
    dst = edge_index[1]
    # layer 0
    h = _sage_conv(x, src, dst, Wl0, bl0, Wr0)
    h = jax.nn.relu(h)
    # dropout is identity in eval mode
    # layer 1
    h = _sage_conv(h, src, dst, Wl1, bl1, Wr1)
    h = jax.nn.relu(h)
    # final linear
    return h @ Wf + bf

if __name__ == "__main__":
    import jax
    _d = setup_inputs()
    print(jax.jit(kernel)(*tuple(_d.values())))

</pallas_src>

<mosaic_0001>
#map = affine_map<(d0, d1) -> (0, 0, 0)>
#map1 = affine_map<(d0, d1) -> (0, 0)>
module attributes {stable_mosaic.version = 14 : i64} {
  func.func @sc_agg_w64(%arg0: i32, %arg1: i32, %arg2: memref<2x10240x64xf32, #tpu.memory_space<hbm>>, %arg3: memref<2560x128xi32, #tpu.memory_space<hbm>>, %arg4: memref<2560x128xi32, #tpu.memory_space<hbm>>, %arg5: memref<10240x64xf32, #tpu.memory_space<hbm>>, %arg6: memref<2x10240x64xf32, #tpu.memory_space<hbm>>, %arg7: memref<4x1x128xi32, #tpu.memory_space<vmem>>, %arg8: memref<4x1x128xi32, #tpu.memory_space<vmem>>, %arg9: memref<2x128x64xf32, #tpu.memory_space<vmem>>, %arg10: memref<10240x64xf32, #tpu.memory_space<vmem_shared>>, %arg11: memref<10240x64xf32, #tpu.memory_space<vmem_shared>>, %arg12: memref<!tpu.dma_semaphore, #tpu.memory_space<semaphore_mem>>, %arg13: memref<!tpu.dma_semaphore, #tpu.memory_space<semaphore_mem>>, %arg14: memref<!tpu.dma_semaphore, #tpu.memory_space<semaphore_mem>>, %arg15: memref<!tpu.dma_semaphore, #tpu.memory_space<semaphore_mem>>, %arg16: memref<!tpu.dma_semaphore, #tpu.memory_space<semaphore_mem>>, %arg17: memref<!tpu.dma_semaphore, #tpu.memory_space<semaphore_mem>>, %arg18: memref<!tpu.dma_semaphore, #tpu.memory_space<semaphore_mem>>, %arg19: memref<!tpu.dma_semaphore, #tpu.memory_space<semaphore_mem>>) attributes {dimension_semantics = [#tpu.dimension_semantics<core_parallel>, #tpu.dimension_semantics<subcore_parallel>], iteration_bounds = array<i64: 2, 16>, scalar_prefetch = 0 : i64, scratch_operands = 13 : i64, tpu.core_type = #tpu.core_type<sc_vector_subcore>, window_params = [{transform_indices = #map}, {transform_indices = #map1}, {transform_indices = #map1}, {transform_indices = #map1}, {transform_indices = #map}]} {
    %mul3A = arith.constant 160 : i32
    %mul3A_0 = arith.muli %arg1, %mul3A : i32
    %add3A = arith.constant 0 : i32
    %add3A_1 = arith.addi %mul3A_0, %add3A : i32
    %dma_start3A = arith.constant 0 : i32
    %dma_start3A_2 = arith.constant 0 : i32
    %dma_start3A_3 = arith.constant 0 : i32
    %dma_start3A_4 = tpu.memref_slice %arg7[%dma_start3A, %dma_start3A_2, %dma_start3A_3] : memref<4x1x128xi32, #tpu.memory_space<vmem>> -> memref<1x1x128xi32, #tpu.memory_space<vmem>>
    %dma_start3A_5 = tpu.memref_squeeze %dma_start3A_4 : memref<1x1x128xi32, #tpu.memory_space<vmem>> -> memref<1x128xi32, #tpu.memory_space<vmem>>
    %dma_start3A_6 = arith.constant 0 : i32
    %dma_start3A_7 = tpu.memref_slice %arg3[%add3A_1, %dma_start3A_6] : memref<2560x128xi32, #tpu.memory_space<hbm>> -> memref<1x128xi32, #tpu.memory_space<hbm>>
    %dma_start3A_8 = arith.constant 0 : i32
    %dma_start3A_9 = arith.constant 0 : i32
    %dma_start3A_10 = tpu.memref_slice %arg7[%dma_start3A, %dma_start3A_8, %dma_start3A_9] : memref<4x1x128xi32, #tpu.memory_space<vmem>> -> memref<1x1x128xi32, #tpu.memory_space<vmem>>
    %dma_start3A_11 = tpu.memref_squeeze %dma_start3A_10 : memref<1x1x128xi32, #tpu.memory_space<vmem>> -> memref<1x128xi32, #tpu.memory_space<vmem>>
    %dma_start3A_12 = arith.constant 0 : i32
    %dma_start3A_13 = tpu.memref_slice %arg3[%add3A_1, %dma_start3A_12] : memref<2560x128xi32, #tpu.memory_space<hbm>> -> memref<1x128xi32, #tpu.memory_space<hbm>>
    tpu.enqueue_dma source(%dma_start3A_13 : memref<1x128xi32, #tpu.memory_space<hbm>>) target(%dma_start3A_11 : memref<1x128xi32, #tpu.memory_space<vmem>>) target_semaphore(%arg12 : memref<!tpu.dma_semaphore, #tpu.memory_space<semaphore_mem>>)
    %add3A_14 = arith.constant 0 : i32
    %add3A_15 = arith.addi %mul3A_0, %add3A_14 : i32
    %dma_start3A_16 = arith.constant 0 : i32
    %dma_start3A_17 = arith.constant 0 : i32
    %dma_start3A_18 = arith.constant 0 : i32
    %dma_start3A_19 = tpu.memref_slice %arg8[%dma_start3A_16, %dma_start3A_17, %dma_start3A_18] : memref<4x1x128xi32, #tpu.memory_space<vmem>> -> memref<1x1x128xi32, #tpu.memory_space<vmem>>
    %dma_start3A_20 = tpu.memref_squeeze %dma_start3A_19 : memref<1x1x128xi32, #tpu.memory_space<vmem>> -> memref<1x128xi32, #tpu.memory_space<vmem>>
    %dma_start3A_21 = arith.constant 0 : i32
    %dma_start3A_22 = tpu.memref_slice %arg4[%add3A_15, %dma_start3A_21] : memref<2560x128xi32, #tpu.memory_space<hbm>> -> memref<1x128xi32, #tpu.memory_space<hbm>>
    %dma_start3A_23 = arith.constant 0 : i32
    %dma_start3A_24 = arith.constant 0 : i32
    %dma_start3A_25 = tpu.memref_slice %arg8[%dma_start3A_16, %dma_start3A_23, %dma_start3A_24] : memref<4x1x128xi32, #tpu.memory_space<vmem>> -> memref<1x1x128xi32, #tpu.memory_space<vmem>>
    %dma_start3A_26 = tpu.memref_squeeze %dma_start3A_25 : memref<1x1x128xi32, #tpu.memory_space<vmem>> -> memref<1x128xi32, #tpu.memory_space<vmem>>
    %dma_start3A_27 = arith.constant 0 : i32
    %dma_start3A_28 = tpu.memref_slice %arg4[%add3A_15, %dma_start3A_27] : memref<2560x128xi32, #tpu.memory_space<hbm>> -> memref<1x128xi32, #tpu.memory_space<hbm>>
    tpu.enqueue_dma source(%dma_start3A_28 : memref<1x128xi32, #tpu.memory_space<hbm>>) target(%dma_start3A_26 : memref<1x128xi32, #tpu.memory_space<vmem>>) target_semaphore(%arg12 : memref<!tpu.dma_semaphore, #tpu.memory_space<semaphore_mem>>)
    %add3A_29 = arith.constant 1 : i32
    %add3A_30 = arith.addi %mul3A_0, %add3A_29 : i32
    %dma_start3A_31 = arith.constant 1 : i32
    %dma_start3A_32 = arith.constant 0 : i32
    %dma_start3A_33 = arith.constant 0 : i32
    %dma_start3A_34 = tpu.memref_slice %arg7[%dma_start3A_31, %dma_start3A_32, %dma_start3A_33] : memref<4x1x128xi32, #tpu.memory_space<vmem>> -> memref<1x1x128xi32, #tpu.memory_space<vmem>>
    %dma_start3A_35 = tpu.memref_squeeze %dma_start3A_34 : memref<1x1x128xi32, #tpu.memory_space<vmem>> -> memref<1x128xi32, #tpu.memory_space<vmem>>
    %dma_start3A_36 = arith.constant 0 : i32
    %dma_start3A_37 = tpu.memref_slice %arg3[%add3A_30, %dma_start3A_36] : memref<2560x128xi32, #tpu.memory_space<hbm>> -> memref<1x128xi32, #tpu.memory_space<hbm>>
    %dma_start3A_38 = arith.constant 0 : i32
    %dma_start3A_39 = arith.constant 0 : i32
    %dma_start3A_40 = tpu.memref_slice %arg7[%dma_start3A_31, %dma_start3A_38, %dma_start3A_39] : memref<4x1x128xi32, #tpu.memory_space<vmem>> -> memref<1x1x128xi32, #tpu.memory_space<vmem>>
    %dma_start3A_41 = tpu.memref_squeeze %dma_start3A_40 : memref<1x1x128xi32, #tpu.memory_space<vmem>> -> memref<1x128xi32, #tpu.memory_space<vmem>>
    %dma_start3A_42 = arith.constant 0 : i32
    %dma_start3A_43 = tpu.memref_slice %arg3[%add3A_30, %dma_start3A_42] : memref<2560x128xi32, #tpu.memory_space<hbm>> -> memref<1x128xi32, #tpu.memory_space<hbm>>
    tpu.enqueue_dma source(%dma_start3A_43 : memref<1x128xi32, #tpu.memory_space<hbm>>) target(%dma_start3A_41 : memref<1x128xi32, #tpu.memory_space<vmem>>) target_semaphore(%arg13 : memref<!tpu.dma_semaphore, #tpu.memory_space<semaphore_mem>>)
    %add3A_44 = arith.constant 1 : i32
    %add3A_45 = arith.addi %mul3A_0, %add3A_44 : i32
    %dma_start3A_46 = arith.constant 1 : i32
    %dma_start3A_47 = arith.constant 0 : i32
    %dma_start3A_48 = arith.constant 0 : i32
    %dma_start3A_49 = tpu.memref_slice %arg8[%dma_start3A_46, %dma_start3A_47, %dma_start3A_48] : memref<4x1x128xi32, #tpu.memory_space<vmem>> -> memref<1x1x128xi32, #tpu.memory_space<vmem>>
    %dma_start3A_50 = tpu.memref_squeeze %dma_start3A_49 : memref<1x1x128xi32, #tpu.memory_space<vmem>> -> memref<1x128xi32, #tpu.memory_space<vmem>>
    %dma_start3A_51 = arith.constant 0 : i32
    %dma_start3A_52 = tpu.memref_slice %arg4[%add3A_45, %dma_start3A_51] : memref<2560x128xi32, #tpu.memory_space<hbm>> -> memref<1x128xi32, #tpu.memory_space<hbm>>
    %dma_start3A_53 = arith.constant 0 : i32
    %dma_start3A_54 = arith.constant 0 : i32
    %dma_start3A_55 = tpu.memref_slice %arg8[%dma_start3A_46, %dma_start3A_53, %dma_start3A_54] : memref<4x1x128xi32, #tpu.memory_space<vmem>> -> memref<1x1x128xi32, #tpu.memory_space<vmem>>
    %dma_start3A_56 = tpu.memref_squeeze %dma_start3A_55 : memref<1x1x128xi32, #tpu.memory_space<vmem>> -> memref<1x128xi32, #tpu.memory_space<vmem>>
    %dma_start3A_57 = arith.constant 0 : i32
    %dma_start3A_58 = tpu.memref_slice %arg4[%add3A_45, %dma_start3A_57] : memref<2560x128xi32, #tpu.memory_space<hbm>> -> memref<1x128xi32, #tpu.memory_space<hbm>>
    tpu.enqueue_dma source(%dma_start3A_58 : memref<1x128xi32, #tpu.memory_space<hbm>>) target(%dma_start3A_56 : memref<1x128xi32, #tpu.memory_space<vmem>>) target_semaphore(%arg13 : memref<!tpu.dma_semaphore, #tpu.memory_space<semaphore_mem>>)
    %mul3A_59 = arith.constant 640 : i32
    %mul3A_60 = arith.muli %arg1, %mul3A_59 : i32
    "tpu.region"() ({
      %run_scoped3A = tpu.sem_alloc : memref<!tpu.dma_semaphore, #tpu.memory_space<semaphore_mem>>
      %dma_start3A_514 = arith.constant 0 : i32
      %dma_start3A_515 = tpu.memref_slice %arg10[%mul3A_60, %dma_start3A_514] : memref<10240x64xf32, #tpu.memory_space<vmem_shared>> -> memref<640x64xf32, #tpu.memory_space<vmem_shared>>
      %dma_start3A_516 = arith.constant 0 : i32
      %dma_start3A_517 = tpu.memref_slice %arg2[%arg0, %mul3A_60, %dma_start3A_516] : memref<2x10240x64xf32, #tpu.memory_space<hbm>> -> memref<1x640x64xf32, #tpu.memory_space<hbm>>
      %dma_start3A_518 = tpu.memref_squeeze %dma_start3A_517 : memref<1x640x64xf32, #tpu.memory_space<hbm>> -> memref<640x64xf32, #tpu.memory_space<hbm>>
      tpu.enqueue_dma source(%dma_start3A_518 : memref<640x64xf32, #tpu.memory_space<hbm>>) target(%dma_start3A_515 : memref<640x64xf32, #tpu.memory_space<vmem_shared>>) target_semaphore(%run_scoped3A : memref<!tpu.dma_semaphore, #tpu.memory_space<semaphore_mem>>)
      %dma_wait3A_519 = arith.constant 0 : i32
      %dma_wait3A_520 = tpu.memref_slice %arg10[%mul3A_60, %dma_wait3A_519] : memref<10240x64xf32, #tpu.memory_space<vmem_shared>> -> memref<640x64xf32, #tpu.memory_space<vmem_shared>>
      %dma_wait3A_521 = arith.constant 0 : i32
      %dma_wait3A_522 = tpu.memref_slice %arg2[%arg0, %mul3A_60, %dma_wait3A_521] : memref<2x10240x64xf32, #tpu.memory_space<hbm>> -> memref<1x640x64xf32, #tpu.memory_space<hbm>>
      %dma_wait3A_523 = tpu.memref_squeeze %dma_wait3A_522 : memref<1x640x64xf32, #tpu.memory_space<hbm>> -> memref<640x64xf32, #tpu.memory_space<hbm>>
      tpu.wait_dma2 semaphore(%run_scoped3A : memref<!tpu.dma_semaphore, #tpu.memory_space<semaphore_mem>>) src(%dma_wait3A_523 : memref<640x64xf32, #tpu.memory_space<hbm>>) dst(%dma_wait3A_520 : memref<640x64xf32, #tpu.memory_space<vmem_shared>>)
      tpu.yield
    }) : () -> ()
    "tpu.region"() ({
      %run_scoped3A = tpu.sem_alloc : memref<!tpu.dma_semaphore, #tpu.memory_space<semaphore_mem>>
      %dma_start3A_514 = arith.constant 0 : i32
      %dma_start3A_515 = tpu.memref_slice %arg11[%mul3A_60, %dma_start3A_514] : memref<10240x64xf32, #tpu.memory_space<vmem_shared>> -> memref<640x64xf32, #tpu.memory_space<vmem_shared>>
      %dma_start3A_516 = arith.constant 0 : i32
      %dma_start3A_517 = tpu.memref_slice %arg5[%mul3A_60, %dma_start3A_516] : memref<10240x64xf32, #tpu.memory_space<hbm>> -> memref<640x64xf32, #tpu.memory_space<hbm>>
      tpu.enqueue_dma source(%dma_start3A_517 : memref<640x64xf32, #tpu.memory_space<hbm>>) target(%dma_start3A_515 : memref<640x64xf32, #tpu.memory_space<vmem_shared>>) target_semaphore(%run_scoped3A : memref<!tpu.dma_semaphore, #tpu.memory_space<semaphore_mem>>)
      %dma_wait3A_518 = arith.constant 0 : i32
      %dma_wait3A_519 = tpu.memref_slice %arg11[%mul3A_60, %dma_wait3A_518] : memref<10240x64xf32, #tpu.memory_space<vmem_shared>> -> memref<640x64xf32, #tpu.memory_space<vmem_shared>>
      %dma_wait3A_520 = arith.constant 0 : i32
      %dma_wait3A_521 = tpu.memref_slice %arg5[%mul3A_60, %dma_wait3A_520] : memref<10240x64xf32, #tpu.memory_space<hbm>> -> memref<640x64xf32, #tpu.memory_space<hbm>>
      tpu.wait_dma2 semaphore(%run_scoped3A : memref<!tpu.dma_semaphore, #tpu.memory_space<semaphore_mem>>) src(%dma_wait3A_521 : memref<640x64xf32, #tpu.memory_space<hbm>>) dst(%dma_wait3A_519 : memref<640x64xf32, #tpu.memory_space<vmem_shared>>)
      tpu.yield
    }) : () -> ()
    %barrier3A = arith.constant 0 : index
    tpu.barrier barrier_id(%barrier3A)
    %add3A_61 = arith.constant 0 : i32
    %add3A_62 = arith.addi %mul3A_0, %add3A_61 : i32
    %dma_wait3A = arith.constant 0 : i32
    %dma_wait3A_63 = arith.constant 0 : i32
    %dma_wait3A_64 = arith.constant 0 : i32
    %dma_wait3A_65 = tpu.memref_slice %arg7[%dma_wait3A, %dma_wait3A_63, %dma_wait3A_64] : memref<4x1x128xi32, #tpu.memory_space<vmem>> -> memref<1x1x128xi32, #tpu.memory_space<vmem>>
    %dma_wait3A_66 = tpu.memref_squeeze %dma_wait3A_65 : memref<1x1x128xi32, #tpu.memory_space<vmem>> -> memref<1x128xi32, #tpu.memory_space<vmem>>
    %dma_wait3A_67 = arith.constant 0 : i32
    %dma_wait3A_68 = tpu.memref_slice %arg3[%add3A_62, %dma_wait3A_67] : memref<2560x128xi32, #tpu.memory_space<hbm>> -> memref<1x128xi32, #tpu.memory_space<hbm>>
    %dma_wait3A_69 = arith.constant 0 : i32
    %dma_wait3A_70 = arith.constant 0 : i32
    %dma_wait3A_71 = tpu.memref_slice %arg7[%dma_wait3A, %dma_wait3A_69, %dma_wait3A_70] : memref<4x1x128xi32, #tpu.memory_space<vmem>> -> memref<1x1x128xi32, #tpu.memory_space<vmem>>
    %dma_wait3A_72 = tpu.memref_squeeze %dma_wait3A_71 : memref<1x1x128xi32, #tpu.memory_space<vmem>> -> memref<1x128xi32, #tpu.memory_space<vmem>>
    %dma_wait3A_73 = arith.constant 0 : i32
    %dma_wait3A_74 = tpu.memref_slice %arg3[%add3A_62, %dma_wait3A_73] : memref<2560x128xi32, #tpu.memory_space<hbm>> -> memref<1x128xi32, #tpu.memory_space<hbm>>
    tpu.wait_dma2 semaphore(%arg12 : memref<!tpu.dma_semaphore, #tpu.memory_space<semaphore_mem>>) src(%dma_wait3A_74 : memref<1x128xi32, #tpu.memory_space<hbm>>) dst(%dma_wait3A_72 : memref<1x128xi32, #tpu.memory_space<vmem>>)
    %add3A_75 = arith.constant 0 : i32
    %add3A_76 = arith.addi %mul3A_0, %add3A_75 : i32
    %dma_wait3A_77 = arith.constant 0 : i32
    %dma_wait3A_78 = arith.constant 0 : i32
    %dma_wait3A_79 = arith.constant 0 : i32
    %dma_wait3A_80 = tpu.memref_slice %arg8[%dma_wait3A_77, %dma_wait3A_78, %dma_wait3A_79] : memref<4x1x128xi32, #tpu.memory_space<vmem>> -> memref<1x1x128xi32, #tpu.memory_space<vmem>>
    %dma_wait3A_81 = tpu.memref_squeeze %dma_wait3A_80 : memref<1x1x128xi32, #tpu.memory_space<vmem>> -> memref<1x128xi32, #tpu.memory_space<vmem>>
    %dma_wait3A_82 = arith.constant 0 : i32
    %dma_wait3A_83 = tpu.memref_slice %arg4[%add3A_76, %dma_wait3A_82] : memref<2560x128xi32, #tpu.memory_space<hbm>> -> memref<1x128xi32, #tpu.memory_space<hbm>>
    %dma_wait3A_84 = arith.constant 0 : i32
    %dma_wait3A_85 = arith.constant 0 : i32
    %dma_wait3A_86 = tpu.memref_slice %arg8[%dma_wait3A_77, %dma_wait3A_84, %dma_wait3A_85] : memref<4x1x128xi32, #tpu.memory_space<vmem>> -> memref<1x1x128xi32, #tpu.memory_space<vmem>>
    %dma_wait3A_87 = tpu.memref_squeeze %dma_wait3A_86 : memref<1x1x128xi32, #tpu.memory_space<vmem>> -> memref<1x128xi32, #tpu.memory_space<vmem>>
    %dma_wait3A_88 = arith.constant 0 : i32
    %dma_wait3A_89 = tpu.memref_slice %arg4[%add3A_76, %dma_wait3A_88] : memref<2560x128xi32, #tpu.memory_space<hbm>> -> memref<1x128xi32, #tpu.memory_space<hbm>>
    tpu.wait_dma2 semaphore(%arg12 : memref<!tpu.dma_semaphore, #tpu.memory_space<semaphore_mem>>) src(%dma_wait3A_89 : memref<1x128xi32, #tpu.memory_space<hbm>>) dst(%dma_wait3A_87 : memref<1x128xi32, #tpu.memory_space<vmem>>)
    %dma_start3A_90 = arith.constant 0 : i32
    %dma_start3A_91 = arith.constant 0 : i32
    %dma_start3A_92 = arith.constant 0 : i32
    %dma_start3A_93 = arith.constant 0 : i32
    %dma_start3A_94 = arith.constant 0 : i32
    %dma_start3A_95 = tpu.memref_slice %arg9[%dma_start3A_92, %dma_start3A_93, %dma_start3A_94] : memref<2x128x64xf32, #tpu.memory_space<vmem>> -> memref<1x128x64xf32, #tpu.memory_space<vmem>>
    %dma_start3A_96 = tpu.memref_squeeze %dma_start3A_95 : memref<1x128x64xf32, #tpu.memory_space<vmem>> -> memref<128x64xf32, #tpu.memory_space<vmem>>
    %dma_start3A_97 = arith.constant 0 : i32
    %dma_start3A_98 = tpu.memref_slice %arg7[%dma_start3A_90, %dma_start3A_91, %dma_start3A_97] : memref<4x1x128xi32, #tpu.memory_space<vmem>> -> memref<1x1x128xi32, #tpu.memory_space<vmem>>
    %dma_start3A_99 = tpu.memref_squeeze %dma_start3A_98 : memref<1x1x128xi32, #tpu.memory_space<vmem>> -> memref<128xi32, #tpu.memory_space<vmem>>
    %dma_start3A_100 = arith.constant 0 : i32
    %dma_start3A_101 = arith.constant 0 : i32
    %dma_start3A_102 = tpu.memref_slice %arg10[%dma_start3A_100, %dma_start3A_101] : memref<10240x64xf32, #tpu.memory_space<vmem_shared>> -> memref<10240x64xf32, #tpu.memory_space<vmem_shared>>
    tpu.enqueue_indirect_dma source(%dma_start3A_102 : memref<10240x64xf32, #tpu.memory_space<vmem_shared>>) target(%dma_start3A_96 : memref<128x64xf32, #tpu.memory_space<vmem>>) offsets(%dma_start3A_99 : memref<128xi32, #tpu.memory_space<vmem>>) semaphore(%arg16 : memref<!tpu.dma_semaphore, #tpu.memory_space<semaphore_mem>>)
    %add3A_103 = arith.constant 2 : i32
    %add3A_104 = arith.addi %mul3A_0, %add3A_103 : i32
    %dma_start3A_105 = arith.constant 2 : i32
    %dma_start3A_106 = arith.constant 0 : i32
    %dma_start3A_107 = arith.constant 0 : i32
    %dma_start3A_108 = tpu.memref_slice %arg7[%dma_start3A_105, %dma_start3A_106, %dma_start3A_107] : memref<4x1x128xi32, #tpu.memory_space<vmem>> -> memref<1x1x128xi32, #tpu.memory_space<vmem>>
    %dma_start3A_109 = tpu.memref_squeeze %dma_start3A_108 : memref<1x1x128xi32, #tpu.memory_space<vmem>> -> memref<1x128xi32, #tpu.memory_space<vmem>>
    %dma_start3A_110 = arith.constant 0 : i32
    %dma_start3A_111 = tpu.memref_slice %arg3[%add3A_104, %dma_start3A_110] : memref<2560x128xi32, #tpu.memory_space<hbm>> -> memref<1x128xi32, #tpu.memory_space<hbm>>
    %dma_start3A_112 = arith.constant 0 : i32
    %dma_start3A_113 = arith.constant 0 : i32
    %dma_start3A_114 = tpu.memref_slice %arg7[%dma_start3A_105, %dma_start3A_112, %dma_start3A_113] : memref<4x1x128xi32, #tpu.memory_space<vmem>> -> memref<1x1x128xi32, #tpu.memory_space<vmem>>
    %dma_start3A_115 = tpu.memref_squeeze %dma_start3A_114 : memref<1x1x128xi32, #tpu.memory_space<vmem>> -> memref<1x128xi32, #tpu.memory_space<vmem>>
    %dma_start3A_116 = arith.constant 0 : i32
    %dma_start3A_117 = tpu.memref_slice %arg3[%add3A_104, %dma_start3A_116] : memref<2560x128xi32, #tpu.memory_space<hbm>> -> memref<1x128xi32, #tpu.memory_space<hbm>>
    tpu.enqueue_dma source(%dma_start3A_117 : memref<1x128xi32, #tpu.memory_space<hbm>>) target(%dma_start3A_115 : memref<1x128xi32, #tpu.memory_space<vmem>>) target_semaphore(%arg14 : memref<!tpu.dma_semaphore, #tpu.memory_space<semaphore_mem>>)
    %add3A_118 = arith.constant 2 : i32
    %add3A_119 = arith.addi %mul3A_0, %add3A_118 : i32
    %dma_start3A_120 = arith.constant 2 : i32
    %dma_start3A_121 = arith.constant 0 : i32
    %dma_start3A_122 = arith.constant 0 : i32
    %dma_start3A_123 = tpu.memref_slice %arg8[%dma_start3A_120, %dma_start3A_121, %dma_start3A_122] : memref<4x1x128xi32, #tpu.memory_space<vmem>> -> memref<1x1x128xi32, #tpu.memory_space<vmem>>
    %dma_start3A_124 = tpu.memref_squeeze %dma_start3A_123 : memref<1x1x128xi32, #tpu.memory_space<vmem>> -> memref<1x128xi32, #tpu.memory_space<vmem>>
    %dma_start3A_125 = arith.constant 0 : i32
    %dma_start3A_126 = tpu.memref_slice %arg4[%add3A_119, %dma_start3A_125] : memref<2560x128xi32, #tpu.memory_space<hbm>> -> memref<1x128xi32, #tpu.memory_space<hbm>>
    %dma_start3A_127 = arith.constant 0 : i32
    %dma_start3A_128 = arith.constant 0 : i32
    %dma_start3A_129 = tpu.memref_slice %arg8[%dma_start3A_120, %dma_start3A_127, %dma_start3A_128] : memref<4x1x128xi32, #tpu.memory_space<vmem>> -> memref<1x1x128xi32, #tpu.memory_space<vmem>>
    %dma_start3A_130 = tpu.memref_squeeze %dma_start3A_129 : memref<1x1x128xi32, #tpu.memory_space<vmem>> -> memref<1x128xi32, #tpu.memory_space<vmem>>
    %dma_start3A_131 = arith.constant 0 : i32
    %dma_start3A_132 = tpu.memref_slice %arg4[%add3A_119, %dma_start3A_131] : memref<2560x128xi32, #tpu.memory_space<hbm>> -> memref<1x128xi32, #tpu.memory_space<hbm>>
    tpu.enqueue_dma source(%dma_start3A_132 : memref<1x128xi32, #tpu.memory_space<hbm>>) target(%dma_start3A_130 : memref<1x128xi32, #tpu.memory_space<vmem>>) target_semaphore(%arg14 : memref<!tpu.dma_semaphore, #tpu.memory_space<semaphore_mem>>)
    %add3A_133 = arith.constant 1 : i32
    %add3A_134 = arith.addi %mul3A_0, %add3A_133 : i32
    %dma_wait3A_135 = arith.constant 1 : i32
    %dma_wait3A_136 = arith.constant 0 : i32
    %dma_wait3A_137 = arith.constant 0 : i32
    %dma_wait3A_138 = tpu.memref_slice %arg7[%dma_wait3A_135, %dma_wait3A_136, %dma_wait3A_137] : memref<4x1x128xi32, #tpu.memory_space<vmem>> -> memref<1x1x128xi32, #tpu.memory_space<vmem>>
    %dma_wait3A_139 = tpu.memref_squeeze %dma_wait3A_138 : memref<1x1x128xi32, #tpu.memory_space<vmem>> -> memref<1x128xi32, #tpu.memory_space<vmem>>
    %dma_wait3A_140 = arith.constant 0 : i32
    %dma_wait3A_141 = tpu.memref_slice %arg3[%add3A_134, %dma_wait3A_140] : memref<2560x128xi32, #tpu.memory_space<hbm>> -> memref<1x128xi32, #tpu.memory_space<hbm>>
    %dma_wait3A_142 = arith.constant 0 : i32
    %dma_wait3A_143 = arith.constant 0 : i32
    %dma_wait3A_144 = tpu.memref_slice %arg7[%dma_wait3A_135, %dma_wait3A_142, %dma_wait3A_143] : memref<4x1x128xi32, #tpu.memory_space<vmem>> -> memref<1x1x128xi32, #tpu.memory_space<vmem>>
    %dma_wait3A_145 = tpu.memref_squeeze %dma_wait3A_144 : memref<1x1x128xi32, #tpu.memory_space<vmem>> -> memref<1x128xi32, #tpu.memory_space<vmem>>
    %dma_wait3A_146 = arith.constant 0 : i32
    %dma_wait3A_147 = tpu.memref_slice %arg3[%add3A_134, %dma_wait3A_146] : memref<2560x128xi32, #tpu.memory_space<hbm>> -> memref<1x128xi32, #tpu.memory_space<hbm>>
    tpu.wait_dma2 semaphore(%arg13 : memref<!tpu.dma_semaphore, #tpu.memory_space<semaphore_mem>>) src(%dma_wait3A_147 : memref<1x128xi32, #tpu.memory_space<hbm>>) dst(%dma_wait3A_145 : memref<1x128xi32, #tpu.memory_space<vmem>>)
    %add3A_148 = arith.constant 1 : i32
    %add3A_149 = arith.addi %mul3A_0, %add3A_148 : i32
    %dma_wait3A_150 = arith.constant 1 : i32
    %dma_wait3A_151 = arith.constant 0 : i32
    %dma_wait3A_152 = arith.constant 0 : i32
    %dma_wait3A_153 = tpu.memref_slice %arg8[%dma_wait3A_150, %dma_wait3A_151, %dma_wait3A_152] : memref<4x1x128xi32, #tpu.memory_space<vmem>> -> memref<1x1x128xi32, #tpu.memory_space<vmem>>
    %dma_wait3A_154 = tpu.memref_squeeze %dma_wait3A_153 : memref<1x1x128xi32, #tpu.memory_space<vmem>> -> memref<1x128xi32, #tpu.memory_space<vmem>>
    %dma_wait3A_155 = arith.constant 0 : i32
    %dma_wait3A_156 = tpu.memref_slice %arg4[%add3A_149, %dma_wait3A_155] : memref<2560x128xi32, #tpu.memory_space<hbm>> -> memref<1x128xi32, #tpu.memory_space<hbm>>
    %dma_wait3A_157 = arith.constant 0 : i32
    %dma_wait3A_158 = arith.constant 0 : i32
    %dma_wait3A_159 = tpu.memref_slice %arg8[%dma_wait3A_150, %dma_wait3A_157, %dma_wait3A_158] : memref<4x1x128xi32, #tpu.memory_space<vmem>> -> memref<1x1x128xi32, #tpu.memory_space<vmem>>
    %dma_wait3A_160 = tpu.memref_squeeze %dma_wait3A_159 : memref<1x1x128xi32, #tpu.memory_space<vmem>> -> memref<1x128xi32, #tpu.memory_space<vmem>>
    %dma_wait3A_161 = arith.constant 0 : i32
    %dma_wait3A_162 = tpu.memref_slice %arg4[%add3A_149, %dma_wait3A_161] : memref<2560x128xi32, #tpu.memory_space<hbm>> -> memref<1x128xi32, #tpu.memory_space<hbm>>
    tpu.wait_dma2 semaphore(%arg13 : memref<!tpu.dma_semaphore, #tpu.memory_space<semaphore_mem>>) src(%dma_wait3A_162 : memref<1x128xi32, #tpu.memory_space<hbm>>) dst(%dma_wait3A_160 : memref<1x128xi32, #tpu.memory_space<vmem>>)
    %dma_start3A_163 = arith.constant 1 : i32
    %dma_start3A_164 = arith.constant 0 : i32
    %dma_start3A_165 = arith.constant 1 : i32
    %dma_start3A_166 = arith.constant 0 : i32
    %dma_start3A_167 = arith.constant 0 : i32
    %dma_start3A_168 = tpu.memref_slice %arg9[%dma_start3A_165, %dma_start3A_166, %dma_start3A_167] : memref<2x128x64xf32, #tpu.memory_space<vmem>> -> memref<1x128x64xf32, #tpu.memory_space<vmem>>
    %dma_start3A_169 = tpu.memref_squeeze %dma_start3A_168 : memref<1x128x64xf32, #tpu.memory_space<vmem>> -> memref<128x64xf32, #tpu.memory_space<vmem>>
    %dma_start3A_170 = arith.constant 0 : i32
    %dma_start3A_171 = tpu.memref_slice %arg7[%dma_start3A_163, %dma_start3A_164, %dma_start3A_170] : memref<4x1x128xi32, #tpu.memory_space<vmem>> -> memref<1x1x128xi32, #tpu.memory_space<vmem>>
    %dma_start3A_172 = tpu.memref_squeeze %dma_start3A_171 : memref<1x1x128xi32, #tpu.memory_space<vmem>> -> memref<128xi32, #tpu.memory_space<vmem>>
    %dma_start3A_173 = arith.constant 0 : i32
    %dma_start3A_174 = arith.constant 0 : i32
    %dma_start3A_175 = tpu.memref_slice %arg10[%dma_start3A_173, %dma_start3A_174] : memref<10240x64xf32, #tpu.memory_space<vmem_shared>> -> memref<10240x64xf32, #tpu.memory_space<vmem_shared>>
    tpu.enqueue_indirect_dma source(%dma_start3A_175 : memref<10240x64xf32, #tpu.memory_space<vmem_shared>>) target(%dma_start3A_169 : memref<128x64xf32, #tpu.memory_space<vmem>>) offsets(%dma_start3A_172 : memref<128xi32, #tpu.memory_space<vmem>>) semaphore(%arg17 : memref<!tpu.dma_semaphore, #tpu.memory_space<semaphore_mem>>)
    %add3A_176 = arith.constant 3 : i32
    %add3A_177 = arith.addi %mul3A_0, %add3A_176 : i32
    %dma_start3A_178 = arith.constant 3 : i32
    %dma_start3A_179 = arith.constant 0 : i32
    %dma_start3A_180 = arith.constant 0 : i32
    %dma_start3A_181 = tpu.memref_slice %arg7[%dma_start3A_178, %dma_start3A_179, %dma_start3A_180] : memref<4x1x128xi32, #tpu.memory_space<vmem>> -> memref<1x1x128xi32, #tpu.memory_space<vmem>>
    %dma_start3A_182 = tpu.memref_squeeze %dma_start3A_181 : memref<1x1x128xi32, #tpu.memory_space<vmem>> -> memref<1x128xi32, #tpu.memory_space<vmem>>
    %dma_start3A_183 = arith.constant 0 : i32
    %dma_start3A_184 = tpu.memref_slice %arg3[%add3A_177, %dma_start3A_183] : memref<2560x128xi32, #tpu.memory_space<hbm>> -> memref<1x128xi32, #tpu.memory_space<hbm>>
    %dma_start3A_185 = arith.constant 0 : i32
    %dma_start3A_186 = arith.constant 0 : i32
    %dma_start3A_187 = tpu.memref_slice %arg7[%dma_start3A_178, %dma_start3A_185, %dma_start3A_186] : memref<4x1x128xi32, #tpu.memory_space<vmem>> -> memref<1x1x128xi32, #tpu.memory_space<vmem>>
    %dma_start3A_188 = tpu.memref_squeeze %dma_start3A_187 : memref<1x1x128xi32, #tpu.memory_space<vmem>> -> memref<1x128xi32, #tpu.memory_space<vmem>>
    %dma_start3A_189 = arith.constant 0 : i32
    %dma_start3A_190 = tpu.memref_slice %arg3[%add3A_177, %dma_start3A_189] : memref<2560x128xi32, #tpu.memory_space<hbm>> -> memref<1x128xi32, #tpu.memory_space<hbm>>
    tpu.enqueue_dma source(%dma_start3A_190 : memref<1x128xi32, #tpu.memory_space<hbm>>) target(%dma_start3A_188 : memref<1x128xi32, #tpu.memory_space<vmem>>) target_semaphore(%arg15 : memref<!tpu.dma_semaphore, #tpu.memory_space<semaphore_mem>>)
    %add3A_191 = arith.constant 3 : i32
    %add3A_192 = arith.addi %mul3A_0, %add3A_191 : i32
    %dma_start3A_193 = arith.constant 3 : i32
    %dma_start3A_194 = arith.constant 0 : i32
    %dma_start3A_195 = arith.constant 0 : i32
    %dma_start3A_196 = tpu.memref_slice %arg8[%dma_start3A_193, %dma_start3A_194, %dma_start3A_195] : memref<4x1x128xi32, #tpu.memory_space<vmem>> -> memref<1x1x128xi32, #tpu.memory_space<vmem>>
    %dma_start3A_197 = tpu.memref_squeeze %dma_start3A_196 : memref<1x1x128xi32, #tpu.memory_space<vmem>> -> memref<1x128xi32, #tpu.memory_space<vmem>>
    %dma_start3A_198 = arith.constant 0 : i32
    %dma_start3A_199 = tpu.memref_slice %arg4[%add3A_192, %dma_start3A_198] : memref<2560x128xi32, #tpu.memory_space<hbm>> -> memref<1x128xi32, #tpu.memory_space<hbm>>
    %dma_start3A_200 = arith.constant 0 : i32
    %dma_start3A_201 = arith.constant 0 : i32
    %dma_start3A_202 = tpu.memref_slice %arg8[%dma_start3A_193, %dma_start3A_200, %dma_start3A_201] : memref<4x1x128xi32, #tpu.memory_space<vmem>> -> memref<1x1x128xi32, #tpu.memory_space<vmem>>
    %dma_start3A_203 = tpu.memref_squeeze %dma_start3A_202 : memref<1x1x128xi32, #tpu.memory_space<vmem>> -> memref<1x128xi32, #tpu.memory_space<vmem>>
    %dma_start3A_204 = arith.constant 0 : i32
    %dma_start3A_205 = tpu.memref_slice %arg4[%add3A_192, %dma_start3A_204] : memref<2560x128xi32, #tpu.memory_space<hbm>> -> memref<1x128xi32, #tpu.memory_space<hbm>>
    tpu.enqueue_dma source(%dma_start3A_205 : memref<1x128xi32, #tpu.memory_space<hbm>>) target(%dma_start3A_203 : memref<1x128xi32, #tpu.memory_space<vmem>>) target_semaphore(%arg15 : memref<!tpu.dma_semaphore, #tpu.memory_space<semaphore_mem>>)
    %dma_wait3A_206 = arith.constant 0 : i32
    %dma_wait3A_207 = arith.constant 0 : i32
    %dma_wait3A_208 = arith.constant 0 : i32
    %dma_wait3A_209 = arith.constant 0 : i32
    %dma_wait3A_210 = arith.constant 0 : i32
    %dma_wait3A_211 = tpu.memref_slice %arg9[%dma_wait3A_208, %dma_wait3A_209, %dma_wait3A_210] : memref<2x128x64xf32, #tpu.memory_space<vmem>> -> memref<1x128x64xf32, #tpu.memory_space<vmem>>
    %dma_wait3A_212 = tpu.memref_squeeze %dma_wait3A_211 : memref<1x128x64xf32, #tpu.memory_space<vmem>> -> memref<128x64xf32, #tpu.memory_space<vmem>>
    %dma_wait3A_213 = arith.constant 0 : i32
    %dma_wait3A_214 = tpu.memref_slice %arg7[%dma_wait3A_206, %dma_wait3A_207, %dma_wait3A_213] : memref<4x1x128xi32, #tpu.memory_space<vmem>> -> memref<1x1x128xi32, #tpu.memory_space<vmem>>
    %dma_wait3A_215 = tpu.memref_squeeze %dma_wait3A_214 : memref<1x1x128xi32, #tpu.memory_space<vmem>> -> memref<128xi32, #tpu.memory_space<vmem>>
    %dma_wait3A_216 = arith.constant 0 : i32
    %dma_wait3A_217 = arith.constant 0 : i32
    %dma_wait3A_218 = tpu.memref_slice %arg10[%dma_wait3A_216, %dma_wait3A_217] : memref<10240x64xf32, #tpu.memory_space<vmem_shared>> -> memref<10240x64xf32, #tpu.memory_space<vmem_shared>>
    tpu.wait_indirect_dma semaphore(%arg16 : memref<!tpu.dma_semaphore, #tpu.memory_space<semaphore_mem>>) src(%dma_wait3A_218 : memref<10240x64xf32, #tpu.memory_space<vmem_shared>>) dst(%dma_wait3A_212 : memref<128x64xf32, #tpu.memory_space<vmem>>)
    %dma_start3A_219 = arith.constant 0 : i32
    %dma_start3A_220 = arith.constant 0 : i32
    %dma_start3A_221 = arith.constant 0 : i32
    %dma_start3A_222 = arith.constant 0 : i32
    %dma_start3A_223 = arith.constant 0 : i32
    %dma_start3A_224 = tpu.memref_slice %arg9[%dma_start3A_219, %dma_start3A_222, %dma_start3A_223] : memref<2x128x64xf32, #tpu.memory_space<vmem>> -> memref<1x128x64xf32, #tpu.memory_space<vmem>>
    %dma_start3A_225 = tpu.memref_squeeze %dma_start3A_224 : memref<1x128x64xf32, #tpu.memory_space<vmem>> -> memref<128x64xf32, #tpu.memory_space<vmem>>
    %dma_start3A_226 = arith.constant 0 : i32
    %dma_start3A_227 = tpu.memref_slice %arg8[%dma_start3A_220, %dma_start3A_221, %dma_start3A_226] : memref<4x1x128xi32, #tpu.memory_space<vmem>> -> memref<1x1x128xi32, #tpu.memory_space<vmem>>
    %dma_start3A_228 = tpu.memref_squeeze %dma_start3A_227 : memref<1x1x128xi32, #tpu.memory_space<vmem>> -> memref<128xi32, #tpu.memory_space<vmem>>
    %dma_start3A_229 = arith.constant 0 : i32
    %dma_start3A_230 = arith.constant 0 : i32
    %dma_start3A_231 = tpu.memref_slice %arg11[%dma_start3A_229, %dma_start3A_230] : memref<10240x64xf32, #tpu.memory_space<vmem_shared>> -> memref<10240x64xf32, #tpu.memory_space<vmem_shared>>
    tpu.enqueue_indirect_dma source(%dma_start3A_225 : memref<128x64xf32, #tpu.memory_space<vmem>>) target(%dma_start3A_231 : memref<10240x64xf32, #tpu.memory_space<vmem_shared>>) offsets(%dma_start3A_228 : memref<128xi32, #tpu.memory_space<vmem>>) semaphore(%arg18 : memref<!tpu.dma_semaphore, #tpu.memory_space<semaphore_mem>>) {add = true}
    %dma_wait3A_232 = arith.constant 0 : i32
    %dma_wait3A_233 = arith.constant 0 : i32
    %dma_wait3A_234 = arith.constant 0 : i32
    %dma_wait3A_235 = arith.constant 0 : i32
    %dma_wait3A_236 = arith.constant 0 : i32
    %dma_wait3A_237 = tpu.memref_slice %arg9[%dma_wait3A_232, %dma_wait3A_235, %dma_wait3A_236] : memref<2x128x64xf32, #tpu.memory_space<vmem>> -> memref<1x128x64xf32, #tpu.memory_space<vmem>>
    %dma_wait3A_238 = tpu.memref_squeeze %dma_wait3A_237 : memref<1x128x64xf32, #tpu.memory_space<vmem>> -> memref<128x64xf32, #tpu.memory_space<vmem>>
    %dma_wait3A_239 = arith.constant 0 : i32
    %dma_wait3A_240 = tpu.memref_slice %arg8[%dma_wait3A_233, %dma_wait3A_234, %dma_wait3A_239] : memref<4x1x128xi32, #tpu.memory_space<vmem>> -> memref<1x1x128xi32, #tpu.memory_space<vmem>>
    %dma_wait3A_241 = tpu.memref_squeeze %dma_wait3A_240 : memref<1x1x128xi32, #tpu.memory_space<vmem>> -> memref<128xi32, #tpu.memory_space<vmem>>
    %dma_wait3A_242 = arith.constant 0 : i32
    %dma_wait3A_243 = arith.constant 0 : i32
    %dma_wait3A_244 = tpu.memref_slice %arg11[%dma_wait3A_242, %dma_wait3A_243] : memref<10240x64xf32, #tpu.memory_space<vmem_shared>> -> memref<10240x64xf32, #tpu.memory_space<vmem_shared>>
    tpu.wait_indirect_dma semaphore(%arg18 : memref<!tpu.dma_semaphore, #tpu.memory_space<semaphore_mem>>) src(%dma_wait3A_238 : memref<128x64xf32, #tpu.memory_space<vmem>>) dst(%dma_wait3A_244 : memref<10240x64xf32, #tpu.memory_space<vmem_shared>>)
    %add3A_245 = arith.constant 2 : i32
    %add3A_246 = arith.addi %mul3A_0, %add3A_245 : i32
    %dma_wait3A_247 = arith.constant 2 : i32
    %dma_wait3A_248 = arith.constant 0 : i32
    %dma_wait3A_249 = arith.constant 0 : i32
    %dma_wait3A_250 = tpu.memref_slice %arg7[%dma_wait3A_247, %dma_wait3A_248, %dma_wait3A_249] : memref<4x1x128xi32, #tpu.memory_space<vmem>> -> memref<1x1x128xi32, #tpu.memory_space<vmem>>
    %dma_wait3A_251 = tpu.memref_squeeze %dma_wait3A_250 : memref<1x1x128xi32, #tpu.memory_space<vmem>> -> memref<1x128xi32, #tpu.memory_space<vmem>>
    %dma_wait3A_252 = arith.constant 0 : i32
    %dma_wait3A_253 = tpu.memref_slice %arg3[%add3A_246, %dma_wait3A_252] : memref<2560x128xi32, #tpu.memory_space<hbm>> -> memref<1x128xi32, #tpu.memory_space<hbm>>
    %dma_wait3A_254 = arith.constant 0 : i32
    %dma_wait3A_255 = arith.constant 0 : i32
    %dma_wait3A_256 = tpu.memref_slice %arg7[%dma_wait3A_247, %dma_wait3A_254, %dma_wait3A_255] : memref<4x1x128xi32, #tpu.memory_space<vmem>> -> memref<1x1x128xi32, #tpu.memory_space<vmem>>
    %dma_wait3A_257 = tpu.memref_squeeze %dma_wait3A_256 : memref<1x1x128xi32, #tpu.memory_space<vmem>> -> memref<1x128xi32, #tpu.memory_space<vmem>>
    %dma_wait3A_258 = arith.constant 0 : i32
    %dma_wait3A_259 = tpu.memref_slice %arg3[%add3A_246, %dma_wait3A_258] : memref<2560x128xi32, #tpu.memory_space<hbm>> -> memref<1x128xi32, #tpu.memory_space<hbm>>
    tpu.wait_dma2 semaphore(%arg14 : memref<!tpu.dma_semaphore, #tpu.memory_space<semaphore_mem>>) src(%dma_wait3A_259 : memref<1x128xi32, #tpu.memory_space<hbm>>) dst(%dma_wait3A_257 : memref<1x128xi32, #tpu.memory_space<vmem>>)
    %add3A_260 = arith.constant 2 : i32
    %add3A_261 = arith.addi %mul3A_0, %add3A_260 : i32
    %dma_wait3A_262 = arith.constant 2 : i32
    %dma_wait3A_263 = arith.constant 0 : i32
    %dma_wait3A_264 = arith.constant 0 : i32
    %dma_wait3A_265 = tpu.memref_slice %arg8[%dma_wait3A_262, %dma_wait3A_263, %dma_wait3A_264] : memref<4x1x128xi32, #tpu.memory_space<vmem>> -> memref<1x1x128xi32, #tpu.memory_space<vmem>>
    %dma_wait3A_266 = tpu.memref_squeeze %dma_wait3A_265 : memref<1x1x128xi32, #tpu.memory_space<vmem>> -> memref<1x128xi32, #tpu.memory_space<vmem>>
    %dma_wait3A_267 = arith.constant 0 : i32
    %dma_wait3A_268 = tpu.memref_slice %arg4[%add3A_261, %dma_wait3A_267] : memref<2560x128xi32, #tpu.memory_space<hbm>> -> memref<1x128xi32, #tpu.memory_space<hbm>>
    %dma_wait3A_269 = arith.constant 0 : i32
    %dma_wait3A_270 = arith.constant 0 : i32
    %dma_wait3A_271 = tpu.memref_slice %arg8[%dma_wait3A_262, %dma_wait3A_269, %dma_wait3A_270] : memref<4x1x128xi32, #tpu.memory_space<vmem>> -> memref<1x1x128xi32, #tpu.memory_space<vmem>>
    %dma_wait3A_272 = tpu.memref_squeeze %dma_wait3A_271 : memref<1x1x128xi32, #tpu.memory_space<vmem>> -> memref<1x128xi32, #tpu.memory_space<vmem>>
    %dma_wait3A_273 = arith.constant 0 : i32
    %dma_wait3A_274 = tpu.memref_slice %arg4[%add3A_261, %dma_wait3A_273] : memref<2560x128xi32, #tpu.memory_space<hbm>> -> memref<1x128xi32, #tpu.memory_space<hbm>>
    tpu.wait_dma2 semaphore(%arg14 : memref<!tpu.dma_semaphore, #tpu.memory_space<semaphore_mem>>) src(%dma_wait3A_274 : memref<1x128xi32, #tpu.memory_space<hbm>>) dst(%dma_wait3A_272 : memref<1x128xi32, #tpu.memory_space<vmem>>)
    %dma_start3A_275 = arith.constant 2 : i32
    %dma_start3A_276 = arith.constant 0 : i32
    %dma_start3A_277 = arith.constant 0 : i32
    %dma_start3A_278 = arith.constant 0 : i32
    %dma_start3A_279 = arith.constant 0 : i32
    %dma_start3A_280 = tpu.memref_slice %arg9[%dma_start3A_277, %dma_start3A_278, %dma_start3A_279] : memref<2x128x64xf32, #tpu.memory_space<vmem>> -> memref<1x128x64xf32, #tpu.memory_space<vmem>>
    %dma_start3A_281 = tpu.memref_squeeze %dma_start3A_280 : memref<1x128x64xf32, #tpu.memory_space<vmem>> -> memref<128x64xf32, #tpu.memory_space<vmem>>
    %dma_start3A_282 = arith.constant 0 : i32
    %dma_start3A_283 = tpu.memref_slice %arg7[%dma_start3A_275, %dma_start3A_276, %dma_start3A_282] : memref<4x1x128xi32, #tpu.memory_space<vmem>> -> memref<1x1x128xi32, #tpu.memory_space<vmem>>
    %dma_start3A_284 = tpu.memref_squeeze %dma_start3A_283 : memref<1x1x128xi32, #tpu.memory_space<vmem>> -> memref<128xi32, #tpu.memory_space<vmem>>
    %dma_start3A_285 = arith.constant 0 : i32
    %dma_start3A_286 = arith.constant 0 : i32
    %dma_start3A_287 = tpu.memref_slice %arg10[%dma_start3A_285, %dma_start3A_286] : memref<10240x64xf32, #tpu.memory_space<vmem_shared>> -> memref<10240x64xf32, #tpu.memory_space<vmem_shared>>
    tpu.enqueue_indirect_dma source(%dma_start3A_287 : memref<10240x64xf32, #tpu.memory_space<vmem_shared>>) target(%dma_start3A_281 : memref<128x64xf32, #tpu.memory_space<vmem>>) offsets(%dma_start3A_284 : memref<128xi32, #tpu.memory_space<vmem>>) semaphore(%arg16 : memref<!tpu.dma_semaphore, #tpu.memory_space<semaphore_mem>>)
    %add3A_288 = arith.constant 4 : i32
    %add3A_289 = arith.addi %mul3A_0, %add3A_288 : i32
    %dma_start3A_290 = arith.constant 0 : i32
    %dma_start3A_291 = arith.constant 0 : i32
    %dma_start3A_292 = arith.constant 0 : i32
    %dma_start3A_293 = tpu.memref_slice %arg7[%dma_start3A_290, %dma_start3A_291, %dma_start3A_292] : memref<4x1x128xi32, #tpu.memory_space<vmem>> -> memref<1x1x128xi32, #tpu.memory_space<vmem>>
    %dma_start3A_294 = tpu.memref_squeeze %dma_start3A_293 : memref<1x1x128xi32, #tpu.memory_space<vmem>> -> memref<1x128xi32, #tpu.memory_space<vmem>>
    %dma_start3A_295 = arith.constant 0 : i32
    %dma_start3A_296 = tpu.memref_slice %arg3[%add3A_289, %dma_start3A_295] : memref<2560x128xi32, #tpu.memory_space<hbm>> -> memref<1x128xi32, #tpu.memory_space<hbm>>
    %dma_start3A_297 = arith.constant 0 : i32
    %dma_start3A_298 = arith.constant 0 : i32
    %dma_start3A_299 = tpu.memref_slice %arg7[%dma_start3A_290, %dma_start3A_297, %dma_start3A_298] : memref<4x1x128xi32, #tpu.memory_space<vmem>> -> memref<1x1x128xi32, #tpu.memory_space<vmem>>
    %dma_start3A_300 = tpu.memref_squeeze %dma_start3A_299 : memref<1x1x128xi32, #tpu.memory_space<vmem>> -> memref<1x128xi32, #tpu.memory_space<vmem>>
    %dma_start3A_301 = arith.constant 0 : i32
    %dma_start3A_302 = tpu.memref_slice %arg3[%add3A_289, %dma_start3A_301] : memref<2560x128xi32, #tpu.memory_space<hbm>> -> memref<1x128xi32, #tpu.memory_space<hbm>>
    tpu.enqueue_dma source(%dma_start3A_302 : memref<1x128xi32, #tpu.memory_space<hbm>>) target(%dma_start3A_300 : memref<1x128xi32, #tpu.memory_space<vmem>>) target_semaphore(%arg12 : memref<!tpu.dma_semaphore, #tpu.memory_space<semaphore_mem>>)
    %add3A_303 = arith.constant 4 : i32
    %add3A_304 = arith.addi %mul3A_0, %add3A_303 : i32
    %dma_start3A_305 = arith.constant 0 : i32
    %dma_start3A_306 = arith.constant 0 : i32
    %dma_start3A_307 = arith.constant 0 : i32
    %dma_start3A_308 = tpu.memref_slice %arg8[%dma_start3A_305, %dma_start3A_306, %dma_start3A_307] : memref<4x1x128xi32, #tpu.memory_space<vmem>> -> memref<1x1x128xi32, #tpu.memory_space<vmem>>
    %dma_start3A_309 = tpu.memref_squeeze %dma_start3A_308 : memref<1x1x128xi32, #tpu.memory_space<vmem>> -> memref<1x128xi32, #tpu.memory_space<vmem>>
    %dma_start3A_310 = arith.constant 0 : i32
    %dma_start3A_311 = tpu.memref_slice %arg4[%add3A_304, %dma_start3A_310] : memref<2560x128xi32, #tpu.memory_space<hbm>> -> memref<1x128xi32, #tpu.memory_space<hbm>>
    %dma_start3A_312 = arith.constant 0 : i32
    %dma_start3A_313 = arith.constant 0 : i32
    %dma_start3A_314 = tpu.memref_slice %arg8[%dma_start3A_305, %dma_start3A_312, %dma_start3A_313] : memref<4x1x128xi32, #tpu.memory_space<vmem>> -> memref<1x1x128xi32, #tpu.memory_space<vmem>>
    %dma_start3A_315 = tpu.memref_squeeze %dma_start3A_314 : memref<1x1x128xi32, #tpu.memory_space<vmem>> -> memref<1x128xi32, #tpu.memory_space<vmem>>
    %dma_start3A_316 = arith.constant 0 : i32
    %dma_start3A_317 = tpu.memref_slice %arg4[%add3A_304, %dma_start3A_316] : memref<2560x128xi32, #tpu.memory_space<hbm>> -> memref<1x128xi32, #tpu.memory_space<hbm>>
    tpu.enqueue_dma source(%dma_start3A_317 : memref<1x128xi32, #tpu.memory_space<hbm>>) target(%dma_start3A_315 : memref<1x128xi32, #tpu.memory_space<vmem>>) target_semaphore(%arg12 : memref<!tpu.dma_semaphore, #tpu.memory_space<semaphore_mem>>)
    %dma_wait3A_318 = arith.constant 1 : i32
    %dma_wait3A_319 = arith.constant 0 : i32
    %dma_wait3A_320 = arith.constant 1 : i32
    %dma_wait3A_321 = arith.constant 0 : i32
    %dma_wait3A_322 = arith.constant 0 : i32
    %dma_wait3A_323 = tpu.memref_slice %arg9[%dma_wait3A_320, %dma_wait3A_321, %dma_wait3A_322] : memref<2x128x64xf32, #tpu.memory_space<vmem>> -> memref<1x128x64xf32, #tpu.memory_space<vmem>>
    %dma_wait3A_324 = tpu.memref_squeeze %dma_wait3A_323 : memref<1x128x64xf32, #tpu.memory_space<vmem>> -> memref<128x64xf32, #tpu.memory_space<vmem>>
    %dma_wait3A_325 = arith.constant 0 : i32
    %dma_wait3A_326 = tpu.memref_slice %arg7[%dma_wait3A_318, %dma_wait3A_319, %dma_wait3A_325] : memref<4x1x128xi32, #tpu.memory_space<vmem>> -> memref<1x1x128xi32, #tpu.memory_space<vmem>>
    %dma_wait3A_327 = tpu.memref_squeeze %dma_wait3A_326 : memref<1x1x128xi32, #tpu.memory_space<vmem>> -> memref<128xi32, #tpu.memory_space<vmem>>
    %dma_wait3A_328 = arith.constant 0 : i32
    %dma_wait3A_329 = arith.constant 0 : i32
    %dma_wait3A_330 = tpu.memref_slice %arg10[%dma_wait3A_328, %dma_wait3A_329] : memref<10240x64xf32, #tpu.memory_space<vmem_shared>> -> memref<10240x64xf32, #tpu.memory_space<vmem_shared>>
    tpu.wait_indirect_dma semaphore(%arg17 : memref<!tpu.dma_semaphore, #tpu.memory_space<semaphore_mem>>) src(%dma_wait3A_330 : memref<10240x64xf32, #tpu.memory_space<vmem_shared>>) dst(%dma_wait3A_324 : memref<128x64xf32, #tpu.memory_space<vmem>>)
    %dma_start3A_331 = arith.constant 1 : i32
    %dma_start3A_332 = arith.constant 1 : i32
    %dma_start3A_333 = arith.constant 0 : i32
    %dma_start3A_334 = arith.constant 0 : i32
    %dma_start3A_335 = arith.constant 0 : i32
    %dma_start3A_336 = tpu.memref_slice %arg9[%dma_start3A_331, %dma_start3A_334, %dma_start3A_335] : memref<2x128x64xf32, #tpu.memory_space<vmem>> -> memref<1x128x64xf32, #tpu.memory_space<vmem>>
    %dma_start3A_337 = tpu.memref_squeeze %dma_start3A_336 : memref<1x128x64xf32, #tpu.memory_space<vmem>> -> memref<128x64xf32, #tpu.memory_space<vmem>>
    %dma_start3A_338 = arith.constant 0 : i32
    %dma_start3A_339 = tpu.memref_slice %arg8[%dma_start3A_332, %dma_start3A_333, %dma_start3A_338] : memref<4x1x128xi32, #tpu.memory_space<vmem>> -> memref<1x1x128xi32, #tpu.memory_space<vmem>>
    %dma_start3A_340 = tpu.memref_squeeze %dma_start3A_339 : memref<1x1x128xi32, #tpu.memory_space<vmem>> -> memref<128xi32, #tpu.memory_space<vmem>>
    %dma_start3A_341 = arith.constant 0 : i32
    %dma_start3A_342 = arith.constant 0 : i32
    %dma_start3A_343 = tpu.memref_slice %arg11[%dma_start3A_341, %dma_start3A_342] : memref<10240x64xf32, #tpu.memory_space<vmem_shared>> -> memref<10240x64xf32, #tpu.memory_space<vmem_shared>>
    tpu.enqueue_indirect_dma source(%dma_start3A_337 : memref<128x64xf32, #tpu.memory_space<vmem>>) target(%dma_start3A_343 : memref<10240x64xf32, #tpu.memory_space<vmem_shared>>) offsets(%dma_start3A_340 : memref<128xi32, #tpu.memory_space<vmem>>) semaphore(%arg19 : memref<!tpu.dma_semaphore, #tpu.memory_space<semaphore_mem>>) {add = true}
    %dma_wait3A_344 = arith.constant 1 : i32
    %dma_wait3A_345 = arith.constant 1 : i32
    %dma_wait3A_346 = arith.constant 0 : i32
    %dma_wait3A_347 = arith.constant 0 : i32
    %dma_wait3A_348 = arith.constant 0 : i32
    %dma_wait3A_349 = tpu.memref_slice %arg9[%dma_wait3A_344, %dma_wait3A_347, %dma_wait3A_348] : memref<2x128x64xf32, #tpu.memory_space<vmem>> -> memref<1x128x64xf32, #tpu.memory_space<vmem>>
    %dma_wait3A_350 = tpu.memref_squeeze %dma_wait3A_349 : memref<1x128x64xf32, #tpu.memory_space<vmem>> -> memref<128x64xf32, #tpu.memory_space<vmem>>
    %dma_wait3A_351 = arith.constant 0 : i32
    %dma_wait3A_352 = tpu.memref_slice %arg8[%dma_wait3A_345, %dma_wait3A_346, %dma_wait3A_351] : memref<4x1x128xi32, #tpu.memory_space<vmem>> -> memref<1x1x128xi32, #tpu.memory_space<vmem>>
    %dma_wait3A_353 = tpu.memref_squeeze %dma_wait3A_352 : memref<1x1x128xi32, #tpu.memory_space<vmem>> -> memref<128xi32, #tpu.memory_space<vmem>>
    %dma_wait3A_354 = arith.constant 0 : i32
    %dma_wait3A_355 = arith.constant 0 : i32
    %dma_wait3A_356 = tpu.memref_slice %arg11[%dma_wait3A_354, %dma_wait3A_355] : memref<10240x64xf32, #tpu.memory_space<vmem_shared>> -> memref<10240x64xf32, #tpu.memory_space<vmem_shared>>
    tpu.wait_indirect_dma semaphore(%arg19 : memref<!tpu.dma_semaphore, #tpu.memory_space<semaphore_mem>>) src(%dma_wait3A_350 : memref<128x64xf32, #tpu.memory_space<vmem>>) dst(%dma_wait3A_356 : memref<10240x64xf32, #tpu.memory_space<vmem_shared>>)
    %add3A_357 = arith.constant 3 : i32
    %add3A_358 = arith.addi %mul3A_0, %add3A_357 : i32
    %dma_wait3A_359 = arith.constant 3 : i32
    %dma_wait3A_360 = arith.constant 0 : i32
    %dma_wait3A_361 = arith.constant 0 : i32
    %dma_wait3A_362 = tpu.memref_slice %arg7[%dma_wait3A_359, %dma_wait3A_360, %dma_wait3A_361] : memref<4x1x128xi32, #tpu.memory_space<vmem>> -> memref<1x1x128xi32, #tpu.memory_space<vmem>>
    %dma_wait3A_363 = tpu.memref_squeeze %dma_wait3A_362 : memref<1x1x128xi32, #tpu.memory_space<vmem>> -> memref<1x128xi32, #tpu.memory_space<vmem>>
    %dma_wait3A_364 = arith.constant 0 : i32
    %dma_wait3A_365 = tpu.memref_slice %arg3[%add3A_358, %dma_wait3A_364] : memref<2560x128xi32, #tpu.memory_space<hbm>> -> memref<1x128xi32, #tpu.memory_space<hbm>>
    %dma_wait3A_366 = arith.constant 0 : i32
    %dma_wait3A_367 = arith.constant 0 : i32
    %dma_wait3A_368 = tpu.memref_slice %arg7[%dma_wait3A_359, %dma_wait3A_366, %dma_wait3A_367] : memref<4x1x128xi32, #tpu.memory_space<vmem>> -> memref<1x1x128xi32, #tpu.memory_space<vmem>>
    %dma_wait3A_369 = tpu.memref_squeeze %dma_wait3A_368 : memref<1x1x128xi32, #tpu.memory_space<vmem>> -> memref<1x128xi32, #tpu.memory_space<vmem>>
    %dma_wait3A_370 = arith.constant 0 : i32
    %dma_wait3A_371 = tpu.memref_slice %arg3[%add3A_358, %dma_wait3A_370] : memref<2560x128xi32, #tpu.memory_space<hbm>> -> memref<1x128xi32, #tpu.memory_space<hbm>>
    tpu.wait_dma2 semaphore(%arg15 : memref<!tpu.dma_semaphore, #tpu.memory_space<semaphore_mem>>) src(%dma_wait3A_371 : memref<1x128xi32, #tpu.memory_space<hbm>>) dst(%dma_wait3A_369 : memref<1x128xi32, #tpu.memory_space<vmem>>)
    %add3A_372 = arith.constant 3 : i32
    %add3A_373 = arith.addi %mul3A_0, %add3A_372 : i32
    %dma_wait3A_374 = arith.constant 3 : i32
    %dma_wait3A_375 = arith.constant 0 : i32
    %dma_wait3A_376 = arith.constant 0 : i32
    %dma_wait3A_377 = tpu.memref_slice %arg8[%dma_wait3A_374, %dma_wait3A_375, %dma_wait3A_376] : memref<4x1x128xi32, #tpu.memory_space<vmem>> -> memref<1x1x128xi32, #tpu.memory_space<vmem>>
    %dma_wait3A_378 = tpu.memref_squeeze %dma_wait3A_377 : memref<1x1x128xi32, #tpu.memory_space<vmem>> -> memref<1x128xi32, #tpu.memory_space<vmem>>
    %dma_wait3A_379 = arith.constant 0 : i32
    %dma_wait3A_380 = tpu.memref_slice %arg4[%add3A_373, %dma_wait3A_379] : memref<2560x128xi32, #tpu.memory_space<hbm>> -> memref<1x128xi32, #tpu.memory_space<hbm>>
    %dma_wait3A_381 = arith.constant 0 : i32
    %dma_wait3A_382 = arith.constant 0 : i32
    %dma_wait3A_383 = tpu.memref_slice %arg8[%dma_wait3A_374, %dma_wait3A_381, %dma_wait3A_382] : memref<4x1x128xi32, #tpu.memory_space<vmem>> -> memref<1x1x128xi32, #tpu.memory_space<vmem>>
    %dma_wait3A_384 = tpu.memref_squeeze %dma_wait3A_383 : memref<1x1x128xi32, #tpu.memory_space<vmem>> -> memref<1x128xi32, #tpu.memory_space<vmem>>
    %dma_wait3A_385 = arith.constant 0 : i32
    %dma_wait3A_386 = tpu.memref_slice %arg4[%add3A_373, %dma_wait3A_385] : memref<2560x128xi32, #tpu.memory_space<hbm>> -> memref<1x128xi32, #tpu.memory_space<hbm>>
    tpu.wait_dma2 semaphore(%arg15 : memref<!tpu.dma_semaphore, #tpu.memory_space<semaphore_mem>>) src(%dma_wait3A_386 : memref<1x128xi32, #tpu.memory_space<hbm>>) dst(%dma_wait3A_384 : memref<1x128xi32, #tpu.memory_space<vmem>>)
    %dma_start3A_387 = arith.constant 3 : i32
    %dma_start3A_388 = arith.constant 0 : i32
    %dma_start3A_389 = arith.constant 1 : i32
    %dma_start3A_390 = arith.constant 0 : i32
    %dma_start3A_391 = arith.constant 0 : i32
    %dma_start3A_392 = tpu.memref_slice %arg9[%dma_start3A_389, %dma_start3A_390, %dma_start3A_391] : memref<2x128x64xf32, #tpu.memory_space<vmem>> -> memref<1x128x64xf32, #tpu.memory_space<vmem>>
    %dma_start3A_393 = tpu.memref_squeeze %dma_start3A_392 : memref<1x128x64xf32, #tpu.memory_space<vmem>> -> memref<128x64xf32, #tpu.memory_space<vmem>>
    %dma_start3A_394 = arith.constant 0 : i32
    %dma_start3A_395 = tpu.memref_slice %arg7[%dma_start3A_387, %dma_start3A_388, %dma_start3A_394] : memref<4x1x128xi32, #tpu.memory_space<vmem>> -> memref<1x1x128xi32, #tpu.memory_space<vmem>>
    %dma_start3A_396 = tpu.memref_squeeze %dma_start3A_395 : memref<1x1x128xi32, #tpu.memory_space<vmem>> -> memref<128xi32, #tpu.memory_space<vmem>>
    %dma_start3A_397 = arith.constant 0 : i32
    %dma_start3A_398 = arith.constant 0 : i32
    %dma_start3A_399 = tpu.memref_slice %arg10[%dma_start3A_397, %dma_start3A_398] : memref<10240x64xf32, #tpu.memory_space<vmem_shared>> -> memref<10240x64xf32, #tpu.memory_space<vmem_shared>>
    tpu.enqueue_indirect_dma source(%dma_start3A_399 : memref<10240x64xf32, #tpu.memory_space<vmem_shared>>) target(%dma_start3A_393 : memref<128x64xf32, #tpu.memory_space<vmem>>) offsets(%dma_start3A_396 : memref<128xi32, #tpu.memory_space<vmem>>) semaphore(%arg17 : memref<!tpu.dma_semaphore, #tpu.memory_space<semaphore_mem>>)
    %add3A_400 = arith.constant 5 : i32
    %add3A_401 = arith.addi %mul3A_0, %add3A_400 : i32
    %dma_start3A_402 = arith.constant 1 : i32
    %dma_start3A_403 = arith.constant 0 : i32
    %dma_start3A_404 = arith.constant 0 : i32
    %dma_start3A_405 = tpu.memref_slice %arg7[%dma_start3A_402, %dma_start3A_403, %dma_start3A_404] : memref<4x1x128xi32, #tpu.memory_space<vmem>> -> memref<1x1x128xi32, #tpu.memory_space<vmem>>
    %dma_start3A_406 = tpu.memref_squeeze %dma_start3A_405 : memref<1x1x128xi32, #tpu.memory_space<vmem>> -> memref<1x128xi32, #tpu.memory_space<vmem>>
    %dma_start3A_407 = arith.constant 0 : i32
    %dma_start3A_408 = tpu.memref_slice %arg3[%add3A_401, %dma_start3A_407] : memref<2560x128xi32, #tpu.memory_space<hbm>> -> memref<1x128xi32, #tpu.memory_space<hbm>>
    %dma_start3A_409 = arith.constant 0 : i32
    %dma_start3A_410 = arith.constant 0 : i32
    %dma_start3A_411 = tpu.memref_slice %arg7[%dma_start3A_402, %dma_start3A_409, %dma_start3A_410] : memref<4x1x128xi32, #tpu.memory_space<vmem>> -> memref<1x1x128xi32, #tpu.memory_space<vmem>>
    %dma_start3A_412 = tpu.memref_squeeze %dma_start3A_411 : memref<1x1x128xi32, #tpu.memory_space<vmem>> -> memref<1x128xi32, #tpu.memory_space<vmem>>
    %dma_start3A_413 = arith.constant 0 : i32
    %dma_start3A_414 = tpu.memref_slice %arg3[%add3A_401, %dma_start3A_413] : memref<2560x128xi32, #tpu.memory_space<hbm>> -> memref<1x128xi32, #tpu.memory_space<hbm>>
    tpu.enqueue_dma source(%dma_start3A_414 : memref<1x128xi32, #tpu.memory_space<hbm>>) target(%dma_start3A_412 : memref<1x128xi32, #tpu.memory_space<vmem>>) target_semaphore(%arg13 : memref<!tpu.dma_semaphore, #tpu.memory_space<semaphore_mem>>)
    %add3A_415 = arith.constant 5 : i32
    %add3A_416 = arith.addi %mul3A_0, %add3A_415 : i32
    %dma_start3A_417 = arith.constant 1 : i32
    %dma_start3A_418 = arith.constant 0 : i32
    %dma_start3A_419 = arith.constant 0 : i32
    %dma_start3A_420 = tpu.memref_slice %arg8[%dma_start3A_417, %dma_start3A_418, %dma_start3A_419] : memref<4x1x128xi32, #tpu.memory_space<vmem>> -> memref<1x1x128xi32, #tpu.memory_space<vmem>>
    %dma_start3A_421 = tpu.memref_squeeze %dma_start3A_420 : memref<1x1x128xi32, #tpu.memory_space<vmem>> -> memref<1x128xi32, #tpu.memory_space<vmem>>
    %dma_start3A_422 = arith.constant 0 : i32
    %dma_start3A_423 = tpu.memref_slice %arg4[%add3A_416, %dma_start3A_422] : memref<2560x128xi32, #tpu.memory_space<hbm>> -> memref<1x128xi32, #tpu.memory_space<hbm>>
    %dma_start3A_424 = arith.constant 0 : i32
    %dma_start3A_425 = arith.constant 0 : i32
    %dma_start3A_426 = tpu.memref_slice %arg8[%dma_start3A_417, %dma_start3A_424, %dma_start3A_425] : memref<4x1x128xi32, #tpu.memory_space<vmem>> -> memref<1x1x128xi32, #tpu.memory_space<vmem>>
    %dma_start3A_427 = tpu.memref_squeeze %dma_start3A_426 : memref<1x1x128xi32, #tpu.memory_space<vmem>> -> memref<1x128xi32, #tpu.memory_space<vmem>>
    %dma_start3A_428 = arith.constant 0 : i32
    %dma_start3A_429 = tpu.memref_slice %arg4[%add3A_416, %dma_start3A_428] : memref<2560x128xi32, #tpu.memory_space<hbm>> -> memref<1x128xi32, #tpu.memory_space<hbm>>
    tpu.enqueue_dma source(%dma_start3A_429 : memref<1x128xi32, #tpu.memory_space<hbm>>) target(%dma_start3A_427 : memref<1x128xi32, #tpu.memory_space<vmem>>) target_semaphore(%arg13 : memref<!tpu.dma_semaphore, #tpu.memory_space<semaphore_mem>>)
    %dma_wait3A_430 = arith.constant 2 : i32
    %dma_wait3A_431 = arith.constant 0 : i32
    %dma_wait3A_432 = arith.constant 0 : i32
    %dma_wait3A_433 = arith.constant 0 : i32
    %dma_wait3A_434 = arith.constant 0 : i32
    %dma_wait3A_435 = tpu.memref_slice %arg9[%dma_wait3A_432, %dma_wait3A_433, %dma_wait3A_434] : memref<2x128x64xf32, #tpu.memory_space<vmem>> -> memref<1x128x64xf32, #tpu.memory_space<vmem>>
    %dma_wait3A_436 = tpu.memref_squeeze %dma_wait3A_435 : memref<1x128x64xf32, #tpu.memory_space<vmem>> -> memref<128x64xf32, #tpu.memory_space<vmem>>
    %dma_wait3A_437 = arith.constant 0 : i32
    %dma_wait3A_438 = tpu.memref_slice %arg7[%dma_wait3A_430, %dma_wait3A_431, %dma_wait3A_437] : memref<4x1x128xi32, #tpu.memory_space<vmem>> -> memref<1x1x128xi32, #tpu.memory_space<vmem>>
    %dma_wait3A_439 = tpu.memref_squeeze %dma_wait3A_438 : memref<1x1x128xi32, #tpu.memory_space<vmem>> -> memref<128xi32, #tpu.memory_space<vmem>>
    %dma_wait3A_440 = arith.constant 0 : i32
    %dma_wait3A_441 = arith.constant 0 : i32
    %dma_wait3A_442 = tpu.memref_slice %arg10[%dma_wait3A_440, %dma_wait3A_441] : memref<10240x64xf32, #tpu.memory_space<vmem_shared>> -> memref<10240x64xf32, #tpu.memory_space<vmem_shared>>
    tpu.wait_indirect_dma semaphore(%arg16 : memref<!tpu.dma_semaphore, #tpu.memory_space<semaphore_mem>>) src(%dma_wait3A_442 : memref<10240x64xf32, #tpu.memory_space<vmem_shared>>) dst(%dma_wait3A_436 : memref<128x64xf32, #tpu.memory_space<vmem>>)
    %dma_start3A_443 = arith.constant 0 : i32
    %dma_start3A_444 = arith.constant 2 : i32
    %dma_start3A_445 = arith.constant 0 : i32
    %dma_start3A_446 = arith.constant 0 : i32
    %dma_start3A_447 = arith.constant 0 : i32
    %dma_start3A_448 = tpu.memref_slice %arg9[%dma_start3A_443, %dma_start3A_446, %dma_start3A_447] : memref<2x128x64xf32, #tpu.memory_space<vmem>> -> memref<1x128x64xf32, #tpu.memory_space<vmem>>
    %dma_start3A_449 = tpu.memref_squeeze %dma_start3A_448 : memref<1x128x64xf32, #tpu.memory_space<vmem>> -> memref<128x64xf32, #tpu.memory_space<vmem>>
    %dma_start3A_450 = arith.constant 0 : i32
    %dma_start3A_451 = tpu.memref_slice %arg8[%dma_start3A_444, %dma_start3A_445, %dma_start3A_450] : memref<4x1x128xi32, #tpu.memory_space<vmem>> -> memref<1x1x128xi32, #tpu.memory_space<vmem>>
    %dma_start3A_452 = tpu.memref_squeeze %dma_start3A_451 : memref<1x1x128xi32, #tpu.memory_space<vmem>> -> memref<128xi32, #tpu.memory_space<vmem>>
    %dma_start3A_453 = arith.constant 0 : i32
    %dma_start3A_454 = arith.constant 0 : i32
    %dma_start3A_455 = tpu.memref_slice %arg11[%dma_start3A_453, %dma_start3A_454] : memref<10240x64xf32, #tpu.memory_space<vmem_shared>> -> memref<10240x64xf32, #tpu.memory_space<vmem_shared>>
    tpu.enqueue_indirect_dma source(%dma_start3A_449 : memref<128x64xf32, #tpu.memory_space<vmem>>) target(%dma_start3A_455 : memref<10240x64xf32, #tpu.memory_space<vmem_shared>>) offsets(%dma_start3A_452 : memref<128xi32, #tpu.memory_space<vmem>>) semaphore(%arg18 : memref<!tpu.dma_semaphore, #tpu.memory_space<semaphore_mem>>) {add = true}
    %scan3A = arith.constant 0 : i32
    %scan3A_456 = arith.constant 0 : i32
    %scan3A_457 = arith.constant 39 : i32
    %scan3A_458 = arith.addi %scan3A_456, %scan3A_457 : i32
    %scan3A_459 = arith.constant 1 : i32
    scf.for %scan3A_514 = %scan3A_456 to %scan3A_458 step %scan3A_459  : i32 {
      %mul3A_515 = arith.constant 4 : i32
      %mul3A_516 = arith.muli %scan3A_514, %mul3A_515 : i32
      %add3A_517 = arith.constant 4 : i32
      %add3A_518 = arith.addi %add3A_517, %mul3A_516 : i32
      %add3A_519 = arith.constant 0 : i32
      %add3A_520 = arith.addi %add3A_518, %add3A_519 : i32
      %dma_wait3A_521 = arith.constant 0 : i32
      %dma_wait3A_522 = arith.constant 2 : i32
      %dma_wait3A_523 = arith.constant 0 : i32
      %dma_wait3A_524 = arith.constant 0 : i32
      %dma_wait3A_525 = arith.constant 0 : i32
      %dma_wait3A_526 = tpu.memref_slice %arg9[%dma_wait3A_521, %dma_wait3A_524, %dma_wait3A_525] : memref<2x128x64xf32, #tpu.memory_space<vmem>> -> memref<1x128x64xf32, #tpu.memory_space<vmem>>
      %dma_wait3A_527 = tpu.memref_squeeze %dma_wait3A_526 : memref<1x128x64xf32, #tpu.memory_space<vmem>> -> memref<128x64xf32, #tpu.memory_space<vmem>>
      %dma_wait3A_528 = arith.constant 0 : i32
      %dma_wait3A_529 = tpu.memref_slice %arg8[%dma_wait3A_522, %dma_wait3A_523, %dma_wait3A_528] : memref<4x1x128xi32, #tpu.memory_space<vmem>> -> memref<1x1x128xi32, #tpu.memory_space<vmem>>
      %dma_wait3A_530 = tpu.memref_squeeze %dma_wait3A_529 : memref<1x1x128xi32, #tpu.memory_space<vmem>> -> memref<128xi32, #tpu.memory_space<vmem>>
      %dma_wait3A_531 = arith.constant 0 : i32
      %dma_wait3A_532 = arith.constant 0 : i32
      %dma_wait3A_533 = tpu.memref_slice %arg11[%dma_wait3A_531, %dma_wait3A_532] : memref<10240x64xf32, #tpu.memory_space<vmem_shared>> -> memref<10240x64xf32, #tpu.memory_space<vmem_shared>>
      tpu.wait_indirect_dma semaphore(%arg18 : memref<!tpu.dma_semaphore, #tpu.memory_space<semaphore_mem>>) src(%dma_wait3A_527 : memref<128x64xf32, #tpu.memory_space<vmem>>) dst(%dma_wait3A_533 : memref<10240x64xf32, #tpu.memory_space<vmem_shared>>)
      %add3A_534 = arith.addi %mul3A_0, %add3A_520 : i32
      %dma_wait3A_535 = arith.constant 0 : i32
      %dma_wait3A_536 = arith.constant 0 : i32
      %dma_wait3A_537 = arith.constant 0 : i32
      %dma_wait3A_538 = tpu.memref_slice %arg7[%dma_wait3A_535, %dma_wait3A_536, %dma_wait3A_537] : memref<4x1x128xi32, #tpu.memory_space<vmem>> -> memref<1x1x128xi32, #tpu.memory_space<vmem>>
      %dma_wait3A_539 = tpu.memref_squeeze %dma_wait3A_538 : memref<1x1x128xi32, #tpu.memory_space<vmem>> -> memref<1x128xi32, #tpu.memory_space<vmem>>
      %dma_wait3A_540 = arith.constant 0 : i32
      %dma_wait3A_541 = tpu.memref_slice %arg3[%add3A_534, %dma_wait3A_540] : memref<2560x128xi32, #tpu.memory_space<hbm>> -> memref<1x128xi32, #tpu.memory_space<hbm>>
      %dma_wait3A_542 = arith.constant 0 : i32
      %dma_wait3A_543 = arith.constant 0 : i32
      %dma_wait3A_544 = tpu.memref_slice %arg7[%dma_wait3A_535, %dma_wait3A_542, %dma_wait3A_543] : memref<4x1x128xi32, #tpu.memory_space<vmem>> -> memref<1x1x128xi32, #tpu.memory_space<vmem>>
      %dma_wait3A_545 = tpu.memref_squeeze %dma_wait3A_544 : memref<1x1x128xi32, #tpu.memory_space<vmem>> -> memref<1x128xi32, #tpu.memory_space<vmem>>
      %dma_wait3A_546 = arith.constant 0 : i32
      %dma_wait3A_547 = tpu.memref_slice %arg3[%add3A_534, %dma_wait3A_546] : memref<2560x128xi32, #tpu.memory_space<hbm>> -> memref<1x128xi32, #tpu.memory_space<hbm>>
      tpu.wait_dma2 semaphore(%arg12 : memref<!tpu.dma_semaphore, #tpu.memory_space<semaphore_mem>>) src(%dma_wait3A_547 : memref<1x128xi32, #tpu.memory_space<hbm>>) dst(%dma_wait3A_545 : memref<1x128xi32, #tpu.memory_space<vmem>>)
      %add3A_548 = arith.addi %mul3A_0, %add3A_520 : i32
      %dma_wait3A_549 = arith.constant 0 : i32
      %dma_wait3A_550 = arith.constant 0 : i32
      %dma_wait3A_551 = arith.constant 0 : i32
      %dma_wait3A_552 = tpu.memref_slice %arg8[%dma_wait3A_549, %dma_wait3A_550, %dma_wait3A_551] : memref<4x1x128xi32, #tpu.memory_space<vmem>> -> memref<1x1x128xi32, #tpu.memory_space<vmem>>
      %dma_wait3A_553 = tpu.memref_squeeze %dma_wait3A_552 : memref<1x1x128xi32, #tpu.memory_space<vmem>> -> memref<1x128xi32, #tpu.memory_space<vmem>>
      %dma_wait3A_554 = arith.constant 0 : i32
      %dma_wait3A_555 = tpu.memref_slice %arg4[%add3A_548, %dma_wait3A_554] : memref<2560x128xi32, #tpu.memory_space<hbm>> -> memref<1x128xi32, #tpu.memory_space<hbm>>
      %dma_wait3A_556 = arith.constant 0 : i32
      %dma_wait3A_557 = arith.constant 0 : i32
      %dma_wait3A_558 = tpu.memref_slice %arg8[%dma_wait3A_549, %dma_wait3A_556, %dma_wait3A_557] : memref<4x1x128xi32, #tpu.memory_space<vmem>> -> memref<1x1x128xi32, #tpu.memory_space<vmem>>
      %dma_wait3A_559 = tpu.memref_squeeze %dma_wait3A_558 : memref<1x1x128xi32, #tpu.memory_space<vmem>> -> memref<1x128xi32, #tpu.memory_space<vmem>>
      %dma_wait3A_560 = arith.constant 0 : i32
      %dma_wait3A_561 = tpu.memref_slice %arg4[%add3A_548, %dma_wait3A_560] : memref<2560x128xi32, #tpu.memory_space<hbm>> -> memref<1x128xi32, #tpu.memory_space<hbm>>
      tpu.wait_dma2 semaphore(%arg12 : memref<!tpu.dma_semaphore, #tpu.memory_space<semaphore_mem>>) src(%dma_wait3A_561 : memref<1x128xi32, #tpu.memory_space<hbm>>) dst(%dma_wait3A_559 : memref<1x128xi32, #tpu.memory_space<vmem>>)
      %dma_start3A_562 = arith.constant 0 : i32
      %dma_start3A_563 = arith.constant 0 : i32
      %dma_start3A_564 = arith.constant 0 : i32
      %dma_start3A_565 = arith.constant 0 : i32
      %dma_start3A_566 = arith.constant 0 : i32
      %dma_start3A_567 = tpu.memref_slice %arg9[%dma_start3A_564, %dma_start3A_565, %dma_start3A_566] : memref<2x128x64xf32, #tpu.memory_space<vmem>> -> memref<1x128x64xf32, #tpu.memory_space<vmem>>
      %dma_start3A_568 = tpu.memref_squeeze %dma_start3A_567 : memref<1x128x64xf32, #tpu.memory_space<vmem>> -> memref<128x64xf32, #tpu.memory_space<vmem>>
      %dma_start3A_569 = arith.constant 0 : i32
      %dma_start3A_570 = tpu.memref_slice %arg7[%dma_start3A_562, %dma_start3A_563, %dma_start3A_569] : memref<4x1x128xi32, #tpu.memory_space<vmem>> -> memref<1x1x128xi32, #tpu.memory_space<vmem>>
      %dma_start3A_571 = tpu.memref_squeeze %dma_start3A_570 : memref<1x1x128xi32, #tpu.memory_space<vmem>> -> memref<128xi32, #tpu.memory_space<vmem>>
      %dma_start3A_572 = arith.constant 0 : i32
      %dma_start3A_573 = arith.constant 0 : i32
      %dma_start3A_574 = tpu.memref_slice %arg10[%dma_start3A_572, %dma_start3A_573] : memref<10240x64xf32, #tpu.memory_space<vmem_shared>> -> memref<10240x64xf32, #tpu.memory_space<vmem_shared>>
      tpu.enqueue_indirect_dma source(%dma_start3A_574 : memref<10240x64xf32, #tpu.memory_space<vmem_shared>>) target(%dma_start3A_568 : memref<128x64xf32, #tpu.memory_space<vmem>>) offsets(%dma_start3A_571 : memref<128xi32, #tpu.memory_space<vmem>>) semaphore(%arg16 : memref<!tpu.dma_semaphore, #tpu.memory_space<semaphore_mem>>)
      %add3A_575 = arith.constant 2 : i32
      %add3A_576 = arith.addi %add3A_520, %add3A_575 : i32
      %lt3A = arith.constant 160 : i32
      %lt3A_577 = arith.cmpi slt, %add3A_576, %lt3A : i32
      %convert_element_type3A = arith.extui %lt3A_577 : i1 to i32
      %cond3A = arith.constant 0 : i32
      %cond3A_578 = arith.cmpi ne, %convert_element_type3A, %cond3A : i32
      scf.if %cond3A_578 {
        %add3A_872 = arith.constant 2 : i32
        %add3A_873 = arith.addi %add3A_520, %add3A_872 : i32
        %add3A_874 = arith.addi %mul3A_0, %add3A_873 : i32
        %dma_start3A_875 = arith.constant 2 : i32
        %dma_start3A_876 = arith.constant 0 : i32
        %dma_start3A_877 = arith.constant 0 : i32
        %dma_start3A_878 = tpu.memref_slice %arg7[%dma_start3A_875, %dma_start3A_876, %dma_start3A_877] : memref<4x1x128xi32, #tpu.memory_space<vmem>> -> memref<1x1x128xi32, #tpu.memory_space<vmem>>
        %dma_start3A_879 = tpu.memref_squeeze %dma_start3A_878 : memref<1x1x128xi32, #tpu.memory_space<vmem>> -> memref<1x128xi32, #tpu.memory_space<vmem>>
        %dma_start3A_880 = arith.constant 0 : i32
        %dma_start3A_881 = tpu.memref_slice %arg3[%add3A_874, %dma_start3A_880] : memref<2560x128xi32, #tpu.memory_space<hbm>> -> memref<1x128xi32, #tpu.memory_space<hbm>>
        %dma_start3A_882 = arith.constant 0 : i32
        %dma_start3A_883 = arith.constant 0 : i32
        %dma_start3A_884 = tpu.memref_slice %arg7[%dma_start3A_875, %dma_start3A_882, %dma_start3A_883] : memref<4x1x128xi32, #tpu.memory_space<vmem>> -> memref<1x1x128xi32, #tpu.memory_space<vmem>>
        %dma_start3A_885 = tpu.memref_squeeze %dma_start3A_884 : memref<1x1x128xi32, #tpu.memory_space<vmem>> -> memref<1x128xi32, #tpu.memory_space<vmem>>
        %dma_start3A_886 = arith.constant 0 : i32
        %dma_start3A_887 = tpu.memref_slice %arg3[%add3A_874, %dma_start3A_886] : memref<2560x128xi32, #tpu.memory_space<hbm>> -> memref<1x128xi32, #tpu.memory_space<hbm>>
        tpu.enqueue_dma source(%dma_start3A_887 : memref<1x128xi32, #tpu.memory_space<hbm>>) target(%dma_start3A_885 : memref<1x128xi32, #tpu.memory_space<vmem>>) target_semaphore(%arg14 : memref<!tpu.dma_semaphore, #tpu.memory_space<semaphore_mem>>)
        %add3A_888 = arith.addi %mul3A_0, %add3A_873 : i32
        %dma_start3A_889 = arith.constant 2 : i32
        %dma_start3A_890 = arith.constant 0 : i32
        %dma_start3A_891 = arith.constant 0 : i32
        %dma_start3A_892 = tpu.memref_slice %arg8[%dma_start3A_889, %dma_start3A_890, %dma_start3A_891] : memref<4x1x128xi32, #tpu.memory_space<vmem>> -> memref<1x1x128xi32, #tpu.memory_space<vmem>>
        %dma_start3A_893 = tpu.memref_squeeze %dma_start3A_892 : memref<1x1x128xi32, #tpu.memory_space<vmem>> -> memref<1x128xi32, #tpu.memory_space<vmem>>
        %dma_start3A_894 = arith.constant 0 : i32
        %dma_start3A_895 = tpu.memref_slice %arg4[%add3A_888, %dma_start3A_894] : memref<2560x128xi32, #tpu.memory_space<hbm>> -> memref<1x128xi32, #tpu.memory_space<hbm>>
        %dma_start3A_896 = arith.constant 0 : i32
        %dma_start3A_897 = arith.constant 0 : i32
        %dma_start3A_898 = tpu.memref_slice %arg8[%dma_start3A_889, %dma_start3A_896, %dma_start3A_897] : memref<4x1x128xi32, #tpu.memory_space<vmem>> -> memref<1x1x128xi32, #tpu.memory_space<vmem>>
        %dma_start3A_899 = tpu.memref_squeeze %dma_start3A_898 : memref<1x1x128xi32, #tpu.memory_space<vmem>> -> memref<1x128xi32, #tpu.memory_space<vmem>>
        %dma_start3A_900 = arith.constant 0 : i32
        %dma_start3A_901 = tpu.memref_slice %arg4[%add3A_888, %dma_start3A_900] : memref<2560x128xi32, #tpu.memory_space<hbm>> -> memref<1x128xi32, #tpu.memory_space<hbm>>
        tpu.enqueue_dma source(%dma_start3A_901 : memref<1x128xi32, #tpu.memory_space<hbm>>) target(%dma_start3A_899 : memref<1x128xi32, #tpu.memory_space<vmem>>) target_semaphore(%arg14 : memref<!tpu.dma_semaphore, #tpu.memory_space<semaphore_mem>>)
      } else {
      }
      %dma_wait3A_579 = arith.constant 3 : i32
      %dma_wait3A_580 = arith.constant 0 : i32
      %dma_wait3A_581 = arith.constant 1 : i32
      %dma_wait3A_582 = arith.constant 0 : i32
      %dma_wait3A_583 = arith.constant 0 : i32
      %dma_wait3A_584 = tpu.memref_slice %arg9[%dma_wait3A_581, %dma_wait3A_582, %dma_wait3A_583] : memref<2x128x64xf32, #tpu.memory_space<vmem>> -> memref<1x128x64xf32, #tpu.memory_space<vmem>>
      %dma_wait3A_585 = tpu.memref_squeeze %dma_wait3A_584 : memref<1x128x64xf32, #tpu.memory_space<vmem>> -> memref<128x64xf32, #tpu.memory_space<vmem>>
      %dma_wait3A_586 = arith.constant 0 : i32
      %dma_wait3A_587 = tpu.memref_slice %arg7[%dma_wait3A_579, %dma_wait3A_580, %dma_wait3A_586] : memref<4x1x128xi32, #tpu.memory_space<vmem>> -> memref<1x1x128xi32, #tpu.memory_space<vmem>>
      %dma_wait3A_588 = tpu.memref_squeeze %dma_wait3A_587 : memref<1x1x128xi32, #tpu.memory_space<vmem>> -> memref<128xi32, #tpu.memory_space<vmem>>
      %dma_wait3A_589 = arith.constant 0 : i32
      %dma_wait3A_590 = arith.constant 0 : i32
      %dma_wait3A_591 = tpu.memref_slice %arg10[%dma_wait3A_589, %dma_wait3A_590] : memref<10240x64xf32, #tpu.memory_space<vmem_shared>> -> memref<10240x64xf32, #tpu.memory_space<vmem_shared>>
      tpu.wait_indirect_dma semaphore(%arg17 : memref<!tpu.dma_semaphore, #tpu.memory_space<semaphore_mem>>) src(%dma_wait3A_591 : memref<10240x64xf32, #tpu.memory_space<vmem_shared>>) dst(%dma_wait3A_585 : memref<128x64xf32, #tpu.memory_space<vmem>>)
      %dma_start3A_592 = arith.constant 1 : i32
      %dma_start3A_593 = arith.constant 3 : i32
      %dma_start3A_594 = arith.constant 0 : i32
      %dma_start3A_595 = arith.constant 0 : i32
      %dma_start3A_596 = arith.constant 0 : i32
      %dma_start3A_597 = tpu.memref_slice %arg9[%dma_start3A_592, %dma_start3A_595, %dma_start3A_596] : memref<2x128x64xf32, #tpu.memory_space<vmem>> -> memref<1x128x64xf32, #tpu.memory_space<vmem>>
      %dma_start3A_598 = tpu.memref_squeeze %dma_start3A_597 : memref<1x128x64xf32, #tpu.memory_space<vmem>> -> memref<128x64xf32, #tpu.memory_space<vmem>>
      %dma_start3A_599 = arith.constant 0 : i32
      %dma_start3A_600 = tpu.memref_slice %arg8[%dma_start3A_593, %dma_start3A_594, %dma_start3A_599] : memref<4x1x128xi32, #tpu.memory_space<vmem>> -> memref<1x1x128xi32, #tpu.memory_space<vmem>>
      %dma_start3A_601 = tpu.memref_squeeze %dma_start3A_600 : memref<1x1x128xi32, #tpu.memory_space<vmem>> -> memref<128xi32, #tpu.memory_space<vmem>>
      %dma_start3A_602 = arith.constant 0 : i32
      %dma_start3A_603 = arith.constant 0 : i32
      %dma_start3A_604 = tpu.memref_slice %arg11[%dma_start3A_602, %dma_start3A_603] : memref<10240x64xf32, #tpu.memory_space<vmem_shared>> -> memref<10240x64xf32, #tpu.memory_space<vmem_shared>>
      tpu.enqueue_indirect_dma source(%dma_start3A_598 : memref<128x64xf32, #tpu.memory_space<vmem>>) target(%dma_start3A_604 : memref<10240x64xf32, #tpu.memory_space<vmem_shared>>) offsets(%dma_start3A_601 : memref<128xi32, #tpu.memory_space<vmem>>) semaphore(%arg19 : memref<!tpu.dma_semaphore, #tpu.memory_space<semaphore_mem>>) {add = true}
      %add3A_605 = arith.constant 1 : i32
      %add3A_606 = arith.addi %add3A_518, %add3A_605 : i32
      %dma_wait3A_607 = arith.constant 1 : i32
      %dma_wait3A_608 = arith.constant 3 : i32
      %dma_wait3A_609 = arith.constant 0 : i32
      %dma_wait3A_610 = arith.constant 0 : i32
      %dma_wait3A_611 = arith.constant 0 : i32
      %dma_wait3A_612 = tpu.memref_slice %arg9[%dma_wait3A_607, %dma_wait3A_610, %dma_wait3A_611] : memref<2x128x64xf32, #tpu.memory_space<vmem>> -> memref<1x128x64xf32, #tpu.memory_space<vmem>>
      %dma_wait3A_613 = tpu.memref_squeeze %dma_wait3A_612 : memref<1x128x64xf32, #tpu.memory_space<vmem>> -> memref<128x64xf32, #tpu.memory_space<vmem>>
      %dma_wait3A_614 = arith.constant 0 : i32
      %dma_wait3A_615 = tpu.memref_slice %arg8[%dma_wait3A_608, %dma_wait3A_609, %dma_wait3A_614] : memref<4x1x128xi32, #tpu.memory_space<vmem>> -> memref<1x1x128xi32, #tpu.memory_space<vmem>>
      %dma_wait3A_616 = tpu.memref_squeeze %dma_wait3A_615 : memref<1x1x128xi32, #tpu.memory_space<vmem>> -> memref<128xi32, #tpu.memory_space<vmem>>
      %dma_wait3A_617 = arith.constant 0 : i32
      %dma_wait3A_618 = arith.constant 0 : i32
      %dma_wait3A_619 = tpu.memref_slice %arg11[%dma_wait3A_617, %dma_wait3A_618] : memref<10240x64xf32, #tpu.memory_space<vmem_shared>> -> memref<10240x64xf32, #tpu.memory_space<vmem_shared>>
      tpu.wait_indirect_dma semaphore(%arg19 : memref<!tpu.dma_semaphore, #tpu.memory_space<semaphore_mem>>) src(%dma_wait3A_613 : memref<128x64xf32, #tpu.memory_space<vmem>>) dst(%dma_wait3A_619 : memref<10240x64xf32, #tpu.memory_space<vmem_shared>>)
      %add3A_620 = arith.addi %mul3A_0, %add3A_606 : i32
      %dma_wait3A_621 = arith.constant 1 : i32
      %dma_wait3A_622 = arith.constant 0 : i32
      %dma_wait3A_623 = arith.constant 0 : i32
      %dma_wait3A_624 = tpu.memref_slice %arg7[%dma_wait3A_621, %dma_wait3A_622, %dma_wait3A_623] : memref<4x1x128xi32, #tpu.memory_space<vmem>> -> memref<1x1x128xi32, #tpu.memory_space<vmem>>
      %dma_wait3A_625 = tpu.memref_squeeze %dma_wait3A_624 : memref<1x1x128xi32, #tpu.memory_space<vmem>> -> memref<1x128xi32, #tpu.memory_space<vmem>>
      %dma_wait3A_626 = arith.constant 0 : i32
      %dma_wait3A_627 = tpu.memref_slice %arg3[%add3A_620, %dma_wait3A_626] : memref<2560x128xi32, #tpu.memory_space<hbm>> -> memref<1x128xi32, #tpu.memory_space<hbm>>
      %dma_wait3A_628 = arith.constant 0 : i32
      %dma_wait3A_629 = arith.constant 0 : i32
      %dma_wait3A_630 = tpu.memref_slice %arg7[%dma_wait3A_621, %dma_wait3A_628, %dma_wait3A_629] : memref<4x1x128xi32, #tpu.memory_space<vmem>> -> memref<1x1x128xi32, #tpu.memory_space<vmem>>
      %dma_wait3A_631 = tpu.memref_squeeze %dma_wait3A_630 : memref<1x1x128xi32, #tpu.memory_space<vmem>> -> memref<1x128xi32, #tpu.memory_space<vmem>>
      %dma_wait3A_632 = arith.constant 0 : i32
      %dma_wait3A_633 = tpu.memref_slice %arg3[%add3A_620, %dma_wait3A_632] : memref<2560x128xi32, #tpu.memory_space<hbm>> -> memref<1x128xi32, #tpu.memory_space<hbm>>
      tpu.wait_dma2 semaphore(%arg13 : memref<!tpu.dma_semaphore, #tpu.memory_space<semaphore_mem>>) src(%dma_wait3A_633 : memref<1x128xi32, #tpu.memory_space<hbm>>) dst(%dma_wait3A_631 : memref<1x128xi32, #tpu.memory_space<vmem>>)
      %add3A_634 = arith.addi %mul3A_0, %add3A_606 : i32
      %dma_wait3A_635 = arith.constant 1 : i32
      %dma_wait3A_636 = arith.constant 0 : i32
      %dma_wait3A_637 = arith.constant 0 : i32
      %dma_wait3A_638 = tpu.memref_slice %arg8[%dma_wait3A_635, %dma_wait3A_636, %dma_wait3A_637] : memref<4x1x128xi32, #tpu.memory_space<vmem>> -> memref<1x1x128xi32, #tpu.memory_space<vmem>>
      %dma_wait3A_639 = tpu.memref_squeeze %dma_wait3A_638 : memref<1x1x128xi32, #tpu.memory_space<vmem>> -> memref<1x128xi32, #tpu.memory_space<vmem>>
      %dma_wait3A_640 = arith.constant 0 : i32
      %dma_wait3A_641 = tpu.memref_slice %arg4[%add3A_634, %dma_wait3A_640] : memref<2560x128xi32, #tpu.memory_space<hbm>> -> memref<1x128xi32, #tpu.memory_space<hbm>>
      %dma_wait3A_642 = arith.constant 0 : i32
      %dma_wait3A_643 = arith.constant 0 : i32
      %dma_wait3A_644 = tpu.memref_slice %arg8[%dma_wait3A_635, %dma_wait3A_642, %dma_wait3A_643] : memref<4x1x128xi32, #tpu.memory_space<vmem>> -> memref<1x1x128xi32, #tpu.memory_space<vmem>>
      %dma_wait3A_645 = tpu.memref_squeeze %dma_wait3A_644 : memref<1x1x128xi32, #tpu.memory_space<vmem>> -> memref<1x128xi32, #tpu.memory_space<vmem>>
      %dma_wait3A_646 = arith.constant 0 : i32
      %dma_wait3A_647 = tpu.memref_slice %arg4[%add3A_634, %dma_wait3A_646] : memref<2560x128xi32, #tpu.memory_space<hbm>> -> memref<1x128xi32, #tpu.memory_space<hbm>>
      tpu.wait_dma2 semaphore(%arg13 : memref<!tpu.dma_semaphore, #tpu.memory_space<semaphore_mem>>) src(%dma_wait3A_647 : memref<1x128xi32, #tpu.memory_space<hbm>>) dst(%dma_wait3A_645 : memref<1x128xi32, #tpu.memory_space<vmem>>)
      %dma_start3A_648 = arith.constant 1 : i32
      %dma_start3A_649 = arith.constant 0 : i32
      %dma_start3A_650 = arith.constant 1 : i32
      %dma_start3A_651 = arith.constant 0 : i32
      %dma_start3A_652 = arith.constant 0 : i32
      %dma_start3A_653 = tpu.memref_slice %arg9[%dma_start3A_650, %dma_start3A_651, %dma_start3A_652] : memref<2x128x64xf32, #tpu.memory_space<vmem>> -> memref<1x128x64xf32, #tpu.memory_space<vmem>>
      %dma_start3A_654 = tpu.memref_squeeze %dma_start3A_653 : memref<1x128x64xf32, #tpu.memory_space<vmem>> -> memref<128x64xf32, #tpu.memory_space<vmem>>
      %dma_start3A_655 = arith.constant 0 : i32
      %dma_start3A_656 = tpu.memref_slice %arg7[%dma_start3A_648, %dma_start3A_649, %dma_start3A_655] : memref<4x1x128xi32, #tpu.memory_space<vmem>> -> memref<1x1x128xi32, #tpu.memory_space<vmem>>
      %dma_start3A_657 = tpu.memref_squeeze %dma_start3A_656 : memref<1x1x128xi32, #tpu.memory_space<vmem>> -> memref<128xi32, #tpu.memory_space<vmem>>
      %dma_start3A_658 = arith.constant 0 : i32
      %dma_start3A_659 = arith.constant 0 : i32
      %dma_start3A_660 = tpu.memref_slice %arg10[%dma_start3A_658, %dma_start3A_659] : memref<10240x64xf32, #tpu.memory_space<vmem_shared>> -> memref<10240x64xf32, #tpu.memory_space<vmem_shared>>
      tpu.enqueue_indirect_dma source(%dma_start3A_660 : memref<10240x64xf32, #tpu.memory_space<vmem_shared>>) target(%dma_start3A_654 : memref<128x64xf32, #tpu.memory_space<vmem>>) offsets(%dma_start3A_657 : memref<128xi32, #tpu.memory_space<vmem>>) semaphore(%arg17 : memref<!tpu.dma_semaphore, #tpu.memory_space<semaphore_mem>>)
      %add3A_661 = arith.constant 2 : i32
      %add3A_662 = arith.addi %add3A_606, %add3A_661 : i32
      %lt3A_663 = arith.constant 160 : i32
      %lt3A_664 = arith.cmpi slt, %add3A_662, %lt3A_663 : i32
      %convert_element_type3A_665 = arith.extui %lt3A_664 : i1 to i32
      %cond3A_666 = arith.constant 0 : i32
      %cond3A_667 = arith.cmpi ne, %convert_element_type3A_665, %cond3A_666 : i32
      scf.if %cond3A_667 {
        %add3A_872 = arith.constant 2 : i32
        %add3A_873 = arith.addi %add3A_606, %add3A_872 : i32
        %add3A_874 = arith.addi %mul3A_0, %add3A_873 : i32
        %dma_start3A_875 = arith.constant 3 : i32
        %dma_start3A_876 = arith.constant 0 : i32
        %dma_start3A_877 = arith.constant 0 : i32
        %dma_start3A_878 = tpu.memref_slice %arg7[%dma_start3A_875, %dma_start3A_876, %dma_start3A_877] : memref<4x1x128xi32, #tpu.memory_space<vmem>> -> memref<1x1x128xi32, #tpu.memory_space<vmem>>
        %dma_start3A_879 = tpu.memref_squeeze %dma_start3A_878 : memref<1x1x128xi32, #tpu.memory_space<vmem>> -> memref<1x128xi32, #tpu.memory_space<vmem>>
        %dma_start3A_880 = arith.constant 0 : i32
        %dma_start3A_881 = tpu.memref_slice %arg3[%add3A_874, %dma_start3A_880] : memref<2560x128xi32, #tpu.memory_space<hbm>> -> memref<1x128xi32, #tpu.memory_space<hbm>>
        %dma_start3A_882 = arith.constant 0 : i32
        %dma_start3A_883 = arith.constant 0 : i32
        %dma_start3A_884 = tpu.memref_slice %arg7[%dma_start3A_875, %dma_start3A_882, %dma_start3A_883] : memref<4x1x128xi32, #tpu.memory_space<vmem>> -> memref<1x1x128xi32, #tpu.memory_space<vmem>>
        %dma_start3A_885 = tpu.memref_squeeze %dma_start3A_884 : memref<1x1x128xi32, #tpu.memory_space<vmem>> -> memref<1x128xi32, #tpu.memory_space<vmem>>
        %dma_start3A_886 = arith.constant 0 : i32
        %dma_start3A_887 = tpu.memref_slice %arg3[%add3A_874, %dma_start3A_886] : memref<2560x128xi32, #tpu.memory_space<hbm>> -> memref<1x128xi32, #tpu.memory_space<hbm>>
        tpu.enqueue_dma source(%dma_start3A_887 : memref<1x128xi32, #tpu.memory_space<hbm>>) target(%dma_start3A_885 : memref<1x128xi32, #tpu.memory_space<vmem>>) target_semaphore(%arg15 : memref<!tpu.dma_semaphore, #tpu.memory_space<semaphore_mem>>)
        %add3A_888 = arith.addi %mul3A_0, %add3A_873 : i32
        %dma_start3A_889 = arith.constant 3 : i32
        %dma_start3A_890 = arith.constant 0 : i32
        %dma_start3A_891 = arith.constant 0 : i32
        %dma_start3A_892 = tpu.memref_slice %arg8[%dma_start3A_889, %dma_start3A_890, %dma_start3A_891] : memref<4x1x128xi32, #tpu.memory_space<vmem>> -> memref<1x1x128xi32, #tpu.memory_space<vmem>>
        %dma_start3A_893 = tpu.memref_squeeze %dma_start3A_892 : memref<1x1x128xi32, #tpu.memory_space<vmem>> -> memref<1x128xi32, #tpu.memory_space<vmem>>
        %dma_start3A_894 = arith.constant 0 : i32
        %dma_start3A_895 = tpu.memref_slice %arg4[%add3A_888, %dma_start3A_894] : memref<2560x128xi32, #tpu.memory_space<hbm>> -> memref<1x128xi32, #tpu.memory_space<hbm>>
        %dma_start3A_896 = arith.constant 0 : i32
        %dma_start3A_897 = arith.constant 0 : i32
        %dma_start3A_898 = tpu.memref_slice %arg8[%dma_start3A_889, %dma_start3A_896, %dma_start3A_897] : memref<4x1x128xi32, #tpu.memory_space<vmem>> -> memref<1x1x128xi32, #tpu.memory_space<vmem>>
        %dma_start3A_899 = tpu.memref_squeeze %dma_start3A_898 : memref<1x1x128xi32, #tpu.memory_space<vmem>> -> memref<1x128xi32, #tpu.memory_space<vmem>>
        %dma_start3A_900 = arith.constant 0 : i32
        %dma_start3A_901 = tpu.memref_slice %arg4[%add3A_888, %dma_start3A_900] : memref<2560x128xi32, #tpu.memory_space<hbm>> -> memref<1x128xi32, #tpu.memory_space<hbm>>
        tpu.enqueue_dma source(%dma_start3A_901 : memref<1x128xi32, #tpu.memory_space<hbm>>) target(%dma_start3A_899 : memref<1x128xi32, #tpu.memory_space<vmem>>) target_semaphore(%arg15 : memref<!tpu.dma_semaphore, #tpu.memory_space<semaphore_mem>>)
      } else {
      }
      %dma_wait3A_668 = arith.constant 0 : i32
      %dma_wait3A_669 = arith.constant 0 : i32
      %dma_wait3A_670 = arith.constant 0 : i32
      %dma_wait3A_671 = arith.constant 0 : i32
      %dma_wait3A_672 = arith.constant 0 : i32
      %dma_wait3A_673 = tpu.memref_slice %arg9[%dma_wait3A_670, %dma_wait3A_671, %dma_wait3A_672] : memref<2x128x64xf32, #tpu.memory_space<vmem>> -> memref<1x128x64xf32, #tpu.memory_space<vmem>>
      %dma_wait3A_674 = tpu.memref_squeeze %dma_wait3A_673 : memref<1x128x64xf32, #tpu.memory_space<vmem>> -> memref<128x64xf32, #tpu.memory_space<vmem>>
      %dma_wait3A_675 = arith.constant 0 : i32
      %dma_wait3A_676 = tpu.memref_slice %arg7[%dma_wait3A_668, %dma_wait3A_669, %dma_wait3A_675] : memref<4x1x128xi32, #tpu.memory_space<vmem>> -> memref<1x1x128xi32, #tpu.memory_space<vmem>>
      %dma_wait3A_677 = tpu.memref_squeeze %dma_wait3A_676 : memref<1x1x128xi32, #tpu.memory_space<vmem>> -> memref<128xi32, #tpu.memory_space<vmem>>
      %dma_wait3A_678 = arith.constant 0 : i32
      %dma_wait3A_679 = arith.constant 0 : i32
      %dma_wait3A_680 = tpu.memref_slice %arg10[%dma_wait3A_678, %dma_wait3A_679] : memref<10240x64xf32, #tpu.memory_space<vmem_shared>> -> memref<10240x64xf32, #tpu.memory_space<vmem_shared>>
      tpu.wait_indirect_dma semaphore(%arg16 : memref<!tpu.dma_semaphore, #tpu.memory_space<semaphore_mem>>) src(%dma_wait3A_680 : memref<10240x64xf32, #tpu.memory_space<vmem_shared>>) dst(%dma_wait3A_674 : memref<128x64xf32, #tpu.memory_space<vmem>>)
      %dma_start3A_681 = arith.constant 0 : i32
      %dma_start3A_682 = arith.constant 0 : i32
      %dma_start3A_683 = arith.constant 0 : i32
      %dma_start3A_684 = arith.constant 0 : i32
      %dma_start3A_685 = arith.constant 0 : i32
      %dma_start3A_686 = tpu.memref_slice %arg9[%dma_start3A_681, %dma_start3A_684, %dma_start3A_685] : memref<2x128x64xf32, #tpu.memory_space<vmem>> -> memref<1x128x64xf32, #tpu.memory_space<vmem>>
      %dma_start3A_687 = tpu.memref_squeeze %dma_start3A_686 : memref<1x128x64xf32, #tpu.memory_space<vmem>> -> memref<128x64xf32, #tpu.memory_space<vmem>>
      %dma_start3A_688 = arith.constant 0 : i32
      %dma_start3A_689 = tpu.memref_slice %arg8[%dma_start3A_682, %dma_start3A_683, %dma_start3A_688] : memref<4x1x128xi32, #tpu.memory_space<vmem>> -> memref<1x1x128xi32, #tpu.memory_space<vmem>>
      %dma_start3A_690 = tpu.memref_squeeze %dma_start3A_689 : memref<1x1x128xi32, #tpu.memory_space<vmem>> -> memref<128xi32, #tpu.memory_space<vmem>>
      %dma_start3A_691 = arith.constant 0 : i32
      %dma_start3A_692 = arith.constant 0 : i32
      %dma_start3A_693 = tpu.memref_slice %arg11[%dma_start3A_691, %dma_start3A_692] : memref<10240x64xf32, #tpu.memory_space<vmem_shared>> -> memref<10240x64xf32, #tpu.memory_space<vmem_shared>>
      tpu.enqueue_indirect_dma source(%dma_start3A_687 : memref<128x64xf32, #tpu.memory_space<vmem>>) target(%dma_start3A_693 : memref<10240x64xf32, #tpu.memory_space<vmem_shared>>) offsets(%dma_start3A_690 : memref<128xi32, #tpu.memory_space<vmem>>) semaphore(%arg18 : memref<!tpu.dma_semaphore, #tpu.memory_space<semaphore_mem>>) {add = true}
      %add3A_694 = arith.constant 2 : i32
      %add3A_695 = arith.addi %add3A_518, %add3A_694 : i32
      %dma_wait3A_696 = arith.constant 0 : i32
      %dma_wait3A_697 = arith.constant 0 : i32
      %dma_wait3A_698 = arith.constant 0 : i32
      %dma_wait3A_699 = arith.constant 0 : i32
      %dma_wait3A_700 = arith.constant 0 : i32
      %dma_wait3A_701 = tpu.memref_slice %arg9[%dma_wait3A_696, %dma_wait3A_699, %dma_wait3A_700] : memref<2x128x64xf32, #tpu.memory_space<vmem>> -> memref<1x128x64xf32, #tpu.memory_space<vmem>>
      %dma_wait3A_702 = tpu.memref_squeeze %dma_wait3A_701 : memref<1x128x64xf32, #tpu.memory_space<vmem>> -> memref<128x64xf32, #tpu.memory_space<vmem>>
      %dma_wait3A_703 = arith.constant 0 : i32
      %dma_wait3A_704 = tpu.memref_slice %arg8[%dma_wait3A_697, %dma_wait3A_698, %dma_wait3A_703] : memref<4x1x128xi32, #tpu.memory_space<vmem>> -> memref<1x1x128xi32, #tpu.memory_space<vmem>>
      %dma_wait3A_705 = tpu.memref_squeeze %dma_wait3A_704 : memref<1x1x128xi32, #tpu.memory_space<vmem>> -> memref<128xi32, #tpu.memory_space<vmem>>
      %dma_wait3A_706 = arith.constant 0 : i32
      %dma_wait3A_707 = arith.constant 0 : i32
      %dma_wait3A_708 = tpu.memref_slice %arg11[%dma_wait3A_706, %dma_wait3A_707] : memref<10240x64xf32, #tpu.memory_space<vmem_shared>> -> memref<10240x64xf32, #tpu.memory_space<vmem_shared>>
      tpu.wait_indirect_dma semaphore(%arg18 : memref<!tpu.dma_semaphore, #tpu.memory_space<semaphore_mem>>) src(%dma_wait3A_702 : memref<128x64xf32, #tpu.memory_space<vmem>>) dst(%dma_wait3A_708 : memref<10240x64xf32, #tpu.memory_space<vmem_shared>>)
      %add3A_709 = arith.addi %mul3A_0, %add3A_695 : i32
      %dma_wait3A_710 = arith.constant 2 : i32
      %dma_wait3A_711 = arith.constant 0 : i32
      %dma_wait3A_712 = arith.constant 0 : i32
      %dma_wait3A_713 = tpu.memref_slice %arg7[%dma_wait3A_710, %dma_wait3A_711, %dma_wait3A_712] : memref<4x1x128xi32, #tpu.memory_space<vmem>> -> memref<1x1x128xi32, #tpu.memory_space<vmem>>
      %dma_wait3A_714 = tpu.memref_squeeze %dma_wait3A_713 : memref<1x1x128xi32, #tpu.memory_space<vmem>> -> memref<1x128xi32, #tpu.memory_space<vmem>>
      %dma_wait3A_715 = arith.constant 0 : i32
      %dma_wait3A_716 = tpu.memref_slice %arg3[%add3A_709, %dma_wait3A_715] : memref<2560x128xi32, #tpu.memory_space<hbm>> -> memref<1x128xi32, #tpu.memory_space<hbm>>
      %dma_wait3A_717 = arith.constant 0 : i32
      %dma_wait3A_718 = arith.constant 0 : i32
      %dma_wait3A_719 = tpu.memref_slice %arg7[%dma_wait3A_710, %dma_wait3A_717, %dma_wait3A_718] : memref<4x1x128xi32, #tpu.memory_space<vmem>> -> memref<1x1x128xi32, #tpu.memory_space<vmem>>
      %dma_wait3A_720 = tpu.memref_squeeze %dma_wait3A_719 : memref<1x1x128xi32, #tpu.memory_space<vmem>> -> memref<1x128xi32, #tpu.memory_space<vmem>>
      %dma_wait3A_721 = arith.constant 0 : i32
      %dma_wait3A_722 = tpu.memref_slice %arg3[%add3A_709, %dma_wait3A_721] : memref<2560x128xi32, #tpu.memory_space<hbm>> -> memref<1x128xi32, #tpu.memory_space<hbm>>
      tpu.wait_dma2 semaphore(%arg14 : memref<!tpu.dma_semaphore, #tpu.memory_space<semaphore_mem>>) src(%dma_wait3A_722 : memref<1x128xi32, #tpu.memory_space<hbm>>) dst(%dma_wait3A_720 : memref<1x128xi32, #tpu.memory_space<vmem>>)
      %add3A_723 = arith.addi %mul3A_0, %add3A_695 : i32
      %dma_wait3A_724 = arith.constant 2 : i32
      %dma_wait3A_725 = arith.constant 0 : i32
      %dma_wait3A_726 = arith.constant 0 : i32
      %dma_wait3A_727 = tpu.memref_slice %arg8[%dma_wait3A_724, %dma_wait3A_725, %dma_wait3A_726] : memref<4x1x128xi32, #tpu.memory_space<vmem>> -> memref<1x1x128xi32, #tpu.memory_space<vmem>>
      %dma_wait3A_728 = tpu.memref_squeeze %dma_wait3A_727 : memref<1x1x128xi32, #tpu.memory_space<vmem>> -> memref<1x128xi32, #tpu.memory_space<vmem>>
      %dma_wait3A_729 = arith.constant 0 : i32
      %dma_wait3A_730 = tpu.memref_slice %arg4[%add3A_723, %dma_wait3A_729] : memref<2560x128xi32, #tpu.memory_space<hbm>> -> memref<1x128xi32, #tpu.memory_space<hbm>>
      %dma_wait3A_731 = arith.constant 0 : i32
      %dma_wait3A_732 = arith.constant 0 : i32
      %dma_wait3A_733 = tpu.memref_slice %arg8[%dma_wait3A_724, %dma_wait3A_731, %dma_wait3A_732] : memref<4x1x128xi32, #tpu.memory_space<vmem>> -> memref<1x1x128xi32, #tpu.memory_space<vmem>>
      %dma_wait3A_734 = tpu.memref_squeeze %dma_wait3A_733 : memref<1x1x128xi32, #tpu.memory_space<vmem>> -> memref<1x128xi32, #tpu.memory_space<vmem>>
      %dma_wait3A_735 = arith.constant 0 : i32
      %dma_wait3A_736 = tpu.memref_slice %arg4[%add3A_723, %dma_wait3A_735] : memref<2560x128xi32, #tpu.memory_space<hbm>> -> memref<1x128xi32, #tpu.memory_space<hbm>>
      tpu.wait_dma2 semaphore(%arg14 : memref<!tpu.dma_semaphore, #tpu.memory_space<semaphore_mem>>) src(%dma_wait3A_736 : memref<1x128xi32, #tpu.memory_space<hbm>>) dst(%dma_wait3A_734 : memref<1x128xi32, #tpu.memory_space<vmem>>)
      %dma_start3A_737 = arith.constant 2 : i32
      %dma_start3A_738 = arith.constant 0 : i32
      %dma_start3A_739 = arith.constant 0 : i32
      %dma_start3A_740 = arith.constant 0 : i32
      %dma_start3A_741 = arith.constant 0 : i32
      %dma_start3A_742 = tpu.memref_slice %arg9[%dma_start3A_739, %dma_start3A_740, %dma_start3A_741] : memref<2x128x64xf32, #tpu.memory_space<vmem>> -> memref<1x128x64xf32, #tpu.memory_space<vmem>>
      %dma_start3A_743 = tpu.memref_squeeze %dma_start3A_742 : memref<1x128x64xf32, #tpu.memory_space<vmem>> -> memref<128x64xf32, #tpu.memory_space<vmem>>
      %dma_start3A_744 = arith.constant 0 : i32
      %dma_start3A_745 = tpu.memref_slice %arg7[%dma_start3A_737, %dma_start3A_738, %dma_start3A_744] : memref<4x1x128xi32, #tpu.memory_space<vmem>> -> memref<1x1x128xi32, #tpu.memory_space<vmem>>
      %dma_start3A_746 = tpu.memref_squeeze %dma_start3A_745 : memref<1x1x128xi32, #tpu.memory_space<vmem>> -> memref<128xi32, #tpu.memory_space<vmem>>
      %dma_start3A_747 = arith.constant 0 : i32
      %dma_start3A_748 = arith.constant 0 : i32
      %dma_start3A_749 = tpu.memref_slice %arg10[%dma_start3A_747, %dma_start3A_748] : memref<10240x64xf32, #tpu.memory_space<vmem_shared>> -> memref<10240x64xf32, #tpu.memory_space<vmem_shared>>
      tpu.enqueue_indirect_dma source(%dma_start3A_749 : memref<10240x64xf32, #tpu.memory_space<vmem_shared>>) target(%dma_start3A_743 : memref<128x64xf32, #tpu.memory_space<vmem>>) offsets(%dma_start3A_746 : memref<128xi32, #tpu.memory_space<vmem>>) semaphore(%arg16 : memref<!tpu.dma_semaphore, #tpu.memory_space<semaphore_mem>>)
      %add3A_750 = arith.constant 2 : i32
      %add3A_751 = arith.addi %add3A_695, %add3A_750 : i32
      %lt3A_752 = arith.constant 160 : i32
      %lt3A_753 = arith.cmpi slt, %add3A_751, %lt3A_752 : i32
      %convert_element_type3A_754 = arith.extui %lt3A_753 : i1 to i32
      %cond3A_755 = arith.constant 0 : i32
      %cond3A_756 = arith.cmpi ne, %convert_element_type3A_754, %cond3A_755 : i32
      scf.if %cond3A_756 {
        %add3A_872 = arith.constant 2 : i32
        %add3A_873 = arith.addi %add3A_695, %add3A_872 : i32
        %add3A_874 = arith.addi %mul3A_0, %add3A_873 : i32
        %dma_start3A_875 = arith.constant 0 : i32
        %dma_start3A_876 = arith.constant 0 : i32
        %dma_start3A_877 = arith.constant 0 : i32
        %dma_start3A_878 = tpu.memref_slice %arg7[%dma_start3A_875, %dma_start3A_876, %dma_start3A_877] : memref<4x1x128xi32, #tpu.memory_space<vmem>> -> memref<1x1x128xi32, #tpu.memory_space<vmem>>
        %dma_start3A_879 = tpu.memref_squeeze %dma_start3A_878 : memref<1x1x128xi32, #tpu.memory_space<vmem>> -> memref<1x128xi32, #tpu.memory_space<vmem>>
        %dma_start3A_880 = arith.constant 0 : i32
        %dma_start3A_881 = tpu.memref_slice %arg3[%add3A_874, %dma_start3A_880] : memref<2560x128xi32, #tpu.memory_space<hbm>> -> memref<1x128xi32, #tpu.memory_space<hbm>>
        %dma_start3A_882 = arith.constant 0 : i32
        %dma_start3A_883 = arith.constant 0 : i32
        %dma_start3A_884 = tpu.memref_slice %arg7[%dma_start3A_875, %dma_start3A_882, %dma_start3A_883] : memref<4x1x128xi32, #tpu.memory_space<vmem>> -> memref<1x1x128xi32, #tpu.memory_space<vmem>>
        %dma_start3A_885 = tpu.memref_squeeze %dma_start3A_884 : memref<1x1x128xi32, #tpu.memory_space<vmem>> -> memref<1x128xi32, #tpu.memory_space<vmem>>
        %dma_start3A_886 = arith.constant 0 : i32
        %dma_start3A_887 = tpu.memref_slice %arg3[%add3A_874, %dma_start3A_886] : memref<2560x128xi32, #tpu.memory_space<hbm>> -> memref<1x128xi32, #tpu.memory_space<hbm>>
        tpu.enqueue_dma source(%dma_start3A_887 : memref<1x128xi32, #tpu.memory_space<hbm>>) target(%dma_start3A_885 : memref<1x128xi32, #tpu.memory_space<vmem>>) target_semaphore(%arg12 : memref<!tpu.dma_semaphore, #tpu.memory_space<semaphore_mem>>)
        %add3A_888 = arith.addi %mul3A_0, %add3A_873 : i32
        %dma_start3A_889 = arith.constant 0 : i32
        %dma_start3A_890 = arith.constant 0 : i32
        %dma_start3A_891 = arith.constant 0 : i32
        %dma_start3A_892 = tpu.memref_slice %arg8[%dma_start3A_889, %dma_start3A_890, %dma_start3A_891] : memref<4x1x128xi32, #tpu.memory_space<vmem>> -> memref<1x1x128xi32, #tpu.memory_space<vmem>>
        %dma_start3A_893 = tpu.memref_squeeze %dma_start3A_892 : memref<1x1x128xi32, #tpu.memory_space<vmem>> -> memref<1x128xi32, #tpu.memory_space<vmem>>
        %dma_start3A_894 = arith.constant 0 : i32
        %dma_start3A_895 = tpu.memref_slice %arg4[%add3A_888, %dma_start3A_894] : memref<2560x128xi32, #tpu.memory_space<hbm>> -> memref<1x128xi32, #tpu.memory_space<hbm>>
        %dma_start3A_896 = arith.constant 0 : i32
        %dma_start3A_897 = arith.constant 0 : i32
        %dma_start3A_898 = tpu.memref_slice %arg8[%dma_start3A_889, %dma_start3A_896, %dma_start3A_897] : memref<4x1x128xi32, #tpu.memory_space<vmem>> -> memref<1x1x128xi32, #tpu.memory_space<vmem>>
        %dma_start3A_899 = tpu.memref_squeeze %dma_start3A_898 : memref<1x1x128xi32, #tpu.memory_space<vmem>> -> memref<1x128xi32, #tpu.memory_space<vmem>>
        %dma_start3A_900 = arith.constant 0 : i32
        %dma_start3A_901 = tpu.memref_slice %arg4[%add3A_888, %dma_start3A_900] : memref<2560x128xi32, #tpu.memory_space<hbm>> -> memref<1x128xi32, #tpu.memory_space<hbm>>
        tpu.enqueue_dma source(%dma_start3A_901 : memref<1x128xi32, #tpu.memory_space<hbm>>) target(%dma_start3A_899 : memref<1x128xi32, #tpu.memory_space<vmem>>) target_semaphore(%arg12 : memref<!tpu.dma_semaphore, #tpu.memory_space<semaphore_mem>>)
      } else {
      }
      %dma_wait3A_757 = arith.constant 1 : i32
      %dma_wait3A_758 = arith.constant 0 : i32
      %dma_wait3A_759 = arith.constant 1 : i32
      %dma_wait3A_760 = arith.constant 0 : i32
      %dma_wait3A_761 = arith.constant 0 : i32
      %dma_wait3A_762 = tpu.memref_slice %arg9[%dma_wait3A_759, %dma_wait3A_760, %dma_wait3A_761] : memref<2x128x64xf32, #tpu.memory_space<vmem>> -> memref<1x128x64xf32, #tpu.memory_space<vmem>>
      %dma_wait3A_763 = tpu.memref_squeeze %dma_wait3A_762 : memref<1x128x64xf32, #tpu.memory_space<vmem>> -> memref<128x64xf32, #tpu.memory_space<vmem>>
      %dma_wait3A_764 = arith.constant 0 : i32
      %dma_wait3A_765 = tpu.memref_slice %arg7[%dma_wait3A_757, %dma_wait3A_758, %dma_wait3A_764] : memref<4x1x128xi32, #tpu.memory_space<vmem>> -> memref<1x1x128xi32, #tpu.memory_space<vmem>>
      %dma_wait3A_766 = tpu.memref_squeeze %dma_wait3A_765 : memref<1x1x128xi32, #tpu.memory_space<vmem>> -> memref<128xi32, #tpu.memory_space<vmem>>
      %dma_wait3A_767 = arith.constant 0 : i32
      %dma_wait3A_768 = arith.constant 0 : i32
      %dma_wait3A_769 = tpu.memref_slice %arg10[%dma_wait3A_767, %dma_wait3A_768] : memref<10240x64xf32, #tpu.memory_space<vmem_shared>> -> memref<10240x64xf32, #tpu.memory_space<vmem_shared>>
      tpu.wait_indirect_dma semaphore(%arg17 : memref<!tpu.dma_semaphore, #tpu.memory_space<semaphore_mem>>) src(%dma_wait3A_769 : memref<10240x64xf32, #tpu.memory_space<vmem_shared>>) dst(%dma_wait3A_763 : memref<128x64xf32, #tpu.memory_space<vmem>>)
      %dma_start3A_770 = arith.constant 1 : i32
      %dma_start3A_771 = arith.constant 1 : i32
      %dma_start3A_772 = arith.constant 0 : i32
      %dma_start3A_773 = arith.constant 0 : i32
      %dma_start3A_774 = arith.constant 0 : i32
      %dma_start3A_775 = tpu.memref_slice %arg9[%dma_start3A_770, %dma_start3A_773, %dma_start3A_774] : memref<2x128x64xf32, #tpu.memory_space<vmem>> -> memref<1x128x64xf32, #tpu.memory_space<vmem>>
      %dma_start3A_776 = tpu.memref_squeeze %dma_start3A_775 : memref<1x128x64xf32, #tpu.memory_space<vmem>> -> memref<128x64xf32, #tpu.memory_space<vmem>>
      %dma_start3A_777 = arith.constant 0 : i32
      %dma_start3A_778 = tpu.memref_slice %arg8[%dma_start3A_771, %dma_start3A_772, %dma_start3A_777] : memref<4x1x128xi32, #tpu.memory_space<vmem>> -> memref<1x1x128xi32, #tpu.memory_space<vmem>>
      %dma_start3A_779 = tpu.memref_squeeze %dma_start3A_778 : memref<1x1x128xi32, #tpu.memory_space<vmem>> -> memref<128xi32, #tpu.memory_space<vmem>>
      %dma_start3A_780 = arith.constant 0 : i32
      %dma_start3A_781 = arith.constant 0 : i32
      %dma_start3A_782 = tpu.memref_slice %arg11[%dma_start3A_780, %dma_start3A_781] : memref<10240x64xf32, #tpu.memory_space<vmem_shared>> -> memref<10240x64xf32, #tpu.memory_space<vmem_shared>>
      tpu.enqueue_indirect_dma source(%dma_start3A_776 : memref<128x64xf32, #tpu.memory_space<vmem>>) target(%dma_start3A_782 : memref<10240x64xf32, #tpu.memory_space<vmem_shared>>) offsets(%dma_start3A_779 : memref<128xi32, #tpu.memory_space<vmem>>) semaphore(%arg19 : memref<!tpu.dma_semaphore, #tpu.memory_space<semaphore_mem>>) {add = true}
      %add3A_783 = arith.constant 3 : i32
      %add3A_784 = arith.addi %add3A_518, %add3A_783 : i32
      %dma_wait3A_785 = arith.constant 1 : i32
      %dma_wait3A_786 = arith.constant 1 : i32
      %dma_wait3A_787 = arith.constant 0 : i32
      %dma_wait3A_788 = arith.constant 0 : i32
      %dma_wait3A_789 = arith.constant 0 : i32
      %dma_wait3A_790 = tpu.memref_slice %arg9[%dma_wait3A_785, %dma_wait3A_788, %dma_wait3A_789] : memref<2x128x64xf32, #tpu.memory_space<vmem>> -> memref<1x128x64xf32, #tpu.memory_space<vmem>>
      %dma_wait3A_791 = tpu.memref_squeeze %dma_wait3A_790 : memref<1x128x64xf32, #tpu.memory_space<vmem>> -> memref<128x64xf32, #tpu.memory_space<vmem>>
      %dma_wait3A_792 = arith.constant 0 : i32
      %dma_wait3A_793 = tpu.memref_slice %arg8[%dma_wait3A_786, %dma_wait3A_787, %dma_wait3A_792] : memref<4x1x128xi32, #tpu.memory_space<vmem>> -> memref<1x1x128xi32, #tpu.memory_space<vmem>>
      %dma_wait3A_794 = tpu.memref_squeeze %dma_wait3A_793 : memref<1x1x128xi32, #tpu.memory_space<vmem>> -> memref<128xi32, #tpu.memory_space<vmem>>
      %dma_wait3A_795 = arith.constant 0 : i32
      %dma_wait3A_796 = arith.constant 0 : i32
      %dma_wait3A_797 = tpu.memref_slice %arg11[%dma_wait3A_795, %dma_wait3A_796] : memref<10240x64xf32, #tpu.memory_space<vmem_shared>> -> memref<10240x64xf32, #tpu.memory_space<vmem_shared>>
      tpu.wait_indirect_dma semaphore(%arg19 : memref<!tpu.dma_semaphore, #tpu.memory_space<semaphore_mem>>) src(%dma_wait3A_791 : memref<128x64xf32, #tpu.memory_space<vmem>>) dst(%dma_wait3A_797 : memref<10240x64xf32, #tpu.memory_space<vmem_shared>>)
      %add3A_798 = arith.addi %mul3A_0, %add3A_784 : i32
      %dma_wait3A_799 = arith.constant 3 : i32
      %dma_wait3A_800 = arith.constant 0 : i32
      %dma_wait3A_801 = arith.constant 0 : i32
      %dma_wait3A_802 = tpu.memref_slice %arg7[%dma_wait3A_799, %dma_wait3A_800, %dma_wait3A_801] : memref<4x1x128xi32, #tpu.memory_space<vmem>> -> memref<1x1x128xi32, #tpu.memory_space<vmem>>
      %dma_wait3A_803 = tpu.memref_squeeze %dma_wait3A_802 : memref<1x1x128xi32, #tpu.memory_space<vmem>> -> memref<1x128xi32, #tpu.memory_space<vmem>>
      %dma_wait3A_804 = arith.constant 0 : i32
      %dma_wait3A_805 = tpu.memref_slice %arg3[%add3A_798, %dma_wait3A_804] : memref<2560x128xi32, #tpu.memory_space<hbm>> -> memref<1x128xi32, #tpu.memory_space<hbm>>
      %dma_wait3A_806 = arith.constant 0 : i32
      %dma_wait3A_807 = arith.constant 0 : i32
      %dma_wait3A_808 = tpu.memref_slice %arg7[%dma_wait3A_799, %dma_wait3A_806, %dma_wait3A_807] : memref<4x1x128xi32, #tpu.memory_space<vmem>> -> memref<1x1x128xi32, #tpu.memory_space<vmem>>
      %dma_wait3A_809 = tpu.memref_squeeze %dma_wait3A_808 : memref<1x1x128xi32, #tpu.memory_space<vmem>> -> memref<1x128xi32, #tpu.memory_space<vmem>>
      %dma_wait3A_810 = arith.constant 0 : i32
      %dma_wait3A_811 = tpu.memref_slice %arg3[%add3A_798, %dma_wait3A_810] : memref<2560x128xi32, #tpu.memory_space<hbm>> -> memref<1x128xi32, #tpu.memory_space<hbm>>
      tpu.wait_dma2 semaphore(%arg15 : memref<!tpu.dma_semaphore, #tpu.memory_space<semaphore_mem>>) src(%dma_wait3A_811 : memref<1x128xi32, #tpu.memory_space<hbm>>) dst(%dma_wait3A_809 : memref<1x128xi32, #tpu.memory_space<vmem>>)
      %add3A_812 = arith.addi %mul3A_0, %add3A_784 : i32
      %dma_wait3A_813 = arith.constant 3 : i32
      %dma_wait3A_814 = arith.constant 0 : i32
      %dma_wait3A_815 = arith.constant 0 : i32
      %dma_wait3A_816 = tpu.memref_slice %arg8[%dma_wait3A_813, %dma_wait3A_814, %dma_wait3A_815] : memref<4x1x128xi32, #tpu.memory_space<vmem>> -> memref<1x1x128xi32, #tpu.memory_space<vmem>>
      %dma_wait3A_817 = tpu.memref_squeeze %dma_wait3A_816 : memref<1x1x128xi32, #tpu.memory_space<vmem>> -> memref<1x128xi32, #tpu.memory_space<vmem>>
      %dma_wait3A_818 = arith.constant 0 : i32
      %dma_wait3A_819 = tpu.memref_slice %arg4[%add3A_812, %dma_wait3A_818] : memref<2560x128xi32, #tpu.memory_space<hbm>> -> memref<1x128xi32, #tpu.memory_space<hbm>>
      %dma_wait3A_820 = arith.constant 0 : i32
      %dma_wait3A_821 = arith.constant 0 : i32
      %dma_wait3A_822 = tpu.memref_slice %arg8[%dma_wait3A_813, %dma_wait3A_820, %dma_wait3A_821] : memref<4x1x128xi32, #tpu.memory_space<vmem>> -> memref<1x1x128xi32, #tpu.memory_space<vmem>>
      %dma_wait3A_823 = tpu.memref_squeeze %dma_wait3A_822 : memref<1x1x128xi32, #tpu.memory_space<vmem>> -> memref<1x128xi32, #tpu.memory_space<vmem>>
      %dma_wait3A_824 = arith.constant 0 : i32
      %dma_wait3A_825 = tpu.memref_slice %arg4[%add3A_812, %dma_wait3A_824] : memref<2560x128xi32, #tpu.memory_space<hbm>> -> memref<1x128xi32, #tpu.memory_space<hbm>>
      tpu.wait_dma2 semaphore(%arg15 : memref<!tpu.dma_semaphore, #tpu.memory_space<semaphore_mem>>) src(%dma_wait3A_825 : memref<1x128xi32, #tpu.memory_space<hbm>>) dst(%dma_wait3A_823 : memref<1x128xi32, #tpu.memory_space<vmem>>)
      %dma_start3A_826 = arith.constant 3 : i32
      %dma_start3A_827 = arith.constant 0 : i32
      %dma_start3A_828 = arith.constant 1 : i32
      %dma_start3A_829 = arith.constant 0 : i32
      %dma_start3A_830 = arith.constant 0 : i32
      %dma_start3A_831 = tpu.memref_slice %arg9[%dma_start3A_828, %dma_start3A_829, %dma_start3A_830] : memref<2x128x64xf32, #tpu.memory_space<vmem>> -> memref<1x128x64xf32, #tpu.memory_space<vmem>>
      %dma_start3A_832 = tpu.memref_squeeze %dma_start3A_831 : memref<1x128x64xf32, #tpu.memory_space<vmem>> -> memref<128x64xf32, #tpu.memory_space<vmem>>
      %dma_start3A_833 = arith.constant 0 : i32
      %dma_start3A_834 = tpu.memref_slice %arg7[%dma_start3A_826, %dma_start3A_827, %dma_start3A_833] : memref<4x1x128xi32, #tpu.memory_space<vmem>> -> memref<1x1x128xi32, #tpu.memory_space<vmem>>
      %dma_start3A_835 = tpu.memref_squeeze %dma_start3A_834 : memref<1x1x128xi32, #tpu.memory_space<vmem>> -> memref<128xi32, #tpu.memory_space<vmem>>
      %dma_start3A_836 = arith.constant 0 : i32
      %dma_start3A_837 = arith.constant 0 : i32
      %dma_start3A_838 = tpu.memref_slice %arg10[%dma_start3A_836, %dma_start3A_837] : memref<10240x64xf32, #tpu.memory_space<vmem_shared>> -> memref<10240x64xf32, #tpu.memory_space<vmem_shared>>
      tpu.enqueue_indirect_dma source(%dma_start3A_838 : memref<10240x64xf32, #tpu.memory_space<vmem_shared>>) target(%dma_start3A_832 : memref<128x64xf32, #tpu.memory_space<vmem>>) offsets(%dma_start3A_835 : memref<128xi32, #tpu.memory_space<vmem>>) semaphore(%arg17 : memref<!tpu.dma_semaphore, #tpu.memory_space<semaphore_mem>>)
      %add3A_839 = arith.constant 2 : i32
      %add3A_840 = arith.addi %add3A_784, %add3A_839 : i32
      %lt3A_841 = arith.constant 160 : i32
      %lt3A_842 = arith.cmpi slt, %add3A_840, %lt3A_841 : i32
      %convert_element_type3A_843 = arith.extui %lt3A_842 : i1 to i32
      %cond3A_844 = arith.constant 0 : i32
      %cond3A_845 = arith.cmpi ne, %convert_element_type3A_843, %cond3A_844 : i32
      scf.if %cond3A_845 {
        %add3A_872 = arith.constant 2 : i32
        %add3A_873 = arith.addi %add3A_784, %add3A_872 : i32
        %add3A_874 = arith.addi %mul3A_0, %add3A_873 : i32
        %dma_start3A_875 = arith.constant 1 : i32
        %dma_start3A_876 = arith.constant 0 : i32
        %dma_start3A_877 = arith.constant 0 : i32
        %dma_start3A_878 = tpu.memref_slice %arg7[%dma_start3A_875, %dma_start3A_876, %dma_start3A_877] : memref<4x1x128xi32, #tpu.memory_space<vmem>> -> memref<1x1x128xi32, #tpu.memory_space<vmem>>
        %dma_start3A_879 = tpu.memref_squeeze %dma_start3A_878 : memref<1x1x128xi32, #tpu.memory_space<vmem>> -> memref<1x128xi32, #tpu.memory_space<vmem>>
        %dma_start3A_880 = arith.constant 0 : i32
        %dma_start3A_881 = tpu.memref_slice %arg3[%add3A_874, %dma_start3A_880] : memref<2560x128xi32, #tpu.memory_space<hbm>> -> memref<1x128xi32, #tpu.memory_space<hbm>>
        %dma_start3A_882 = arith.constant 0 : i32
        %dma_start3A_883 = arith.constant 0 : i32
        %dma_start3A_884 = tpu.memref_slice %arg7[%dma_start3A_875, %dma_start3A_882, %dma_start3A_883] : memref<4x1x128xi32, #tpu.memory_space<vmem>> -> memref<1x1x128xi32, #tpu.memory_space<vmem>>
        %dma_start3A_885 = tpu.memref_squeeze %dma_start3A_884 : memref<1x1x128xi32, #tpu.memory_space<vmem>> -> memref<1x128xi32, #tpu.memory_space<vmem>>
        %dma_start3A_886 = arith.constant 0 : i32
        %dma_start3A_887 = tpu.memref_slice %arg3[%add3A_874, %dma_start3A_886] : memref<2560x128xi32, #tpu.memory_space<hbm>> -> memref<1x128xi32, #tpu.memory_space<hbm>>
        tpu.enqueue_dma source(%dma_start3A_887 : memref<1x128xi32, #tpu.memory_space<hbm>>) target(%dma_start3A_885 : memref<1x128xi32, #tpu.memory_space<vmem>>) target_semaphore(%arg13 : memref<!tpu.dma_semaphore, #tpu.memory_space<semaphore_mem>>)
        %add3A_888 = arith.addi %mul3A_0, %add3A_873 : i32
        %dma_start3A_889 = arith.constant 1 : i32
        %dma_start3A_890 = arith.constant 0 : i32
        %dma_start3A_891 = arith.constant 0 : i32
        %dma_start3A_892 = tpu.memref_slice %arg8[%dma_start3A_889, %dma_start3A_890, %dma_start3A_891] : memref<4x1x128xi32, #tpu.memory_space<vmem>> -> memref<1x1x128xi32, #tpu.memory_space<vmem>>
        %dma_start3A_893 = tpu.memref_squeeze %dma_start3A_892 : memref<1x1x128xi32, #tpu.memory_space<vmem>> -> memref<1x128xi32, #tpu.memory_space<vmem>>
        %dma_start3A_894 = arith.constant 0 : i32
        %dma_start3A_895 = tpu.memref_slice %arg4[%add3A_888, %dma_start3A_894] : memref<2560x128xi32, #tpu.memory_space<hbm>> -> memref<1x128xi32, #tpu.memory_space<hbm>>
        %dma_start3A_896 = arith.constant 0 : i32
        %dma_start3A_897 = arith.constant 0 : i32
        %dma_start3A_898 = tpu.memref_slice %arg8[%dma_start3A_889, %dma_start3A_896, %dma_start3A_897] : memref<4x1x128xi32, #tpu.memory_space<vmem>> -> memref<1x1x128xi32, #tpu.memory_space<vmem>>
        %dma_start3A_899 = tpu.memref_squeeze %dma_start3A_898 : memref<1x1x128xi32, #tpu.memory_space<vmem>> -> memref<1x128xi32, #tpu.memory_space<vmem>>
        %dma_start3A_900 = arith.constant 0 : i32
        %dma_start3A_901 = tpu.memref_slice %arg4[%add3A_888, %dma_start3A_900] : memref<2560x128xi32, #tpu.memory_space<hbm>> -> memref<1x128xi32, #tpu.memory_space<hbm>>
        tpu.enqueue_dma source(%dma_start3A_901 : memref<1x128xi32, #tpu.memory_space<hbm>>) target(%dma_start3A_899 : memref<1x128xi32, #tpu.memory_space<vmem>>) target_semaphore(%arg13 : memref<!tpu.dma_semaphore, #tpu.memory_space<semaphore_mem>>)
      } else {
      }
      %dma_wait3A_846 = arith.constant 2 : i32
      %dma_wait3A_847 = arith.constant 0 : i32
      %dma_wait3A_848 = arith.constant 0 : i32
      %dma_wait3A_849 = arith.constant 0 : i32
      %dma_wait3A_850 = arith.constant 0 : i32
      %dma_wait3A_851 = tpu.memref_slice %arg9[%dma_wait3A_848, %dma_wait3A_849, %dma_wait3A_850] : memref<2x128x64xf32, #tpu.memory_space<vmem>> -> memref<1x128x64xf32, #tpu.memory_space<vmem>>
      %dma_wait3A_852 = tpu.memref_squeeze %dma_wait3A_851 : memref<1x128x64xf32, #tpu.memory_space<vmem>> -> memref<128x64xf32, #tpu.memory_space<vmem>>
      %dma_wait3A_853 = arith.constant 0 : i32
      %dma_wait3A_854 = tpu.memref_slice %arg7[%dma_wait3A_846, %dma_wait3A_847, %dma_wait3A_853] : memref<4x1x128xi32, #tpu.memory_space<vmem>> -> memref<1x1x128xi32, #tpu.memory_space<vmem>>
      %dma_wait3A_855 = tpu.memref_squeeze %dma_wait3A_854 : memref<1x1x128xi32, #tpu.memory_space<vmem>> -> memref<128xi32, #tpu.memory_space<vmem>>
      %dma_wait3A_856 = arith.constant 0 : i32
      %dma_wait3A_857 = arith.constant 0 : i32
      %dma_wait3A_858 = tpu.memref_slice %arg10[%dma_wait3A_856, %dma_wait3A_857] : memref<10240x64xf32, #tpu.memory_space<vmem_shared>> -> memref<10240x64xf32, #tpu.memory_space<vmem_shared>>
      tpu.wait_indirect_dma semaphore(%arg16 : memref<!tpu.dma_semaphore, #tpu.memory_space<semaphore_mem>>) src(%dma_wait3A_858 : memref<10240x64xf32, #tpu.memory_space<vmem_shared>>) dst(%dma_wait3A_852 : memref<128x64xf32, #tpu.memory_space<vmem>>)
      %dma_start3A_859 = arith.constant 0 : i32
      %dma_start3A_860 = arith.constant 2 : i32
      %dma_start3A_861 = arith.constant 0 : i32
      %dma_start3A_862 = arith.constant 0 : i32
      %dma_start3A_863 = arith.constant 0 : i32
      %dma_start3A_864 = tpu.memref_slice %arg9[%dma_start3A_859, %dma_start3A_862, %dma_start3A_863] : memref<2x128x64xf32, #tpu.memory_space<vmem>> -> memref<1x128x64xf32, #tpu.memory_space<vmem>>
      %dma_start3A_865 = tpu.memref_squeeze %dma_start3A_864 : memref<1x128x64xf32, #tpu.memory_space<vmem>> -> memref<128x64xf32, #tpu.memory_space<vmem>>
      %dma_start3A_866 = arith.constant 0 : i32
      %dma_start3A_867 = tpu.memref_slice %arg8[%dma_start3A_860, %dma_start3A_861, %dma_start3A_866] : memref<4x1x128xi32, #tpu.memory_space<vmem>> -> memref<1x1x128xi32, #tpu.memory_space<vmem>>
      %dma_start3A_868 = tpu.memref_squeeze %dma_start3A_867 : memref<1x1x128xi32, #tpu.memory_space<vmem>> -> memref<128xi32, #tpu.memory_space<vmem>>
      %dma_start3A_869 = arith.constant 0 : i32
      %dma_start3A_870 = arith.constant 0 : i32
      %dma_start3A_871 = tpu.memref_slice %arg11[%dma_start3A_869, %dma_start3A_870] : memref<10240x64xf32, #tpu.memory_space<vmem_shared>> -> memref<10240x64xf32, #tpu.memory_space<vmem_shared>>
      tpu.enqueue_indirect_dma source(%dma_start3A_865 : memref<128x64xf32, #tpu.memory_space<vmem>>) target(%dma_start3A_871 : memref<10240x64xf32, #tpu.memory_space<vmem_shared>>) offsets(%dma_start3A_868 : memref<128xi32, #tpu.memory_space<vmem>>) semaphore(%arg18 : memref<!tpu.dma_semaphore, #tpu.memory_space<semaphore_mem>>) {add = true}
    }
    %scan3A_460 = arith.constant 39 : i32
    %dma_wait3A_461 = arith.constant 3 : i32
    %dma_wait3A_462 = arith.constant 0 : i32
    %dma_wait3A_463 = arith.constant 1 : i32
    %dma_wait3A_464 = arith.constant 0 : i32
    %dma_wait3A_465 = arith.constant 0 : i32
    %dma_wait3A_466 = tpu.memref_slice %arg9[%dma_wait3A_463, %dma_wait3A_464, %dma_wait3A_465] : memref<2x128x64xf32, #tpu.memory_space<vmem>> -> memref<1x128x64xf32, #tpu.memory_space<vmem>>
    %dma_wait3A_467 = tpu.memref_squeeze %dma_wait3A_466 : memref<1x128x64xf32, #tpu.memory_space<vmem>> -> memref<128x64xf32, #tpu.memory_space<vmem>>
    %dma_wait3A_468 = arith.constant 0 : i32
    %dma_wait3A_469 = tpu.memref_slice %arg7[%dma_wait3A_461, %dma_wait3A_462, %dma_wait3A_468] : memref<4x1x128xi32, #tpu.memory_space<vmem>> -> memref<1x1x128xi32, #tpu.memory_space<vmem>>
    %dma_wait3A_470 = tpu.memref_squeeze %dma_wait3A_469 : memref<1x1x128xi32, #tpu.memory_space<vmem>> -> memref<128xi32, #tpu.memory_space<vmem>>
    %dma_wait3A_471 = arith.constant 0 : i32
    %dma_wait3A_472 = arith.constant 0 : i32
    %dma_wait3A_473 = tpu.memref_slice %arg10[%dma_wait3A_471, %dma_wait3A_472] : memref<10240x64xf32, #tpu.memory_space<vmem_shared>> -> memref<10240x64xf32, #tpu.memory_space<vmem_shared>>
    tpu.wait_indirect_dma semaphore(%arg17 : memref<!tpu.dma_semaphore, #tpu.memory_space<semaphore_mem>>) src(%dma_wait3A_473 : memref<10240x64xf32, #tpu.memory_space<vmem_shared>>) dst(%dma_wait3A_467 : memref<128x64xf32, #tpu.memory_space<vmem>>)
    %dma_start3A_474 = arith.constant 1 : i32
    %dma_start3A_475 = arith.constant 3 : i32
    %dma_start3A_476 = arith.constant 0 : i32
    %dma_start3A_477 = arith.constant 0 : i32
    %dma_start3A_478 = arith.constant 0 : i32
    %dma_start3A_479 = tpu.memref_slice %arg9[%dma_start3A_474, %dma_start3A_477, %dma_start3A_478] : memref<2x128x64xf32, #tpu.memory_space<vmem>> -> memref<1x128x64xf32, #tpu.memory_space<vmem>>
    %dma_start3A_480 = tpu.memref_squeeze %dma_start3A_479 : memref<1x128x64xf32, #tpu.memory_space<vmem>> -> memref<128x64xf32, #tpu.memory_space<vmem>>
    %dma_start3A_481 = arith.constant 0 : i32
    %dma_start3A_482 = tpu.memref_slice %arg8[%dma_start3A_475, %dma_start3A_476, %dma_start3A_481] : memref<4x1x128xi32, #tpu.memory_space<vmem>> -> memref<1x1x128xi32, #tpu.memory_space<vmem>>
    %dma_start3A_483 = tpu.memref_squeeze %dma_start3A_482 : memref<1x1x128xi32, #tpu.memory_space<vmem>> -> memref<128xi32, #tpu.memory_space<vmem>>
    %dma_start3A_484 = arith.constant 0 : i32
    %dma_start3A_485 = arith.constant 0 : i32
    %dma_start3A_486 = tpu.memref_slice %arg11[%dma_start3A_484, %dma_start3A_485] : memref<10240x64xf32, #tpu.memory_space<vmem_shared>> -> memref<10240x64xf32, #tpu.memory_space<vmem_shared>>
    tpu.enqueue_indirect_dma source(%dma_start3A_480 : memref<128x64xf32, #tpu.memory_space<vmem>>) target(%dma_start3A_486 : memref<10240x64xf32, #tpu.memory_space<vmem_shared>>) offsets(%dma_start3A_483 : memref<128xi32, #tpu.memory_space<vmem>>) semaphore(%arg19 : memref<!tpu.dma_semaphore, #tpu.memory_space<semaphore_mem>>) {add = true}
    %dma_wait3A_487 = arith.constant 0 : i32
    %dma_wait3A_488 = arith.constant 2 : i32
    %dma_wait3A_489 = arith.constant 0 : i32
    %dma_wait3A_490 = arith.constant 0 : i32
    %dma_wait3A_491 = arith.constant 0 : i32
    %dma_wait3A_492 = tpu.memref_slice %arg9[%dma_wait3A_487, %dma_wait3A_490, %dma_wait3A_491] : memref<2x128x64xf32, #tpu.memory_space<vmem>> -> memref<1x128x64xf32, #tpu.memory_space<vmem>>
    %dma_wait3A_493 = tpu.memref_squeeze %dma_wait3A_492 : memref<1x128x64xf32, #tpu.memory_space<vmem>> -> memref<128x64xf32, #tpu.memory_space<vmem>>
    %dma_wait3A_494 = arith.constant 0 : i32
    %dma_wait3A_495 = tpu.memref_slice %arg8[%dma_wait3A_488, %dma_wait3A_489, %dma_wait3A_494] : memref<4x1x128xi32, #tpu.memory_space<vmem>> -> memref<1x1x128xi32, #tpu.memory_space<vmem>>
    %dma_wait3A_496 = tpu.memref_squeeze %dma_wait3A_495 : memref<1x1x128xi32, #tpu.memory_space<vmem>> -> memref<128xi32, #tpu.memory_space<vmem>>
    %dma_wait3A_497 = arith.constant 0 : i32
    %dma_wait3A_498 = arith.constant 0 : i32
    %dma_wait3A_499 = tpu.memref_slice %arg11[%dma_wait3A_497, %dma_wait3A_498] : memref<10240x64xf32, #tpu.memory_space<vmem_shared>> -> memref<10240x64xf32, #tpu.memory_space<vmem_shared>>
    tpu.wait_indirect_dma semaphore(%arg18 : memref<!tpu.dma_semaphore, #tpu.memory_space<semaphore_mem>>) src(%dma_wait3A_493 : memref<128x64xf32, #tpu.memory_space<vmem>>) dst(%dma_wait3A_499 : memref<10240x64xf32, #tpu.memory_space<vmem_shared>>)
    %dma_wait3A_500 = arith.constant 1 : i32
    %dma_wait3A_501 = arith.constant 3 : i32
    %dma_wait3A_502 = arith.constant 0 : i32
    %dma_wait3A_503 = arith.constant 0 : i32
    %dma_wait3A_504 = arith.constant 0 : i32
    %dma_wait3A_505 = tpu.memref_slice %arg9[%dma_wait3A_500, %dma_wait3A_503, %dma_wait3A_504] : memref<2x128x64xf32, #tpu.memory_space<vmem>> -> memref<1x128x64xf32, #tpu.memory_space<vmem>>
    %dma_wait3A_506 = tpu.memref_squeeze %dma_wait3A_505 : memref<1x128x64xf32, #tpu.memory_space<vmem>> -> memref<128x64xf32, #tpu.memory_space<vmem>>
    %dma_wait3A_507 = arith.constant 0 : i32
    %dma_wait3A_508 = tpu.memref_slice %arg8[%dma_wait3A_501, %dma_wait3A_502, %dma_wait3A_507] : memref<4x1x128xi32, #tpu.memory_space<vmem>> -> memref<1x1x128xi32, #tpu.memory_space<vmem>>
    %dma_wait3A_509 = tpu.memref_squeeze %dma_wait3A_508 : memref<1x1x128xi32, #tpu.memory_space<vmem>> -> memref<128xi32, #tpu.memory_space<vmem>>
    %dma_wait3A_510 = arith.constant 0 : i32
    %dma_wait3A_511 = arith.constant 0 : i32
    %dma_wait3A_512 = tpu.memref_slice %arg11[%dma_wait3A_510, %dma_wait3A_511] : memref<10240x64xf32, #tpu.memory_space<vmem_shared>> -> memref<10240x64xf32, #tpu.memory_space<vmem_shared>>
    tpu.wait_indirect_dma semaphore(%arg19 : memref<!tpu.dma_semaphore, #tpu.memory_space<semaphore_mem>>) src(%dma_wait3A_506 : memref<128x64xf32, #tpu.memory_space<vmem>>) dst(%dma_wait3A_512 : memref<10240x64xf32, #tpu.memory_space<vmem_shared>>)
    %barrier3A_513 = arith.constant 0 : index
    tpu.barrier barrier_id(%barrier3A_513)
    "tpu.region"() ({
      %run_scoped3A = tpu.sem_alloc : memref<!tpu.dma_semaphore, #tpu.memory_space<semaphore_mem>>
      %dma_start3A_514 = arith.constant 0 : i32
      %dma_start3A_515 = tpu.memref_slice %arg6[%arg0, %mul3A_60, %dma_start3A_514] : memref<2x10240x64xf32, #tpu.memory_space<hbm>> -> memref<1x640x64xf32, #tpu.memory_space<hbm>>
      %dma_start3A_516 = tpu.memref_squeeze %dma_start3A_515 : memref<1x640x64xf32, #tpu.memory_space<hbm>> -> memref<640x64xf32, #tpu.memory_space<hbm>>
      %dma_start3A_517 = arith.constant 0 : i32
      %dma_start3A_518 = tpu.memref_slice %arg11[%mul3A_60, %dma_start3A_517] : memref<10240x64xf32, #tpu.memory_space<vmem_shared>> -> memref<640x64xf32, #tpu.memory_space<vmem_shared>>
      tpu.enqueue_dma source(%dma_start3A_518 : memref<640x64xf32, #tpu.memory_space<vmem_shared>>) target(%dma_start3A_516 : memref<640x64xf32, #tpu.memory_space<hbm>>) target_semaphore(%run_scoped3A : memref<!tpu.dma_semaphore, #tpu.memory_space<semaphore_mem>>)
      %dma_wait3A_519 = arith.constant 0 : i32
      %dma_wait3A_520 = tpu.memref_slice %arg6[%arg0, %mul3A_60, %dma_wait3A_519] : memref<2x10240x64xf32, #tpu.memory_space<hbm>> -> memref<1x640x64xf32, #tpu.memory_space<hbm>>
      %dma_wait3A_521 = tpu.memref_squeeze %dma_wait3A_520 : memref<1x640x64xf32, #tpu.memory_space<hbm>> -> memref<640x64xf32, #tpu.memory_space<hbm>>
      %dma_wait3A_522 = arith.constant 0 : i32
      %dma_wait3A_523 = tpu.memref_slice %arg11[%mul3A_60, %dma_wait3A_522] : memref<10240x64xf32, #tpu.memory_space<vmem_shared>> -> memref<640x64xf32, #tpu.memory_space<vmem_shared>>
      tpu.wait_dma2 semaphore(%run_scoped3A : memref<!tpu.dma_semaphore, #tpu.memory_space<semaphore_mem>>) src(%dma_wait3A_523 : memref<640x64xf32, #tpu.memory_space<vmem_shared>>) dst(%dma_wait3A_521 : memref<640x64xf32, #tpu.memory_space<hbm>>)
      tpu.yield
    }) : () -> ()
    return
  }
}

#map = affine_map<(d0, d1) -> (0, 0, 0)>
#map1 = affine_map<(d0, d1) -> (0, 0)>
module attributes {stable_mosaic.version = 14 : i64} {
  func.func @sc_agg_w80(%arg0: i32, %arg1: i32, %arg2: memref<2x10240x80xf32, #tpu.memory_space<hbm>>, %arg3: memref<2560x128xi32, #tpu.memory_space<hbm>>, %arg4: memref<2560x128xi32, #tpu.memory_space<hbm>>, %arg5: memref<10240x80xf32, #tpu.memory_space<hbm>>, %arg6: memref<2x10240x80xf32, #tpu.memory_space<hbm>>, %arg7: memref<4x1x128xi32, #tpu.memory_space<vmem>>, %arg8: memref<4x1x128xi32, #tpu.memory_space<vmem>>, %arg9: memref<2x128x80xf32, #tpu.memory_space<vmem>>, %arg10: memref<10240x80xf32, #tpu.memory_space<vmem_shared>>, %arg11: memref<10240x80xf32, #tpu.memory_space<vmem_shared>>, %arg12: memref<!tpu.dma_semaphore, #tpu.memory_space<semaphore_mem>>, %arg13: memref<!tpu.dma_semaphore, #tpu.memory_space<semaphore_mem>>, %arg14: memref<!tpu.dma_semaphore, #tpu.memory_space<semaphore_mem>>, %arg15: memref<!tpu.dma_semaphore, #tpu.memory_space<semaphore_mem>>, %arg16: memref<!tpu.dma_semaphore, #tpu.memory_space<semaphore_mem>>, %arg17: memref<!tpu.dma_semaphore, #tpu.memory_space<semaphore_mem>>, %arg18: memref<!tpu.dma_semaphore, #tpu.memory_space<semaphore_mem>>, %arg19: memref<!tpu.dma_semaphore, #tpu.memory_space<semaphore_mem>>) attributes {dimension_semantics = [#tpu.dimension_semantics<core_parallel>, #tpu.dimension_semantics<subcore_parallel>], iteration_bounds = array<i64: 2, 16>, scalar_prefetch = 0 : i64, scratch_operands = 13 : i64, tpu.core_type = #tpu.core_type<sc_vector_subcore>, window_params = [{transform_indices = #map}, {transform_indices = #map1}, {transform_indices = #map1}, {transform_indices = #map1}, {transform_indices = #map}]} {
    %mul3A = arith.constant 160 : i32
    %mul3A_0 = arith.muli %arg1, %mul3A : i32
    %add3A = arith.constant 0 : i32
    %add3A_1 = arith.addi %mul3A_0, %add3A : i32
    %dma_start3A = arith.constant 0 : i32
    %dma_start3A_2 = arith.constant 0 : i32
    %dma_start3A_3 = arith.constant 0 : i32
    %dma_start3A_4 = tpu.memref_slice %arg7[%dma_start3A, %dma_start3A_2, %dma_start3A_3] : memref<4x1x128xi32, #tpu.memory_space<vmem>> -> memref<1x1x128xi32, #tpu.memory_space<vmem>>
    %dma_start3A_5 = tpu.memref_squeeze %dma_start3A_4 : memref<1x1x128xi32, #tpu.memory_space<vmem>> -> memref<1x128xi32, #tpu.memory_space<vmem>>
    %dma_start3A_6 = arith.constant 0 : i32
    %dma_start3A_7 = tpu.memref_slice %arg3[%add3A_1, %dma_start3A_6] : memref<2560x128xi32, #tpu.memory_space<hbm>> -> memref<1x128xi32, #tpu.memory_space<hbm>>
    %dma_start3A_8 = arith.constant 0 : i32
    %dma_start3A_9 = arith.constant 0 : i32
    %dma_start3A_10 = tpu.memref_slice %arg7[%dma_start3A, %dma_start3A_8, %dma_start3A_9] : memref<4x1x128xi32, #tpu.memory_space<vmem>> -> memref<1x1x128xi32, #tpu.memory_space<vmem>>
    %dma_start3A_11 = tpu.memref_squeeze %dma_start3A_10 : memref<1x1x128xi32, #tpu.memory_space<vmem>> -> memref<1x128xi32, #tpu.memory_space<vmem>>
    %dma_start3A_12 = arith.constant 0 : i32
    %dma_start3A_13 = tpu.memref_slice %arg3[%add3A_1, %dma_start3A_12] : memref<2560x128xi32, #tpu.memory_space<hbm>> -> memref<1x128xi32, #tpu.memory_space<hbm>>
    tpu.enqueue_dma source(%dma_start3A_13 : memref<1x128xi32, #tpu.memory_space<hbm>>) target(%dma_start3A_11 : memref<1x128xi32, #tpu.memory_space<vmem>>) target_semaphore(%arg12 : memref<!tpu.dma_semaphore, #tpu.memory_space<semaphore_mem>>)
    %add3A_14 = arith.constant 0 : i32
    %add3A_15 = arith.addi %mul3A_0, %add3A_14 : i32
    %dma_start3A_16 = arith.constant 0 : i32
    %dma_start3A_17 = arith.constant 0 : i32
    %dma_start3A_18 = arith.constant 0 : i32
    %dma_start3A_19 = tpu.memref_slice %arg8[%dma_start3A_16, %dma_start3A_17, %dma_start3A_18] : memref<4x1x128xi32, #tpu.memory_space<vmem>> -> memref<1x1x128xi32, #tpu.memory_space<vmem>>
    %dma_start3A_20 = tpu.memref_squeeze %dma_start3A_19 : memref<1x1x128xi32, #tpu.memory_space<vmem>> -> memref<1x128xi32, #tpu.memory_space<vmem>>
    %dma_start3A_21 = arith.constant 0 : i32
    %dma_start3A_22 = tpu.memref_slice %arg4[%add3A_15, %dma_start3A_21] : memref<2560x128xi32, #tpu.memory_space<hbm>> -> memref<1x128xi32, #tpu.memory_space<hbm>>
    %dma_start3A_23 = arith.constant 0 : i32
    %dma_start3A_24 = arith.constant 0 : i32
    %dma_start3A_25 = tpu.memref_slice %arg8[%dma_start3A_16, %dma_start3A_23, %dma_start3A_24] : memref<4x1x128xi32, #tpu.memory_space<vmem>> -> memref<1x1x128xi32, #tpu.memory_space<vmem>>
    %dma_start3A_26 = tpu.memref_squeeze %dma_start3A_25 : memref<1x1x128xi32, #tpu.memory_space<vmem>> -> memref<1x128xi32, #tpu.memory_space<vmem>>
    %dma_start3A_27 = arith.constant 0 : i32
    %dma_start3A_28 = tpu.memref_slice %arg4[%add3A_15, %dma_start3A_27] : memref<2560x128xi32, #tpu.memory_space<hbm>> -> memref<1x128xi32, #tpu.memory_space<hbm>>
    tpu.enqueue_dma source(%dma_start3A_28 : memref<1x128xi32, #tpu.memory_space<hbm>>) target(%dma_start3A_26 : memref<1x128xi32, #tpu.memory_space<vmem>>) target_semaphore(%arg12 : memref<!tpu.dma_semaphore, #tpu.memory_space<semaphore_mem>>)
    %add3A_29 = arith.constant 1 : i32
    %add3A_30 = arith.addi %mul3A_0, %add3A_29 : i32
    %dma_start3A_31 = arith.constant 1 : i32
    %dma_start3A_32 = arith.constant 0 : i32
    %dma_start3A_33 = arith.constant 0 : i32
    %dma_start3A_34 = tpu.memref_slice %arg7[%dma_start3A_31, %dma_start3A_32, %dma_start3A_33] : memref<4x1x128xi32, #tpu.memory_space<vmem>> -> memref<1x1x128xi32, #tpu.memory_space<vmem>>
    %dma_start3A_35 = tpu.memref_squeeze %dma_start3A_34 : memref<1x1x128xi32, #tpu.memory_space<vmem>> -> memref<1x128xi32, #tpu.memory_space<vmem>>
    %dma_start3A_36 = arith.constant 0 : i32
    %dma_start3A_37 = tpu.memref_slice %arg3[%add3A_30, %dma_start3A_36] : memref<2560x128xi32, #tpu.memory_space<hbm>> -> memref<1x128xi32, #tpu.memory_space<hbm>>
    %dma_start3A_38 = arith.constant 0 : i32
    %dma_start3A_39 = arith.constant 0 : i32
    %dma_start3A_40 = tpu.memref_slice %arg7[%dma_start3A_31, %dma_start3A_38, %dma_start3A_39] : memref<4x1x128xi32, #tpu.memory_space<vmem>> -> memref<1x1x128xi32, #tpu.memory_space<vmem>>
    %dma_start3A_41 = tpu.memref_squeeze %dma_start3A_40 : memref<1x1x128xi32, #tpu.memory_space<vmem>> -> memref<1x128xi32, #tpu.memory_space<vmem>>
    %dma_start3A_42 = arith.constant 0 : i32
    %dma_start3A_43 = tpu.memref_slice %arg3[%add3A_30, %dma_start3A_42] : memref<2560x128xi32, #tpu.memory_space<hbm>> -> memref<1x128xi32, #tpu.memory_space<hbm>>
    tpu.enqueue_dma source(%dma_start3A_43 : memref<1x128xi32, #tpu.memory_space<hbm>>) target(%dma_start3A_41 : memref<1x128xi32, #tpu.memory_space<vmem>>) target_semaphore(%arg13 : memref<!tpu.dma_semaphore, #tpu.memory_space<semaphore_mem>>)
    %add3A_44 = arith.constant 1 : i32
    %add3A_45 = arith.addi %mul3A_0, %add3A_44 : i32
    %dma_start3A_46 = arith.constant 1 : i32
    %dma_start3A_47 = arith.constant 0 : i32
    %dma_start3A_48 = arith.constant 0 : i32
    %dma_start3A_49 = tpu.memref_slice %arg8[%dma_start3A_46, %dma_start3A_47, %dma_start3A_48] : memref<4x1x128xi32, #tpu.memory_space<vmem>> -> memref<1x1x128xi32, #tpu.memory_space<vmem>>
    %dma_start3A_50 = tpu.memref_squeeze %dma_start3A_49 : memref<1x1x128xi32, #tpu.memory_space<vmem>> -> memref<1x128xi32, #tpu.memory_space<vmem>>
    %dma_start3A_51 = arith.constant 0 : i32
    %dma_start3A_52 = tpu.memref_slice %arg4[%add3A_45, %dma_start3A_51] : memref<2560x128xi32, #tpu.memory_space<hbm>> -> memref<1x128xi32, #tpu.memory_space<hbm>>
    %dma_start3A_53 = arith.constant 0 : i32
    %dma_start3A_54 = arith.constant 0 : i32
    %dma_start3A_55 = tpu.memref_slice %arg8[%dma_start3A_46, %dma_start3A_53, %dma_start3A_54] : memref<4x1x128xi32, #tpu.memory_space<vmem>> -> memref<1x1x128xi32, #tpu.memory_space<vmem>>
    %dma_start3A_56 = tpu.memref_squeeze %dma_start3A_55 : memref<1x1x128xi32, #tpu.memory_space<vmem>> -> memref<1x128xi32, #tpu.memory_space<vmem>>
    %dma_start3A_57 = arith.constant 0 : i32
    %dma_start3A_58 = tpu.memref_slice %arg4[%add3A_45, %dma_start3A_57] : memref<2560x128xi32, #tpu.memory_space<hbm>> -> memref<1x128xi32, #tpu.memory_space<hbm>>
    tpu.enqueue_dma source(%dma_start3A_58 : memref<1x128xi32, #tpu.memory_space<hbm>>) target(%dma_start3A_56 : memref<1x128xi32, #tpu.memory_space<vmem>>) target_semaphore(%arg13 : memref<!tpu.dma_semaphore, #tpu.memory_space<semaphore_mem>>)
    %mul3A_59 = arith.constant 640 : i32
    %mul3A_60 = arith.muli %arg1, %mul3A_59 : i32
    "tpu.region"() ({
      %run_scoped3A = tpu.sem_alloc : memref<!tpu.dma_semaphore, #tpu.memory_space<semaphore_mem>>
      %dma_start3A_514 = arith.constant 0 : i32
      %dma_start3A_515 = tpu.memref_slice %arg10[%mul3A_60, %dma_start3A_514] : memref<10240x80xf32, #tpu.memory_space<vmem_shared>> -> memref<640x80xf32, #tpu.memory_space<vmem_shared>>
      %dma_start3A_516 = arith.constant 0 : i32
      %dma_start3A_517 = tpu.memref_slice %arg2[%arg0, %mul3A_60, %dma_start3A_516] : memref<2x10240x80xf32, #tpu.memory_space<hbm>> -> memref<1x640x80xf32, #tpu.memory_space<hbm>>
      %dma_start3A_518 = tpu.memref_squeeze %dma_start3A_517 : memref<1x640x80xf32, #tpu.memory_space<hbm>> -> memref<640x80xf32, #tpu.memory_space<hbm>>
      tpu.enqueue_dma source(%dma_start3A_518 : memref<640x80xf32, #tpu.memory_space<hbm>>) target(%dma_start3A_515 : memref<640x80xf32, #tpu.memory_space<vmem_shared>>) target_semaphore(%run_scoped3A : memref<!tpu.dma_semaphore, #tpu.memory_space<semaphore_mem>>)
      %dma_wait3A_519 = arith.constant 0 : i32
      %dma_wait3A_520 = tpu.memref_slice %arg10[%mul3A_60, %dma_wait3A_519] : memref<10240x80xf32, #tpu.memory_space<vmem_shared>> -> memref<640x80xf32, #tpu.memory_space<vmem_shared>>
      %dma_wait3A_521 = arith.constant 0 : i32
      %dma_wait3A_522 = tpu.memref_slice %arg2[%arg0, %mul3A_60, %dma_wait3A_521] : memref<2x10240x80xf32, #tpu.memory_space<hbm>> -> memref<1x640x80xf32, #tpu.memory_space<hbm>>
      %dma_wait3A_523 = tpu.memref_squeeze %dma_wait3A_522 : memref<1x640x80xf32, #tpu.memory_space<hbm>> -> memref<640x80xf32, #tpu.memory_space<hbm>>
      tpu.wait_dma2 semaphore(%run_scoped3A : memref<!tpu.dma_semaphore, #tpu.memory_space<semaphore_mem>>) src(%dma_wait3A_523 : memref<640x80xf32, #tpu.memory_space<hbm>>) dst(%dma_wait3A_520 : memref<640x80xf32, #tpu.memory_space<vmem_shared>>)
      tpu.yield
    }) : () -> ()
    "tpu.region"() ({
      %run_scoped3A = tpu.sem_alloc : memref<!tpu.dma_semaphore, #tpu.memory_space<semaphore_mem>>
      %dma_start3A_514 = arith.constant 0 : i32
      %dma_start3A_515 = tpu.memref_slice %arg11[%mul3A_60, %dma_start3A_514] : memref<10240x80xf32, #tpu.memory_space<vmem_shared>> -> memref<640x80xf32, #tpu.memory_space<vmem_shared>>
      %dma_start3A_516 = arith.constant 0 : i32
      %dma_start3A_517 = tpu.memref_slice %arg5[%mul3A_60, %dma_start3A_516] : memref<10240x80xf32, #tpu.memory_space<hbm>> -> memref<640x80xf32, #tpu.memory_space<hbm>>
      tpu.enqueue_dma source(%dma_start3A_517 : memref<640x80xf32, #tpu.memory_space<hbm>>) target(%dma_start3A_515 : memref<640x80xf32, #tpu.memory_space<vmem_shared>>) target_semaphore(%run_scoped3A : memref<!tpu.dma_semaphore, #tpu.memory_space<semaphore_mem>>)
      %dma_wait3A_518 = arith.constant 0 : i32
      %dma_wait3A_519 = tpu.memref_slice %arg11[%mul3A_60, %dma_wait3A_518] : memref<10240x80xf32, #tpu.memory_space<vmem_shared>> -> memref<640x80xf32, #tpu.memory_space<vmem_shared>>
      %dma_wait3A_520 = arith.constant 0 : i32
      %dma_wait3A_521 = tpu.memref_slice %arg5[%mul3A_60, %dma_wait3A_520] : memref<10240x80xf32, #tpu.memory_space<hbm>> -> memref<640x80xf32, #tpu.memory_space<hbm>>
      tpu.wait_dma2 semaphore(%run_scoped3A : memref<!tpu.dma_semaphore, #tpu.memory_space<semaphore_mem>>) src(%dma_wait3A_521 : memref<640x80xf32, #tpu.memory_space<hbm>>) dst(%dma_wait3A_519 : memref<640x80xf32, #tpu.memory_space<vmem_shared>>)
      tpu.yield
    }) : () -> ()
    %barrier3A = arith.constant 0 : index
    tpu.barrier barrier_id(%barrier3A)
    %add3A_61 = arith.constant 0 : i32
    %add3A_62 = arith.addi %mul3A_0, %add3A_61 : i32
    %dma_wait3A = arith.constant 0 : i32
    %dma_wait3A_63 = arith.constant 0 : i32
    %dma_wait3A_64 = arith.constant 0 : i32
    %dma_wait3A_65 = tpu.memref_slice %arg7[%dma_wait3A, %dma_wait3A_63, %dma_wait3A_64] : memref<4x1x128xi32, #tpu.memory_space<vmem>> -> memref<1x1x128xi32, #tpu.memory_space<vmem>>
    %dma_wait3A_66 = tpu.memref_squeeze %dma_wait3A_65 : memref<1x1x128xi32, #tpu.memory_space<vmem>> -> memref<1x128xi32, #tpu.memory_space<vmem>>
    %dma_wait3A_67 = arith.constant 0 : i32
    %dma_wait3A_68 = tpu.memref_slice %arg3[%add3A_62, %dma_wait3A_67] : memref<2560x128xi32, #tpu.memory_space<hbm>> -> memref<1x128xi32, #tpu.memory_space<hbm>>
    %dma_wait3A_69 = arith.constant 0 : i32
    %dma_wait3A_70 = arith.constant 0 : i32
    %dma_wait3A_71 = tpu.memref_slice %arg7[%dma_wait3A, %dma_wait3A_69, %dma_wait3A_70] : memref<4x1x128xi32, #tpu.memory_space<vmem>> -> memref<1x1x128xi32, #tpu.memory_space<vmem>>
    %dma_wait3A_72 = tpu.memref_squeeze %dma_wait3A_71 : memref<1x1x128xi32, #tpu.memory_space<vmem>> -> memref<1x128xi32, #tpu.memory_space<vmem>>
    %dma_wait3A_73 = arith.constant 0 : i32
    %dma_wait3A_74 = tpu.memref_slice %arg3[%add3A_62, %dma_wait3A_73] : memref<2560x128xi32, #tpu.memory_space<hbm>> -> memref<1x128xi32, #tpu.memory_space<hbm>>
    tpu.wait_dma2 semaphore(%arg12 : memref<!tpu.dma_semaphore, #tpu.memory_space<semaphore_mem>>) src(%dma_wait3A_74 : memref<1x128xi32, #tpu.memory_space<hbm>>) dst(%dma_wait3A_72 : memref<1x128xi32, #tpu.memory_space<vmem>>)
    %add3A_75 = arith.constant 0 : i32
    %add3A_76 = arith.addi %mul3A_0, %add3A_75 : i32
    %dma_wait3A_77 = arith.constant 0 : i32
    %dma_wait3A_78 = arith.constant 0 : i32
    %dma_wait3A_79 = arith.constant 0 : i32
    %dma_wait3A_80 = tpu.memref_slice %arg8[%dma_wait3A_77, %dma_wait3A_78, %dma_wait3A_79] : memref<4x1x128xi32, #tpu.memory_space<vmem>> -> memref<1x1x128xi32, #tpu.memory_space<vmem>>
    %dma_wait3A_81 = tpu.memref_squeeze %dma_wait3A_80 : memref<1x1x128xi32, #tpu.memory_space<vmem>> -> memref<1x128xi32, #tpu.memory_space<vmem>>
    %dma_wait3A_82 = arith.constant 0 : i32
    %dma_wait3A_83 = tpu.memref_slice %arg4[%add3A_76, %dma_wait3A_82] : memref<2560x128xi32, #tpu.memory_space<hbm>> -> memref<1x128xi32, #tpu.memory_space<hbm>>
    %dma_wait3A_84 = arith.constant 0 : i32
    %dma_wait3A_85 = arith.constant 0 : i32
    %dma_wait3A_86 = tpu.memref_slice %arg8[%dma_wait3A_77, %dma_wait3A_84, %dma_wait3A_85] : memref<4x1x128xi32, #tpu.memory_space<vmem>> -> memref<1x1x128xi32, #tpu.memory_space<vmem>>
    %dma_wait3A_87 = tpu.memref_squeeze %dma_wait3A_86 : memref<1x1x128xi32, #tpu.memory_space<vmem>> -> memref<1x128xi32, #tpu.memory_space<vmem>>
    %dma_wait3A_88 = arith.constant 0 : i32
    %dma_wait3A_89 = tpu.memref_slice %arg4[%add3A_76, %dma_wait3A_88] : memref<2560x128xi32, #tpu.memory_space<hbm>> -> memref<1x128xi32, #tpu.memory_space<hbm>>
    tpu.wait_dma2 semaphore(%arg12 : memref<!tpu.dma_semaphore, #tpu.memory_space<semaphore_mem>>) src(%dma_wait3A_89 : memref<1x128xi32, #tpu.memory_space<hbm>>) dst(%dma_wait3A_87 : memref<1x128xi32, #tpu.memory_space<vmem>>)
    %dma_start3A_90 = arith.constant 0 : i32
    %dma_start3A_91 = arith.constant 0 : i32
    %dma_start3A_92 = arith.constant 0 : i32
    %dma_start3A_93 = arith.constant 0 : i32
    %dma_start3A_94 = arith.constant 0 : i32
    %dma_start3A_95 = tpu.memref_slice %arg9[%dma_start3A_92, %dma_start3A_93, %dma_start3A_94] : memref<2x128x80xf32, #tpu.memory_space<vmem>> -> memref<1x128x80xf32, #tpu.memory_space<vmem>>
    %dma_start3A_96 = tpu.memref_squeeze %dma_start3A_95 : memref<1x128x80xf32, #tpu.memory_space<vmem>> -> memref<128x80xf32, #tpu.memory_space<vmem>>
    %dma_start3A_97 = arith.constant 0 : i32
    %dma_start3A_98 = tpu.memref_slice %arg7[%dma_start3A_90, %dma_start3A_91, %dma_start3A_97] : memref<4x1x128xi32, #tpu.memory_space<vmem>> -> memref<1x1x128xi32, #tpu.memory_space<vmem>>
    %dma_start3A_99 = tpu.memref_squeeze %dma_start3A_98 : memref<1x1x128xi32, #tpu.memory_space<vmem>> -> memref<128xi32, #tpu.memory_space<vmem>>
    %dma_start3A_100 = arith.constant 0 : i32
    %dma_start3A_101 = arith.constant 0 : i32
    %dma_start3A_102 = tpu.memref_slice %arg10[%dma_start3A_100, %dma_start3A_101] : memref<10240x80xf32, #tpu.memory_space<vmem_shared>> -> memref<10240x80xf32, #tpu.memory_space<vmem_shared>>
    tpu.enqueue_indirect_dma source(%dma_start3A_102 : memref<10240x80xf32, #tpu.memory_space<vmem_shared>>) target(%dma_start3A_96 : memref<128x80xf32, #tpu.memory_space<vmem>>) offsets(%dma_start3A_99 : memref<128xi32, #tpu.memory_space<vmem>>) semaphore(%arg16 : memref<!tpu.dma_semaphore, #tpu.memory_space<semaphore_mem>>)
    %add3A_103 = arith.constant 2 : i32
    %add3A_104 = arith.addi %mul3A_0, %add3A_103 : i32
    %dma_start3A_105 = arith.constant 2 : i32
    %dma_start3A_106 = arith.constant 0 : i32
    %dma_start3A_107 = arith.constant 0 : i32
    %dma_start3A_108 = tpu.memref_slice %arg7[%dma_start3A_105, %dma_start3A_106, %dma_start3A_107] : memref<4x1x128xi32, #tpu.memory_space<vmem>> -> memref<1x1x128xi32, #tpu.memory_space<vmem>>
    %dma_start3A_109 = tpu.memref_squeeze %dma_start3A_108 : memref<1x1x128xi32, #tpu.memory_space<vmem>> -> memref<1x128xi32, #tpu.memory_space<vmem>>
    %dma_start3A_110 = arith.constant 0 : i32
    %dma_start3A_111 = tpu.memref_slice %arg3[%add3A_104, %dma_start3A_110] : memref<2560x128xi32, #tpu.memory_space<hbm>> -> memref<1x128xi32, #tpu.memory_space<hbm>>
    %dma_start3A_112 = arith.constant 0 : i32
    %dma_start3A_113 = arith.constant 0 : i32
    %dma_start3A_114 = tpu.memref_slice %arg7[%dma_start3A_105, %dma_start3A_112, %dma_start3A_113] : memref<4x1x128xi32, #tpu.memory_space<vmem>> -> memref<1x1x128xi32, #tpu.memory_space<vmem>>
    %dma_start3A_115 = tpu.memref_squeeze %dma_start3A_114 : memref<1x1x128xi32, #tpu.memory_space<vmem>> -> memref<1x128xi32, #tpu.memory_space<vmem>>
    %dma_start3A_116 = arith.constant 0 : i32
    %dma_start3A_117 = tpu.memref_slice %arg3[%add3A_104, %dma_start3A_116] : memref<2560x128xi32, #tpu.memory_space<hbm>> -> memref<1x128xi32, #tpu.memory_space<hbm>>
    tpu.enqueue_dma source(%dma_start3A_117 : memref<1x128xi32, #tpu.memory_space<hbm>>) target(%dma_start3A_115 : memref<1x128xi32, #tpu.memory_space<vmem>>) target_semaphore(%arg14 : memref<!tpu.dma_semaphore, #tpu.memory_space<semaphore_mem>>)
    %add3A_118 = arith.constant 2 : i32
    %add3A_119 = arith.addi %mul3A_0, %add3A_118 : i32
    %dma_start3A_120 = arith.constant 2 : i32
    %dma_start3A_121 = arith.constant 0 : i32
    %dma_start3A_122 = arith.constant 0 : i32
    %dma_start3A_123 = tpu.memref_slice %arg8[%dma_start3A_120, %dma_start3A_121, %dma_start3A_122] : memref<4x1x128xi32, #tpu.memory_space<vmem>> -> memref<1x1x128xi32, #tpu.memory_space<vmem>>
    %dma_start3A_124 = tpu.memref_squeeze %dma_start3A_123 : memref<1x1x128xi32, #tpu.memory_space<vmem>> -> memref<1x128xi32, #tpu.memory_space<vmem>>
    %dma_start3A_125 = arith.constant 0 : i32
    %dma_start3A_126 = tpu.memref_slice %arg4[%add3A_119, %dma_start3A_125] : memref<2560x128xi32, #tpu.memory_space<hbm>> -> memref<1x128xi32, #tpu.memory_space<hbm>>
    %dma_start3A_127 = arith.constant 0 : i32
    %dma_start3A_128 = arith.constant 0 : i32
    %dma_start3A_129 = tpu.memref_slice %arg8[%dma_start3A_120, %dma_start3A_127, %dma_start3A_128] : memref<4x1x128xi32, #tpu.memory_space<vmem>> -> memref<1x1x128xi32, #tpu.memory_space<vmem>>
    %dma_start3A_130 = tpu.memref_squeeze %dma_start3A_129 : memref<1x1x128xi32, #tpu.memory_space<vmem>> -> memref<1x128xi32, #tpu.memory_space<vmem>>
    %dma_start3A_131 = arith.constant 0 : i32
    %dma_start3A_132 = tpu.memref_slice %arg4[%add3A_119, %dma_start3A_131] : memref<2560x128xi32, #tpu.memory_space<hbm>> -> memref<1x128xi32, #tpu.memory_space<hbm>>
    tpu.enqueue_dma source(%dma_start3A_132 : memref<1x128xi32, #tpu.memory_space<hbm>>) target(%dma_start3A_130 : memref<1x128xi32, #tpu.memory_space<vmem>>) target_semaphore(%arg14 : memref<!tpu.dma_semaphore, #tpu.memory_space<semaphore_mem>>)
    %add3A_133 = arith.constant 1 : i32
    %add3A_134 = arith.addi %mul3A_0, %add3A_133 : i32
    %dma_wait3A_135 = arith.constant 1 : i32
    %dma_wait3A_136 = arith.constant 0 : i32
    %dma_wait3A_137 = arith.constant 0 : i32
    %dma_wait3A_138 = tpu.memref_slice %arg7[%dma_wait3A_135, %dma_wait3A_136, %dma_wait3A_137] : memref<4x1x128xi32, #tpu.memory_space<vmem>> -> memref<1x1x128xi32, #tpu.memory_space<vmem>>
    %dma_wait3A_139 = tpu.memref_squeeze %dma_wait3A_138 : memref<1x1x128xi32, #tpu.memory_space<vmem>> -> memref<1x128xi32, #tpu.memory_space<vmem>>
    %dma_wait3A_140 = arith.constant 0 : i32
    %dma_wait3A_141 = tpu.memref_slice %arg3[%add3A_134, %dma_wait3A_140] : memref<2560x128xi32, #tpu.memory_space<hbm>> -> memref<1x128xi32, #tpu.memory_space<hbm>>
    %dma_wait3A_142 = arith.constant 0 : i32
    %dma_wait3A_143 = arith.constant 0 : i32
    %dma_wait3A_144 = tpu.memref_slice %arg7[%dma_wait3A_135, %dma_wait3A_142, %dma_wait3A_143] : memref<4x1x128xi32, #tpu.memory_space<vmem>> -> memref<1x1x128xi32, #tpu.memory_space<vmem>>
    %dma_wait3A_145 = tpu.memref_squeeze %dma_wait3A_144 : memref<1x1x128xi32, #tpu.memory_space<vmem>> -> memref<1x128xi32, #tpu.memory_space<vmem>>
    %dma_wait3A_146 = arith.constant 0 : i32
    %dma_wait3A_147 = tpu.memref_slice %arg3[%add3A_134, %dma_wait3A_146] : memref<2560x128xi32, #tpu.memory_space<hbm>> -> memref<1x128xi32, #tpu.memory_space<hbm>>
    tpu.wait_dma2 semaphore(%arg13 : memref<!tpu.dma_semaphore, #tpu.memory_space<semaphore_mem>>) src(%dma_wait3A_147 : memref<1x128xi32, #tpu.memory_space<hbm>>) dst(%dma_wait3A_145 : memref<1x128xi32, #tpu.memory_space<vmem>>)
    %add3A_148 = arith.constant 1 : i32
    %add3A_149 = arith.addi %mul3A_0, %add3A_148 : i32
    %dma_wait3A_150 = arith.constant 1 : i32
    %dma_wait3A_151 = arith.constant 0 : i32
    %dma_wait3A_152 = arith.constant 0 : i32
    %dma_wait3A_153 = tpu.memref_slice %arg8[%dma_wait3A_150, %dma_wait3A_151, %dma_wait3A_152] : memref<4x1x128xi32, #tpu.memory_space<vmem>> -> memref<1x1x128xi32, #tpu.memory_space<vmem>>
    %dma_wait3A_154 = tpu.memref_squeeze %dma_wait3A_153 : memref<1x1x128xi32, #tpu.memory_space<vmem>> -> memref<1x128xi32, #tpu.memory_space<vmem>>
    %dma_wait3A_155 = arith.constant 0 : i32
    %dma_wait3A_156 = tpu.memref_slice %arg4[%add3A_149, %dma_wait3A_155] : memref<2560x128xi32, #tpu.memory_space<hbm>> -> memref<1x128xi32, #tpu.memory_space<hbm>>
    %dma_wait3A_157 = arith.constant 0 : i32
    %dma_wait3A_158 = arith.constant 0 : i32
    %dma_wait3A_159 = tpu.memref_slice %arg8[%dma_wait3A_150, %dma_wait3A_157, %dma_wait3A_158] : memref<4x1x128xi32, #tpu.memory_space<vmem>> -> memref<1x1x128xi32, #tpu.memory_space<vmem>>
    %dma_wait3A_160 = tpu.memref_squeeze %dma_wait3A_159 : memref<1x1x128xi32, #tpu.memory_space<vmem>> -> memref<1x128xi32, #tpu.memory_space<vmem>>
    %dma_wait3A_161 = arith.constant 0 : i32
    %dma_wait3A_162 = tpu.memref_slice %arg4[%add3A_149, %dma_wait3A_161] : memref<2560x128xi32, #tpu.memory_space<hbm>> -> memref<1x128xi32, #tpu.memory_space<hbm>>
    tpu.wait_dma2 semaphore(%arg13 : memref<!tpu.dma_semaphore, #tpu.memory_space<semaphore_mem>>) src(%dma_wait3A_162 : memref<1x128xi32, #tpu.memory_space<hbm>>) dst(%dma_wait3A_160 : memref<1x128xi32, #tpu.memory_space<vmem>>)
    %dma_start3A_163 = arith.constant 1 : i32
    %dma_start3A_164 = arith.constant 0 : i32
    %dma_start3A_165 = arith.constant 1 : i32
    %dma_start3A_166 = arith.constant 0 : i32
    %dma_start3A_167 = arith.constant 0 : i32
    %dma_start3A_168 = tpu.memref_slice %arg9[%dma_start3A_165, %dma_start3A_166, %dma_start3A_167] : memref<2x128x80xf32, #tpu.memory_space<vmem>> -> memref<1x128x80xf32, #tpu.memory_space<vmem>>
    %dma_start3A_169 = tpu.memref_squeeze %dma_start3A_168 : memref<1x128x80xf32, #tpu.memory_space<vmem>> -> memref<128x80xf32, #tpu.memory_space<vmem>>
    %dma_start3A_170 = arith.constant 0 : i32
    %dma_start3A_171 = tpu.memref_slice %arg7[%dma_start3A_163, %dma_start3A_164, %dma_start3A_170] : memref<4x1x128xi32, #tpu.memory_space<vmem>> -> memref<1x1x128xi32, #tpu.memory_space<vmem>>
    %dma_start3A_172 = tpu.memref_squeeze %dma_start3A_171 : memref<1x1x128xi32, #tpu.memory_space<vmem>> -> memref<128xi32, #tpu.memory_space<vmem>>
    %dma_start3A_173 = arith.constant 0 : i32
    %dma_start3A_174 = arith.constant 0 : i32
    %dma_start3A_175 = tpu.memref_slice %arg10[%dma_start3A_173, %dma_start3A_174] : memref<10240x80xf32, #tpu.memory_space<vmem_shared>> -> memref<10240x80xf32, #tpu.memory_space<vmem_shared>>
    tpu.enqueue_indirect_dma source(%dma_start3A_175 : memref<10240x80xf32, #tpu.memory_space<vmem_shared>>) target(%dma_start3A_169 : memref<128x80xf32, #tpu.memory_space<vmem>>) offsets(%dma_start3A_172 : memref<128xi32, #tpu.memory_space<vmem>>) semaphore(%arg17 : memref<!tpu.dma_semaphore, #tpu.memory_space<semaphore_mem>>)
    %add3A_176 = arith.constant 3 : i32
    %add3A_177 = arith.addi %mul3A_0, %add3A_176 : i32
    %dma_start3A_178 = arith.constant 3 : i32
    %dma_start3A_179 = arith.constant 0 : i32
    %dma_start3A_180 = arith.constant 0 : i32
    %dma_start3A_181 = tpu.memref_slice %arg7[%dma_start3A_178, %dma_start3A_179, %dma_start3A_180] : memref<4x1x128xi32, #tpu.memory_space<vmem>> -> memref<1x1x128xi32, #tpu.memory_space<vmem>>
    %dma_start3A_182 = tpu.memref_squeeze %dma_start3A_181 : memref<1x1x128xi32, #tpu.memory_space<vmem>> -> memref<1x128xi32, #tpu.memory_space<vmem>>
    %dma_start3A_183 = arith.constant 0 : i32
    %dma_start3A_184 = tpu.memref_slice %arg3[%add3A_177, %dma_start3A_183] : memref<2560x128xi32, #tpu.memory_space<hbm>> -> memref<1x128xi32, #tpu.memory_space<hbm>>
    %dma_start3A_185 = arith.constant 0 : i32
    %dma_start3A_186 = arith.constant 0 : i32
    %dma_start3A_187 = tpu.memref_slice %arg7[%dma_start3A_178, %dma_start3A_185, %dma_start3A_186] : memref<4x1x128xi32, #tpu.memory_space<vmem>> -> memref<1x1x128xi32, #tpu.memory_space<vmem>>
    %dma_start3A_188 = tpu.memref_squeeze %dma_start3A_187 : memref<1x1x128xi32, #tpu.memory_space<vmem>> -> memref<1x128xi32, #tpu.memory_space<vmem>>
    %dma_start3A_189 = arith.constant 0 : i32
    %dma_start3A_190 = tpu.memref_slice %arg3[%add3A_177, %dma_start3A_189] : memref<2560x128xi32, #tpu.memory_space<hbm>> -> memref<1x128xi32, #tpu.memory_space<hbm>>
    tpu.enqueue_dma source(%dma_start3A_190 : memref<1x128xi32, #tpu.memory_space<hbm>>) target(%dma_start3A_188 : memref<1x128xi32, #tpu.memory_space<vmem>>) target_semaphore(%arg15 : memref<!tpu.dma_semaphore, #tpu.memory_space<semaphore_mem>>)
    %add3A_191 = arith.constant 3 : i32
    %add3A_192 = arith.addi %mul3A_0, %add3A_191 : i32
    %dma_start3A_193 = arith.constant 3 : i32
    %dma_start3A_194 = arith.constant 0 : i32
    %dma_start3A_195 = arith.constant 0 : i32
    %dma_start3A_196 = tpu.memref_slice %arg8[%dma_start3A_193, %dma_start3A_194, %dma_start3A_195] : memref<4x1x128xi32, #tpu.memory_space<vmem>> -> memref<1x1x128xi32, #tpu.memory_space<vmem>>
    %dma_start3A_197 = tpu.memref_squeeze %dma_start3A_196 : memref<1x1x128xi32, #tpu.memory_space<vmem>> -> memref<1x128xi32, #tpu.memory_space<vmem>>
    %dma_start3A_198 = arith.constant 0 : i32
    %dma_start3A_199 = tpu.memref_slice %arg4[%add3A_192, %dma_start3A_198] : memref<2560x128xi32, #tpu.memory_space<hbm>> -> memref<1x128xi32, #tpu.memory_space<hbm>>
    %dma_start3A_200 = arith.constant 0 : i32
    %dma_start3A_201 = arith.constant 0 : i32
    %dma_start3A_202 = tpu.memref_slice %arg8[%dma_start3A_193, %dma_start3A_200, %dma_start3A_201] : memref<4x1x128xi32, #tpu.memory_space<vmem>> -> memref<1x1x128xi32, #tpu.memory_space<vmem>>
    %dma_start3A_203 = tpu.memref_squeeze %dma_start3A_202 : memref<1x1x128xi32, #tpu.memory_space<vmem>> -> memref<1x128xi32, #tpu.memory_space<vmem>>
    %dma_start3A_204 = arith.constant 0 : i32
    %dma_start3A_205 = tpu.memref_slice %arg4[%add3A_192, %dma_start3A_204] : memref<2560x128xi32, #tpu.memory_space<hbm>> -> memref<1x128xi32, #tpu.memory_space<hbm>>
    tpu.enqueue_dma source(%dma_start3A_205 : memref<1x128xi32, #tpu.memory_space<hbm>>) target(%dma_start3A_203 : memref<1x128xi32, #tpu.memory_space<vmem>>) target_semaphore(%arg15 : memref<!tpu.dma_semaphore, #tpu.memory_space<semaphore_mem>>)
    %dma_wait3A_206 = arith.constant 0 : i32
    %dma_wait3A_207 = arith.constant 0 : i32
    %dma_wait3A_208 = arith.constant 0 : i32
    %dma_wait3A_209 = arith.constant 0 : i32
    %dma_wait3A_210 = arith.constant 0 : i32
    %dma_wait3A_211 = tpu.memref_slice %arg9[%dma_wait3A_208, %dma_wait3A_209, %dma_wait3A_210] : memref<2x128x80xf32, #tpu.memory_space<vmem>> -> memref<1x128x80xf32, #tpu.memory_space<vmem>>
    %dma_wait3A_212 = tpu.memref_squeeze %dma_wait3A_211 : memref<1x128x80xf32, #tpu.memory_space<vmem>> -> memref<128x80xf32, #tpu.memory_space<vmem>>
    %dma_wait3A_213 = arith.constant 0 : i32
    %dma_wait3A_214 = tpu.memref_slice %arg7[%dma_wait3A_206, %dma_wait3A_207, %dma_wait3A_213] : memref<4x1x128xi32, #tpu.memory_space<vmem>> -> memref<1x1x128xi32, #tpu.memory_space<vmem>>
    %dma_wait3A_215 = tpu.memref_squeeze %dma_wait3A_214 : memref<1x1x128xi32, #tpu.memory_space<vmem>> -> memref<128xi32, #tpu.memory_space<vmem>>
    %dma_wait3A_216 = arith.constant 0 : i32
    %dma_wait3A_217 = arith.constant 0 : i32
    %dma_wait3A_218 = tpu.memref_slice %arg10[%dma_wait3A_216, %dma_wait3A_217] : memref<10240x80xf32, #tpu.memory_space<vmem_shared>> -> memref<10240x80xf32, #tpu.memory_space<vmem_shared>>
    tpu.wait_indirect_dma semaphore(%arg16 : memref<!tpu.dma_semaphore, #tpu.memory_space<semaphore_mem>>) src(%dma_wait3A_218 : memref<10240x80xf32, #tpu.memory_space<vmem_shared>>) dst(%dma_wait3A_212 : memref<128x80xf32, #tpu.memory_space<vmem>>)
    %dma_start3A_219 = arith.constant 0 : i32
    %dma_start3A_220 = arith.constant 0 : i32
    %dma_start3A_221 = arith.constant 0 : i32
    %dma_start3A_222 = arith.constant 0 : i32
    %dma_start3A_223 = arith.constant 0 : i32
    %dma_start3A_224 = tpu.memref_slice %arg9[%dma_start3A_219, %dma_start3A_222, %dma_start3A_223] : memref<2x128x80xf32, #tpu.memory_space<vmem>> -> memref<1x128x80xf32, #tpu.memory_space<vmem>>
    %dma_start3A_225 = tpu.memref_squeeze %dma_start3A_224 : memref<1x128x80xf32, #tpu.memory_space<vmem>> -> memref<128x80xf32, #tpu.memory_space<vmem>>
    %dma_start3A_226 = arith.constant 0 : i32
    %dma_start3A_227 = tpu.memref_slice %arg8[%dma_start3A_220, %dma_start3A_221, %dma_start3A_226] : memref<4x1x128xi32, #tpu.memory_space<vmem>> -> memref<1x1x128xi32, #tpu.memory_space<vmem>>
    %dma_start3A_228 = tpu.memref_squeeze %dma_start3A_227 : memref<1x1x128xi32, #tpu.memory_space<vmem>> -> memref<128xi32, #tpu.memory_space<vmem>>
    %dma_start3A_229 = arith.constant 0 : i32
    %dma_start3A_230 = arith.constant 0 : i32
    %dma_start3A_231 = tpu.memref_slice %arg11[%dma_start3A_229, %dma_start3A_230] : memref<10240x80xf32, #tpu.memory_space<vmem_shared>> -> memref<10240x80xf32, #tpu.memory_space<vmem_shared>>
    tpu.enqueue_indirect_dma source(%dma_start3A_225 : memref<128x80xf32, #tpu.memory_space<vmem>>) target(%dma_start3A_231 : memref<10240x80xf32, #tpu.memory_space<vmem_shared>>) offsets(%dma_start3A_228 : memref<128xi32, #tpu.memory_space<vmem>>) semaphore(%arg18 : memref<!tpu.dma_semaphore, #tpu.memory_space<semaphore_mem>>) {add = true}
    %dma_wait3A_232 = arith.constant 0 : i32
    %dma_wait3A_233 = arith.constant 0 : i32
    %dma_wait3A_234 = arith.constant 0 : i32
    %dma_wait3A_235 = arith.constant 0 : i32
    %dma_wait3A_236 = arith.constant 0 : i32
    %dma_wait3A_237 = tpu.memref_slice %arg9[%dma_wait3A_232, %dma_wait3A_235, %dma_wait3A_236] : memref<2x128x80xf32, #tpu.memory_space<vmem>> -> memref<1x128x80xf32, #tpu.memory_space<vmem>>
    %dma_wait3A_238 = tpu.memref_squeeze %dma_wait3A_237 : memref<1x128x80xf32, #tpu.memory_space<vmem>> -> memref<128x80xf32, #tpu.memory_space<vmem>>
    %dma_wait3A_239 = arith.constant 0 : i32
    %dma_wait3A_240 = tpu.memref_slice %arg8[%dma_wait3A_233, %dma_wait3A_234, %dma_wait3A_239] : memref<4x1x128xi32, #tpu.memory_space<vmem>> -> memref<1x1x128xi32, #tpu.memory_space<vmem>>
    %dma_wait3A_241 = tpu.memref_squeeze %dma_wait3A_240 : memref<1x1x128xi32, #tpu.memory_space<vmem>> -> memref<128xi32, #tpu.memory_space<vmem>>
    %dma_wait3A_242 = arith.constant 0 : i32
    %dma_wait3A_243 = arith.constant 0 : i32
    %dma_wait3A_244 = tpu.memref_slice %arg11[%dma_wait3A_242, %dma_wait3A_243] : memref<10240x80xf32, #tpu.memory_space<vmem_shared>> -> memref<10240x80xf32, #tpu.memory_space<vmem_shared>>
    tpu.wait_indirect_dma semaphore(%arg18 : memref<!tpu.dma_semaphore, #tpu.memory_space<semaphore_mem>>) src(%dma_wait3A_238 : memref<128x80xf32, #tpu.memory_space<vmem>>) dst(%dma_wait3A_244 : memref<10240x80xf32, #tpu.memory_space<vmem_shared>>)
    %add3A_245 = arith.constant 2 : i32
    %add3A_246 = arith.addi %mul3A_0, %add3A_245 : i32
    %dma_wait3A_247 = arith.constant 2 : i32
    %dma_wait3A_248 = arith.constant 0 : i32
    %dma_wait3A_249 = arith.constant 0 : i32
    %dma_wait3A_250 = tpu.memref_slice %arg7[%dma_wait3A_247, %dma_wait3A_248, %dma_wait3A_249] : memref<4x1x128xi32, #tpu.memory_space<vmem>> -> memref<1x1x128xi32, #tpu.memory_space<vmem>>
    %dma_wait3A_251 = tpu.memref_squeeze %dma_wait3A_250 : memref<1x1x128xi32, #tpu.memory_space<vmem>> -> memref<1x128xi32, #tpu.memory_space<vmem>>
    %dma_wait3A_252 = arith.constant 0 : i32
    %dma_wait3A_253 = tpu.memref_slice %arg3[%add3A_246, %dma_wait3A_252] : memref<2560x128xi32, #tpu.memory_space<hbm>> -> memref<1x128xi32, #tpu.memory_space<hbm>>
    %dma_wait3A_254 = arith.constant 0 : i32
    %dma_wait3A_255 = arith.constant 0 : i32
    %dma_wait3A_256 = tpu.memref_slice %arg7[%dma_wait3A_247, %dma_wait3A_254, %dma_wait3A_255] : memref<4x1x128xi32, #tpu.memory_space<vmem>> -> memref<1x1x128xi32, #tpu.memory_space<vmem>>
    %dma_wait3A_257 = tpu.memref_squeeze %dma_wait3A_256 : memref<1x1x128xi32, #tpu.memory_space<vmem>> -> memref<1x128xi32, #tpu.memory_space<vmem>>
    %dma_wait3A_258 = arith.constant 0 : i32
    %dma_wait3A_259 = tpu.memref_slice %arg3[%add3A_246, %dma_wait3A_258] : memref<2560x128xi32, #tpu.memory_space<hbm>> -> memref<1x128xi32, #tpu.memory_space<hbm>>
    tpu.wait_dma2 semaphore(%arg14 : memref<!tpu.dma_semaphore, #tpu.memory_space<semaphore_mem>>) src(%dma_wait3A_259 : memref<1x128xi32, #tpu.memory_space<hbm>>) dst(%dma_wait3A_257 : memref<1x128xi32, #tpu.memory_space<vmem>>)
    %add3A_260 = arith.constant 2 : i32
    %add3A_261 = arith.addi %mul3A_0, %add3A_260 : i32
    %dma_wait3A_262 = arith.constant 2 : i32
    %dma_wait3A_263 = arith.constant 0 : i32
    %dma_wait3A_264 = arith.constant 0 : i32
    %dma_wait3A_265 = tpu.memref_slice %arg8[%dma_wait3A_262, %dma_wait3A_263, %dma_wait3A_264] : memref<4x1x128xi32, #tpu.memory_space<vmem>> -> memref<1x1x128xi32, #tpu.memory_space<vmem>>
    %dma_wait3A_266 = tpu.memref_squeeze %dma_wait3A_265 : memref<1x1x128xi32, #tpu.memory_space<vmem>> -> memref<1x128xi32, #tpu.memory_space<vmem>>
    %dma_wait3A_267 = arith.constant 0 : i32
    %dma_wait3A_268 = tpu.memref_slice %arg4[%add3A_261, %dma_wait3A_267] : memref<2560x128xi32, #tpu.memory_space<hbm>> -> memref<1x128xi32, #tpu.memory_space<hbm>>
    %dma_wait3A_269 = arith.constant 0 : i32
    %dma_wait3A_270 = arith.constant 0 : i32
    %dma_wait3A_271 = tpu.memref_slice %arg8[%dma_wait3A_262, %dma_wait3A_269, %dma_wait3A_270] : memref<4x1x128xi32, #tpu.memory_space<vmem>> -> memref<1x1x128xi32, #tpu.memory_space<vmem>>
    %dma_wait3A_272 = tpu.memref_squeeze %dma_wait3A_271 : memref<1x1x128xi32, #tpu.memory_space<vmem>> -> memref<1x128xi32, #tpu.memory_space<vmem>>
    %dma_wait3A_273 = arith.constant 0 : i32
    %dma_wait3A_274 = tpu.memref_slice %arg4[%add3A_261, %dma_wait3A_273] : memref<2560x128xi32, #tpu.memory_space<hbm>> -> memref<1x128xi32, #tpu.memory_space<hbm>>
    tpu.wait_dma2 semaphore(%arg14 : memref<!tpu.dma_semaphore, #tpu.memory_space<semaphore_mem>>) src(%dma_wait3A_274 : memref<1x128xi32, #tpu.memory_space<hbm>>) dst(%dma_wait3A_272 : memref<1x128xi32, #tpu.memory_space<vmem>>)
    %dma_start3A_275 = arith.constant 2 : i32
    %dma_start3A_276 = arith.constant 0 : i32
    %dma_start3A_277 = arith.constant 0 : i32
    %dma_start3A_278 = arith.constant 0 : i32
    %dma_start3A_279 = arith.constant 0 : i32
    %dma_start3A_280 = tpu.memref_slice %arg9[%dma_start3A_277, %dma_start3A_278, %dma_start3A_279] : memref<2x128x80xf32, #tpu.memory_space<vmem>> -> memref<1x128x80xf32, #tpu.memory_space<vmem>>
    %dma_start3A_281 = tpu.memref_squeeze %dma_start3A_280 : memref<1x128x80xf32, #tpu.memory_space<vmem>> -> memref<128x80xf32, #tpu.memory_space<vmem>>
    %dma_start3A_282 = arith.constant 0 : i32
    %dma_start3A_283 = tpu.memref_slice %arg7[%dma_start3A_275, %dma_start3A_276, %dma_start3A_282] : memref<4x1x128xi32, #tpu.memory_space<vmem>> -> memref<1x1x128xi32, #tpu.memory_space<vmem>>
    %dma_start3A_284 = tpu.memref_squeeze %dma_start3A_283 : memref<1x1x128xi32, #tpu.memory_space<vmem>> -> memref<128xi32, #tpu.memory_space<vmem>>
    %dma_start3A_285 = arith.constant 0 : i32
    %dma_start3A_286 = arith.constant 0 : i32
    %dma_start3A_287 = tpu.memref_slice %arg10[%dma_start3A_285, %dma_start3A_286] : memref<10240x80xf32, #tpu.memory_space<vmem_shared>> -> memref<10240x80xf32, #tpu.memory_space<vmem_shared>>
    tpu.enqueue_indirect_dma source(%dma_start3A_287 : memref<10240x80xf32, #tpu.memory_space<vmem_shared>>) target(%dma_start3A_281 : memref<128x80xf32, #tpu.memory_space<vmem>>) offsets(%dma_start3A_284 : memref<128xi32, #tpu.memory_space<vmem>>) semaphore(%arg16 : memref<!tpu.dma_semaphore, #tpu.memory_space<semaphore_mem>>)
    %add3A_288 = arith.constant 4 : i32
    %add3A_289 = arith.addi %mul3A_0, %add3A_288 : i32
    %dma_start3A_290 = arith.constant 0 : i32
    %dma_start3A_291 = arith.constant 0 : i32
    %dma_start3A_292 = arith.constant 0 : i32
    %dma_start3A_293 = tpu.memref_slice %arg7[%dma_start3A_290, %dma_start3A_291, %dma_start3A_292] : memref<4x1x128xi32, #tpu.memory_space<vmem>> -> memref<1x1x128xi32, #tpu.memory_space<vmem>>
    %dma_start3A_294 = tpu.memref_squeeze %dma_start3A_293 : memref<1x1x128xi32, #tpu.memory_space<vmem>> -> memref<1x128xi32, #tpu.memory_space<vmem>>
    %dma_start3A_295 = arith.constant 0 : i32
    %dma_start3A_296 = tpu.memref_slice %arg3[%add3A_289, %dma_start3A_295] : memref<2560x128xi32, #tpu.memory_space<hbm>> -> memref<1x128xi32, #tpu.memory_space<hbm>>
    %dma_start3A_297 = arith.constant 0 : i32
    %dma_start3A_298 = arith.constant 0 : i32
    %dma_start3A_299 = tpu.memref_slice %arg7[%dma_start3A_290, %dma_start3A_297, %dma_start3A_298] : memref<4x1x128xi32, #tpu.memory_space<vmem>> -> memref<1x1x128xi32, #tpu.memory_space<vmem>>
    %dma_start3A_300 = tpu.memref_squeeze %dma_start3A_299 : memref<1x1x128xi32, #tpu.memory_space<vmem>> -> memref<1x128xi32, #tpu.memory_space<vmem>>
    %dma_start3A_301 = arith.constant 0 : i32
    %dma_start3A_302 = tpu.memref_slice %arg3[%add3A_289, %dma_start3A_301] : memref<2560x128xi32, #tpu.memory_space<hbm>> -> memref<1x128xi32, #tpu.memory_space<hbm>>
    tpu.enqueue_dma source(%dma_start3A_302 : memref<1x128xi32, #tpu.memory_space<hbm>>) target(%dma_start3A_300 : memref<1x128xi32, #tpu.memory_space<vmem>>) target_semaphore(%arg12 : memref<!tpu.dma_semaphore, #tpu.memory_space<semaphore_mem>>)
    %add3A_303 = arith.constant 4 : i32
    %add3A_304 = arith.addi %mul3A_0, %add3A_303 : i32
    %dma_start3A_305 = arith.constant 0 : i32
    %dma_start3A_306 = arith.constant 0 : i32
    %dma_start3A_307 = arith.constant 0 : i32
    %dma_start3A_308 = tpu.memref_slice %arg8[%dma_start3A_305, %dma_start3A_306, %dma_start3A_307] : memref<4x1x128xi32, #tpu.memory_space<vmem>> -> memref<1x1x128xi32, #tpu.memory_space<vmem>>
    %dma_start3A_309 = tpu.memref_squeeze %dma_start3A_308 : memref<1x1x128xi32, #tpu.memory_space<vmem>> -> memref<1x128xi32, #tpu.memory_space<vmem>>
    %dma_start3A_310 = arith.constant 0 : i32
    %dma_start3A_311 = tpu.memref_slice %arg4[%add3A_304, %dma_start3A_310] : memref<2560x128xi32, #tpu.memory_space<hbm>> -> memref<1x128xi32, #tpu.memory_space<hbm>>
    %dma_start3A_312 = arith.constant 0 : i32
    %dma_start3A_313 = arith.constant 0 : i32
    %dma_start3A_314 = tpu.memref_slice %arg8[%dma_start3A_305, %dma_start3A_312, %dma_start3A_313] : memref<4x1x128xi32, #tpu.memory_space<vmem>> -> memref<1x1x128xi32, #tpu.memory_space<vmem>>
    %dma_start3A_315 = tpu.memref_squeeze %dma_start3A_314 : memref<1x1x128xi32, #tpu.memory_space<vmem>> -> memref<1x128xi32, #tpu.memory_space<vmem>>
    %dma_start3A_316 = arith.constant 0 : i32
    %dma_start3A_317 = tpu.memref_slice %arg4[%add3A_304, %dma_start3A_316] : memref<2560x128xi32, #tpu.memory_space<hbm>> -> memref<1x128xi32, #tpu.memory_space<hbm>>
    tpu.enqueue_dma source(%dma_start3A_317 : memref<1x128xi32, #tpu.memory_space<hbm>>) target(%dma_start3A_315 : memref<1x128xi32, #tpu.memory_space<vmem>>) target_semaphore(%arg12 : memref<!tpu.dma_semaphore, #tpu.memory_space<semaphore_mem>>)
    %dma_wait3A_318 = arith.constant 1 : i32
    %dma_wait3A_319 = arith.constant 0 : i32
    %dma_wait3A_320 = arith.constant 1 : i32
    %dma_wait3A_321 = arith.constant 0 : i32
    %dma_wait3A_322 = arith.constant 0 : i32
    %dma_wait3A_323 = tpu.memref_slice %arg9[%dma_wait3A_320, %dma_wait3A_321, %dma_wait3A_322] : memref<2x128x80xf32, #tpu.memory_space<vmem>> -> memref<1x128x80xf32, #tpu.memory_space<vmem>>
    %dma_wait3A_324 = tpu.memref_squeeze %dma_wait3A_323 : memref<1x128x80xf32, #tpu.memory_space<vmem>> -> memref<128x80xf32, #tpu.memory_space<vmem>>
    %dma_wait3A_325 = arith.constant 0 : i32
    %dma_wait3A_326 = tpu.memref_slice %arg7[%dma_wait3A_318, %dma_wait3A_319, %dma_wait3A_325] : memref<4x1x128xi32, #tpu.memory_space<vmem>> -> memref<1x1x128xi32, #tpu.memory_space<vmem>>
    %dma_wait3A_327 = tpu.memref_squeeze %dma_wait3A_326 : memref<1x1x128xi32, #tpu.memory_space<vmem>> -> memref<128xi32, #tpu.memory_space<vmem>>
    %dma_wait3A_328 = arith.constant 0 : i32
    %dma_wait3A_329 = arith.constant 0 : i32
    %dma_wait3A_330 = tpu.memref_slice %arg10[%dma_wait3A_328, %dma_wait3A_329] : memref<10240x80xf32, #tpu.memory_space<vmem_shared>> -> memref<10240x80xf32, #tpu.memory_space<vmem_shared>>
    tpu.wait_indirect_dma semaphore(%arg17 : memref<!tpu.dma_semaphore, #tpu.memory_space<semaphore_mem>>) src(%dma_wait3A_330 : memref<10240x80xf32, #tpu.memory_space<vmem_shared>>) dst(%dma_wait3A_324 : memref<128x80xf32, #tpu.memory_space<vmem>>)
    %dma_start3A_331 = arith.constant 1 : i32
    %dma_start3A_332 = arith.constant 1 : i32
    %dma_start3A_333 = arith.constant 0 : i32
    %dma_start3A_334 = arith.constant 0 : i32
    %dma_start3A_335 = arith.constant 0 : i32
    %dma_start3A_336 = tpu.memref_slice %arg9[%dma_start3A_331, %dma_start3A_334, %dma_start3A_335] : memref<2x128x80xf32, #tpu.memory_space<vmem>> -> memref<1x128x80xf32, #tpu.memory_space<vmem>>
    %dma_start3A_337 = tpu.memref_squeeze %dma_start3A_336 : memref<1x128x80xf32, #tpu.memory_space<vmem>> -> memref<128x80xf32, #tpu.memory_space<vmem>>
    %dma_start3A_338 = arith.constant 0 : i32
    %dma_start3A_339 = tpu.memref_slice %arg8[%dma_start3A_332, %dma_start3A_333, %dma_start3A_338] : memref<4x1x128xi32, #tpu.memory_space<vmem>> -> memref<1x1x128xi32, #tpu.memory_space<vmem>>
    %dma_start3A_340 = tpu.memref_squeeze %dma_start3A_339 : memref<1x1x128xi32, #tpu.memory_space<vmem>> -> memref<128xi32, #tpu.memory_space<vmem>>
    %dma_start3A_341 = arith.constant 0 : i32
    %dma_start3A_342 = arith.constant 0 : i32
    %dma_start3A_343 = tpu.memref_slice %arg11[%dma_start3A_341, %dma_start3A_342] : memref<10240x80xf32, #tpu.memory_space<vmem_shared>> -> memref<10240x80xf32, #tpu.memory_space<vmem_shared>>
    tpu.enqueue_indirect_dma source(%dma_start3A_337 : memref<128x80xf32, #tpu.memory_space<vmem>>) target(%dma_start3A_343 : memref<10240x80xf32, #tpu.memory_space<vmem_shared>>) offsets(%dma_start3A_340 : memref<128xi32, #tpu.memory_space<vmem>>) semaphore(%arg19 : memref<!tpu.dma_semaphore, #tpu.memory_space<semaphore_mem>>) {add = true}
    %dma_wait3A_344 = arith.constant 1 : i32
    %dma_wait3A_345 = arith.constant 1 : i32
    %dma_wait3A_346 = arith.constant 0 : i32
    %dma_wait3A_347 = arith.constant 0 : i32
    %dma_wait3A_348 = arith.constant 0 : i32
    %dma_wait3A_349 = tpu.memref_slice %arg9[%dma_wait3A_344, %dma_wait3A_347, %dma_wait3A_348] : memref<2x128x80xf32, #tpu.memory_space<vmem>> -> memref<1x128x80xf32, #tpu.memory_space<vmem>>
    %dma_wait3A_350 = tpu.memref_squeeze %dma_wait3A_349 : memref<1x128x80xf32, #tpu.memory_space<vmem>> -> memref<128x80xf32, #tpu.memory_space<vmem>>
    %dma_wait3A_351 = arith.constant 0 : i32
    %dma_wait3A_352 = tpu.memref_slice %arg8[%dma_wait3A_345, %dma_wait3A_346, %dma_wait3A_351] : memref<4x1x128xi32, #tpu.memory_space<vmem>> -> memref<1x1x128xi32, #tpu.memory_space<vmem>>
    %dma_wait3A_353 = tpu.memref_squeeze %dma_wait3A_352 : memref<1x1x128xi32, #tpu.memory_space<vmem>> -> memref<128xi32, #tpu.memory_space<vmem>>
    %dma_wait3A_354 = arith.constant 0 : i32
    %dma_wait3A_355 = arith.constant 0 : i32
    %dma_wait3A_356 = tpu.memref_slice %arg11[%dma_wait3A_354, %dma_wait3A_355] : memref<10240x80xf32, #tpu.memory_space<vmem_shared>> -> memref<10240x80xf32, #tpu.memory_space<vmem_shared>>
    tpu.wait_indirect_dma semaphore(%arg19 : memref<!tpu.dma_semaphore, #tpu.memory_space<semaphore_mem>>) src(%dma_wait3A_350 : memref<128x80xf32, #tpu.memory_space<vmem>>) dst(%dma_wait3A_356 : memref<10240x80xf32, #tpu.memory_space<vmem_shared>>)
    %add3A_357 = arith.constant 3 : i32
    %add3A_358 = arith.addi %mul3A_0, %add3A_357 : i32
    %dma_wait3A_359 = arith.constant 3 : i32
    %dma_wait3A_360 = arith.constant 0 : i32
    %dma_wait3A_361 = arith.constant 0 : i32
    %dma_wait3A_362 = tpu.memref_slice %arg7[%dma_wait3A_359, %dma_wait3A_360, %dma_wait3A_361] : memref<4x1x128xi32, #tpu.memory_space<vmem>> -> memref<1x1x128xi32, #tpu.memory_space<vmem>>
    %dma_wait3A_363 = tpu.memref_squeeze %dma_wait3A_362 : memref<1x1x128xi32, #tpu.memory_space<vmem>> -> memref<1x128xi32, #tpu.memory_space<vmem>>
    %dma_wait3A_364 = arith.constant 0 : i32
    %dma_wait3A_365 = tpu.memref_slice %arg3[%add3A_358, %dma_wait3A_364] : memref<2560x128xi32, #tpu.memory_space<hbm>> -> memref<1x128xi32, #tpu.memory_space<hbm>>
    %dma_wait3A_366 = arith.constant 0 : i32
    %dma_wait3A_367 = arith.constant 0 : i32
    %dma_wait3A_368 = tpu.memref_slice %arg7[%dma_wait3A_359, %dma_wait3A_366, %dma_wait3A_367] : memref<4x1x128xi32, #tpu.memory_space<vmem>> -> memref<1x1x128xi32, #tpu.memory_space<vmem>>
    %dma_wait3A_369 = tpu.memref_squeeze %dma_wait3A_368 : memref<1x1x128xi32, #tpu.memory_space<vmem>> -> memref<1x128xi32, #tpu.memory_space<vmem>>
    %dma_wait3A_370 = arith.constant 0 : i32
    %dma_wait3A_371 = tpu.memref_slice %arg3[%add3A_358, %dma_wait3A_370] : memref<2560x128xi32, #tpu.memory_space<hbm>> -> memref<1x128xi32, #tpu.memory_space<hbm>>
    tpu.wait_dma2 semaphore(%arg15 : memref<!tpu.dma_semaphore, #tpu.memory_space<semaphore_mem>>) src(%dma_wait3A_371 : memref<1x128xi32, #tpu.memory_space<hbm>>) dst(%dma_wait3A_369 : memref<1x128xi32, #tpu.memory_space<vmem>>)
    %add3A_372 = arith.constant 3 : i32
    %add3A_373 = arith.addi %mul3A_0, %add3A_372 : i32
    %dma_wait3A_374 = arith.constant 3 : i32
    %dma_wait3A_375 = arith.constant 0 : i32
    %dma_wait3A_376 = arith.constant 0 : i32
    %dma_wait3A_377 = tpu.memref_slice %arg8[%dma_wait3A_374, %dma_wait3A_375, %dma_wait3A_376] : memref<4x1x128xi32, #tpu.memory_space<vmem>> -> memref<1x1x128xi32, #tpu.memory_space<vmem>>
    %dma_wait3A_378 = tpu.memref_squeeze %dma_wait3A_377 : memref<1x1x128xi32, #tpu.memory_space<vmem>> -> memref<1x128xi32, #tpu.memory_space<vmem>>
    %dma_wait3A_379 = arith.constant 0 : i32
    %dma_wait3A_380 = tpu.memref_slice %arg4[%add3A_373, %dma_wait3A_379] : memref<2560x128xi32, #tpu.memory_space<hbm>> -> memref<1x128xi32, #tpu.memory_space<hbm>>
    %dma_wait3A_381 = arith.constant 0 : i32
    %dma_wait3A_382 = arith.constant 0 : i32
    %dma_wait3A_383 = tpu.memref_slice %arg8[%dma_wait3A_374, %dma_wait3A_381, %dma_wait3A_382] : memref<4x1x128xi32, #tpu.memory_space<vmem>> -> memref<1x1x128xi32, #tpu.memory_space<vmem>>
    %dma_wait3A_384 = tpu.memref_squeeze %dma_wait3A_383 : memref<1x1x128xi32, #tpu.memory_space<vmem>> -> memref<1x128xi32, #tpu.memory_space<vmem>>
    %dma_wait3A_385 = arith.constant 0 : i32
    %dma_wait3A_386 = tpu.memref_slice %arg4[%add3A_373, %dma_wait3A_385] : memref<2560x128xi32, #tpu.memory_space<hbm>> -> memref<1x128xi32, #tpu.memory_space<hbm>>
    tpu.wait_dma2 semaphore(%arg15 : memref<!tpu.dma_semaphore, #tpu.memory_space<semaphore_mem>>) src(%dma_wait3A_386 : memref<1x128xi32, #tpu.memory_space<hbm>>) dst(%dma_wait3A_384 : memref<1x128xi32, #tpu.memory_space<vmem>>)
    %dma_start3A_387 = arith.constant 3 : i32
    %dma_start3A_388 = arith.constant 0 : i32
    %dma_start3A_389 = arith.constant 1 : i32
    %dma_start3A_390 = arith.constant 0 : i32
    %dma_start3A_391 = arith.constant 0 : i32
    %dma_start3A_392 = tpu.memref_slice %arg9[%dma_start3A_389, %dma_start3A_390, %dma_start3A_391] : memref<2x128x80xf32, #tpu.memory_space<vmem>> -> memref<1x128x80xf32, #tpu.memory_space<vmem>>
    %dma_start3A_393 = tpu.memref_squeeze %dma_start3A_392 : memref<1x128x80xf32, #tpu.memory_space<vmem>> -> memref<128x80xf32, #tpu.memory_space<vmem>>
    %dma_start3A_394 = arith.constant 0 : i32
    %dma_start3A_395 = tpu.memref_slice %arg7[%dma_start3A_387, %dma_start3A_388, %dma_start3A_394] : memref<4x1x128xi32, #tpu.memory_space<vmem>> -> memref<1x1x128xi32, #tpu.memory_space<vmem>>
    %dma_start3A_396 = tpu.memref_squeeze %dma_start3A_395 : memref<1x1x128xi32, #tpu.memory_space<vmem>> -> memref<128xi32, #tpu.memory_space<vmem>>
    %dma_start3A_397 = arith.constant 0 : i32
    %dma_start3A_398 = arith.constant 0 : i32
    %dma_start3A_399 = tpu.memref_slice %arg10[%dma_start3A_397, %dma_start3A_398] : memref<10240x80xf32, #tpu.memory_space<vmem_shared>> -> memref<10240x80xf32, #tpu.memory_space<vmem_shared>>
    tpu.enqueue_indirect_dma source(%dma_start3A_399 : memref<10240x80xf32, #tpu.memory_space<vmem_shared>>) target(%dma_start3A_393 : memref<128x80xf32, #tpu.memory_space<vmem>>) offsets(%dma_start3A_396 : memref<128xi32, #tpu.memory_space<vmem>>) semaphore(%arg17 : memref<!tpu.dma_semaphore, #tpu.memory_space<semaphore_mem>>)
    %add3A_400 = arith.constant 5 : i32
    %add3A_401 = arith.addi %mul3A_0, %add3A_400 : i32
    %dma_start3A_402 = arith.constant 1 : i32
    %dma_start3A_403 = arith.constant 0 : i32
    %dma_start3A_404 = arith.constant 0 : i32
    %dma_start3A_405 = tpu.memref_slice %arg7[%dma_start3A_402, %dma_start3A_403, %dma_start3A_404] : memref<4x1x128xi32, #tpu.memory_space<vmem>> -> memref<1x1x128xi32, #tpu.memory_space<vmem>>
    %dma_start3A_406 = tpu.memref_squeeze %dma_start3A_405 : memref<1x1x128xi32, #tpu.memory_space<vmem>> -> memref<1x128xi32, #tpu.memory_space<vmem>>
    %dma_start3A_407 = arith.constant 0 : i32
    %dma_start3A_408 = tpu.memref_slice %arg3[%add3A_401, %dma_start3A_407] : memref<2560x128xi32, #tpu.memory_space<hbm>> -> memref<1x128xi32, #tpu.memory_space<hbm>>
    %dma_start3A_409 = arith.constant 0 : i32
    %dma_start3A_410 = arith.constant 0 : i32
    %dma_start3A_411 = tpu.memref_slice %arg7[%dma_start3A_402, %dma_start3A_409, %dma_start3A_410] : memref<4x1x128xi32, #tpu.memory_space<vmem>> -> memref<1x1x128xi32, #tpu.memory_space<vmem>>
    %dma_start3A_412 = tpu.memref_squeeze %dma_start3A_411 : memref<1x1x128xi32, #tpu.memory_space<vmem>> -> memref<1x128xi32, #tpu.memory_space<vmem>>
    %dma_start3A_413 = arith.constant 0 : i32
    %dma_start3A_414 = tpu.memref_slice %arg3[%add3A_401, %dma_start3A_413] : memref<2560x128xi32, #tpu.memory_space<hbm>> -> memref<1x128xi32, #tpu.memory_space<hbm>>
    tpu.enqueue_dma source(%dma_start3A_414 : memref<1x128xi32, #tpu.memory_space<hbm>>) target(%dma_start3A_412 : memref<1x128xi32, #tpu.memory_space<vmem>>) target_semaphore(%arg13 : memref<!tpu.dma_semaphore, #tpu.memory_space<semaphore_mem>>)
    %add3A_415 = arith.constant 5 : i32
    %add3A_416 = arith.addi %mul3A_0, %add3A_415 : i32
    %dma_start3A_417 = arith.constant 1 : i32
    %dma_start3A_418 = arith.constant 0 : i32
    %dma_start3A_419 = arith.constant 0 : i32
    %dma_start3A_420 = tpu.memref_slice %arg8[%dma_start3A_417, %dma_start3A_418, %dma_start3A_419] : memref<4x1x128xi32, #tpu.memory_space<vmem>> -> memref<1x1x128xi32, #tpu.memory_space<vmem>>
    %dma_start3A_421 = tpu.memref_squeeze %dma_start3A_420 : memref<1x1x128xi32, #tpu.memory_space<vmem>> -> memref<1x128xi32, #tpu.memory_space<vmem>>
    %dma_start3A_422 = arith.constant 0 : i32
    %dma_start3A_423 = tpu.memref_slice %arg4[%add3A_416, %dma_start3A_422] : memref<2560x128xi32, #tpu.memory_space<hbm>> -> memref<1x128xi32, #tpu.memory_space<hbm>>
    %dma_start3A_424 = arith.constant 0 : i32
    %dma_start3A_425 = arith.constant 0 : i32
    %dma_start3A_426 = tpu.memref_slice %arg8[%dma_start3A_417, %dma_start3A_424, %dma_start3A_425] : memref<4x1x128xi32, #tpu.memory_space<vmem>> -> memref<1x1x128xi32, #tpu.memory_space<vmem>>
    %dma_start3A_427 = tpu.memref_squeeze %dma_start3A_426 : memref<1x1x128xi32, #tpu.memory_space<vmem>> -> memref<1x128xi32, #tpu.memory_space<vmem>>
    %dma_start3A_428 = arith.constant 0 : i32
    %dma_start3A_429 = tpu.memref_slice %arg4[%add3A_416, %dma_start3A_428] : memref<2560x128xi32, #tpu.memory_space<hbm>> -> memref<1x128xi32, #tpu.memory_space<hbm>>
    tpu.enqueue_dma source(%dma_start3A_429 : memref<1x128xi32, #tpu.memory_space<hbm>>) target(%dma_start3A_427 : memref<1x128xi32, #tpu.memory_space<vmem>>) target_semaphore(%arg13 : memref<!tpu.dma_semaphore, #tpu.memory_space<semaphore_mem>>)
    %dma_wait3A_430 = arith.constant 2 : i32
    %dma_wait3A_431 = arith.constant 0 : i32
    %dma_wait3A_432 = arith.constant 0 : i32
    %dma_wait3A_433 = arith.constant 0 : i32
    %dma_wait3A_434 = arith.constant 0 : i32
    %dma_wait3A_435 = tpu.memref_slice %arg9[%dma_wait3A_432, %dma_wait3A_433, %dma_wait3A_434] : memref<2x128x80xf32, #tpu.memory_space<vmem>> -> memref<1x128x80xf32, #tpu.memory_space<vmem>>
    %dma_wait3A_436 = tpu.memref_squeeze %dma_wait3A_435 : memref<1x128x80xf32, #tpu.memory_space<vmem>> -> memref<128x80xf32, #tpu.memory_space<vmem>>
    %dma_wait3A_437 = arith.constant 0 : i32
    %dma_wait3A_438 = tpu.memref_slice %arg7[%dma_wait3A_430, %dma_wait3A_431, %dma_wait3A_437] : memref<4x1x128xi32, #tpu.memory_space<vmem>> -> memref<1x1x128xi32, #tpu.memory_space<vmem>>
    %dma_wait3A_439 = tpu.memref_squeeze %dma_wait3A_438 : memref<1x1x128xi32, #tpu.memory_space<vmem>> -> memref<128xi32, #tpu.memory_space<vmem>>
    %dma_wait3A_440 = arith.constant 0 : i32
    %dma_wait3A_441 = arith.constant 0 : i32
    %dma_wait3A_442 = tpu.memref_slice %arg10[%dma_wait3A_440, %dma_wait3A_441] : memref<10240x80xf32, #tpu.memory_space<vmem_shared>> -> memref<10240x80xf32, #tpu.memory_space<vmem_shared>>
    tpu.wait_indirect_dma semaphore(%arg16 : memref<!tpu.dma_semaphore, #tpu.memory_space<semaphore_mem>>) src(%dma_wait3A_442 : memref<10240x80xf32, #tpu.memory_space<vmem_shared>>) dst(%dma_wait3A_436 : memref<128x80xf32, #tpu.memory_space<vmem>>)
    %dma_start3A_443 = arith.constant 0 : i32
    %dma_start3A_444 = arith.constant 2 : i32
    %dma_start3A_445 = arith.constant 0 : i32
    %dma_start3A_446 = arith.constant 0 : i32
    %dma_start3A_447 = arith.constant 0 : i32
    %dma_start3A_448 = tpu.memref_slice %arg9[%dma_start3A_443, %dma_start3A_446, %dma_start3A_447] : memref<2x128x80xf32, #tpu.memory_space<vmem>> -> memref<1x128x80xf32, #tpu.memory_space<vmem>>
    %dma_start3A_449 = tpu.memref_squeeze %dma_start3A_448 : memref<1x128x80xf32, #tpu.memory_space<vmem>> -> memref<128x80xf32, #tpu.memory_space<vmem>>
    %dma_start3A_450 = arith.constant 0 : i32
    %dma_start3A_451 = tpu.memref_slice %arg8[%dma_start3A_444, %dma_start3A_445, %dma_start3A_450] : memref<4x1x128xi32, #tpu.memory_space<vmem>> -> memref<1x1x128xi32, #tpu.memory_space<vmem>>
    %dma_start3A_452 = tpu.memref_squeeze %dma_start3A_451 : memref<1x1x128xi32, #tpu.memory_space<vmem>> -> memref<128xi32, #tpu.memory_space<vmem>>
    %dma_start3A_453 = arith.constant 0 : i32
    %dma_start3A_454 = arith.constant 0 : i32
    %dma_start3A_455 = tpu.memref_slice %arg11[%dma_start3A_453, %dma_start3A_454] : memref<10240x80xf32, #tpu.memory_space<vmem_shared>> -> memref<10240x80xf32, #tpu.memory_space<vmem_shared>>
    tpu.enqueue_indirect_dma source(%dma_start3A_449 : memref<128x80xf32, #tpu.memory_space<vmem>>) target(%dma_start3A_455 : memref<10240x80xf32, #tpu.memory_space<vmem_shared>>) offsets(%dma_start3A_452 : memref<128xi32, #tpu.memory_space<vmem>>) semaphore(%arg18 : memref<!tpu.dma_semaphore, #tpu.memory_space<semaphore_mem>>) {add = true}
    %scan3A = arith.constant 0 : i32
    %scan3A_456 = arith.constant 0 : i32
    %scan3A_457 = arith.constant 39 : i32
    %scan3A_458 = arith.addi %scan3A_456, %scan3A_457 : i32
    %scan3A_459 = arith.constant 1 : i32
    scf.for %scan3A_514 = %scan3A_456 to %scan3A_458 step %scan3A_459  : i32 {
      %mul3A_515 = arith.constant 4 : i32
      %mul3A_516 = arith.muli %scan3A_514, %mul3A_515 : i32
      %add3A_517 = arith.constant 4 : i32
      %add3A_518 = arith.addi %add3A_517, %mul3A_516 : i32
      %add3A_519 = arith.constant 0 : i32
      %add3A_520 = arith.addi %add3A_518, %add3A_519 : i32
      %dma_wait3A_521 = arith.constant 0 : i32
      %dma_wait3A_522 = arith.constant 2 : i32
      %dma_wait3A_523 = arith.constant 0 : i32
      %dma_wait3A_524 = arith.constant 0 : i32
      %dma_wait3A_525 = arith.constant 0 : i32
      %dma_wait3A_526 = tpu.memref_slice %arg9[%dma_wait3A_521, %dma_wait3A_524, %dma_wait3A_525] : memref<2x128x80xf32, #tpu.memory_space<vmem>> -> memref<1x128x80xf32, #tpu.memory_space<vmem>>
      %dma_wait3A_527 = tpu.memref_squeeze %dma_wait3A_526 : memref<1x128x80xf32, #tpu.memory_space<vmem>> -> memref<128x80xf32, #tpu.memory_space<vmem>>
      %dma_wait3A_528 = arith.constant 0 : i32
      %dma_wait3A_529 = tpu.memref_slice %arg8[%dma_wait3A_522, %dma_wait3A_523, %dma_wait3A_528] : memref<4x1x128xi32, #tpu.memory_space<vmem>> -> memref<1x1x128xi32, #tpu.memory_space<vmem>>
      %dma_wait3A_530 = tpu.memref_squeeze %dma_wait3A_529 : memref<1x1x128xi32, #tpu.memory_space<vmem>> -> memref<128xi32, #tpu.memory_space<vmem>>
      %dma_wait3A_531 = arith.constant 0 : i32
      %dma_wait3A_532 = arith.constant 0 : i32
      %dma_wait3A_533 = tpu.memref_slice %arg11[%dma_wait3A_531, %dma_wait3A_532] : memref<10240x80xf32, #tpu.memory_space<vmem_shared>> -> memref<10240x80xf32, #tpu.memory_space<vmem_shared>>
      tpu.wait_indirect_dma semaphore(%arg18 : memref<!tpu.dma_semaphore, #tpu.memory_space<semaphore_mem>>) src(%dma_wait3A_527 : memref<128x80xf32, #tpu.memory_space<vmem>>) dst(%dma_wait3A_533 : memref<10240x80xf32, #tpu.memory_space<vmem_shared>>)
      %add3A_534 = arith.addi %mul3A_0, %add3A_520 : i32
      %dma_wait3A_535 = arith.constant 0 : i32
      %dma_wait3A_536 = arith.constant 0 : i32
      %dma_wait3A_537 = arith.constant 0 : i32
      %dma_wait3A_538 = tpu.memref_slice %arg7[%dma_wait3A_535, %dma_wait3A_536, %dma_wait3A_537] : memref<4x1x128xi32, #tpu.memory_space<vmem>> -> memref<1x1x128xi32, #tpu.memory_space<vmem>>
      %dma_wait3A_539 = tpu.memref_squeeze %dma_wait3A_538 : memref<1x1x128xi32, #tpu.memory_space<vmem>> -> memref<1x128xi32, #tpu.memory_space<vmem>>
      %dma_wait3A_540 = arith.constant 0 : i32
      %dma_wait3A_541 = tpu.memref_slice %arg3[%add3A_534, %dma_wait3A_540] : memref<2560x128xi32, #tpu.memory_space<hbm>> -> memref<1x128xi32, #tpu.memory_space<hbm>>
      %dma_wait3A_542 = arith.constant 0 : i32
      %dma_wait3A_543 = arith.constant 0 : i32
      %dma_wait3A_544 = tpu.memref_slice %arg7[%dma_wait3A_535, %dma_wait3A_542, %dma_wait3A_543] : memref<4x1x128xi32, #tpu.memory_space<vmem>> -> memref<1x1x128xi32, #tpu.memory_space<vmem>>
      %dma_wait3A_545 = tpu.memref_squeeze %dma_wait3A_544 : memref<1x1x128xi32, #tpu.memory_space<vmem>> -> memref<1x128xi32, #tpu.memory_space<vmem>>
      %dma_wait3A_546 = arith.constant 0 : i32
      %dma_wait3A_547 = tpu.memref_slice %arg3[%add3A_534, %dma_wait3A_546] : memref<2560x128xi32, #tpu.memory_space<hbm>> -> memref<1x128xi32, #tpu.memory_space<hbm>>
      tpu.wait_dma2 semaphore(%arg12 : memref<!tpu.dma_semaphore, #tpu.memory_space<semaphore_mem>>) src(%dma_wait3A_547 : memref<1x128xi32, #tpu.memory_space<hbm>>) dst(%dma_wait3A_545 : memref<1x128xi32, #tpu.memory_space<vmem>>)
      %add3A_548 = arith.addi %mul3A_0, %add3A_520 : i32
      %dma_wait3A_549 = arith.constant 0 : i32
      %dma_wait3A_550 = arith.constant 0 : i32
      %dma_wait3A_551 = arith.constant 0 : i32
      %dma_wait3A_552 = tpu.memref_slice %arg8[%dma_wait3A_549, %dma_wait3A_550, %dma_wait3A_551] : memref<4x1x128xi32, #tpu.memory_space<vmem>> -> memref<1x1x128xi32, #tpu.memory_space<vmem>>
      %dma_wait3A_553 = tpu.memref_squeeze %dma_wait3A_552 : memref<1x1x128xi32, #tpu.memory_space<vmem>> -> memref<1x128xi32, #tpu.memory_space<vmem>>
      %dma_wait3A_554 = arith.constant 0 : i32
      %dma_wait3A_555 = tpu.memref_slice %arg4[%add3A_548, %dma_wait3A_554] : memref<2560x128xi32, #tpu.memory_space<hbm>> -> memref<1x128xi32, #tpu.memory_space<hbm>>
      %dma_wait3A_556 = arith.constant 0 : i32
      %dma_wait3A_557 = arith.constant 0 : i32
      %dma_wait3A_558 = tpu.memref_slice %arg8[%dma_wait3A_549, %dma_wait3A_556, %dma_wait3A_557] : memref<4x1x128xi32, #tpu.memory_space<vmem>> -> memref<1x1x128xi32, #tpu.memory_space<vmem>>
      %dma_wait3A_559 = tpu.memref_squeeze %dma_wait3A_558 : memref<1x1x128xi32, #tpu.memory_space<vmem>> -> memref<1x128xi32, #tpu.memory_space<vmem>>
      %dma_wait3A_560 = arith.constant 0 : i32
      %dma_wait3A_561 = tpu.memref_slice %arg4[%add3A_548, %dma_wait3A_560] : memref<2560x128xi32, #tpu.memory_space<hbm>> -> memref<1x128xi32, #tpu.memory_space<hbm>>
      tpu.wait_dma2 semaphore(%arg12 : memref<!tpu.dma_semaphore, #tpu.memory_space<semaphore_mem>>) src(%dma_wait3A_561 : memref<1x128xi32, #tpu.memory_space<hbm>>) dst(%dma_wait3A_559 : memref<1x128xi32, #tpu.memory_space<vmem>>)
      %dma_start3A_562 = arith.constant 0 : i32
      %dma_start3A_563 = arith.constant 0 : i32
      %dma_start3A_564 = arith.constant 0 : i32
      %dma_start3A_565 = arith.constant 0 : i32
      %dma_start3A_566 = arith.constant 0 : i32
      %dma_start3A_567 = tpu.memref_slice %arg9[%dma_start3A_564, %dma_start3A_565, %dma_start3A_566] : memref<2x128x80xf32, #tpu.memory_space<vmem>> -> memref<1x128x80xf32, #tpu.memory_space<vmem>>
      %dma_start3A_568 = tpu.memref_squeeze %dma_start3A_567 : memref<1x128x80xf32, #tpu.memory_space<vmem>> -> memref<128x80xf32, #tpu.memory_space<vmem>>
      %dma_start3A_569 = arith.constant 0 : i32
      %dma_start3A_570 = tpu.memref_slice %arg7[%dma_start3A_562, %dma_start3A_563, %dma_start3A_569] : memref<4x1x128xi32, #tpu.memory_space<vmem>> -> memref<1x1x128xi32, #tpu.memory_space<vmem>>
      %dma_start3A_571 = tpu.memref_squeeze %dma_start3A_570 : memref<1x1x128xi32, #tpu.memory_space<vmem>> -> memref<128xi32, #tpu.memory_space<vmem>>
      %dma_start3A_572 = arith.constant 0 : i32
      %dma_start3A_573 = arith.constant 0 : i32
      %dma_start3A_574 = tpu.memref_slice %arg10[%dma_start3A_572, %dma_start3A_573] : memref<10240x80xf32, #tpu.memory_space<vmem_shared>> -> memref<10240x80xf32, #tpu.memory_space<vmem_shared>>
      tpu.enqueue_indirect_dma source(%dma_start3A_574 : memref<10240x80xf32, #tpu.memory_space<vmem_shared>>) target(%dma_start3A_568 : memref<128x80xf32, #tpu.memory_space<vmem>>) offsets(%dma_start3A_571 : memref<128xi32, #tpu.memory_space<vmem>>) semaphore(%arg16 : memref<!tpu.dma_semaphore, #tpu.memory_space<semaphore_mem>>)
      %add3A_575 = arith.constant 2 : i32
      %add3A_576 = arith.addi %add3A_520, %add3A_575 : i32
      %lt3A = arith.constant 160 : i32
      %lt3A_577 = arith.cmpi slt, %add3A_576, %lt3A : i32
      %convert_element_type3A = arith.extui %lt3A_577 : i1 to i32
      %cond3A = arith.constant 0 : i32
      %cond3A_578 = arith.cmpi ne, %convert_element_type3A, %cond3A : i32
      scf.if %cond3A_578 {
        %add3A_872 = arith.constant 2 : i32
        %add3A_873 = arith.addi %add3A_520, %add3A_872 : i32
        %add3A_874 = arith.addi %mul3A_0, %add3A_873 : i32
        %dma_start3A_875 = arith.constant 2 : i32
        %dma_start3A_876 = arith.constant 0 : i32
        %dma_start3A_877 = arith.constant 0 : i32
        %dma_start3A_878 = tpu.memref_slice %arg7[%dma_start3A_875, %dma_start3A_876, %dma_start3A_877] : memref<4x1x128xi32, #tpu.memory_space<vmem>> -> memref<1x1x128xi32, #tpu.memory_space<vmem>>
        %dma_start3A_879 = tpu.memref_squeeze %dma_start3A_878 : memref<1x1x128xi32, #tpu.memory_space<vmem>> -> memref<1x128xi32, #tpu.memory_space<vmem>>
        %dma_start3A_880 = arith.constant 0 : i32
        %dma_start3A_881 = tpu.memref_slice %arg3[%add3A_874, %dma_start3A_880] : memref<2560x128xi32, #tpu.memory_space<hbm>> -> memref<1x128xi32, #tpu.memory_space<hbm>>
        %dma_start3A_882 = arith.constant 0 : i32
        %dma_start3A_883 = arith.constant 0 : i32
        %dma_start3A_884 = tpu.memref_slice %arg7[%dma_start3A_875, %dma_start3A_882, %dma_start3A_883] : memref<4x1x128xi32, #tpu.memory_space<vmem>> -> memref<1x1x128xi32, #tpu.memory_space<vmem>>
        %dma_start3A_885 = tpu.memref_squeeze %dma_start3A_884 : memref<1x1x128xi32, #tpu.memory_space<vmem>> -> memref<1x128xi32, #tpu.memory_space<vmem>>
        %dma_start3A_886 = arith.constant 0 : i32
        %dma_start3A_887 = tpu.memref_slice %arg3[%add3A_874, %dma_start3A_886] : memref<2560x128xi32, #tpu.memory_space<hbm>> -> memref<1x128xi32, #tpu.memory_space<hbm>>
        tpu.enqueue_dma source(%dma_start3A_887 : memref<1x128xi32, #tpu.memory_space<hbm>>) target(%dma_start3A_885 : memref<1x128xi32, #tpu.memory_space<vmem>>) target_semaphore(%arg14 : memref<!tpu.dma_semaphore, #tpu.memory_space<semaphore_mem>>)
        %add3A_888 = arith.addi %mul3A_0, %add3A_873 : i32
        %dma_start3A_889 = arith.constant 2 : i32
        %dma_start3A_890 = arith.constant 0 : i32
        %dma_start3A_891 = arith.constant 0 : i32
        %dma_start3A_892 = tpu.memref_slice %arg8[%dma_start3A_889, %dma_start3A_890, %dma_start3A_891] : memref<4x1x128xi32, #tpu.memory_space<vmem>> -> memref<1x1x128xi32, #tpu.memory_space<vmem>>
        %dma_start3A_893 = tpu.memref_squeeze %dma_start3A_892 : memref<1x1x128xi32, #tpu.memory_space<vmem>> -> memref<1x128xi32, #tpu.memory_space<vmem>>
        %dma_start3A_894 = arith.constant 0 : i32
        %dma_start3A_895 = tpu.memref_slice %arg4[%add3A_888, %dma_start3A_894] : memref<2560x128xi32, #tpu.memory_space<hbm>> -> memref<1x128xi32, #tpu.memory_space<hbm>>
        %dma_start3A_896 = arith.constant 0 : i32
        %dma_start3A_897 = arith.constant 0 : i32
        %dma_start3A_898 = tpu.memref_slice %arg8[%dma_start3A_889, %dma_start3A_896, %dma_start3A_897] : memref<4x1x128xi32, #tpu.memory_space<vmem>> -> memref<1x1x128xi32, #tpu.memory_space<vmem>>
        %dma_start3A_899 = tpu.memref_squeeze %dma_start3A_898 : memref<1x1x128xi32, #tpu.memory_space<vmem>> -> memref<1x128xi32, #tpu.memory_space<vmem>>
        %dma_start3A_900 = arith.constant 0 : i32
        %dma_start3A_901 = tpu.memref_slice %arg4[%add3A_888, %dma_start3A_900] : memref<2560x128xi32, #tpu.memory_space<hbm>> -> memref<1x128xi32, #tpu.memory_space<hbm>>
        tpu.enqueue_dma source(%dma_start3A_901 : memref<1x128xi32, #tpu.memory_space<hbm>>) target(%dma_start3A_899 : memref<1x128xi32, #tpu.memory_space<vmem>>) target_semaphore(%arg14 : memref<!tpu.dma_semaphore, #tpu.memory_space<semaphore_mem>>)
      } else {
      }
      %dma_wait3A_579 = arith.constant 3 : i32
      %dma_wait3A_580 = arith.constant 0 : i32
      %dma_wait3A_581 = arith.constant 1 : i32
      %dma_wait3A_582 = arith.constant 0 : i32
      %dma_wait3A_583 = arith.constant 0 : i32
      %dma_wait3A_584 = tpu.memref_slice %arg9[%dma_wait3A_581, %dma_wait3A_582, %dma_wait3A_583] : memref<2x128x80xf32, #tpu.memory_space<vmem>> -> memref<1x128x80xf32, #tpu.memory_space<vmem>>
      %dma_wait3A_585 = tpu.memref_squeeze %dma_wait3A_584 : memref<1x128x80xf32, #tpu.memory_space<vmem>> -> memref<128x80xf32, #tpu.memory_space<vmem>>
      %dma_wait3A_586 = arith.constant 0 : i32
      %dma_wait3A_587 = tpu.memref_slice %arg7[%dma_wait3A_579, %dma_wait3A_580, %dma_wait3A_586] : memref<4x1x128xi32, #tpu.memory_space<vmem>> -> memref<1x1x128xi32, #tpu.memory_space<vmem>>
      %dma_wait3A_588 = tpu.memref_squeeze %dma_wait3A_587 : memref<1x1x128xi32, #tpu.memory_space<vmem>> -> memref<128xi32, #tpu.memory_space<vmem>>
      %dma_wait3A_589 = arith.constant 0 : i32
      %dma_wait3A_590 = arith.constant 0 : i32
      %dma_wait3A_591 = tpu.memref_slice %arg10[%dma_wait3A_589, %dma_wait3A_590] : memref<10240x80xf32, #tpu.memory_space<vmem_shared>> -> memref<10240x80xf32, #tpu.memory_space<vmem_shared>>
      tpu.wait_indirect_dma semaphore(%arg17 : memref<!tpu.dma_semaphore, #tpu.memory_space<semaphore_mem>>) src(%dma_wait3A_591 : memref<10240x80xf32, #tpu.memory_space<vmem_shared>>) dst(%dma_wait3A_585 : memref<128x80xf32, #tpu.memory_space<vmem>>)
      %dma_start3A_592 = arith.constant 1 : i32
      %dma_start3A_593 = arith.constant 3 : i32
      %dma_start3A_594 = arith.constant 0 : i32
      %dma_start3A_595 = arith.constant 0 : i32
      %dma_start3A_596 = arith.constant 0 : i32
      %dma_start3A_597 = tpu.memref_slice %arg9[%dma_start3A_592, %dma_start3A_595, %dma_start3A_596] : memref<2x128x80xf32, #tpu.memory_space<vmem>> -> memref<1x128x80xf32, #tpu.memory_space<vmem>>
      %dma_start3A_598 = tpu.memref_squeeze %dma_start3A_597 : memref<1x128x80xf32, #tpu.memory_space<vmem>> -> memref<128x80xf32, #tpu.memory_space<vmem>>
      %dma_start3A_599 = arith.constant 0 : i32
      %dma_start3A_600 = tpu.memref_slice %arg8[%dma_start3A_593, %dma_start3A_594, %dma_start3A_599] : memref<4x1x128xi32, #tpu.memory_space<vmem>> -> memref<1x1x128xi32, #tpu.memory_space<vmem>>
      %dma_start3A_601 = tpu.memref_squeeze %dma_start3A_600 : memref<1x1x128xi32, #tpu.memory_space<vmem>> -> memref<128xi32, #tpu.memory_space<vmem>>
      %dma_start3A_602 = arith.constant 0 : i32
      %dma_start3A_603 = arith.constant 0 : i32
      %dma_start3A_604 = tpu.memref_slice %arg11[%dma_start3A_602, %dma_start3A_603] : memref<10240x80xf32, #tpu.memory_space<vmem_shared>> -> memref<10240x80xf32, #tpu.memory_space<vmem_shared>>
      tpu.enqueue_indirect_dma source(%dma_start3A_598 : memref<128x80xf32, #tpu.memory_space<vmem>>) target(%dma_start3A_604 : memref<10240x80xf32, #tpu.memory_space<vmem_shared>>) offsets(%dma_start3A_601 : memref<128xi32, #tpu.memory_space<vmem>>) semaphore(%arg19 : memref<!tpu.dma_semaphore, #tpu.memory_space<semaphore_mem>>) {add = true}
      %add3A_605 = arith.constant 1 : i32
      %add3A_606 = arith.addi %add3A_518, %add3A_605 : i32
      %dma_wait3A_607 = arith.constant 1 : i32
      %dma_wait3A_608 = arith.constant 3 : i32
      %dma_wait3A_609 = arith.constant 0 : i32
      %dma_wait3A_610 = arith.constant 0 : i32
      %dma_wait3A_611 = arith.constant 0 : i32
      %dma_wait3A_612 = tpu.memref_slice %arg9[%dma_wait3A_607, %dma_wait3A_610, %dma_wait3A_611] : memref<2x128x80xf32, #tpu.memory_space<vmem>> -> memref<1x128x80xf32, #tpu.memory_space<vmem>>
      %dma_wait3A_613 = tpu.memref_squeeze %dma_wait3A_612 : memref<1x128x80xf32, #tpu.memory_space<vmem>> -> memref<128x80xf32, #tpu.memory_space<vmem>>
      %dma_wait3A_614 = arith.constant 0 : i32
      %dma_wait3A_615 = tpu.memref_slice %arg8[%dma_wait3A_608, %dma_wait3A_609, %dma_wait3A_614] : memref<4x1x128xi32, #tpu.memory_space<vmem>> -> memref<1x1x128xi32, #tpu.memory_space<vmem>>
      %dma_wait3A_616 = tpu.memref_squeeze %dma_wait3A_615 : memref<1x1x128xi32, #tpu.memory_space<vmem>> -> memref<128xi32, #tpu.memory_space<vmem>>
      %dma_wait3A_617 = arith.constant 0 : i32
      %dma_wait3A_618 = arith.constant 0 : i32
      %dma_wait3A_619 = tpu.memref_slice %arg11[%dma_wait3A_617, %dma_wait3A_618] : memref<10240x80xf32, #tpu.memory_space<vmem_shared>> -> memref<10240x80xf32, #tpu.memory_space<vmem_shared>>
      tpu.wait_indirect_dma semaphore(%arg19 : memref<!tpu.dma_semaphore, #tpu.memory_space<semaphore_mem>>) src(%dma_wait3A_613 : memref<128x80xf32, #tpu.memory_space<vmem>>) dst(%dma_wait3A_619 : memref<10240x80xf32, #tpu.memory_space<vmem_shared>>)
      %add3A_620 = arith.addi %mul3A_0, %add3A_606 : i32
      %dma_wait3A_621 = arith.constant 1 : i32
      %dma_wait3A_622 = arith.constant 0 : i32
      %dma_wait3A_623 = arith.constant 0 : i32
      %dma_wait3A_624 = tpu.memref_slice %arg7[%dma_wait3A_621, %dma_wait3A_622, %dma_wait3A_623] : memref<4x1x128xi32, #tpu.memory_space<vmem>> -> memref<1x1x128xi32, #tpu.memory_space<vmem>>
      %dma_wait3A_625 = tpu.memref_squeeze %dma_wait3A_624 : memref<1x1x128xi32, #tpu.memory_space<vmem>> -> memref<1x128xi32, #tpu.memory_space<vmem>>
      %dma_wait3A_626 = arith.constant 0 : i32
      %dma_wait3A_627 = tpu.memref_slice %arg3[%add3A_620, %dma_wait3A_626] : memref<2560x128xi32, #tpu.memory_space<hbm>> -> memref<1x128xi32, #tpu.memory_space<hbm>>
      %dma_wait3A_628 = arith.constant 0 : i32
      %dma_wait3A_629 = arith.constant 0 : i32
      %dma_wait3A_630 = tpu.memref_slice %arg7[%dma_wait3A_621, %dma_wait3A_628, %dma_wait3A_629] : memref<4x1x128xi32, #tpu.memory_space<vmem>> -> memref<1x1x128xi32, #tpu.memory_space<vmem>>
      %dma_wait3A_631 = tpu.memref_squeeze %dma_wait3A_630 : memref<1x1x128xi32, #tpu.memory_space<vmem>> -> memref<1x128xi32, #tpu.memory_space<vmem>>
      %dma_wait3A_632 = arith.constant 0 : i32
      %dma_wait3A_633 = tpu.memref_slice %arg3[%add3A_620, %dma_wait3A_632] : memref<2560x128xi32, #tpu.memory_space<hbm>> -> memref<1x128xi32, #tpu.memory_space<hbm>>
      tpu.wait_dma2 semaphore(%arg13 : memref<!tpu.dma_semaphore, #tpu.memory_space<semaphore_mem>>) src(%dma_wait3A_633 : memref<1x128xi32, #tpu.memory_space<hbm>>) dst(%dma_wait3A_631 : memref<1x128xi32, #tpu.memory_space<vmem>>)
      %add3A_634 = arith.addi %mul3A_0, %add3A_606 : i32
      %dma_wait3A_635 = arith.constant 1 : i32
      %dma_wait3A_636 = arith.constant 0 : i32
      %dma_wait3A_637 = arith.constant 0 : i32
      %dma_wait3A_638 = tpu.memref_slice %arg8[%dma_wait3A_635, %dma_wait3A_636, %dma_wait3A_637] : memref<4x1x128xi32, #tpu.memory_space<vmem>> -> memref<1x1x128xi32, #tpu.memory_space<vmem>>
      %dma_wait3A_639 = tpu.memref_squeeze %dma_wait3A_638 : memref<1x1x128xi32, #tpu.memory_space<vmem>> -> memref<1x128xi32, #tpu.memory_space<vmem>>
      %dma_wait3A_640 = arith.constant 0 : i32
      %dma_wait3A_641 = tpu.memref_slice %arg4[%add3A_634, %dma_wait3A_640] : memref<2560x128xi32, #tpu.memory_space<hbm>> -> memref<1x128xi32, #tpu.memory_space<hbm>>
      %dma_wait3A_642 = arith.constant 0 : i32
      %dma_wait3A_643 = arith.constant 0 : i32
      %dma_wait3A_644 = tpu.memref_slice %arg8[%dma_wait3A_635, %dma_wait3A_642, %dma_wait3A_643] : memref<4x1x128xi32, #tpu.memory_space<vmem>> -> memref<1x1x128xi32, #tpu.memory_space<vmem>>
      %dma_wait3A_645 = tpu.memref_squeeze %dma_wait3A_644 : memref<1x1x128xi32, #tpu.memory_space<vmem>> -> memref<1x128xi32, #tpu.memory_space<vmem>>
      %dma_wait3A_646 = arith.constant 0 : i32
      %dma_wait3A_647 = tpu.memref_slice %arg4[%add3A_634, %dma_wait3A_646] : memref<2560x128xi32, #tpu.memory_space<hbm>> -> memref<1x128xi32, #tpu.memory_space<hbm>>
      tpu.wait_dma2 semaphore(%arg13 : memref<!tpu.dma_semaphore, #tpu.memory_space<semaphore_mem>>) src(%dma_wait3A_647 : memref<1x128xi32, #tpu.memory_space<hbm>>) dst(%dma_wait3A_645 : memref<1x128xi32, #tpu.memory_space<vmem>>)
      %dma_start3A_648 = arith.constant 1 : i32
      %dma_start3A_649 = arith.constant 0 : i32
      %dma_start3A_650 = arith.constant 1 : i32
      %dma_start3A_651 = arith.constant 0 : i32
      %dma_start3A_652 = arith.constant 0 : i32
      %dma_start3A_653 = tpu.memref_slice %arg9[%dma_start3A_650, %dma_start3A_651, %dma_start3A_652] : memref<2x128x80xf32, #tpu.memory_space<vmem>> -> memref<1x128x80xf32, #tpu.memory_space<vmem>>
      %dma_start3A_654 = tpu.memref_squeeze %dma_start3A_653 : memref<1x128x80xf32, #tpu.memory_space<vmem>> -> memref<128x80xf32, #tpu.memory_space<vmem>>
      %dma_start3A_655 = arith.constant 0 : i32
      %dma_start3A_656 = tpu.memref_slice %arg7[%dma_start3A_648, %dma_start3A_649, %dma_start3A_655] : memref<4x1x128xi32, #tpu.memory_space<vmem>> -> memref<1x1x128xi32, #tpu.memory_space<vmem>>
      %dma_start3A_657 = tpu.memref_squeeze %dma_start3A_656 : memref<1x1x128xi32, #tpu.memory_space<vmem>> -> memref<128xi32, #tpu.memory_space<vmem>>
      %dma_start3A_658 = arith.constant 0 : i32
      %dma_start3A_659 = arith.constant 0 : i32
      %dma_start3A_660 = tpu.memref_slice %arg10[%dma_start3A_658, %dma_start3A_659] : memref<10240x80xf32, #tpu.memory_space<vmem_shared>> -> memref<10240x80xf32, #tpu.memory_space<vmem_shared>>
      tpu.enqueue_indirect_dma source(%dma_start3A_660 : memref<10240x80xf32, #tpu.memory_space<vmem_shared>>) target(%dma_start3A_654 : memref<128x80xf32, #tpu.memory_space<vmem>>) offsets(%dma_start3A_657 : memref<128xi32, #tpu.memory_space<vmem>>) semaphore(%arg17 : memref<!tpu.dma_semaphore, #tpu.memory_space<semaphore_mem>>)
      %add3A_661 = arith.constant 2 : i32
      %add3A_662 = arith.addi %add3A_606, %add3A_661 : i32
      %lt3A_663 = arith.constant 160 : i32
      %lt3A_664 = arith.cmpi slt, %add3A_662, %lt3A_663 : i32
      %convert_element_type3A_665 = arith.extui %lt3A_664 : i1 to i32
      %cond3A_666 = arith.constant 0 : i32
      %cond3A_667 = arith.cmpi ne, %convert_element_type3A_665, %cond3A_666 : i32
      scf.if %cond3A_667 {
        %add3A_872 = arith.constant 2 : i32
        %add3A_873 = arith.addi %add3A_606, %add3A_872 : i32
        %add3A_874 = arith.addi %mul3A_0, %add3A_873 : i32
        %dma_start3A_875 = arith.constant 3 : i32
        %dma_start3A_876 = arith.constant 0 : i32
        %dma_start3A_877 = arith.constant 0 : i32
        %dma_start3A_878 = tpu.memref_slice %arg7[%dma_start3A_875, %dma_start3A_876, %dma_start3A_877] : memref<4x1x128xi32, #tpu.memory_space<vmem>> -> memref<1x1x128xi32, #tpu.memory_space<vmem>>
        %dma_start3A_879 = tpu.memref_squeeze %dma_start3A_878 : memref<1x1x128xi32, #tpu.memory_space<vmem>> -> memref<1x128xi32, #tpu.memory_space<vmem>>
        %dma_start3A_880 = arith.constant 0 : i32
        %dma_start3A_881 = tpu.memref_slice %arg3[%add3A_874, %dma_start3A_880] : memref<2560x128xi32, #tpu.memory_space<hbm>> -> memref<1x128xi32, #tpu.memory_space<hbm>>
        %dma_start3A_882 = arith.constant 0 : i32
        %dma_start3A_883 = arith.constant 0 : i32
        %dma_start3A_884 = tpu.memref_slice %arg7[%dma_start3A_875, %dma_start3A_882, %dma_start3A_883] : memref<4x1x128xi32, #tpu.memory_space<vmem>> -> memref<1x1x128xi32, #tpu.memory_space<vmem>>
        %dma_start3A_885 = tpu.memref_squeeze %dma_start3A_884 : memref<1x1x128xi32, #tpu.memory_space<vmem>> -> memref<1x128xi32, #tpu.memory_space<vmem>>
        %dma_start3A_886 = arith.constant 0 : i32
        %dma_start3A_887 = tpu.memref_slice %arg3[%add3A_874, %dma_start3A_886] : memref<2560x128xi32, #tpu.memory_space<hbm>> -> memref<1x128xi32, #tpu.memory_space<hbm>>
        tpu.enqueue_dma source(%dma_start3A_887 : memref<1x128xi32, #tpu.memory_space<hbm>>) target(%dma_start3A_885 : memref<1x128xi32, #tpu.memory_space<vmem>>) target_semaphore(%arg15 : memref<!tpu.dma_semaphore, #tpu.memory_space<semaphore_mem>>)
        %add3A_888 = arith.addi %mul3A_0, %add3A_873 : i32
        %dma_start3A_889 = arith.constant 3 : i32
        %dma_start3A_890 = arith.constant 0 : i32
        %dma_start3A_891 = arith.constant 0 : i32
        %dma_start3A_892 = tpu.memref_slice %arg8[%dma_start3A_889, %dma_start3A_890, %dma_start3A_891] : memref<4x1x128xi32, #tpu.memory_space<vmem>> -> memref<1x1x128xi32, #tpu.memory_space<vmem>>
        %dma_start3A_893 = tpu.memref_squeeze %dma_start3A_892 : memref<1x1x128xi32, #tpu.memory_space<vmem>> -> memref<1x128xi32, #tpu.memory_space<vmem>>
        %dma_start3A_894 = arith.constant 0 : i32
        %dma_start3A_895 = tpu.memref_slice %arg4[%add3A_888, %dma_start3A_894] : memref<2560x128xi32, #tpu.memory_space<hbm>> -> memref<1x128xi32, #tpu.memory_space<hbm>>
        %dma_start3A_896 = arith.constant 0 : i32
        %dma_start3A_897 = arith.constant 0 : i32
        %dma_start3A_898 = tpu.memref_slice %arg8[%dma_start3A_889, %dma_start3A_896, %dma_start3A_897] : memref<4x1x128xi32, #tpu.memory_space<vmem>> -> memref<1x1x128xi32, #tpu.memory_space<vmem>>
        %dma_start3A_899 = tpu.memref_squeeze %dma_start3A_898 : memref<1x1x128xi32, #tpu.memory_space<vmem>> -> memref<1x128xi32, #tpu.memory_space<vmem>>
        %dma_start3A_900 = arith.constant 0 : i32
        %dma_start3A_901 = tpu.memref_slice %arg4[%add3A_888, %dma_start3A_900] : memref<2560x128xi32, #tpu.memory_space<hbm>> -> memref<1x128xi32, #tpu.memory_space<hbm>>
        tpu.enqueue_dma source(%dma_start3A_901 : memref<1x128xi32, #tpu.memory_space<hbm>>) target(%dma_start3A_899 : memref<1x128xi32, #tpu.memory_space<vmem>>) target_semaphore(%arg15 : memref<!tpu.dma_semaphore, #tpu.memory_space<semaphore_mem>>)
      } else {
      }
      %dma_wait3A_668 = arith.constant 0 : i32
      %dma_wait3A_669 = arith.constant 0 : i32
      %dma_wait3A_670 = arith.constant 0 : i32
      %dma_wait3A_671 = arith.constant 0 : i32
      %dma_wait3A_672 = arith.constant 0 : i32
      %dma_wait3A_673 = tpu.memref_slice %arg9[%dma_wait3A_670, %dma_wait3A_671, %dma_wait3A_672] : memref<2x128x80xf32, #tpu.memory_space<vmem>> -> memref<1x128x80xf32, #tpu.memory_space<vmem>>
      %dma_wait3A_674 = tpu.memref_squeeze %dma_wait3A_673 : memref<1x128x80xf32, #tpu.memory_space<vmem>> -> memref<128x80xf32, #tpu.memory_space<vmem>>
      %dma_wait3A_675 = arith.constant 0 : i32
      %dma_wait3A_676 = tpu.memref_slice %arg7[%dma_wait3A_668, %dma_wait3A_669, %dma_wait3A_675] : memref<4x1x128xi32, #tpu.memory_space<vmem>> -> memref<1x1x128xi32, #tpu.memory_space<vmem>>
      %dma_wait3A_677 = tpu.memref_squeeze %dma_wait3A_676 : memref<1x1x128xi32, #tpu.memory_space<vmem>> -> memref<128xi32, #tpu.memory_space<vmem>>
      %dma_wait3A_678 = arith.constant 0 : i32
      %dma_wait3A_679 = arith.constant 0 : i32
      %dma_wait3A_680 = tpu.memref_slice %arg10[%dma_wait3A_678, %dma_wait3A_679] : memref<10240x80xf32, #tpu.memory_space<vmem_shared>> -> memref<10240x80xf32, #tpu.memory_space<vmem_shared>>
      tpu.wait_indirect_dma semaphore(%arg16 : memref<!tpu.dma_semaphore, #tpu.memory_space<semaphore_mem>>) src(%dma_wait3A_680 : memref<10240x80xf32, #tpu.memory_space<vmem_shared>>) dst(%dma_wait3A_674 : memref<128x80xf32, #tpu.memory_space<vmem>>)
      %dma_start3A_681 = arith.constant 0 : i32
      %dma_start3A_682 = arith.constant 0 : i32
      %dma_start3A_683 = arith.constant 0 : i32
      %dma_start3A_684 = arith.constant 0 : i32
      %dma_start3A_685 = arith.constant 0 : i32
      %dma_start3A_686 = tpu.memref_slice %arg9[%dma_start3A_681, %dma_start3A_684, %dma_start3A_685] : memref<2x128x80xf32, #tpu.memory_space<vmem>> -> memref<1x128x80xf32, #tpu.memory_space<vmem>>
      %dma_start3A_687 = tpu.memref_squeeze %dma_start3A_686 : memref<1x128x80xf32, #tpu.memory_space<vmem>> -> memref<128x80xf32, #tpu.memory_space<vmem>>
      %dma_start3A_688 = arith.constant 0 : i32
      %dma_start3A_689 = tpu.memref_slice %arg8[%dma_start3A_682, %dma_start3A_683, %dma_start3A_688] : memref<4x1x128xi32, #tpu.memory_space<vmem>> -> memref<1x1x128xi32, #tpu.memory_space<vmem>>
      %dma_start3A_690 = tpu.memref_squeeze %dma_start3A_689 : memref<1x1x128xi32, #tpu.memory_space<vmem>> -> memref<128xi32, #tpu.memory_space<vmem>>
      %dma_start3A_691 = arith.constant 0 : i32
      %dma_start3A_692 = arith.constant 0 : i32
      %dma_start3A_693 = tpu.memref_slice %arg11[%dma_start3A_691, %dma_start3A_692] : memref<10240x80xf32, #tpu.memory_space<vmem_shared>> -> memref<10240x80xf32, #tpu.memory_space<vmem_shared>>
      tpu.enqueue_indirect_dma source(%dma_start3A_687 : memref<128x80xf32, #tpu.memory_space<vmem>>) target(%dma_start3A_693 : memref<10240x80xf32, #tpu.memory_space<vmem_shared>>) offsets(%dma_start3A_690 : memref<128xi32, #tpu.memory_space<vmem>>) semaphore(%arg18 : memref<!tpu.dma_semaphore, #tpu.memory_space<semaphore_mem>>) {add = true}
      %add3A_694 = arith.constant 2 : i32
      %add3A_695 = arith.addi %add3A_518, %add3A_694 : i32
      %dma_wait3A_696 = arith.constant 0 : i32
      %dma_wait3A_697 = arith.constant 0 : i32
      %dma_wait3A_698 = arith.constant 0 : i32
      %dma_wait3A_699 = arith.constant 0 : i32
      %dma_wait3A_700 = arith.constant 0 : i32
      %dma_wait3A_701 = tpu.memref_slice %arg9[%dma_wait3A_696, %dma_wait3A_699, %dma_wait3A_700] : memref<2x128x80xf32, #tpu.memory_space<vmem>> -> memref<1x128x80xf32, #tpu.memory_space<vmem>>
      %dma_wait3A_702 = tpu.memref_squeeze %dma_wait3A_701 : memref<1x128x80xf32, #tpu.memory_space<vmem>> -> memref<128x80xf32, #tpu.memory_space<vmem>>
      %dma_wait3A_703 = arith.constant 0 : i32
      %dma_wait3A_704 = tpu.memref_slice %arg8[%dma_wait3A_697, %dma_wait3A_698, %dma_wait3A_703] : memref<4x1x128xi32, #tpu.memory_space<vmem>> -> memref<1x1x128xi32, #tpu.memory_space<vmem>>
      %dma_wait3A_705 = tpu.memref_squeeze %dma_wait3A_704 : memref<1x1x128xi32, #tpu.memory_space<vmem>> -> memref<128xi32, #tpu.memory_space<vmem>>
      %dma_wait3A_706 = arith.constant 0 : i32
      %dma_wait3A_707 = arith.constant 0 : i32
      %dma_wait3A_708 = tpu.memref_slice %arg11[%dma_wait3A_706, %dma_wait3A_707] : memref<10240x80xf32, #tpu.memory_space<vmem_shared>> -> memref<10240x80xf32, #tpu.memory_space<vmem_shared>>
      tpu.wait_indirect_dma semaphore(%arg18 : memref<!tpu.dma_semaphore, #tpu.memory_space<semaphore_mem>>) src(%dma_wait3A_702 : memref<128x80xf32, #tpu.memory_space<vmem>>) dst(%dma_wait3A_708 : memref<10240x80xf32, #tpu.memory_space<vmem_shared>>)
      %add3A_709 = arith.addi %mul3A_0, %add3A_695 : i32
      %dma_wait3A_710 = arith.constant 2 : i32
      %dma_wait3A_711 = arith.constant 0 : i32
      %dma_wait3A_712 = arith.constant 0 : i32
      %dma_wait3A_713 = tpu.memref_slice %arg7[%dma_wait3A_710, %dma_wait3A_711, %dma_wait3A_712] : memref<4x1x128xi32, #tpu.memory_space<vmem>> -> memref<1x1x128xi32, #tpu.memory_space<vmem>>
      %dma_wait3A_714 = tpu.memref_squeeze %dma_wait3A_713 : memref<1x1x128xi32, #tpu.memory_space<vmem>> -> memref<1x128xi32, #tpu.memory_space<vmem>>
      %dma_wait3A_715 = arith.constant 0 : i32
      %dma_wait3A_716 = tpu.memref_slice %arg3[%add3A_709, %dma_wait3A_715] : memref<2560x128xi32, #tpu.memory_space<hbm>> -> memref<1x128xi32, #tpu.memory_space<hbm>>
      %dma_wait3A_717 = arith.constant 0 : i32
      %dma_wait3A_718 = arith.constant 0 : i32
      %dma_wait3A_719 = tpu.memref_slice %arg7[%dma_wait3A_710, %dma_wait3A_717, %dma_wait3A_718] : memref<4x1x128xi32, #tpu.memory_space<vmem>> -> memref<1x1x128xi32, #tpu.memory_space<vmem>>
      %dma_wait3A_720 = tpu.memref_squeeze %dma_wait3A_719 : memref<1x1x128xi32, #tpu.memory_space<vmem>> -> memref<1x128xi32, #tpu.memory_space<vmem>>
      %dma_wait3A_721 = arith.constant 0 : i32
      %dma_wait3A_722 = tpu.memref_slice %arg3[%add3A_709, %dma_wait3A_721] : memref<2560x128xi32, #tpu.memory_space<hbm>> -> memref<1x128xi32, #tpu.memory_space<hbm>>
      tpu.wait_dma2 semaphore(%arg14 : memref<!tpu.dma_semaphore, #tpu.memory_space<semaphore_mem>>) src(%dma_wait3A_722 : memref<1x128xi32, #tpu.memory_space<hbm>>) dst(%dma_wait3A_720 : memref<1x128xi32, #tpu.memory_space<vmem>>)
      %add3A_723 = arith.addi %mul3A_0, %add3A_695 : i32
      %dma_wait3A_724 = arith.constant 2 : i32
      %dma_wait3A_725 = arith.constant 0 : i32
      %dma_wait3A_726 = arith.constant 0 : i32
      %dma_wait3A_727 = tpu.memref_slice %arg8[%dma_wait3A_724, %dma_wait3A_725, %dma_wait3A_726] : memref<4x1x128xi32, #tpu.memory_space<vmem>> -> memref<1x1x128xi32, #tpu.memory_space<vmem>>
      %dma_wait3A_728 = tpu.memref_squeeze %dma_wait3A_727 : memref<1x1x128xi32, #tpu.memory_space<vmem>> -> memref<1x128xi32, #tpu.memory_space<vmem>>
      %dma_wait3A_729 = arith.constant 0 : i32
      %dma_wait3A_730 = tpu.memref_slice %arg4[%add3A_723, %dma_wait3A_729] : memref<2560x128xi32, #tpu.memory_space<hbm>> -> memref<1x128xi32, #tpu.memory_space<hbm>>
      %dma_wait3A_731 = arith.constant 0 : i32
      %dma_wait3A_732 = arith.constant 0 : i32
      %dma_wait3A_733 = tpu.memref_slice %arg8[%dma_wait3A_724, %dma_wait3A_731, %dma_wait3A_732] : memref<4x1x128xi32, #tpu.memory_space<vmem>> -> memref<1x1x128xi32, #tpu.memory_space<vmem>>
      %dma_wait3A_734 = tpu.memref_squeeze %dma_wait3A_733 : memref<1x1x128xi32, #tpu.memory_space<vmem>> -> memref<1x128xi32, #tpu.memory_space<vmem>>
      %dma_wait3A_735 = arith.constant 0 : i32
      %dma_wait3A_736 = tpu.memref_slice %arg4[%add3A_723, %dma_wait3A_735] : memref<2560x128xi32, #tpu.memory_space<hbm>> -> memref<1x128xi32, #tpu.memory_space<hbm>>
      tpu.wait_dma2 semaphore(%arg14 : memref<!tpu.dma_semaphore, #tpu.memory_space<semaphore_mem>>) src(%dma_wait3A_736 : memref<1x128xi32, #tpu.memory_space<hbm>>) dst(%dma_wait3A_734 : memref<1x128xi32, #tpu.memory_space<vmem>>)
      %dma_start3A_737 = arith.constant 2 : i32
      %dma_start3A_738 = arith.constant 0 : i32
      %dma_start3A_739 = arith.constant 0 : i32
      %dma_start3A_740 = arith.constant 0 : i32
      %dma_start3A_741 = arith.constant 0 : i32
      %dma_start3A_742 = tpu.memref_slice %arg9[%dma_start3A_739, %dma_start3A_740, %dma_start3A_741] : memref<2x128x80xf32, #tpu.memory_space<vmem>> -> memref<1x128x80xf32, #tpu.memory_space<vmem>>
      %dma_start3A_743 = tpu.memref_squeeze %dma_start3A_742 : memref<1x128x80xf32, #tpu.memory_space<vmem>> -> memref<128x80xf32, #tpu.memory_space<vmem>>
      %dma_start3A_744 = arith.constant 0 : i32
      %dma_start3A_745 = tpu.memref_slice %arg7[%dma_start3A_737, %dma_start3A_738, %dma_start3A_744] : memref<4x1x128xi32, #tpu.memory_space<vmem>> -> memref<1x1x128xi32, #tpu.memory_space<vmem>>
      %dma_start3A_746 = tpu.memref_squeeze %dma_start3A_745 : memref<1x1x128xi32, #tpu.memory_space<vmem>> -> memref<128xi32, #tpu.memory_space<vmem>>
      %dma_start3A_747 = arith.constant 0 : i32
      %dma_start3A_748 = arith.constant 0 : i32
      %dma_start3A_749 = tpu.memref_slice %arg10[%dma_start3A_747, %dma_start3A_748] : memref<10240x80xf32, #tpu.memory_space<vmem_shared>> -> memref<10240x80xf32, #tpu.memory_space<vmem_shared>>
      tpu.enqueue_indirect_dma source(%dma_start3A_749 : memref<10240x80xf32, #tpu.memory_space<vmem_shared>>) target(%dma_start3A_743 : memref<128x80xf32, #tpu.memory_space<vmem>>) offsets(%dma_start3A_746 : memref<128xi32, #tpu.memory_space<vmem>>) semaphore(%arg16 : memref<!tpu.dma_semaphore, #tpu.memory_space<semaphore_mem>>)
      %add3A_750 = arith.constant 2 : i32
      %add3A_751 = arith.addi %add3A_695, %add3A_750 : i32
      %lt3A_752 = arith.constant 160 : i32
      %lt3A_753 = arith.cmpi slt, %add3A_751, %lt3A_752 : i32
      %convert_element_type3A_754 = arith.extui %lt3A_753 : i1 to i32
      %cond3A_755 = arith.constant 0 : i32
      %cond3A_756 = arith.cmpi ne, %convert_element_type3A_754, %cond3A_755 : i32
      scf.if %cond3A_756 {
        %add3A_872 = arith.constant 2 : i32
        %add3A_873 = arith.addi %add3A_695, %add3A_872 : i32
        %add3A_874 = arith.addi %mul3A_0, %add3A_873 : i32
        %dma_start3A_875 = arith.constant 0 : i32
        %dma_start3A_876 = arith.constant 0 : i32
        %dma_start3A_877 = arith.constant 0 : i32
        %dma_start3A_878 = tpu.memref_slice %arg7[%dma_start3A_875, %dma_start3A_876, %dma_start3A_877] : memref<4x1x128xi32, #tpu.memory_space<vmem>> -> memref<1x1x128xi32, #tpu.memory_space<vmem>>
        %dma_start3A_879 = tpu.memref_squeeze %dma_start3A_878 : memref<1x1x128xi32, #tpu.memory_space<vmem>> -> memref<1x128xi32, #tpu.memory_space<vmem>>
        %dma_start3A_880 = arith.constant 0 : i32
        %dma_start3A_881 = tpu.memref_slice %arg3[%add3A_874, %dma_start3A_880] : memref<2560x128xi32, #tpu.memory_space<hbm>> -> memref<1x128xi32, #tpu.memory_space<hbm>>
        %dma_start3A_882 = arith.constant 0 : i32
        %dma_start3A_883 = arith.constant 0 : i32
        %dma_start3A_884 = tpu.memref_slice %arg7[%dma_start3A_875, %dma_start3A_882, %dma_start3A_883] : memref<4x1x128xi32, #tpu.memory_space<vmem>> -> memref<1x1x128xi32, #tpu.memory_space<vmem>>
        %dma_start3A_885 = tpu.memref_squeeze %dma_start3A_884 : memref<1x1x128xi32, #tpu.memory_space<vmem>> -> memref<1x128xi32, #tpu.memory_space<vmem>>
        %dma_start3A_886 = arith.constant 0 : i32
        %dma_start3A_887 = tpu.memref_slice %arg3[%add3A_874, %dma_start3A_886] : memref<2560x128xi32, #tpu.memory_space<hbm>> -> memref<1x128xi32, #tpu.memory_space<hbm>>
        tpu.enqueue_dma source(%dma_start3A_887 : memref<1x128xi32, #tpu.memory_space<hbm>>) target(%dma_start3A_885 : memref<1x128xi32, #tpu.memory_space<vmem>>) target_semaphore(%arg12 : memref<!tpu.dma_semaphore, #tpu.memory_space<semaphore_mem>>)
        %add3A_888 = arith.addi %mul3A_0, %add3A_873 : i32
        %dma_start3A_889 = arith.constant 0 : i32
        %dma_start3A_890 = arith.constant 0 : i32
        %dma_start3A_891 = arith.constant 0 : i32
        %dma_start3A_892 = tpu.memref_slice %arg8[%dma_start3A_889, %dma_start3A_890, %dma_start3A_891] : memref<4x1x128xi32, #tpu.memory_space<vmem>> -> memref<1x1x128xi32, #tpu.memory_space<vmem>>
        %dma_start3A_893 = tpu.memref_squeeze %dma_start3A_892 : memref<1x1x128xi32, #tpu.memory_space<vmem>> -> memref<1x128xi32, #tpu.memory_space<vmem>>
        %dma_start3A_894 = arith.constant 0 : i32
        %dma_start3A_895 = tpu.memref_slice %arg4[%add3A_888, %dma_start3A_894] : memref<2560x128xi32, #tpu.memory_space<hbm>> -> memref<1x128xi32, #tpu.memory_space<hbm>>
        %dma_start3A_896 = arith.constant 0 : i32
        %dma_start3A_897 = arith.constant 0 : i32
        %dma_start3A_898 = tpu.memref_slice %arg8[%dma_start3A_889, %dma_start3A_896, %dma_start3A_897] : memref<4x1x128xi32, #tpu.memory_space<vmem>> -> memref<1x1x128xi32, #tpu.memory_space<vmem>>
        %dma_start3A_899 = tpu.memref_squeeze %dma_start3A_898 : memref<1x1x128xi32, #tpu.memory_space<vmem>> -> memref<1x128xi32, #tpu.memory_space<vmem>>
        %dma_start3A_900 = arith.constant 0 : i32
        %dma_start3A_901 = tpu.memref_slice %arg4[%add3A_888, %dma_start3A_900] : memref<2560x128xi32, #tpu.memory_space<hbm>> -> memref<1x128xi32, #tpu.memory_space<hbm>>
        tpu.enqueue_dma source(%dma_start3A_901 : memref<1x128xi32, #tpu.memory_space<hbm>>) target(%dma_start3A_899 : memref<1x128xi32, #tpu.memory_space<vmem>>) target_semaphore(%arg12 : memref<!tpu.dma_semaphore, #tpu.memory_space<semaphore_mem>>)
      } else {
      }
      %dma_wait3A_757 = arith.constant 1 : i32
      %dma_wait3A_758 = arith.constant 0 : i32
      %dma_wait3A_759 = arith.constant 1 : i32
      %dma_wait3A_760 = arith.constant 0 : i32
      %dma_wait3A_761 = arith.constant 0 : i32
      %dma_wait3A_762 = tpu.memref_slice %arg9[%dma_wait3A_759, %dma_wait3A_760, %dma_wait3A_761] : memref<2x128x80xf32, #tpu.memory_space<vmem>> -> memref<1x128x80xf32, #tpu.memory_space<vmem>>
      %dma_wait3A_763 = tpu.memref_squeeze %dma_wait3A_762 : memref<1x128x80xf32, #tpu.memory_space<vmem>> -> memref<128x80xf32, #tpu.memory_space<vmem>>
      %dma_wait3A_764 = arith.constant 0 : i32
      %dma_wait3A_765 = tpu.memref_slice %arg7[%dma_wait3A_757, %dma_wait3A_758, %dma_wait3A_764] : memref<4x1x128xi32, #tpu.memory_space<vmem>> -> memref<1x1x128xi32, #tpu.memory_space<vmem>>
      %dma_wait3A_766 = tpu.memref_squeeze %dma_wait3A_765 : memref<1x1x128xi32, #tpu.memory_space<vmem>> -> memref<128xi32, #tpu.memory_space<vmem>>
      %dma_wait3A_767 = arith.constant 0 : i32
      %dma_wait3A_768 = arith.constant 0 : i32
      %dma_wait3A_769 = tpu.memref_slice %arg10[%dma_wait3A_767, %dma_wait3A_768] : memref<10240x80xf32, #tpu.memory_space<vmem_shared>> -> memref<10240x80xf32, #tpu.memory_space<vmem_shared>>
      tpu.wait_indirect_dma semaphore(%arg17 : memref<!tpu.dma_semaphore, #tpu.memory_space<semaphore_mem>>) src(%dma_wait3A_769 : memref<10240x80xf32, #tpu.memory_space<vmem_shared>>) dst(%dma_wait3A_763 : memref<128x80xf32, #tpu.memory_space<vmem>>)
      %dma_start3A_770 = arith.constant 1 : i32
      %dma_start3A_771 = arith.constant 1 : i32
      %dma_start3A_772 = arith.constant 0 : i32
      %dma_start3A_773 = arith.constant 0 : i32
      %dma_start3A_774 = arith.constant 0 : i32
      %dma_start3A_775 = tpu.memref_slice %arg9[%dma_start3A_770, %dma_start3A_773, %dma_start3A_774] : memref<2x128x80xf32, #tpu.memory_space<vmem>> -> memref<1x128x80xf32, #tpu.memory_space<vmem>>
      %dma_start3A_776 = tpu.memref_squeeze %dma_start3A_775 : memref<1x128x80xf32, #tpu.memory_space<vmem>> -> memref<128x80xf32, #tpu.memory_space<vmem>>
      %dma_start3A_777 = arith.constant 0 : i32
      %dma_start3A_778 = tpu.memref_slice %arg8[%dma_start3A_771, %dma_start3A_772, %dma_start3A_777] : memref<4x1x128xi32, #tpu.memory_space<vmem>> -> memref<1x1x128xi32, #tpu.memory_space<vmem>>
      %dma_start3A_779 = tpu.memref_squeeze %dma_start3A_778 : memref<1x1x128xi32, #tpu.memory_space<vmem>> -> memref<128xi32, #tpu.memory_space<vmem>>
      %dma_start3A_780 = arith.constant 0 : i32
      %dma_start3A_781 = arith.constant 0 : i32
      %dma_start3A_782 = tpu.memref_slice %arg11[%dma_start3A_780, %dma_start3A_781] : memref<10240x80xf32, #tpu.memory_space<vmem_shared>> -> memref<10240x80xf32, #tpu.memory_space<vmem_shared>>
      tpu.enqueue_indirect_dma source(%dma_start3A_776 : memref<128x80xf32, #tpu.memory_space<vmem>>) target(%dma_start3A_782 : memref<10240x80xf32, #tpu.memory_space<vmem_shared>>) offsets(%dma_start3A_779 : memref<128xi32, #tpu.memory_space<vmem>>) semaphore(%arg19 : memref<!tpu.dma_semaphore, #tpu.memory_space<semaphore_mem>>) {add = true}
      %add3A_783 = arith.constant 3 : i32
      %add3A_784 = arith.addi %add3A_518, %add3A_783 : i32
      %dma_wait3A_785 = arith.constant 1 : i32
      %dma_wait3A_786 = arith.constant 1 : i32
      %dma_wait3A_787 = arith.constant 0 : i32
      %dma_wait3A_788 = arith.constant 0 : i32
      %dma_wait3A_789 = arith.constant 0 : i32
      %dma_wait3A_790 = tpu.memref_slice %arg9[%dma_wait3A_785, %dma_wait3A_788, %dma_wait3A_789] : memref<2x128x80xf32, #tpu.memory_space<vmem>> -> memref<1x128x80xf32, #tpu.memory_space<vmem>>
      %dma_wait3A_791 = tpu.memref_squeeze %dma_wait3A_790 : memref<1x128x80xf32, #tpu.memory_space<vmem>> -> memref<128x80xf32, #tpu.memory_space<vmem>>
      %dma_wait3A_792 = arith.constant 0 : i32
      %dma_wait3A_793 = tpu.memref_slice %arg8[%dma_wait3A_786, %dma_wait3A_787, %dma_wait3A_792] : memref<4x1x128xi32, #tpu.memory_space<vmem>> -> memref<1x1x128xi32, #tpu.memory_space<vmem>>
      %dma_wait3A_794 = tpu.memref_squeeze %dma_wait3A_793 : memref<1x1x128xi32, #tpu.memory_space<vmem>> -> memref<128xi32, #tpu.memory_space<vmem>>
      %dma_wait3A_795 = arith.constant 0 : i32
      %dma_wait3A_796 = arith.constant 0 : i32
      %dma_wait3A_797 = tpu.memref_slice %arg11[%dma_wait3A_795, %dma_wait3A_796] : memref<10240x80xf32, #tpu.memory_space<vmem_shared>> -> memref<10240x80xf32, #tpu.memory_space<vmem_shared>>
      tpu.wait_indirect_dma semaphore(%arg19 : memref<!tpu.dma_semaphore, #tpu.memory_space<semaphore_mem>>) src(%dma_wait3A_791 : memref<128x80xf32, #tpu.memory_space<vmem>>) dst(%dma_wait3A_797 : memref<10240x80xf32, #tpu.memory_space<vmem_shared>>)
      %add3A_798 = arith.addi %mul3A_0, %add3A_784 : i32
      %dma_wait3A_799 = arith.constant 3 : i32
      %dma_wait3A_800 = arith.constant 0 : i32
      %dma_wait3A_801 = arith.constant 0 : i32
      %dma_wait3A_802 = tpu.memref_slice %arg7[%dma_wait3A_799, %dma_wait3A_800, %dma_wait3A_801] : memref<4x1x128xi32, #tpu.memory_space<vmem>> -> memref<1x1x128xi32, #tpu.memory_space<vmem>>
      %dma_wait3A_803 = tpu.memref_squeeze %dma_wait3A_802 : memref<1x1x128xi32, #tpu.memory_space<vmem>> -> memref<1x128xi32, #tpu.memory_space<vmem>>
      %dma_wait3A_804 = arith.constant 0 : i32
      %dma_wait3A_805 = tpu.memref_slice %arg3[%add3A_798, %dma_wait3A_804] : memref<2560x128xi32, #tpu.memory_space<hbm>> -> memref<1x128xi32, #tpu.memory_space<hbm>>
      %dma_wait3A_806 = arith.constant 0 : i32
      %dma_wait3A_807 = arith.constant 0 : i32
      %dma_wait3A_808 = tpu.memref_slice %arg7[%dma_wait3A_799, %dma_wait3A_806, %dma_wait3A_807] : memref<4x1x128xi32, #tpu.memory_space<vmem>> -> memref<1x1x128xi32, #tpu.memory_space<vmem>>
      %dma_wait3A_809 = tpu.memref_squeeze %dma_wait3A_808 : memref<1x1x128xi32, #tpu.memory_space<vmem>> -> memref<1x128xi32, #tpu.memory_space<vmem>>
      %dma_wait3A_810 = arith.constant 0 : i32
      %dma_wait3A_811 = tpu.memref_slice %arg3[%add3A_798, %dma_wait3A_810] : memref<2560x128xi32, #tpu.memory_space<hbm>> -> memref<1x128xi32, #tpu.memory_space<hbm>>
      tpu.wait_dma2 semaphore(%arg15 : memref<!tpu.dma_semaphore, #tpu.memory_space<semaphore_mem>>) src(%dma_wait3A_811 : memref<1x128xi32, #tpu.memory_space<hbm>>) dst(%dma_wait3A_809 : memref<1x128xi32, #tpu.memory_space<vmem>>)
      %add3A_812 = arith.addi %mul3A_0, %add3A_784 : i32
      %dma_wait3A_813 = arith.constant 3 : i32
      %dma_wait3A_814 = arith.constant 0 : i32
      %dma_wait3A_815 = arith.constant 0 : i32
      %dma_wait3A_816 = tpu.memref_slice %arg8[%dma_wait3A_813, %dma_wait3A_814, %dma_wait3A_815] : memref<4x1x128xi32, #tpu.memory_space<vmem>> -> memref<1x1x128xi32, #tpu.memory_space<vmem>>
      %dma_wait3A_817 = tpu.memref_squeeze %dma_wait3A_816 : memref<1x1x128xi32, #tpu.memory_space<vmem>> -> memref<1x128xi32, #tpu.memory_space<vmem>>
      %dma_wait3A_818 = arith.constant 0 : i32
      %dma_wait3A_819 = tpu.memref_slice %arg4[%add3A_812, %dma_wait3A_818] : memref<2560x128xi32, #tpu.memory_space<hbm>> -> memref<1x128xi32, #tpu.memory_space<hbm>>
      %dma_wait3A_820 = arith.constant 0 : i32
      %dma_wait3A_821 = arith.constant 0 : i32
      %dma_wait3A_822 = tpu.memref_slice %arg8[%dma_wait3A_813, %dma_wait3A_820, %dma_wait3A_821] : memref<4x1x128xi32, #tpu.memory_space<vmem>> -> memref<1x1x128xi32, #tpu.memory_space<vmem>>
      %dma_wait3A_823 = tpu.memref_squeeze %dma_wait3A_822 : memref<1x1x128xi32, #tpu.memory_space<vmem>> -> memref<1x128xi32, #tpu.memory_space<vmem>>
      %dma_wait3A_824 = arith.constant 0 : i32
      %dma_wait3A_825 = tpu.memref_slice %arg4[%add3A_812, %dma_wait3A_824] : memref<2560x128xi32, #tpu.memory_space<hbm>> -> memref<1x128xi32, #tpu.memory_space<hbm>>
      tpu.wait_dma2 semaphore(%arg15 : memref<!tpu.dma_semaphore, #tpu.memory_space<semaphore_mem>>) src(%dma_wait3A_825 : memref<1x128xi32, #tpu.memory_space<hbm>>) dst(%dma_wait3A_823 : memref<1x128xi32, #tpu.memory_space<vmem>>)
      %dma_start3A_826 = arith.constant 3 : i32
      %dma_start3A_827 = arith.constant 0 : i32
      %dma_start3A_828 = arith.constant 1 : i32
      %dma_start3A_829 = arith.constant 0 : i32
      %dma_start3A_830 = arith.constant 0 : i32
      %dma_start3A_831 = tpu.memref_slice %arg9[%dma_start3A_828, %dma_start3A_829, %dma_start3A_830] : memref<2x128x80xf32, #tpu.memory_space<vmem>> -> memref<1x128x80xf32, #tpu.memory_space<vmem>>
      %dma_start3A_832 = tpu.memref_squeeze %dma_start3A_831 : memref<1x128x80xf32, #tpu.memory_space<vmem>> -> memref<128x80xf32, #tpu.memory_space<vmem>>
      %dma_start3A_833 = arith.constant 0 : i32
      %dma_start3A_834 = tpu.memref_slice %arg7[%dma_start3A_826, %dma_start3A_827, %dma_start3A_833] : memref<4x1x128xi32, #tpu.memory_space<vmem>> -> memref<1x1x128xi32, #tpu.memory_space<vmem>>
      %dma_start3A_835 = tpu.memref_squeeze %dma_start3A_834 : memref<1x1x128xi32, #tpu.memory_space<vmem>> -> memref<128xi32, #tpu.memory_space<vmem>>
      %dma_start3A_836 = arith.constant 0 : i32
      %dma_start3A_837 = arith.constant 0 : i32
      %dma_start3A_838 = tpu.memref_slice %arg10[%dma_start3A_836, %dma_start3A_837] : memref<10240x80xf32, #tpu.memory_space<vmem_shared>> -> memref<10240x80xf32, #tpu.memory_space<vmem_shared>>
      tpu.enqueue_indirect_dma source(%dma_start3A_838 : memref<10240x80xf32, #tpu.memory_space<vmem_shared>>) target(%dma_start3A_832 : memref<128x80xf32, #tpu.memory_space<vmem>>) offsets(%dma_start3A_835 : memref<128xi32, #tpu.memory_space<vmem>>) semaphore(%arg17 : memref<!tpu.dma_semaphore, #tpu.memory_space<semaphore_mem>>)
      %add3A_839 = arith.constant 2 : i32
      %add3A_840 = arith.addi %add3A_784, %add3A_839 : i32
      %lt3A_841 = arith.constant 160 : i32
      %lt3A_842 = arith.cmpi slt, %add3A_840, %lt3A_841 : i32
      %convert_element_type3A_843 = arith.extui %lt3A_842 : i1 to i32
      %cond3A_844 = arith.constant 0 : i32
      %cond3A_845 = arith.cmpi ne, %convert_element_type3A_843, %cond3A_844 : i32
      scf.if %cond3A_845 {
        %add3A_872 = arith.constant 2 : i32
        %add3A_873 = arith.addi %add3A_784, %add3A_872 : i32
        %add3A_874 = arith.addi %mul3A_0, %add3A_873 : i32
        %dma_start3A_875 = arith.constant 1 : i32
        %dma_start3A_876 = arith.constant 0 : i32
        %dma_start3A_877 = arith.constant 0 : i32
        %dma_start3A_878 = tpu.memref_slice %arg7[%dma_start3A_875, %dma_start3A_876, %dma_start3A_877] : memref<4x1x128xi32, #tpu.memory_space<vmem>> -> memref<1x1x128xi32, #tpu.memory_space<vmem>>
        %dma_start3A_879 = tpu.memref_squeeze %dma_start3A_878 : memref<1x1x128xi32, #tpu.memory_space<vmem>> -> memref<1x128xi32, #tpu.memory_space<vmem>>
        %dma_start3A_880 = arith.constant 0 : i32
        %dma_start3A_881 = tpu.memref_slice %arg3[%add3A_874, %dma_start3A_880] : memref<2560x128xi32, #tpu.memory_space<hbm>> -> memref<1x128xi32, #tpu.memory_space<hbm>>
        %dma_start3A_882 = arith.constant 0 : i32
        %dma_start3A_883 = arith.constant 0 : i32
        %dma_start3A_884 = tpu.memref_slice %arg7[%dma_start3A_875, %dma_start3A_882, %dma_start3A_883] : memref<4x1x128xi32, #tpu.memory_space<vmem>> -> memref<1x1x128xi32, #tpu.memory_space<vmem>>
        %dma_start3A_885 = tpu.memref_squeeze %dma_start3A_884 : memref<1x1x128xi32, #tpu.memory_space<vmem>> -> memref<1x128xi32, #tpu.memory_space<vmem>>
        %dma_start3A_886 = arith.constant 0 : i32
        %dma_start3A_887 = tpu.memref_slice %arg3[%add3A_874, %dma_start3A_886] : memref<2560x128xi32, #tpu.memory_space<hbm>> -> memref<1x128xi32, #tpu.memory_space<hbm>>
        tpu.enqueue_dma source(%dma_start3A_887 : memref<1x128xi32, #tpu.memory_space<hbm>>) target(%dma_start3A_885 : memref<1x128xi32, #tpu.memory_space<vmem>>) target_semaphore(%arg13 : memref<!tpu.dma_semaphore, #tpu.memory_space<semaphore_mem>>)
        %add3A_888 = arith.addi %mul3A_0, %add3A_873 : i32
        %dma_start3A_889 = arith.constant 1 : i32
        %dma_start3A_890 = arith.constant 0 : i32
        %dma_start3A_891 = arith.constant 0 : i32
        %dma_start3A_892 = tpu.memref_slice %arg8[%dma_start3A_889, %dma_start3A_890, %dma_start3A_891] : memref<4x1x128xi32, #tpu.memory_space<vmem>> -> memref<1x1x128xi32, #tpu.memory_space<vmem>>
        %dma_start3A_893 = tpu.memref_squeeze %dma_start3A_892 : memref<1x1x128xi32, #tpu.memory_space<vmem>> -> memref<1x128xi32, #tpu.memory_space<vmem>>
        %dma_start3A_894 = arith.constant 0 : i32
        %dma_start3A_895 = tpu.memref_slice %arg4[%add3A_888, %dma_start3A_894] : memref<2560x128xi32, #tpu.memory_space<hbm>> -> memref<1x128xi32, #tpu.memory_space<hbm>>
        %dma_start3A_896 = arith.constant 0 : i32
        %dma_start3A_897 = arith.constant 0 : i32
        %dma_start3A_898 = tpu.memref_slice %arg8[%dma_start3A_889, %dma_start3A_896, %dma_start3A_897] : memref<4x1x128xi32, #tpu.memory_space<vmem>> -> memref<1x1x128xi32, #tpu.memory_space<vmem>>
        %dma_start3A_899 = tpu.memref_squeeze %dma_start3A_898 : memref<1x1x128xi32, #tpu.memory_space<vmem>> -> memref<1x128xi32, #tpu.memory_space<vmem>>
        %dma_start3A_900 = arith.constant 0 : i32
        %dma_start3A_901 = tpu.memref_slice %arg4[%add3A_888, %dma_start3A_900] : memref<2560x128xi32, #tpu.memory_space<hbm>> -> memref<1x128xi32, #tpu.memory_space<hbm>>
        tpu.enqueue_dma source(%dma_start3A_901 : memref<1x128xi32, #tpu.memory_space<hbm>>) target(%dma_start3A_899 : memref<1x128xi32, #tpu.memory_space<vmem>>) target_semaphore(%arg13 : memref<!tpu.dma_semaphore, #tpu.memory_space<semaphore_mem>>)
      } else {
      }
      %dma_wait3A_846 = arith.constant 2 : i32
      %dma_wait3A_847 = arith.constant 0 : i32
      %dma_wait3A_848 = arith.constant 0 : i32
      %dma_wait3A_849 = arith.constant 0 : i32
      %dma_wait3A_850 = arith.constant 0 : i32
      %dma_wait3A_851 = tpu.memref_slice %arg9[%dma_wait3A_848, %dma_wait3A_849, %dma_wait3A_850] : memref<2x128x80xf32, #tpu.memory_space<vmem>> -> memref<1x128x80xf32, #tpu.memory_space<vmem>>
      %dma_wait3A_852 = tpu.memref_squeeze %dma_wait3A_851 : memref<1x128x80xf32, #tpu.memory_space<vmem>> -> memref<128x80xf32, #tpu.memory_space<vmem>>
      %dma_wait3A_853 = arith.constant 0 : i32
      %dma_wait3A_854 = tpu.memref_slice %arg7[%dma_wait3A_846, %dma_wait3A_847, %dma_wait3A_853] : memref<4x1x128xi32, #tpu.memory_space<vmem>> -> memref<1x1x128xi32, #tpu.memory_space<vmem>>
      %dma_wait3A_855 = tpu.memref_squeeze %dma_wait3A_854 : memref<1x1x128xi32, #tpu.memory_space<vmem>> -> memref<128xi32, #tpu.memory_space<vmem>>
      %dma_wait3A_856 = arith.constant 0 : i32
      %dma_wait3A_857 = arith.constant 0 : i32
      %dma_wait3A_858 = tpu.memref_slice %arg10[%dma_wait3A_856, %dma_wait3A_857] : memref<10240x80xf32, #tpu.memory_space<vmem_shared>> -> memref<10240x80xf32, #tpu.memory_space<vmem_shared>>
      tpu.wait_indirect_dma semaphore(%arg16 : memref<!tpu.dma_semaphore, #tpu.memory_space<semaphore_mem>>) src(%dma_wait3A_858 : memref<10240x80xf32, #tpu.memory_space<vmem_shared>>) dst(%dma_wait3A_852 : memref<128x80xf32, #tpu.memory_space<vmem>>)
      %dma_start3A_859 = arith.constant 0 : i32
      %dma_start3A_860 = arith.constant 2 : i32
      %dma_start3A_861 = arith.constant 0 : i32
      %dma_start3A_862 = arith.constant 0 : i32
      %dma_start3A_863 = arith.constant 0 : i32
      %dma_start3A_864 = tpu.memref_slice %arg9[%dma_start3A_859, %dma_start3A_862, %dma_start3A_863] : memref<2x128x80xf32, #tpu.memory_space<vmem>> -> memref<1x128x80xf32, #tpu.memory_space<vmem>>
      %dma_start3A_865 = tpu.memref_squeeze %dma_start3A_864 : memref<1x128x80xf32, #tpu.memory_space<vmem>> -> memref<128x80xf32, #tpu.memory_space<vmem>>
      %dma_start3A_866 = arith.constant 0 : i32
      %dma_start3A_867 = tpu.memref_slice %arg8[%dma_start3A_860, %dma_start3A_861, %dma_start3A_866] : memref<4x1x128xi32, #tpu.memory_space<vmem>> -> memref<1x1x128xi32, #tpu.memory_space<vmem>>
      %dma_start3A_868 = tpu.memref_squeeze %dma_start3A_867 : memref<1x1x128xi32, #tpu.memory_space<vmem>> -> memref<128xi32, #tpu.memory_space<vmem>>
      %dma_start3A_869 = arith.constant 0 : i32
      %dma_start3A_870 = arith.constant 0 : i32
      %dma_start3A_871 = tpu.memref_slice %arg11[%dma_start3A_869, %dma_start3A_870] : memref<10240x80xf32, #tpu.memory_space<vmem_shared>> -> memref<10240x80xf32, #tpu.memory_space<vmem_shared>>
      tpu.enqueue_indirect_dma source(%dma_start3A_865 : memref<128x80xf32, #tpu.memory_space<vmem>>) target(%dma_start3A_871 : memref<10240x80xf32, #tpu.memory_space<vmem_shared>>) offsets(%dma_start3A_868 : memref<128xi32, #tpu.memory_space<vmem>>) semaphore(%arg18 : memref<!tpu.dma_semaphore, #tpu.memory_space<semaphore_mem>>) {add = true}
    }
    %scan3A_460 = arith.constant 39 : i32
    %dma_wait3A_461 = arith.constant 3 : i32
    %dma_wait3A_462 = arith.constant 0 : i32
    %dma_wait3A_463 = arith.constant 1 : i32
    %dma_wait3A_464 = arith.constant 0 : i32
    %dma_wait3A_465 = arith.constant 0 : i32
    %dma_wait3A_466 = tpu.memref_slice %arg9[%dma_wait3A_463, %dma_wait3A_464, %dma_wait3A_465] : memref<2x128x80xf32, #tpu.memory_space<vmem>> -> memref<1x128x80xf32, #tpu.memory_space<vmem>>
    %dma_wait3A_467 = tpu.memref_squeeze %dma_wait3A_466 : memref<1x128x80xf32, #tpu.memory_space<vmem>> -> memref<128x80xf32, #tpu.memory_space<vmem>>
    %dma_wait3A_468 = arith.constant 0 : i32
    %dma_wait3A_469 = tpu.memref_slice %arg7[%dma_wait3A_461, %dma_wait3A_462, %dma_wait3A_468] : memref<4x1x128xi32, #tpu.memory_space<vmem>> -> memref<1x1x128xi32, #tpu.memory_space<vmem>>
    %dma_wait3A_470 = tpu.memref_squeeze %dma_wait3A_469 : memref<1x1x128xi32, #tpu.memory_space<vmem>> -> memref<128xi32, #tpu.memory_space<vmem>>
    %dma_wait3A_471 = arith.constant 0 : i32
    %dma_wait3A_472 = arith.constant 0 : i32
    %dma_wait3A_473 = tpu.memref_slice %arg10[%dma_wait3A_471, %dma_wait3A_472] : memref<10240x80xf32, #tpu.memory_space<vmem_shared>> -> memref<10240x80xf32, #tpu.memory_space<vmem_shared>>
    tpu.wait_indirect_dma semaphore(%arg17 : memref<!tpu.dma_semaphore, #tpu.memory_space<semaphore_mem>>) src(%dma_wait3A_473 : memref<10240x80xf32, #tpu.memory_space<vmem_shared>>) dst(%dma_wait3A_467 : memref<128x80xf32, #tpu.memory_space<vmem>>)
    %dma_start3A_474 = arith.constant 1 : i32
    %dma_start3A_475 = arith.constant 3 : i32
    %dma_start3A_476 = arith.constant 0 : i32
    %dma_start3A_477 = arith.constant 0 : i32
    %dma_start3A_478 = arith.constant 0 : i32
    %dma_start3A_479 = tpu.memref_slice %arg9[%dma_start3A_474, %dma_start3A_477, %dma_start3A_478] : memref<2x128x80xf32, #tpu.memory_space<vmem>> -> memref<1x128x80xf32, #tpu.memory_space<vmem>>
    %dma_start3A_480 = tpu.memref_squeeze %dma_start3A_479 : memref<1x128x80xf32, #tpu.memory_space<vmem>> -> memref<128x80xf32, #tpu.memory_space<vmem>>
    %dma_start3A_481 = arith.constant 0 : i32
    %dma_start3A_482 = tpu.memref_slice %arg8[%dma_start3A_475, %dma_start3A_476, %dma_start3A_481] : memref<4x1x128xi32, #tpu.memory_space<vmem>> -> memref<1x1x128xi32, #tpu.memory_space<vmem>>
    %dma_start3A_483 = tpu.memref_squeeze %dma_start3A_482 : memref<1x1x128xi32, #tpu.memory_space<vmem>> -> memref<128xi32, #tpu.memory_space<vmem>>
    %dma_start3A_484 = arith.constant 0 : i32
    %dma_start3A_485 = arith.constant 0 : i32
    %dma_start3A_486 = tpu.memref_slice %arg11[%dma_start3A_484, %dma_start3A_485] : memref<10240x80xf32, #tpu.memory_space<vmem_shared>> -> memref<10240x80xf32, #tpu.memory_space<vmem_shared>>
    tpu.enqueue_indirect_dma source(%dma_start3A_480 : memref<128x80xf32, #tpu.memory_space<vmem>>) target(%dma_start3A_486 : memref<10240x80xf32, #tpu.memory_space<vmem_shared>>) offsets(%dma_start3A_483 : memref<128xi32, #tpu.memory_space<vmem>>) semaphore(%arg19 : memref<!tpu.dma_semaphore, #tpu.memory_space<semaphore_mem>>) {add = true}
    %dma_wait3A_487 = arith.constant 0 : i32
    %dma_wait3A_488 = arith.constant 2 : i32
    %dma_wait3A_489 = arith.constant 0 : i32
    %dma_wait3A_490 = arith.constant 0 : i32
    %dma_wait3A_491 = arith.constant 0 : i32
    %dma_wait3A_492 = tpu.memref_slice %arg9[%dma_wait3A_487, %dma_wait3A_490, %dma_wait3A_491] : memref<2x128x80xf32, #tpu.memory_space<vmem>> -> memref<1x128x80xf32, #tpu.memory_space<vmem>>
    %dma_wait3A_493 = tpu.memref_squeeze %dma_wait3A_492 : memref<1x128x80xf32, #tpu.memory_space<vmem>> -> memref<128x80xf32, #tpu.memory_space<vmem>>
    %dma_wait3A_494 = arith.constant 0 : i32
    %dma_wait3A_495 = tpu.memref_slice %arg8[%dma_wait3A_488, %dma_wait3A_489, %dma_wait3A_494] : memref<4x1x128xi32, #tpu.memory_space<vmem>> -> memref<1x1x128xi32, #tpu.memory_space<vmem>>
    %dma_wait3A_496 = tpu.memref_squeeze %dma_wait3A_495 : memref<1x1x128xi32, #tpu.memory_space<vmem>> -> memref<128xi32, #tpu.memory_space<vmem>>
    %dma_wait3A_497 = arith.constant 0 : i32
    %dma_wait3A_498 = arith.constant 0 : i32
    %dma_wait3A_499 = tpu.memref_slice %arg11[%dma_wait3A_497, %dma_wait3A_498] : memref<10240x80xf32, #tpu.memory_space<vmem_shared>> -> memref<10240x80xf32, #tpu.memory_space<vmem_shared>>
    tpu.wait_indirect_dma semaphore(%arg18 : memref<!tpu.dma_semaphore, #tpu.memory_space<semaphore_mem>>) src(%dma_wait3A_493 : memref<128x80xf32, #tpu.memory_space<vmem>>) dst(%dma_wait3A_499 : memref<10240x80xf32, #tpu.memory_space<vmem_shared>>)
    %dma_wait3A_500 = arith.constant 1 : i32
    %dma_wait3A_501 = arith.constant 3 : i32
    %dma_wait3A_502 = arith.constant 0 : i32
    %dma_wait3A_503 = arith.constant 0 : i32
    %dma_wait3A_504 = arith.constant 0 : i32
    %dma_wait3A_505 = tpu.memref_slice %arg9[%dma_wait3A_500, %dma_wait3A_503, %dma_wait3A_504] : memref<2x128x80xf32, #tpu.memory_space<vmem>> -> memref<1x128x80xf32, #tpu.memory_space<vmem>>
    %dma_wait3A_506 = tpu.memref_squeeze %dma_wait3A_505 : memref<1x128x80xf32, #tpu.memory_space<vmem>> -> memref<128x80xf32, #tpu.memory_space<vmem>>
    %dma_wait3A_507 = arith.constant 0 : i32
    %dma_wait3A_508 = tpu.memref_slice %arg8[%dma_wait3A_501, %dma_wait3A_502, %dma_wait3A_507] : memref<4x1x128xi32, #tpu.memory_space<vmem>> -> memref<1x1x128xi32, #tpu.memory_space<vmem>>
    %dma_wait3A_509 = tpu.memref_squeeze %dma_wait3A_508 : memref<1x1x128xi32, #tpu.memory_space<vmem>> -> memref<128xi32, #tpu.memory_space<vmem>>
    %dma_wait3A_510 = arith.constant 0 : i32
    %dma_wait3A_511 = arith.constant 0 : i32
    %dma_wait3A_512 = tpu.memref_slice %arg11[%dma_wait3A_510, %dma_wait3A_511] : memref<10240x80xf32, #tpu.memory_space<vmem_shared>> -> memref<10240x80xf32, #tpu.memory_space<vmem_shared>>
    tpu.wait_indirect_dma semaphore(%arg19 : memref<!tpu.dma_semaphore, #tpu.memory_space<semaphore_mem>>) src(%dma_wait3A_506 : memref<128x80xf32, #tpu.memory_space<vmem>>) dst(%dma_wait3A_512 : memref<10240x80xf32, #tpu.memory_space<vmem_shared>>)
    %barrier3A_513 = arith.constant 0 : index
    tpu.barrier barrier_id(%barrier3A_513)
    "tpu.region"() ({
      %run_scoped3A = tpu.sem_alloc : memref<!tpu.dma_semaphore, #tpu.memory_space<semaphore_mem>>
      %dma_start3A_514 = arith.constant 0 : i32
      %dma_start3A_515 = tpu.memref_slice %arg6[%arg0, %mul3A_60, %dma_start3A_514] : memref<2x10240x80xf32, #tpu.memory_space<hbm>> -> memref<1x640x80xf32, #tpu.memory_space<hbm>>
      %dma_start3A_516 = tpu.memref_squeeze %dma_start3A_515 : memref<1x640x80xf32, #tpu.memory_space<hbm>> -> memref<640x80xf32, #tpu.memory_space<hbm>>
      %dma_start3A_517 = arith.constant 0 : i32
      %dma_start3A_518 = tpu.memref_slice %arg11[%mul3A_60, %dma_start3A_517] : memref<10240x80xf32, #tpu.memory_space<vmem_shared>> -> memref<640x80xf32, #tpu.memory_space<vmem_shared>>
      tpu.enqueue_dma source(%dma_start3A_518 : memref<640x80xf32, #tpu.memory_space<vmem_shared>>) target(%dma_start3A_516 : memref<640x80xf32, #tpu.memory_space<hbm>>) target_semaphore(%run_scoped3A : memref<!tpu.dma_semaphore, #tpu.memory_space<semaphore_mem>>)
      %dma_wait3A_519 = arith.constant 0 : i32
      %dma_wait3A_520 = tpu.memref_slice %arg6[%arg0, %mul3A_60, %dma_wait3A_519] : memref<2x10240x80xf32, #tpu.memory_space<hbm>> -> memref<1x640x80xf32, #tpu.memory_space<hbm>>
      %dma_wait3A_521 = tpu.memref_squeeze %dma_wait3A_520 : memref<1x640x80xf32, #tpu.memory_space<hbm>> -> memref<640x80xf32, #tpu.memory_space<hbm>>
      %dma_wait3A_522 = arith.constant 0 : i32
      %dma_wait3A_523 = tpu.memref_slice %arg11[%mul3A_60, %dma_wait3A_522] : memref<10240x80xf32, #tpu.memory_space<vmem_shared>> -> memref<640x80xf32, #tpu.memory_space<vmem_shared>>
      tpu.wait_dma2 semaphore(%run_scoped3A : memref<!tpu.dma_semaphore, #tpu.memory_space<semaphore_mem>>) src(%dma_wait3A_523 : memref<640x80xf32, #tpu.memory_space<vmem_shared>>) dst(%dma_wait3A_521 : memref<640x80xf32, #tpu.memory_space<hbm>>)
      tpu.yield
    }) : () -> ()
    return
  }
}

module attributes {stable_mosaic.version = 14 : i64} {
  func.func @_tc_layer0_body(%arg0: i32, %arg1: memref<2x2048x80xf32, #tpu.memory_space<vmem>>, %arg2: memref<2x2048x80xf32, #tpu.memory_space<vmem>>, %arg3: memref<128x128xf32, #tpu.memory_space<vmem>>, %arg4: memref<1x128xf32, #tpu.memory_space<vmem>>, %arg5: memref<128x128xf32, #tpu.memory_space<vmem>>, %arg6: memref<2x2048x64xf32, #tpu.memory_space<vmem>>) attributes {dimension_semantics = [#tpu.dimension_semantics<arbitrary>], iteration_bounds = array<i64: 5>, scalar_prefetch = 0 : i64, scratch_operands = 0 : i64, tpu.core_type = #tpu.core_type<tc>, window_params = [{transform_indices = @transform_0, window_bounds = array<i64: 2, 2048, 80>}, {transform_indices = @transform_1, window_bounds = array<i64: 2, 2048, 80>}, {pipeline_mode = #tpu.pipeline_mode<synchronous>, transform_indices = @transform_2, window_bounds = array<i64: 128, 128>}, {pipeline_mode = #tpu.pipeline_mode<synchronous>, transform_indices = @transform_3, window_bounds = array<i64: 1, 128>}, {pipeline_mode = #tpu.pipeline_mode<synchronous>, transform_indices = @transform_4, window_bounds = array<i64: 128, 128>}, {transform_indices = @transform_5, window_bounds = array<i64: 2, 2048, 64>}]} {
    %get3A = arith.constant 0 : index
    %get3A_0 = arith.constant 0 : index
    %get3A_1 = arith.constant 0 : index
    %get3A_2 = vector.load %arg1[%get3A, %get3A_0, %get3A_1] : memref<2x2048x80xf32, #tpu.memory_space<vmem>>, vector<2x2048x80xf32>
    %slice3A = vector.extract_strided_slice %get3A_2 {offsets = [0, 0, 0], sizes = [1, 2048, 80], strides = [1, 1, 1]} : vector<2x2048x80xf32> to vector<1x2048x80xf32>
    %squeeze3A = vector.shape_cast %slice3A : vector<1x2048x80xf32> to vector<2048x80xf32>
    %slice3A_3 = vector.extract_strided_slice %get3A_2 {offsets = [1, 0, 0], sizes = [1, 2048, 80], strides = [1, 1, 1]} : vector<2x2048x80xf32> to vector<1x2048x80xf32>
    %squeeze3A_4 = vector.shape_cast %slice3A_3 : vector<1x2048x80xf32> to vector<2048x80xf32>
    %slice3A_5 = vector.extract_strided_slice %squeeze3A_4 {offsets = [0, 0], sizes = [2048, 48], strides = [1, 1]} : vector<2048x80xf32> to vector<2048x48xf32>
    %concatenate3A = tpu.concatenate %squeeze3A, %slice3A_5 in 1 : vector<2048x80xf32>, vector<2048x48xf32> -> vector<2048x128xf32>
    %slice3A_6 = vector.extract_strided_slice %get3A_2 {offsets = [1, 0, 0], sizes = [1, 2048, 80], strides = [1, 1, 1]} : vector<2x2048x80xf32> to vector<1x2048x80xf32>
    %squeeze3A_7 = vector.shape_cast %slice3A_6 : vector<1x2048x80xf32> to vector<2048x80xf32>
    %slice3A_8 = vector.extract_strided_slice %squeeze3A_7 {offsets = [0, 48], sizes = [2048, 1], strides = [1, 1]} : vector<2048x80xf32> to vector<2048x1xf32>
    %max3A = arith.constant 1.000000e+00 : f32
    %max3A_9 = vector.broadcast %max3A : f32 to vector<2048x1xf32>
    %max3A_10 = arith.maximumf %slice3A_8, %max3A_9 : vector<2048x1xf32>
    %div3A = vector.broadcast %max3A_10 : vector<2048x1xf32> to vector<2048x128xf32>
    %div3A_11 = arith.divf %concatenate3A, %div3A : vector<2048x128xf32>
    %get3A_12 = arith.constant 0 : index
    %get3A_13 = arith.constant 0 : index
    %get3A_14 = arith.constant 0 : index
    %get3A_15 = vector.load %arg2[%get3A_12, %get3A_13, %get3A_14] : memref<2x2048x80xf32, #tpu.memory_space<vmem>>, vector<2x2048x80xf32>
    %slice3A_16 = vector.extract_strided_slice %get3A_15 {offsets = [0, 0, 0], sizes = [1, 2048, 80], strides = [1, 1, 1]} : vector<2x2048x80xf32> to vector<1x2048x80xf32>
    %squeeze3A_17 = vector.shape_cast %slice3A_16 : vector<1x2048x80xf32> to vector<2048x80xf32>
    %slice3A_18 = vector.extract_strided_slice %get3A_15 {offsets = [1, 0, 0], sizes = [1, 2048, 80], strides = [1, 1, 1]} : vector<2x2048x80xf32> to vector<1x2048x80xf32>
    %squeeze3A_19 = vector.shape_cast %slice3A_18 : vector<1x2048x80xf32> to vector<2048x80xf32>
    %slice3A_20 = vector.extract_strided_slice %squeeze3A_19 {offsets = [0, 0], sizes = [2048, 48], strides = [1, 1]} : vector<2048x80xf32> to vector<2048x48xf32>
    %concatenate3A_21 = tpu.concatenate %squeeze3A_17, %slice3A_20 in 1 : vector<2048x80xf32>, vector<2048x48xf32> -> vector<2048x128xf32>
    %get3A_22 = arith.constant 0 : index
    %get3A_23 = arith.constant 0 : index
    %get3A_24 = vector.load %arg3[%get3A_22, %get3A_23] : memref<128x128xf32, #tpu.memory_space<vmem>>, vector<128x128xf32>
    %dot_general3A = arith.constant dense<0.000000e+00> : vector<2048x128xf32>
    %dot_general3A_25 = tpu.matmul %div3A_11, %get3A_24, %dot_general3A {dimension_numbers = #tpu.dot_dimension_numbers<[1], [0], [0], [1], [0, 0, 1, 1], [], []>, transpose_lhs_hint = false} : vector<2048x128xf32>, vector<128x128xf32>, vector<2048x128xf32> -> vector<2048x128xf32>
    %get3A_26 = arith.constant 0 : index
    %get3A_27 = arith.constant 0 : index
    %get3A_28 = vector.load %arg4[%get3A_26, %get3A_27] : memref<1x128xf32, #tpu.memory_space<vmem>>, vector<1x128xf32>
    %add3A = vector.broadcast %get3A_28 : vector<1x128xf32> to vector<2048x128xf32>
    %add3A_29 = arith.addf %dot_general3A_25, %add3A : vector<2048x128xf32>
    %get3A_30 = arith.constant 0 : index
    %get3A_31 = arith.constant 0 : index
    %get3A_32 = vector.load %arg5[%get3A_30, %get3A_31] : memref<128x128xf32, #tpu.memory_space<vmem>>, vector<128x128xf32>
    %dot_general3A_33 = arith.constant dense<0.000000e+00> : vector<2048x128xf32>
    %dot_general3A_34 = tpu.matmul %concatenate3A_21, %get3A_32, %dot_general3A_33 {dimension_numbers = #tpu.dot_dimension_numbers<[1], [0], [0], [1], [0, 0, 1, 1], [], []>, transpose_lhs_hint = false} : vector<2048x128xf32>, vector<128x128xf32>, vector<2048x128xf32> -> vector<2048x128xf32>
    %add3A_35 = arith.addf %add3A_29, %dot_general3A_34 : vector<2048x128xf32>
    %max3A_36 = arith.constant 0.000000e+00 : f32
    %max3A_37 = vector.broadcast %max3A_36 : f32 to vector<2048x128xf32>
    %max3A_38 = arith.maximumf %add3A_35, %max3A_37 : vector<2048x128xf32>
    %mul3A = arith.constant 2048 : i32
    %mul3A_39 = arith.muli %arg0, %mul3A : i32
    %iota3A = tpu.iota {dimensions = array<i32: 0>} : vector<2048x1xi32>
    %add3A_40 = vector.broadcast %mul3A_39 : i32 to vector<2048x1xi32>
    %add3A_41 = arith.addi %add3A_40, %iota3A : vector<2048x1xi32>
    %lt3A = arith.constant 10000 : i32
    %lt3A_42 = vector.broadcast %lt3A : i32 to vector<2048x1xi32>
    %lt3A_43 = arith.cmpi slt, %add3A_41, %lt3A_42 : vector<2048x1xi32>
    %slice3A_44 = vector.extract_strided_slice %max3A_38 {offsets = [0, 0], sizes = [2048, 64], strides = [1, 1]} : vector<2048x128xf32> to vector<2048x64xf32>
    %jit3A = arith.constant 0.000000e+00 : f32
    %broadcast_in_dim3A = vector.shape_cast %lt3A_43 : vector<2048x1xi1> to vector<2048x1xi1>
    %broadcast_in_dim3A_45 = vector.broadcast %broadcast_in_dim3A : vector<2048x1xi1> to vector<2048x64xi1>
    %broadcast_in_dim3A_46 = vector.broadcast %jit3A : f32 to vector<2048x64xf32>
    %select_n3A = arith.select %broadcast_in_dim3A_45, %slice3A_44, %broadcast_in_dim3A_46 : vector<2048x64xi1>, vector<2048x64xf32>
    %slice3A_47 = vector.extract_strided_slice %max3A_38 {offsets = [0, 64], sizes = [2048, 64], strides = [1, 1]} : vector<2048x128xf32> to vector<2048x64xf32>
    %jit3A_48 = arith.constant 0.000000e+00 : f32
    %broadcast_in_dim3A_49 = vector.shape_cast %lt3A_43 : vector<2048x1xi1> to vector<2048x1xi1>
    %broadcast_in_dim3A_50 = vector.broadcast %broadcast_in_dim3A_49 : vector<2048x1xi1> to vector<2048x64xi1>
    %broadcast_in_dim3A_51 = vector.broadcast %jit3A_48 : f32 to vector<2048x64xf32>
    %select_n3A_52 = arith.select %broadcast_in_dim3A_50, %slice3A_47, %broadcast_in_dim3A_51 : vector<2048x64xi1>, vector<2048x64xf32>
    %stack3A = vector.shape_cast %select_n3A : vector<2048x64xf32> to vector<1x2048x64xf32>
    %stack3A_53 = vector.shape_cast %select_n3A_52 : vector<2048x64xf32> to vector<1x2048x64xf32>
    %stack3A_54 = tpu.concatenate %stack3A, %stack3A_53 in 0 : vector<1x2048x64xf32>, vector<1x2048x64xf32> -> vector<2x2048x64xf32>
    %swap3A = arith.constant 0 : index
    %swap3A_55 = arith.constant 0 : index
    %swap3A_56 = arith.constant 0 : index
    %swap3A_57 = vector.load %arg6[%swap3A, %swap3A_55, %swap3A_56] : memref<2x2048x64xf32, #tpu.memory_space<vmem>>, vector<2x2048x64xf32>
    tpu.vector_store %arg6[%swap3A, %swap3A_55, %swap3A_56], %stack3A_54 {strides = array<i32>} : memref<2x2048x64xf32, #tpu.memory_space<vmem>>, vector<2x2048x64xf32>,
    return
  }
  func.func @transform_0(%arg0: i32) -> (i32, i32, i32) {
    %c0_i32 = arith.constant 0 : i32
    %c0_i32_0 = arith.constant 0 : i32
    %c0_i32_1 = arith.constant 0 : i32
    return %c0_i32, %arg0, %c0_i32_0 : i32, i32, i32
  }
  func.func @transform_1(%arg0: i32) -> (i32, i32, i32) {
    %c0_i32 = arith.constant 0 : i32
    %c0_i32_0 = arith.constant 0 : i32
    %c0_i32_1 = arith.constant 0 : i32
    return %c0_i32, %arg0, %c0_i32_0 : i32, i32, i32
  }
  func.func @transform_2(%arg0: i32) -> (i32, i32) {
    %c0_i32 = arith.constant 0 : i32
    %c0_i32_0 = arith.constant 0 : i32
    %c0_i32_1 = arith.constant 0 : i32
    return %c0_i32, %c0_i32_0 : i32, i32
  }
  func.func @transform_3(%arg0: i32) -> (i32, i32) {
    %c0_i32 = arith.constant 0 : i32
    %c0_i32_0 = arith.constant 0 : i32
    %c0_i32_1 = arith.constant 0 : i32
    return %c0_i32, %c0_i32_0 : i32, i32
  }
  func.func @transform_4(%arg0: i32) -> (i32, i32) {
    %c0_i32 = arith.constant 0 : i32
    %c0_i32_0 = arith.constant 0 : i32
    %c0_i32_1 = arith.constant 0 : i32
    return %c0_i32, %c0_i32_0 : i32, i32
  }
  func.func @transform_5(%arg0: i32) -> (i32, i32, i32) {
    %c0_i32 = arith.constant 0 : i32
    %c0_i32_0 = arith.constant 0 : i32
    %c0_i32_1 = arith.constant 0 : i32
    return %c0_i32, %arg0, %c0_i32_0 : i32, i32, i32
  }
}

module attributes {stable_mosaic.version = 14 : i64} {
  func.func @_tc_layer1_body(%arg0: i32, %arg1: memref<2x2048x64xf32, #tpu.memory_space<vmem>>, %arg2: memref<2x2048x80xf32, #tpu.memory_space<vmem>>, %arg3: memref<2x2048x64xf32, #tpu.memory_space<vmem>>, %arg4: memref<128x128xf32, #tpu.memory_space<vmem>>, %arg5: memref<1x128xf32, #tpu.memory_space<vmem>>, %arg6: memref<128x128xf32, #tpu.memory_space<vmem>>, %arg7: memref<128x128xf32, #tpu.memory_space<vmem>>, %arg8: memref<1x128xf32, #tpu.memory_space<vmem>>, %arg9: memref<2048x128xf32, #tpu.memory_space<vmem>>) attributes {dimension_semantics = [#tpu.dimension_semantics<arbitrary>], iteration_bounds = array<i64: 5>, scalar_prefetch = 0 : i64, scratch_operands = 0 : i64, tpu.core_type = #tpu.core_type<tc>, window_params = [{transform_indices = @transform_0, window_bounds = array<i64: 2, 2048, 64>}, {transform_indices = @transform_1, window_bounds = array<i64: 2, 2048, 80>}, {transform_indices = @transform_2, window_bounds = array<i64: 2, 2048, 64>}, {pipeline_mode = #tpu.pipeline_mode<synchronous>, transform_indices = @transform_3, window_bounds = array<i64: 128, 128>}, {pipeline_mode = #tpu.pipeline_mode<synchronous>, transform_indices = @transform_4, window_bounds = array<i64: 1, 128>}, {pipeline_mode = #tpu.pipeline_mode<synchronous>, transform_indices = @transform_5, window_bounds = array<i64: 128, 128>}, {pipeline_mode = #tpu.pipeline_mode<synchronous>, transform_indices = @transform_6, window_bounds = array<i64: 128, 128>}, {pipeline_mode = #tpu.pipeline_mode<synchronous>, transform_indices = @transform_7, window_bounds = array<i64: 1, 128>}, {transform_indices = @transform_8, window_bounds = array<i64: 2048, 128>}]} {
    %get3A = arith.constant 0 : index
    %get3A_0 = arith.constant 0 : index
    %get3A_1 = arith.constant 0 : index
    %get3A_2 = vector.load %arg1[%get3A, %get3A_0, %get3A_1] : memref<2x2048x64xf32, #tpu.memory_space<vmem>>, vector<1x2048x64xf32>
    %get3A_3 = vector.shape_cast %get3A_2 : vector<1x2048x64xf32> to vector<2048x64xf32>
    %get3A_4 = arith.constant 1 : index
    %get3A_5 = arith.constant 0 : index
    %get3A_6 = arith.constant 0 : index
    %get3A_7 = vector.load %arg1[%get3A_4, %get3A_5, %get3A_6] : memref<2x2048x64xf32, #tpu.memory_space<vmem>>, vector<1x2048x64xf32>
    %get3A_8 = vector.shape_cast %get3A_7 : vector<1x2048x64xf32> to vector<2048x64xf32>
    %concatenate3A = tpu.concatenate %get3A_3, %get3A_8 in 1 : vector<2048x64xf32>, vector<2048x64xf32> -> vector<2048x128xf32>
    %get3A_9 = arith.constant 1 : index
    %get3A_10 = arith.constant 0 : index
    %get3A_11 = arith.constant 0 : index
    %get3A_12 = vector.load %arg2[%get3A_9, %get3A_10, %get3A_11] : memref<2x2048x80xf32, #tpu.memory_space<vmem>>, vector<1x2048x80xf32>
    %get3A_13 = vector.shape_cast %get3A_12 : vector<1x2048x80xf32> to vector<2048x80xf32>
    %slice3A = vector.extract_strided_slice %get3A_13 {offsets = [0, 48], sizes = [2048, 1], strides = [1, 1]} : vector<2048x80xf32> to vector<2048x1xf32>
    %max3A = arith.constant 1.000000e+00 : f32
    %max3A_14 = vector.broadcast %max3A : f32 to vector<2048x1xf32>
    %max3A_15 = arith.maximumf %slice3A, %max3A_14 : vector<2048x1xf32>
    %div3A = vector.broadcast %max3A_15 : vector<2048x1xf32> to vector<2048x128xf32>
    %div3A_16 = arith.divf %concatenate3A, %div3A : vector<2048x128xf32>
    %get3A_17 = arith.constant 0 : index
    %get3A_18 = arith.constant 0 : index
    %get3A_19 = arith.constant 0 : index
    %get3A_20 = vector.load %arg3[%get3A_17, %get3A_18, %get3A_19] : memref<2x2048x64xf32, #tpu.memory_space<vmem>>, vector<1x2048x64xf32>
    %get3A_21 = vector.shape_cast %get3A_20 : vector<1x2048x64xf32> to vector<2048x64xf32>
    %get3A_22 = arith.constant 1 : index
    %get3A_23 = arith.constant 0 : index
    %get3A_24 = arith.constant 0 : index
    %get3A_25 = vector.load %arg3[%get3A_22, %get3A_23, %get3A_24] : memref<2x2048x64xf32, #tpu.memory_space<vmem>>, vector<1x2048x64xf32>
    %get3A_26 = vector.shape_cast %get3A_25 : vector<1x2048x64xf32> to vector<2048x64xf32>
    %concatenate3A_27 = tpu.concatenate %get3A_21, %get3A_26 in 1 : vector<2048x64xf32>, vector<2048x64xf32> -> vector<2048x128xf32>
    %get3A_28 = arith.constant 0 : index
    %get3A_29 = arith.constant 0 : index
    %get3A_30 = vector.load %arg4[%get3A_28, %get3A_29] : memref<128x128xf32, #tpu.memory_space<vmem>>, vector<128x128xf32>
    %dot_general3A = arith.constant dense<0.000000e+00> : vector<2048x128xf32>
    %dot_general3A_31 = tpu.matmul %div3A_16, %get3A_30, %dot_general3A {dimension_numbers = #tpu.dot_dimension_numbers<[1], [0], [0], [1], [0, 0, 1, 1], [], []>, transpose_lhs_hint = false} : vector<2048x128xf32>, vector<128x128xf32>, vector<2048x128xf32> -> vector<2048x128xf32>
    %get3A_32 = arith.constant 0 : index
    %get3A_33 = arith.constant 0 : index
    %get3A_34 = vector.load %arg5[%get3A_32, %get3A_33] : memref<1x128xf32, #tpu.memory_space<vmem>>, vector<1x128xf32>
    %add3A = vector.broadcast %get3A_34 : vector<1x128xf32> to vector<2048x128xf32>
    %add3A_35 = arith.addf %dot_general3A_31, %add3A : vector<2048x128xf32>
    %get3A_36 = arith.constant 0 : index
    %get3A_37 = arith.constant 0 : index
    %get3A_38 = vector.load %arg6[%get3A_36, %get3A_37] : memref<128x128xf32, #tpu.memory_space<vmem>>, vector<128x128xf32>
    %dot_general3A_39 = arith.constant dense<0.000000e+00> : vector<2048x128xf32>
    %dot_general3A_40 = tpu.matmul %concatenate3A_27, %get3A_38, %dot_general3A_39 {dimension_numbers = #tpu.dot_dimension_numbers<[1], [0], [0], [1], [0, 0, 1, 1], [], []>, transpose_lhs_hint = false} : vector<2048x128xf32>, vector<128x128xf32>, vector<2048x128xf32> -> vector<2048x128xf32>
    %add3A_41 = arith.addf %add3A_35, %dot_general3A_40 : vector<2048x128xf32>
    %max3A_42 = arith.constant 0.000000e+00 : f32
    %max3A_43 = vector.broadcast %max3A_42 : f32 to vector<2048x128xf32>
    %max3A_44 = arith.maximumf %add3A_41, %max3A_43 : vector<2048x128xf32>
    %get3A_45 = arith.constant 0 : index
    %get3A_46 = arith.constant 0 : index
    %get3A_47 = vector.load %arg7[%get3A_45, %get3A_46] : memref<128x128xf32, #tpu.memory_space<vmem>>, vector<128x128xf32>
    %dot_general3A_48 = arith.constant dense<0.000000e+00> : vector<2048x128xf32>
    %dot_general3A_49 = tpu.matmul %max3A_44, %get3A_47, %dot_general3A_48 {dimension_numbers = #tpu.dot_dimension_numbers<[1], [0], [0], [1], [0, 0, 1, 1], [], []>, transpose_lhs_hint = false} : vector<2048x128xf32>, vector<128x128xf32>, vector<2048x128xf32> -> vector<2048x128xf32>
    %get3A_50 = arith.constant 0 : index
    %get3A_51 = arith.constant 0 : index
    %get3A_52 = vector.load %arg8[%get3A_50, %get3A_51] : memref<1x128xf32, #tpu.memory_space<vmem>>, vector<1x128xf32>
    %add3A_53 = vector.broadcast %get3A_52 : vector<1x128xf32> to vector<2048x128xf32>
    %add3A_54 = arith.addf %dot_general3A_49, %add3A_53 : vector<2048x128xf32>
    %swap3A = arith.constant 0 : index
    %swap3A_55 = arith.constant 0 : index
    %swap3A_56 = vector.load %arg9[%swap3A, %swap3A_55] : memref<2048x128xf32, #tpu.memory_space<vmem>>, vector<2048x128xf32>
    tpu.vector_store %arg9[%swap3A, %swap3A_55], %add3A_54 {strides = array<i32>} : memref<2048x128xf32, #tpu.memory_space<vmem>>, vector<2048x128xf32>,
    return
  }
  func.func @transform_0(%arg0: i32) -> (i32, i32, i32) {
    %c0_i32 = arith.constant 0 : i32
    %c0_i32_0 = arith.constant 0 : i32
    %c0_i32_1 = arith.constant 0 : i32
    return %c0_i32, %arg0, %c0_i32_0 : i32, i32, i32
  }
  func.func @transform_1(%arg0: i32) -> (i32, i32, i32) {
    %c0_i32 = arith.constant 0 : i32
    %c0_i32_0 = arith.constant 0 : i32
    %c0_i32_1 = arith.constant 0 : i32
    return %c0_i32, %arg0, %c0_i32_0 : i32, i32, i32
  }
  func.func @transform_2(%arg0: i32) -> (i32, i32, i32) {
    %c0_i32 = arith.constant 0 : i32
    %c0_i32_0 = arith.constant 0 : i32
    %c0_i32_1 = arith.constant 0 : i32
    return %c0_i32, %arg0, %c0_i32_0 : i32, i32, i32
  }
  func.func @transform_3(%arg0: i32) -> (i32, i32) {
    %c0_i32 = arith.constant 0 : i32
    %c0_i32_0 = arith.constant 0 : i32
    %c0_i32_1 = arith.constant 0 : i32
    return %c0_i32, %c0_i32_0 : i32, i32
  }
  func.func @transform_4(%arg0: i32) -> (i32, i32) {
    %c0_i32 = arith.constant 0 : i32
    %c0_i32_0 = arith.constant 0 : i32
    %c0_i32_1 = arith.constant 0 : i32
    return %c0_i32, %c0_i32_0 : i32, i32
  }
  func.func @transform_5(%arg0: i32) -> (i32, i32) {
    %c0_i32 = arith.constant 0 : i32
    %c0_i32_0 = arith.constant 0 : i32
    %c0_i32_1 = arith.constant 0 : i32
    return %c0_i32, %c0_i32_0 : i32, i32
  }
  func.func @transform_6(%arg0: i32) -> (i32, i32) {
    %c0_i32 = arith.constant 0 : i32
    %c0_i32_0 = arith.constant 0 : i32
    %c0_i32_1 = arith.constant 0 : i32
    return %c0_i32, %c0_i32_0 : i32, i32
  }
  func.func @transform_7(%arg0: i32) -> (i32, i32) {
    %c0_i32 = arith.constant 0 : i32
    %c0_i32_0 = arith.constant 0 : i32
    %c0_i32_1 = arith.constant 0 : i32
    return %c0_i32, %c0_i32_0 : i32, i32
  }
  func.func @transform_8(%arg0: i32) -> (i32, i32) {
    %c0_i32 = arith.constant 0 : i32
    %c0_i32_0 = arith.constant 0 : i32
    return %arg0, %c0_i32 : i32, i32
  }
}

</mosaic_0001>

<sc_bundles>
// kernel: sc_agg_w64.3.cloned.1.call-start
scs
__scs_entry_jumppad:
0x0: {  	(pc) =	sbr.rel $0x88, $3  }
0x1: {  	(tag) =	ssettag $0x0;
	lr =	simm.s32 $0x1  }
0x2: {  	[smem:$0x3F97] =	sst lr;
	_ =	strace $0xD0000000  }
0x3: {  	_ = 	snop  }
0x4: {  	_ = 	snop  }
0x5: {  	_ = 	snop  }
0x6: {  	_ = 	snop  }
0x7: {  	_ = 	snop  }
__scs_overlays_trampoline_lowered:
0x8: {  	[smem:$0x3FA6] =	sst s0  }
0x9: {  	[smem:$0x3FA7] =	sst s1  }
0xa: {  	[smem:$0x3FA8] =	sst s2  }
0xb: {  	[smem:$0x3FA9] =	sst s3  }
0xc: {  	[smem:$0x3FAA] =	sst s4  }
0xd: {  	[smem:$0x3FAB] =	sst s5  }
0xe: {  	[smem:$0x3FAC] =	sst s6  }
0xf: {  	[smem:$0x3FAD] =	sst s7  }
0x10: {  	[smem:$0x3FAE] =	sst s8  }
0x11: {  	[smem:$0x3FAF] =	sst s9;
	s0 =	simm.s32 @!p0 $0x0  }
0x12: {  	s1 =	sld [smem:$0x3F95];
	s0 =	simm.s32 @p0 $0x1  }
0x13: {  	[smem:$0x3FB0] =	sst s0;
	s0 =	simm.s32 @!p1 $0x0  }
0x14: {  	s2 =	sld [smem:$0x3F94];
	s0 =	simm.s32 @p1 $0x1  }
0x15: {  	[smem:$0x3FB1] =	sst s0;
	s0 =	simm.s32 @!p2 $0x0  }
0x16: {  	s3 =	sld [smem:$0x3FDB];
	s0 =	simm.s32 @p2 $0x1  }
0x17: {  	s4 =	simm.s32 $0x1BF5;
	[smem:$0x3FB3] =	sst s0  }
0x18: {  	s0 =	sld [smem:$0x3F96];
	_ =	swait.ge [sflag:s4], $0x0  }
0x19: {  	s7 =	sld [smem:$0x3F97]  }
0x1a: {  	s8 =	sadd.s32 $0xFFFFE003, lr  }
0x1b: {  	s9 =	sadd.s32 $0xFFFFFEF7, lr;
	s5 =	simm.s32 $0xFFFFFFFF;
	p2 =	slt.u32 s8, $0xFFFFF086  }
0x1c: {  	p1 =	slt.u32 s9, $0xF7A;
	s5 =	simm.s32 @!p2 $0x0  }
0x1d: {  	s5 =	simm.s32 @p1 $0x1;
	p0 =	seq.s32 s7, s2  }
0x1e: {  	s7 =	smul.u32 @!p0 $0xF7A, s2;
	p2 =	seq.s32 @!p0 s5, $0x0  }
0x1f: {  	s9 =	smul.u32 $0xF7A, s1;
	s8 =	simm.s32 @!p0 $0x1BF5;
	p2 =	por !p2, p0  }
0x20: {  	[sflag:s8] =	ssyncset.s32 @!p0 $0xFFFFF086;
	s6 =	sadd.s32 @!p0 s3, s7;
	s7 =	simm.s32 @!p0 $0x108  }
0x21: {  	s3 =	sadd.s32 s3, s9;
	s6 =	sadd.s32 @!p0 $0x88, s6;
	s7 =	simm.s32 @p2 $0x1082  }
0x22: {  	[simem:s7], [sflag:s8] =	dma.local @!p0 [hbm:s6], $0xF7A  }
0x23: {  	s9 =	sor.u32 $0xD0000000, s2;
	s6 =	simm.s32 $0x108;
	_ =	swait.ge @!p0 [sflag:s8], $0x0  }
0x24: {  	s3 =	sadd.s32 $0x88, s3;
	s6 =	simm.s32 @!p1 $0x1082;
	[sflag:s4] =	ssyncset.s32 $0xFFFFF086  }
0x25: {  	[simem:s6], [sflag:s4] =	dma.local [hbm:s3], $0xF7A  }
0x26: {  	[smem:$0x3F97] =	sst s1;
	(tag) =	ssettag s2;
	_ =	strace s9  }
0x27: {  	s1 =	sld [smem:$0x3FA7]  }
0x28: {  	s2 =	sld [smem:$0x3FA8]  }
0x29: {  	s4 =	sld [smem:$0x3FAA]  }
0x2a: {  	p0 =	seq.s32 s5, $0x0;
	s5 =	sld [smem:$0x3FAB]  }
0x2b: {  	s6 =	sld [smem:$0x3FAC]  }
0x2c: {  	s7 =	sld [smem:$0x3FAD]  }
0x2d: {  	s3 =	simm.s32 $0x108;
	s8 =	sld [smem:$0x3FAE]  }
0x2e: {  	s3 =	simm.s32 @!p0 $0x1082;
	s9 =	sld [smem:$0x3FAF]  }
0x2f: {  	lr =	sadd.s32 s0, s3;
	s0 =	sld [smem:$0x3FA6]  }
0x30: {  	s3 =	sld [smem:$0x3FA9]  }
0x31: {  	[smem:$0x3FB2] =	sst s10  }
0x32: {  	s10 =	sld [smem:$0x3FB0];
	_ =	sdelay $0x3  }
0x33: {  	p0 =	seq.s32 s10, $0x1;
	s10 =	sld [smem:$0x3FB2];
	_ =	sdelay $0x3  }
0x34: {  	[smem:$0x3FB2] =	sst s10  }
0x35: {  	s10 =	sld [smem:$0x3FB1];
	_ =	sdelay $0x3  }
0x36: {  	p1 =	seq.s32 s10, $0x1;
	s10 =	sld [smem:$0x3FB2];
	_ =	sdelay $0x3  }
0x37: {  	[smem:$0x3FB2] =	sst s10  }
0x38: {  	s10 =	sld [smem:$0x3FB3]  }
0x39: {  	_ = 	snop;
	(pc) =	sbr.ind lr, $3  }
0x3a: {  	_ = 	snop  }
0x3b: {  	_ = 	snop  }
0x3c: {  	p2 =	seq.s32 s10, $0x1;
	s10 =	sld [smem:$0x3FB2]  }
0x3d: {  	_ =	shalt  }
0x3e: {  	_ =	shalt  }
0x3f: {  	_ =	shalt  }
0x40: {  	_ =	shalt  }
0x41: {  	_ =	shalt  }
0x42: {  	_ =	shalt  }
0x43: {  	_ =	shalt  }
0x44: {  	_ =	shalt  }
0x45: {  	_ =	shalt  }
0x46: {  	_ =	shalt  }
0x47: {  	_ =	shalt  }
0x48: {  	_ =	shalt  }
0x49: {  	_ =	shalt  }
0x4a: {  	_ =	shalt  }
0x4b: {  	_ =	shalt  }
0x4c: {  	_ =	shalt  }
0x4d: {  	_ =	shalt  }
0x4e: {  	_ =	shalt  }
0x4f: {  	_ =	shalt  }
0x50: {  	_ =	shalt  }
0x51: {  	_ =	shalt  }
0x52: {  	_ =	shalt  }
0x53: {  	_ =	shalt  }
0x54: {  	_ =	shalt  }
0x55: {  	_ =	shalt  }
0x56: {  	_ =	shalt  }
0x57: {  	_ =	shalt  }
0x58: {  	_ =	shalt  }
0x59: {  	_ =	shalt  }
0x5a: {  	_ =	shalt  }
0x5b: {  	_ =	shalt  }
0x5c: {  	_ =	shalt  }
0x5d: {  	_ =	shalt  }
0x5e: {  	_ =	shalt  }
0x5f: {  	_ =	shalt  }
0x60: {  	_ =	shalt  }
0x61: {  	_ =	shalt  }
0x62: {  	_ =	shalt  }
0x63: {  	_ =	shalt  }
0x64: {  	_ =	shalt  }
0x65: {  	_ =	shalt  }
0x66: {  	_ =	shalt  }
0x67: {  	_ =	shalt  }
0x68: {  	_ =	shalt  }
0x69: {  	_ =	shalt  }
0x6a: {  	_ =	shalt  }
0x6b: {  	_ =	shalt  }
0x6c: {  	_ =	shalt  }
0x6d: {  	_ =	shalt  }
0x6e: {  	_ =	shalt  }
0x6f: {  	_ =	shalt  }
0x70: {  	_ =	shalt  }
0x71: {  	_ =	shalt  }
0x72: {  	_ =	shalt  }
0x73: {  	_ =	shalt  }
0x74: {  	_ =	shalt  }
0x75: {  	_ =	shalt  }
0x76: {  	_ =	shalt  }
0x77: {  	_ =	shalt  }
0x78: {  	_ =	shalt  }
0x79: {  	_ =	shalt  }
0x7a: {  	_ =	shalt  }
0x7b: {  	_ =	shalt  }
0x7c: {  	_ =	shalt  }
0x7d: {  	_ =	shalt  }
0x7e: {  	_ =	shalt  }
0x7f: {  	_ =	shalt  }
0x80: {  	_ =	shalt  }
0x81: {  	_ =	shalt  }
0x82: {  	_ =	shalt  }
0x83: {  	_ =	shalt  }
0x84: {  	_ =	shalt  }
0x85: {  	_ =	shalt  }
0x86: {  	_ =	shalt  }
0x87: {  	_ =	shalt  }
.Lfunc_end0:
.L_simem_size_0:
called_computation.1_lowered:
.L_overlay_start_0:
0x88: {  	s2 =	sld [smem:$0x3FD9]  }
0x89: {  	s3 =	sld [smem:$0x3FFE];
	_ =	sdelay $0x1  }
0x8a: {  	s1 =	srdreg.scid  }
0x8b: {  	s0 =	sand.u32 $0x1, s1  }
0x8c: {  	s17 =	sshll.u32 s0, $0xA;
	s2 =	sadd.s32 s3, s2  }
0x8d: {  	s2 =	sadd.s32 s2, s17  }
0x8e: {  	[smem:$0x3FBE] =	sst s2  }
0x8f: {  	_ = 	snop  }
0x90: {  	s2 =	sld [smem:$0x3FD0];
	(tm) =	ssettm $0x1  }
0x91: {  	s18 =	sld [smem:$0x3FFB];
	_ =	sdelay $0x3  }
0x92: {  	_ =	strace s18  }
0x93: {  	s3 =	sld [smem:$0x3FFC];
	_ =	sdelay $0x3  }
0x94: {  	_ =	strace s3  }
0x95: {  	s3 =	sld [smem:$0x3FFD];
	_ =	sdelay $0x3  }
0x96: {  	_ =	strace s3  }
0x97: {  	_ =	strace $0x8FFFFFFF  }
0x98: {  	s19 =	sld [smem:$0x3FDB];
	_ =	sdelay $0x1  }
0x99: {  	s4 =	simm.s32 $_scs_section_size  }
0x9a: {  	s5 =	simm.s32 $_size__tile_overlayer_lowered;
	s6 =	simm.s32 $_tile_overlayer_lowered  }
0x9b: {  	s22 =	simm.s32 $0x1BFF;
	s21 =	sshll.u32 s6, $0x1;
	s3 =	sadd.s32 s4, s19  }
0x9c: {  	s7 =	simm.s32 $0x0;
	s20 =	sshll.u32 s5, $0x1;
	s5 =	sadd.s32 s21, s3  }
0x9d: {  	[timem:s7], [sflag:s22] =	dma.local [hbm:s5], s20  }
0x9e: {  	_ =	swait.ge [sflag:s22], s20  }
0x9f: {  	s4 =	ssub.s32 $0x0, s20;
	[sflag:s22] =	ssyncset.done $0x0  }
0xa0: {  	[sflag:s22] =	ssyncadd.s32 s4;
	_ =	sdelay $0x1  }
0xa1: {  	s23 =	simm.s32 $0x1B8B  }
0xa2: {  	_ =	swait.ge [sflag:s23], $0x1  }
0xa3: {  	[sflag:s23] =	ssyncset.done $0x0  }
0xa4: {  	s25 =	simm.s32 $0x1B8E;
	s24 =	sld [smem:$0x3FFE];
	[sflag:s23] =	ssyncadd.s32 $0xFFFFFFFF  }
0xa5: {  	s26 =	simm.s32 $execute0_lowered;
	[smem:$0x3FD2] =	sst s25  }
0xa6: {  	s5 =	sshll.u32 s26, $0x1;
	_ =	strace $0x80000049;
	[dreg:$0x1] =	wrdreg $0xFFFFFFFF  }
0xa7: {  	s28 =	simm.s32 $_size_execute0_lowered;
	s3 =	sadd.s32 s3, s5;
	[dreg:$0x0] =	wrdreg $0x0  }
0xa8: {  	s5 =	sshll.u32 s28, $0x1;
	[dreg:$0x2] =	wrdreg s3  }
0xa9: {  	[dreg:$0x3] =	wrdreg s5  }
0xaa: {  	[dreg:$0x4] =	wrdreg $0xC0  }
0xab: {  	_ =	task [dreg:s7], $0x5FFFF  }
0xac: {  	[dreg:$0x1] =	wrdreg $0xFFFFFFFF  }
0xad: {  	[dreg:$0x0] =	wrdreg $0x60  }
0xae: {  	[dreg:$0x2] =	wrdreg s24  }
0xaf: {  	[dreg:$0x3] =	wrdreg s2  }
0xb0: {  	[dreg:$0x4] =	wrdreg $0x44000  }
0xb1: {  	[dreg:$0x5] =	wrdreg $0xE4000  }
0xb2: {  	[dreg:$0x6] =	wrdreg $0x9  }
0xb3: {  	_ =	task.clear_ibuf [dreg:s7], $0x7FFFF;
	_ =	strace $0x90000049  }
0xb4: {  	s29 =	simm.s32 $0x9;
	_ =	strace $0x8000004B  }
0xb5: {  	_ =	swait.ge [sflag:s29], $0x1  }
0xb6: {  	[sflag:s29] =	ssyncadd.s32 $0xFFFFFFFF  }
0xb7: {  	_ =	strace $0x9000004B  }
0xb8: {  	_ =	sfence  }
0xb9: {  	s30 =	sld [smem:$0x0];
	_ =	sdelay $0x2  }
0xba: {  	s31 =	sshll.u32 s1, $0xD;
	s1 =	sshrl.u32 s1, $0x2  }
0xbb: {  	s3 =	sand.u32 $0x4000, s31;
	s1 =	sadd.s32 s1, s30  }
0xbc: {  	s0 =	sor.u32 s3, s0;
	s1 =	sshll.u32 s1, $0x11  }
0xbd: {  	s0 =	sor.u32 s1, s0  }
0xbe: {  	s0 =	sadd.s32 $0x8F2B, s0  }
0xbf: {  	[sflag:s0] =	ssyncadd.remote.s32 $0x1  }
0xc0: {  	_ =	sfence.sel $0xFFFF  }
0xc1: {  	[dreg:$0x0] =	wrdreg $0xFFFFFFFF;
	(pc) =	sbr.abs _section_cstart, $3  }
0xc2: {  	[dreg:$0x1] =	wrdreg $0xFFFFFFFF  }
0xc3: {  	_ =	task.clear_ibuf [dreg:s7], $0x2FFFF;
	_ =	strace $0x9FFFFFFF  }
0xc4: {  	(tm) =	ssettm $0x7FFFFFFF  }
0xc5: {  	_ =	shalt  }
tec
execute0_lowered:
.L_overlay_start_1:
0x0: {  	(tag) =	ssettag $0x1  }
0x1: {  	s0 =	rddreg [dreg:$0x0]  }
0x2: {  	s1 =	rddreg [dreg:$0x1]  }
0x3: {  	s2 =	rddreg [dreg:$0x2]  }
0x4: {  	s3 =	rddreg [dreg:$0x3]  }
0x5: {  	s5 =	srdreg.scid;
	s14 =	stileid.u32  }
0x6: {  	s4 =	simm.s32 $0x0;
	s28 =	simm.s32 $0x9;
	s29 =	simm.s32 $0x1  }
0x7: {  	s30 =	simm.s32 $0x400;
	s31 =	simm.s32 $0x100;
	s5 =	sand.u32 $0x1, s5  }
0x8: {  	s7 =	smul.u32 $0xA000, s14;
	[smem:$0x7FF] =	sst s4;
	s8 =	sadd.s32 $0x8D800, s0  }
0x9: {  	s9 =	smul.u32 $0xA00, s14;
	s11 =	sadd.s32 $0x1800, s0;
	s25 =	sshll.u32 s14, $0x6  }
0xa: {  	s14 =	simm.s32 $0x6;
	s6 =	smul.u32 $0xA0000, s5;
	s5 =	ssub.s32 $0x2, s5  }
0xb: {  	_ =	strace $0x8000004A;
	s18 =	sor.u32 $0x1C09, s25;
	s10 =	sshrl.u32 s5, $0x1  }
0xc: {  	s24 =	sor.u32 $0x10, s9;
	s15 =	sshrl.u32 s7, $0x3;
	s16 =	sor.u32 $0x20, s9  }
0xd: {  	s19 =	sor.u32 $0x30, s9;
	s21 =	sor.u32 $0x40, s9;
	s23 =	sor.u32 $0x50, s9  }
0xe: {  	[dreg:$0x8] =	wrdreg s18;
	s6 =	sadd.s32 s7, s6;
	s13 =	sadd.s32 s8, s24  }
0xf: {  	s12 =	ssub.s32 s5, s10;
	s10 =	sadd.s32 s11, s24;
	[dreg:$0x5] =	wrdreg s13  }
0x10: {  	s5 =	sadd.s32 s8, s9;
	s1 =	sadd.s32 s1, s15;
	[dreg:$0x6] =	wrdreg s10  }
0x11: {  	s17 =	sadd.s32 s8, s16;
	s20 =	sadd.s32 s8, s19;
	[dreg:$0xa] =	wrdreg s1  }
0x12: {  	s22 =	sadd.s32 s8, s21;
	s24 =	sadd.s32 s8, s23;
	[dreg:$0xb] =	wrdreg s17  }
0x13: {  	s8 =	simm.s32 $0x180;
	s15 =	simm.s32 $0x8;
	[dreg:$0xd] =	wrdreg s20  }
0x14: {  	s6 =	sshrl.u32 s6, $0x3;
	s13 =	sadd.s32 s7, s2;
	[dreg:$0xf] =	wrdreg s22  }
0x15: {  	s7 =	sadd.s32 s7, s3;
	s1 =	sadd.s32 s11, s16;
	[dreg:$0x11] =	wrdreg s24  }
0x16: {  	s25 =	smax.u32 s12, $0x1;
	s24 =	simm.s32 $0x80;
	[dreg:$0x9] =	wrdreg s7  }
0x17: {  	s12 =	simm.s32 $0x7;
	s16 =	simm.s32 $0x4;
	[dreg:$0xc] =	wrdreg s1  }
0x18: {  	s0 =	sadd.s32 s6, s0;
	s1 =	sadd.s32 s11, s19;
	[dreg:$0x14] =	wrdreg s25  }
0x19: {  	s17 =	simm.s32 $0x0;
	s26 =	sadd.s32 $0x5B800, s0;
	[dreg:$0xe] =	wrdreg s1  }
0x1a: {  	s6 =	sadd.s32 s11, s9;
	s1 =	sadd.s32 s11, s21;
	[dreg:$0x7] =	wrdreg s26  }
0x1b: {  	s7 =	simm.s32 $0x2400;
	s0 =	sadd.s32 $0x97800, s0;
	[dreg:$0x10] =	wrdreg s1  }
0x1c: {  	s9 =	simm.s32 $0x380;
	s1 =	sadd.s32 s11, s23;
	[dreg:$0x13] =	wrdreg s0  }
0x1d: {  	s23 =	simm.s32 $0x200;
	s26 =	sshrl.u32 s13, $0x3;
	s0 =	simm.s32 $0x300  }
0x1e: {  	s11 =	simm.s32 $0x5;
	s13 =	simm.s32 $0x3;
	[dreg:$0x12] =	wrdreg s1  }
0x1f: {  	[dreg:$0x15] =	wrdreg s26;
	s26 =	simm.s32 $0x280;
	s1 =	simm.s32 $0x2  }
.LBB2_1:
0x20: {  	[tilespmem:s4], [sflag:$0x1] =	stream.linear.gather [hbm4b:s5+s4], $0x80, $0x38;
	[tilespmem:$0x18400] =	vst v63  }
0x21: {  	s10 =	rddreg [dreg:$0x5]  }
0x22: {  	s22 =	rddreg [dreg:$0x6]  }
0x23: {  	[tilespmem:s23], [sflag:$0x1] =	stream.linear.gather [hbm4b:s6+s4], $0x80, $0x38;
	[tilespmem:$0x18400] =	vst v63  }
0x24: {  	s25 =	rddreg [dreg:$0x7]  }
0x25: {  	[tilespmem:s24], [sflag:$0x2] =	stream.linear.gather [hbm4b:s10+s4], $0x80, $0x38;
	[tilespmem:$0x18400] =	vst v63  }
0x26: {  	s19 =	rddreg [dreg:$0x15]  }
0x27: {  	[tilespmem:s26], [sflag:$0x2] =	stream.linear.gather [hbm4b:s22+s4], $0x80, $0x38;
	[tilespmem:$0x18400] =	vst v63  }
0x28: {  	[spmem:s19], [sflag:s18] =	dma.local [hbm:s25], $0x1400  }
0x29: {  	_ =	swait.ge [sflag:s28], $0x1400  }
0x2a: {  	s19 =	rddreg [dreg:$0x9]  }
0x2b: {  	[sflag:s28] =	ssyncset.done $0x0;
	s21 =	rddreg [dreg:$0xa];
	s20 =	sshrl.u32 s19, $0x3  }
0x2c: {  	[sflag:s28] =	ssyncadd.s32 $0xFFFFEC00;
	[dreg:$0x16] =	wrdreg s20  }
0x2d: {  	[spmem:s20], [sflag:s18] =	dma.local [hbm:s21], $0x1400  }
0x2e: {  	_ =	swait.ge [sflag:s28], $0x1400  }
0x2f: {  	[sflag:s28] =	ssyncset.done $0x0  }
0x30: {  	[sflag:s28] =	ssyncadd.s32 $0xFFFFEC00  }
0x31: {  	[bflag:$0x0] =	sbarrier.arrive $0xFFFF  }
0x32: {  	_ =	swait.ge [sflag:s29], $0x80  }
0x33: {  	[sflag:s29] =	ssyncset.done $0x0  }
0x34: {  	[sflag:s29] =	ssyncadd.s32 $0xFFFFFF80  }
0x35: {  	_ =	swait.ge [sflag:s29], $0x80  }
0x36: {  	[sflag:s29] =	ssyncset.done $0x0  }
0x37: {  	[sflag:s29] =	ssyncadd.s32 $0xFFFFFF80  }
0x38: {  	[tilespmem:s30], [sflag:$0x5] =	stream.indirect.gather [spmem:s2], $0x40, s4, s24, $0xb8;
	[tilespmem:$0x18400] =	vst v63  }
0x39: {  	s22 =	rddreg [dreg:$0xb]  }
0x3a: {  	[tilespmem:s31], [sflag:$0x3] =	stream.linear.gather [hbm4b:s22+s4], $0x80, $0x38;
	[tilespmem:$0x18400] =	vst v63  }
0x3b: {  	s25 =	rddreg [dreg:$0xc]  }
0x3c: {  	[tilespmem:s0], [sflag:$0x3] =	stream.linear.gather [hbm4b:s25+s4], $0x80, $0x38;
	[tilespmem:$0x18400] =	vst v63  }
0x3d: {  	_ =	swait.ge [sflag:s1], $0x80  }
0x3e: {  	[sflag:s1] =	ssyncset.done $0x0  }
0x3f: {  	[sflag:s1] =	ssyncadd.s32 $0xFFFFFF80  }
0x40: {  	_ =	swait.ge [sflag:s1], $0x80  }
0x41: {  	[sflag:s1] =	ssyncset.done $0x0  }
0x42: {  	[sflag:s1] =	ssyncadd.s32 $0xFFFFFF80  }
0x43: {  	[tilespmem:s7], [sflag:$0x6] =	stream.indirect.gather [spmem:s2], $0x40, s24, s24, $0xb8;
	[tilespmem:$0x18400] =	vst v63  }
0x44: {  	s18 =	rddreg [dreg:$0xd]  }
0x45: {  	[tilespmem:s8], [sflag:$0x4] =	stream.linear.gather [hbm4b:s18+s4], $0x80, $0x38;
	[tilespmem:$0x18400] =	vst v63  }
0x46: {  	s19 =	rddreg [dreg:$0xe]  }
0x47: {  	[tilespmem:s9], [sflag:$0x4] =	stream.linear.gather [hbm4b:s19+s4], $0x80, $0x38;
	[tilespmem:$0x18400] =	vst v63  }
0x48: {  	_ =	swait.ge [sflag:s11], $0x2000  }
0x49: {  	[sflag:s11] =	ssyncset.done $0x0  }
0x4a: {  	[sflag:s11] =	ssyncadd.s32 $0xFFFFE000  }
0x4b: {  	[spmem:s3] =	stream.indirect.scatter.add.f32 [tilespmem:s30], [sflag:$0x7], $0x40, s23, s24, $0xb8;
	[tilespmem:$0x18400] =	vst v63  }
0x4c: {  	_ =	swait.ge [sflag:s12], $0x2000  }
0x4d: {  	[sflag:s12] =	ssyncset.done $0x0  }
0x4e: {  	[sflag:s12] =	ssyncadd.s32 $0xFFFFE000  }
0x4f: {  	_ =	swait.ge [sflag:s13], $0x80  }
0x50: {  	[sflag:s13] =	ssyncset.done $0x0  }
0x51: {  	[sflag:s13] =	ssyncadd.s32 $0xFFFFFF80  }
0x52: {  	_ =	swait.ge [sflag:s13], $0x80  }
0x53: {  	[sflag:s13] =	ssyncset.done $0x0  }
0x54: {  	[sflag:s13] =	ssyncadd.s32 $0xFFFFFF80  }
0x55: {  	[tilespmem:s30], [sflag:$0x5] =	stream.indirect.gather [spmem:s2], $0x40, s31, s24, $0xb8;
	[tilespmem:$0x18400] =	vst v63  }
0x56: {  	s20 =	rddreg [dreg:$0xf]  }
0x57: {  	[tilespmem:s4], [sflag:$0x1] =	stream.linear.gather [hbm4b:s20+s4], $0x80, $0x38;
	[tilespmem:$0x18400] =	vst v63  }
0x58: {  	s21 =	rddreg [dreg:$0x10]  }
0x59: {  	[tilespmem:s23], [sflag:$0x1] =	stream.linear.gather [hbm4b:s21+s4], $0x80, $0x38;
	[tilespmem:$0x18400] =	vst v63  }
0x5a: {  	_ =	swait.ge [sflag:s14], $0x2000  }
0x5b: {  	[sflag:s14] =	ssyncset.done $0x0  }
0x5c: {  	[sflag:s14] =	ssyncadd.s32 $0xFFFFE000  }
0x5d: {  	[spmem:s3] =	stream.indirect.scatter.add.f32 [tilespmem:s7], [sflag:$0x8], $0x40, s26, s24, $0xb8;
	[tilespmem:$0x18400] =	vst v63  }
0x5e: {  	_ =	swait.ge [sflag:s15], $0x2000  }
0x5f: {  	[sflag:s15] =	ssyncset.done $0x0  }
0x60: {  	[sflag:s15] =	ssyncadd.s32 $0xFFFFE000  }
0x61: {  	_ =	swait.ge [sflag:s16], $0x80  }
0x62: {  	[sflag:s16] =	ssyncset.done $0x0  }
0x63: {  	[sflag:s16] =	ssyncadd.s32 $0xFFFFFF80  }
0x64: {  	_ =	swait.ge [sflag:s16], $0x80  }
0x65: {  	[sflag:s16] =	ssyncset.done $0x0  }
0x66: {  	[sflag:s16] =	ssyncadd.s32 $0xFFFFFF80  }
0x67: {  	[tilespmem:s7], [sflag:$0x6] =	stream.indirect.gather [spmem:s2], $0x40, s8, s24, $0xb8;
	[tilespmem:$0x18400] =	vst v63  }
0x68: {  	s22 =	rddreg [dreg:$0x11]  }
0x69: {  	[tilespmem:s24], [sflag:$0x2] =	stream.linear.gather [hbm4b:s22+s4], $0x80, $0x38;
	[tilespmem:$0x18400] =	vst v63  }
0x6a: {  	s25 =	rddreg [dreg:$0x12]  }
0x6b: {  	[tilespmem:s26], [sflag:$0x2] =	stream.linear.gather [hbm4b:s25+s4], $0x80, $0x38;
	[tilespmem:$0x18400] =	vst v63  }
0x6c: {  	_ =	swait.ge [sflag:s11], $0x2000  }
0x6d: {  	[sflag:s11] =	ssyncset.done $0x0  }
0x6e: {  	[sflag:s11] =	ssyncadd.s32 $0xFFFFE000  }
0x6f: {  	[spmem:s3] =	stream.indirect.scatter.add.f32 [tilespmem:s30], [sflag:$0x7], $0x40, s0, s24, $0xb8;
	[tilespmem:$0x18400] =	vst v63  }
0x70: {  	_ =	swait.ge [sflag:s12], $0x2000  }
0x71: {  	[sflag:s12] =	ssyncset.done $0x0  }
0x72: {  	[sflag:s12] =	ssyncadd.s32 $0xFFFFE000  }
0x73: {  	_ =	swait.ge [sflag:s29], $0x80  }
0x74: {  	[sflag:s29] =	ssyncset.done $0x0  }
0x75: {  	[sflag:s29] =	ssyncadd.s32 $0xFFFFFF80  }
0x76: {  	_ =	swait.ge [sflag:s29], $0x80  }
0x77: {  	[sflag:s29] =	ssyncset.done $0x0  }
0x78: {  	s18 =	sadd.s32 $0x0, s5;
	[sflag:s29] =	ssyncadd.s32 $0xFFFFFF80  }
0x79: {  	[tilespmem:s30], [sflag:$0x5] =	stream.indirect.gather [spmem:s2], $0x40, s4, s24, $0xb8;
	[tilespmem:$0x18400] =	vst v63  }
0x7a: {  	s20 =	sadd.s32 $0x60, s18;
	s21 =	sadd.s32 $0x0, s6  }
0x7b: {  	[tilespmem:s31], [sflag:$0x3] =	stream.linear.gather [hbm4b:s20+s4], $0x80, $0x38;
	[tilespmem:$0x18400] =	vst v63  }
0x7c: {  	s22 =	sadd.s32 $0x60, s21  }
0x7d: {  	[tilespmem:s0], [sflag:$0x3] =	stream.linear.gather [hbm4b:s22+s4], $0x80, $0x38;
	[tilespmem:$0x18400] =	vst v63  }
0x7e: {  	_ =	swait.ge [sflag:s14], $0x2000  }
0x7f: {  	[sflag:s14] =	ssyncset.done $0x0  }
0x80: {  	[sflag:s14] =	ssyncadd.s32 $0xFFFFE000  }
0x81: {  	[spmem:s3] =	stream.indirect.scatter.add.f32 [tilespmem:s7], [sflag:$0x8], $0x40, s9, s24, $0xb8;
	[tilespmem:$0x18400] =	vst v63  }
0x82: {  	_ =	swait.ge [sflag:s15], $0x2000  }
0x83: {  	[sflag:s15] =	ssyncset.done $0x0  }
0x84: {  	[sflag:s15] =	ssyncadd.s32 $0xFFFFE000  }
0x85: {  	_ =	swait.ge [sflag:s1], $0x80  }
0x86: {  	[sflag:s1] =	ssyncset.done $0x0  }
0x87: {  	[sflag:s1] =	ssyncadd.s32 $0xFFFFFF80  }
0x88: {  	_ =	swait.ge [sflag:s1], $0x80  }
0x89: {  	[sflag:s1] =	ssyncset.done $0x0  }
0x8a: {  	[sflag:s1] =	ssyncadd.s32 $0xFFFFFF80  }
0x8b: {  	[tilespmem:s7], [sflag:$0x6] =	stream.indirect.gather [spmem:s2], $0x40, s24, s24, $0xb8;
	[tilespmem:$0x18400] =	vst v63  }
0x8c: {  	s19 =	sadd.s32 $0x70, s18  }
0x8d: {  	[tilespmem:s8], [sflag:$0x4] =	stream.linear.gather [hbm4b:s19+s4], $0x80, $0x38;
	[tilespmem:$0x18400] =	vst v63  }
0x8e: {  	s25 =	sadd.s32 $0x70, s21  }
0x8f: {  	[tilespmem:s9], [sflag:$0x4] =	stream.linear.gather [hbm4b:s25+s4], $0x80, $0x38;
	[tilespmem:$0x18400] =	vst v63  }
0x90: {  	_ =	swait.ge [sflag:s11], $0x2000  }
0x91: {  	[sflag:s11] =	ssyncset.done $0x0  }
0x92: {  	[sflag:s11] =	ssyncadd.s32 $0xFFFFE000  }
0x93: {  	[spmem:s3] =	stream.indirect.scatter.add.f32 [tilespmem:s30], [sflag:$0x7], $0x40, s23, s24, $0xb8;
	[tilespmem:$0x18400] =	vst v63  }
0x94: {  	_ =	swait.ge [sflag:s12], $0x2000  }
0x95: {  	[sflag:s12] =	ssyncset.done $0x0  }
0x96: {  	[sflag:s12] =	ssyncadd.s32 $0xFFFFE000  }
0x97: {  	_ =	swait.ge [sflag:s13], $0x80  }
0x98: {  	[sflag:s13] =	ssyncset.done $0x0  }
0x99: {  	[sflag:s13] =	ssyncadd.s32 $0xFFFFFF80  }
0x9a: {  	_ =	swait.ge [sflag:s13], $0x80  }
0x9b: {  	p0 =	por $0x0, $0x0;
	[sflag:s13] =	ssyncset.done $0x0  }
0x9c: {  	s19 =	sadd.s32 @!p0 $0x0, s5;
	[sflag:s13] =	ssyncadd.s32 $0xFFFFFF80  }
0x9d: {  	[tilespmem:s30], [sflag:$0x5] =	stream.indirect.gather [spmem:s2], $0x40, s31, s24, $0xb8;
	[tilespmem:$0x18400] =	vst v63  }
0x9e: {  	s21 =	sadd.s32 @!p0 $0x0, s6;
	s20 =	simm.s32 @!p0 $0x0;
	s22 =	sadd.s32 @!p0 $0x80, s19  }
0x9f: {  	[tilespmem:s20], [sflag:$0x1] =	stream.linear.gather @!p0 [hbm4b:s22+s20], $0x80, $0x38;
	[tilespmem:$0x18400] =	vst v63  }
0xa0: {  	s25 =	simm.s32 @!p0 $0x200;
	s22 =	sadd.s32 @!p0 $0x80, s21  }
0xa1: {  	[tilespmem:s25], [sflag:$0x1] =	stream.linear.gather @!p0 [hbm4b:s22+s20], $0x80, $0x38;
	[tilespmem:$0x18400] =	vst v63  }
0xa2: {  	_ =	swait.ge [sflag:s14], $0x2000  }
0xa3: {  	[sflag:s14] =	ssyncset.done $0x0  }
0xa4: {  	[sflag:s14] =	ssyncadd.s32 $0xFFFFE000  }
0xa5: {  	[spmem:s3] =	stream.indirect.scatter.add.f32 [tilespmem:s7], [sflag:$0x8], $0x40, s26, s24, $0xb8;
	[tilespmem:$0x18400] =	vst v63  }
0xa6: {  	_ =	swait.ge [sflag:s15], $0x2000  }
0xa7: {  	[sflag:s15] =	ssyncset.done $0x0  }
0xa8: {  	[sflag:s15] =	ssyncadd.s32 $0xFFFFE000  }
0xa9: {  	_ =	swait.ge [sflag:s16], $0x80  }
0xaa: {  	[sflag:s16] =	ssyncset.done $0x0  }
0xab: {  	[sflag:s16] =	ssyncadd.s32 $0xFFFFFF80  }
0xac: {  	_ =	swait.ge [sflag:s16], $0x80  }
0xad: {  	[sflag:s16] =	ssyncset.done $0x0  }
0xae: {  	[sflag:s16] =	ssyncadd.s32 $0xFFFFFF80  }
0xaf: {  	[tilespmem:s7], [sflag:$0x6] =	stream.indirect.gather [spmem:s2], $0x40, s8, s24, $0xb8;
	[tilespmem:$0x18400] =	vst v63  }
0xb0: {  	s19 =	sadd.s32 @!p0 $0x90, s19;
	s22 =	simm.s32 @!p0 $0x80  }
0xb1: {  	[tilespmem:s22], [sflag:$0x2] =	stream.linear.gather @!p0 [hbm4b:s19+s20], $0x80, $0x38;
	[tilespmem:$0x18400] =	vst v63  }
0xb2: {  	s19 =	sadd.s32 @!p0 $0x90, s21;
	s21 =	simm.s32 @!p0 $0x280  }
0xb3: {  	[tilespmem:s21], [sflag:$0x2] =	stream.linear.gather @!p0 [hbm4b:s19+s20], $0x80, $0x38;
	[tilespmem:$0x18400] =	vst v63  }
0xb4: {  	_ =	swait.ge [sflag:s11], $0x2000  }
0xb5: {  	s19 =	simm.s32 $0x40;
	[sflag:s11] =	ssyncset.done $0x0  }
.LBB2_2:
0xb6: {  	[sflag:s11] =	ssyncadd.s32 $0xFFFFE000;
	s20 =	smov.u32 s19;
	s19 =	sadd.s32 $0x40, s19  }
0xb7: {  	[spmem:s3] =	stream.indirect.scatter.add.f32 [tilespmem:s30], [sflag:$0x7], $0x40, s0, s24, $0xb8;
	[tilespmem:$0x18400] =	vst v63  }
0xb8: {  	p0 =	sne.s32 s19, $0x9C0;
	_ =	swait.ge [sflag:s12], $0x2000  }
0xb9: {  	[sflag:s12] =	ssyncset.done $0x0  }
0xba: {  	[sflag:s12] =	ssyncadd.s32 $0xFFFFE000  }
0xbb: {  	_ =	swait.ge [sflag:s29], $0x80  }
0xbc: {  	[sflag:s29] =	ssyncset.done $0x0  }
0xbd: {  	[sflag:s29] =	ssyncadd.s32 $0xFFFFFF80  }
0xbe: {  	_ =	swait.ge [sflag:s29], $0x80  }
0xbf: {  	[sflag:s29] =	ssyncset.done $0x0  }
0xc0: {  	s21 =	sadd.s32 s20, s5;
	[sflag:s29] =	ssyncadd.s32 $0xFFFFFF80  }
0xc1: {  	[tilespmem:s30], [sflag:$0x5] =	stream.indirect.gather [spmem:s2], $0x40, s4, s24, $0xb8;
	[tilespmem:$0x18400] =	vst v63  }
0xc2: {  	s25 =	sadd.s32 s20, s6;
	s22 =	sadd.s32 $0x60, s21  }
0xc3: {  	[tilespmem:s31], [sflag:$0x3] =	stream.linear.gather [hbm4b:s22+s4], $0x80, $0x38;
	[tilespmem:$0x18400] =	vst v63  }
0xc4: {  	s22 =	sadd.s32 $0x60, s25  }
0xc5: {  	[tilespmem:s0], [sflag:$0x3] =	stream.linear.gather [hbm4b:s22+s4], $0x80, $0x38;
	[tilespmem:$0x18400] =	vst v63  }
0xc6: {  	_ =	swait.ge [sflag:s14], $0x2000  }
0xc7: {  	[sflag:s14] =	ssyncset.done $0x0  }
0xc8: {  	[sflag:s14] =	ssyncadd.s32 $0xFFFFE000  }
0xc9: {  	[spmem:s3] =	stream.indirect.scatter.add.f32 [tilespmem:s7], [sflag:$0x8], $0x40, s9, s24, $0xb8;
	[tilespmem:$0x18400] =	vst v63  }
0xca: {  	_ =	swait.ge [sflag:s15], $0x2000  }
0xcb: {  	[sflag:s15] =	ssyncset.done $0x0  }
0xcc: {  	[sflag:s15] =	ssyncadd.s32 $0xFFFFE000  }
0xcd: {  	_ =	swait.ge [sflag:s1], $0x80  }
0xce: {  	[sflag:s1] =	ssyncset.done $0x0  }
0xcf: {  	[sflag:s1] =	ssyncadd.s32 $0xFFFFFF80  }
0xd0: {  	_ =	swait.ge [sflag:s1], $0x80  }
0xd1: {  	[sflag:s1] =	ssyncset.done $0x0  }
0xd2: {  	[sflag:s1] =	ssyncadd.s32 $0xFFFFFF80  }
0xd3: {  	[tilespmem:s7], [sflag:$0x6] =	stream.indirect.gather [spmem:s2], $0x40, s24, s24, $0xb8;
	[tilespmem:$0x18400] =	vst v63  }
0xd4: {  	s21 =	sadd.s32 $0x70, s21  }
0xd5: {  	[tilespmem:s8], [sflag:$0x4] =	stream.linear.gather [hbm4b:s21+s4], $0x80, $0x38;
	[tilespmem:$0x18400] =	vst v63  }
0xd6: {  	s21 =	sadd.s32 $0x70, s25  }
0xd7: {  	[tilespmem:s9], [sflag:$0x4] =	stream.linear.gather [hbm4b:s21+s4], $0x80, $0x38;
	[tilespmem:$0x18400] =	vst v63  }
0xd8: {  	_ =	swait.ge [sflag:s11], $0x2000  }
0xd9: {  	[sflag:s11] =	ssyncset.done $0x0  }
0xda: {  	[sflag:s11] =	ssyncadd.s32 $0xFFFFE000  }
0xdb: {  	[spmem:s3] =	stream.indirect.scatter.add.f32 [tilespmem:s30], [sflag:$0x7], $0x40, s23, s24, $0xb8;
	[tilespmem:$0x18400] =	vst v63  }
0xdc: {  	_ =	swait.ge [sflag:s12], $0x2000  }
0xdd: {  	[sflag:s12] =	ssyncset.done $0x0  }
0xde: {  	[sflag:s12] =	ssyncadd.s32 $0xFFFFE000  }
0xdf: {  	_ =	swait.ge [sflag:s13], $0x80  }
0xe0: {  	[sflag:s13] =	ssyncset.done $0x0  }
0xe1: {  	[sflag:s13] =	ssyncadd.s32 $0xFFFFFF80  }
0xe2: {  	_ =	swait.ge [sflag:s13], $0x80  }
0xe3: {  	[sflag:s13] =	ssyncset.done $0x0  }
0xe4: {  	p1 =	seq.s32 s20, $0x980;
	[sflag:s13] =	ssyncadd.s32 $0xFFFFFF80  }
0xe5: {  	[tilespmem:s30], [sflag:$0x5] =	stream.indirect.gather [spmem:s2], $0x40, s31, s24, $0xb8;
	[tilespmem:$0x18400] =	vst v63  }
0xe6: {  	s22 =	simm.s32 @!p1 $0x0;
	s21 =	sadd.s32 @!p1 s20, s5;
	s20 =	sadd.s32 @!p1 s20, s6  }
0xe7: {  	s18 =	simm.s32 @!p1 $0x200;
	s25 =	sadd.s32 @!p1 $0x80, s21;
	s10 =	sadd.s32 @!p1 $0x80, s20  }
0xe8: {  	[tilespmem:s22], [sflag:$0x1] =	stream.linear.gather @!p1 [hbm4b:s25+s22], $0x80, $0x38;
	[tilespmem:$0x18400] =	vst v63  }
0xe9: {  	s21 =	sadd.s32 @!p1 $0x90, s21;
	s20 =	sadd.s32 @!p1 $0x90, s20  }
0xea: {  	[tilespmem:s18], [sflag:$0x1] =	stream.linear.gather @!p1 [hbm4b:s10+s22], $0x80, $0x38;
	[tilespmem:$0x18400] =	vst v63  }
0xeb: {  	_ =	swait.ge [sflag:s14], $0x2000  }
0xec: {  	[sflag:s14] =	ssyncset.done $0x0  }
0xed: {  	[sflag:s14] =	ssyncadd.s32 $0xFFFFE000  }
0xee: {  	[spmem:s3] =	stream.indirect.scatter.add.f32 [tilespmem:s7], [sflag:$0x8], $0x40, s26, s24, $0xb8;
	[tilespmem:$0x18400] =	vst v63  }
0xef: {  	_ =	swait.ge [sflag:s15], $0x2000  }
0xf0: {  	[sflag:s15] =	ssyncset.done $0x0  }
0xf1: {  	[sflag:s15] =	ssyncadd.s32 $0xFFFFE000  }
0xf2: {  	_ =	swait.ge [sflag:s16], $0x80  }
0xf3: {  	[sflag:s16] =	ssyncset.done $0x0  }
0xf4: {  	[sflag:s16] =	ssyncadd.s32 $0xFFFFFF80  }
0xf5: {  	_ =	swait.ge [sflag:s16], $0x80  }
0xf6: {  	[sflag:s16] =	ssyncset.done $0x0  }
0xf7: {  	s10 =	simm.s32 @!p1 $0x80;
	[sflag:s16] =	ssyncadd.s32 $0xFFFFFF80  }
0xf8: {  	[tilespmem:s7], [sflag:$0x6] =	stream.indirect.gather [spmem:s2], $0x40, s8, s24, $0xb8;
	[tilespmem:$0x18400] =	vst v63  }
0xf9: {  	s18 =	simm.s32 @!p1 $0x280  }
0xfa: {  	[tilespmem:s10], [sflag:$0x2] =	stream.linear.gather @!p1 [hbm4b:s21+s22], $0x80, $0x38;
	[tilespmem:$0x18400] =	vst v63  }
.Ltmp0:
0xfb: {  	_ = 	snop;
	(pc) =	sbr.rel @p0 .LBB2_2-.Ltmp0, $4  }
0xfc: {  	_ = 	snop  }
0xfd: {  	[tilespmem:s18], [sflag:$0x2] =	stream.linear.gather @!p1 [hbm4b:s20+s22], $0x80, $0x38;
	[tilespmem:$0x18400] =	vst v63  }
0xfe: {  	_ =	swait.ge [sflag:s11], $0x2000  }
0xff: {  	[sflag:s11] =	ssyncset.done $0x0  }
0x100: {  	[sflag:s11] =	ssyncadd.s32 $0xFFFFE000  }
0x101: {  	[spmem:s3] =	stream.indirect.scatter.add.f32 [tilespmem:s30], [sflag:$0x7], $0x40, s0, s24, $0xb8;
	[tilespmem:$0x18400] =	vst v63  }
0x102: {  	_ =	swait.ge [sflag:s14], $0x2000  }
0x103: {  	[sflag:s14] =	ssyncset.done $0x0  }
0x104: {  	[sflag:s14] =	ssyncadd.s32 $0xFFFFE000  }
0x105: {  	[spmem:s3] =	stream.indirect.scatter.add.f32 [tilespmem:s7], [sflag:$0x8], $0x40, s9, s24, $0xb8;
	[tilespmem:$0x18400] =	vst v63  }
0x106: {  	_ =	swait.ge [sflag:s12], $0x2000  }
0x107: {  	[sflag:s12] =	ssyncset.done $0x0  }
0x108: {  	[sflag:s12] =	ssyncadd.s32 $0xFFFFE000  }
0x109: {  	_ =	swait.ge [sflag:s15], $0x2000  }
0x10a: {  	[sflag:s15] =	ssyncset.done $0x0  }
0x10b: {  	[sflag:s15] =	ssyncadd.s32 $0xFFFFE000  }
0x10c: {  	[bflag:$0x0] =	sbarrier.arrive $0xFFFF  }
0x10d: {  	s18 =	rddreg [dreg:$0x8]  }
0x10e: {  	s10 =	rddreg [dreg:$0x13]  }
0x10f: {  	s19 =	rddreg [dreg:$0x16]  }
0x110: {  	[hbm:s10], [sflag:s18] =	dma.local [spmem:s19], $0x1400  }
0x111: {  	_ =	swait.ge [sflag:s28], $0x1400  }
0x112: {  	s17 =	sadd.s32 $0x1, s17;
	s25 =	rddreg [dreg:$0x14]  }
0x113: {  	p0 =	sne.s32 s17, s25  }
.Ltmp1:
0x114: {  	_ = 	snop;
	(pc) =	sbr.rel @p0 .LBB2_1-.Ltmp1, $3  }
0x115: {  	_ =	sdelay $0x1  }
0x116: {  	[sflag:s28] =	ssyncset.done $0x0  }
0x117: {  	[sflag:s28] =	ssyncadd.s32 $0xFFFFEC00  }
0x118: {  	_ =	sfence.sel $0x180000  }
0x119: {  	[bflag:$0x0] =	sbarrier.arrive $0xFFFF  }
0x11a: {  	_ =	strace $0x9000004A  }
0x11b: {  	s0 =	stileid.u32;
	[bflag:$0x2] =	sbarrier.arrive $0xFFFF  }
0x11c: {  	p0 =	sne.s32 s0, $0x0;
	s0 =	rddreg [dreg:$0x4]  }
0x11d: {  	s0 =	sadd.s32 @!p0 $0x100000, s0  }
0x11e: {  	[sflag:s0] =	ssyncadd.tile.s32 @!p0 $0x1;
	_ =	shalt  }
.Lfunc_end2:
_tile_overlayer_lowered:
.L_overlay_start_2:
0x11f: {  	(tag) =	ssettag $0x2  }
0x120: {  	s0 =	rddreg [dreg:$0x0];
	s2 =	stileid.u32  }
0x121: {  	s1 =	rddreg [dreg:$0x1];
	p0 =	sne.s32 s2, $0x0  }
0x122: {  	s3 =	rddreg [dreg:$0x2];
	[bflag:$0x3] =	sbarrier.arrive $0xFFFF;
	s2 =	simm.s32 @!p0 $0x1C09  }
0x123: {  	[timem:s3], [sflag:s2] =	dma.local @!p0 [hbm:s0], s1  }
0x124: {  	s0 =	simm.s32 @!p0 $0x9  }
0x125: {  	_ =	swait.ge @!p0 [sflag:s0], s1  }
0x126: {  	s1 =	ssub.s32 @!p0 $0x0, s1;
	[sflag:s0] =	ssyncset.done @!p0 $0x0  }
0x127: {  	[sflag:s0] =	ssyncadd.s32 @!p0 s1  }
0x128: {  	[bflag:$0x3] =	sbarrier.arrive $0xFFFF  }
0x129: {  	_ =	shalt  }

// kernel: sc_agg_w80.3.cloned.1.call-start
scs
__scs_entry_jumppad:
0x0: {  	(pc) =	sbr.rel $0x88, $3  }
0x1: {  	(tag) =	ssettag $0x0;
	lr =	simm.s32 $0x1  }
0x2: {  	[smem:$0x3F97] =	sst lr;
	_ =	strace $0xD0000000  }
0x3: {  	_ = 	snop  }
0x4: {  	_ = 	snop  }
0x5: {  	_ = 	snop  }
0x6: {  	_ = 	snop  }
0x7: {  	_ = 	snop  }
__scs_overlays_trampoline_lowered:
0x8: {  	[smem:$0x3FA6] =	sst s0  }
0x9: {  	[smem:$0x3FA7] =	sst s1  }
0xa: {  	[smem:$0x3FA8] =	sst s2  }
0xb: {  	[smem:$0x3FA9] =	sst s3  }
0xc: {  	[smem:$0x3FAA] =	sst s4  }
0xd: {  	[smem:$0x3FAB] =	sst s5  }
0xe: {  	[smem:$0x3FAC] =	sst s6  }
0xf: {  	[smem:$0x3FAD] =	sst s7  }
0x10: {  	[smem:$0x3FAE] =	sst s8  }
0x11: {  	[smem:$0x3FAF] =	sst s9;
	s0 =	simm.s32 @!p0 $0x0  }
0x12: {  	s1 =	sld [smem:$0x3F95];
	s0 =	simm.s32 @p0 $0x1  }
0x13: {  	[smem:$0x3FB0] =	sst s0;
	s0 =	simm.s32 @!p1 $0x0  }
0x14: {  	s2 =	sld [smem:$0x3F94];
	s0 =	simm.s32 @p1 $0x1  }
0x15: {  	[smem:$0x3FB1] =	sst s0;
	s0 =	simm.s32 @!p2 $0x0  }
0x16: {  	s3 =	sld [smem:$0x3FDB];
	s0 =	simm.s32 @p2 $0x1  }
0x17: {  	s4 =	simm.s32 $0x1BF5;
	[smem:$0x3FB3] =	sst s0  }
0x18: {  	s0 =	sld [smem:$0x3F96];
	_ =	swait.ge [sflag:s4], $0x0  }
0x19: {  	s7 =	sld [smem:$0x3F97]  }
0x1a: {  	s8 =	sadd.s32 $0xFFFFE003, lr  }
0x1b: {  	s9 =	sadd.s32 $0xFFFFFEF7, lr;
	s5 =	simm.s32 $0xFFFFFFFF;
	p2 =	slt.u32 s8, $0xFFFFF086  }
0x1c: {  	p1 =	slt.u32 s9, $0xF7A;
	s5 =	simm.s32 @!p2 $0x0  }
0x1d: {  	s5 =	simm.s32 @p1 $0x1;
	p0 =	seq.s32 s7, s2  }
0x1e: {  	s7 =	smul.u32 @!p0 $0xF7A, s2;
	p2 =	seq.s32 @!p0 s5, $0x0  }
0x1f: {  	s9 =	smul.u32 $0xF7A, s1;
	s8 =	simm.s32 @!p0 $0x1BF5;
	p2 =	por !p2, p0  }
0x20: {  	[sflag:s8] =	ssyncset.s32 @!p0 $0xFFFFF086;
	s6 =	sadd.s32 @!p0 s3, s7;
	s7 =	simm.s32 @!p0 $0x108  }
0x21: {  	s3 =	sadd.s32 s3, s9;
	s6 =	sadd.s32 @!p0 $0x88, s6;
	s7 =	simm.s32 @p2 $0x1082  }
0x22: {  	[simem:s7], [sflag:s8] =	dma.local @!p0 [hbm:s6], $0xF7A  }
0x23: {  	s9 =	sor.u32 $0xD0000000, s2;
	s6 =	simm.s32 $0x108;
	_ =	swait.ge @!p0 [sflag:s8], $0x0  }
0x24: {  	s3 =	sadd.s32 $0x88, s3;
	s6 =	simm.s32 @!p1 $0x1082;
	[sflag:s4] =	ssyncset.s32 $0xFFFFF086  }
0x25: {  	[simem:s6], [sflag:s4] =	dma.local [hbm:s3], $0xF7A  }
0x26: {  	[smem:$0x3F97] =	sst s1;
	(tag) =	ssettag s2;
	_ =	strace s9  }
0x27: {  	s1 =	sld [smem:$0x3FA7]  }
0x28: {  	s2 =	sld [smem:$0x3FA8]  }
0x29: {  	s4 =	sld [smem:$0x3FAA]  }
0x2a: {  	p0 =	seq.s32 s5, $0x0;
	s5 =	sld [smem:$0x3FAB]  }
0x2b: {  	s6 =	sld [smem:$0x3FAC]  }
0x2c: {  	s7 =	sld [smem:$0x3FAD]  }
0x2d: {  	s3 =	simm.s32 $0x108;
	s8 =	sld [smem:$0x3FAE]  }
0x2e: {  	s3 =	simm.s32 @!p0 $0x1082;
	s9 =	sld [smem:$0x3FAF]  }
0x2f: {  	lr =	sadd.s32 s0, s3;
	s0 =	sld [smem:$0x3FA6]  }
0x30: {  	s3 =	sld [smem:$0x3FA9]  }
0x31: {  	[smem:$0x3FB2] =	sst s10  }
0x32: {  	s10 =	sld [smem:$0x3FB0];
	_ =	sdelay $0x3  }
0x33: {  	p0 =	seq.s32 s10, $0x1;
	s10 =	sld [smem:$0x3FB2];
	_ =	sdelay $0x3  }
0x34: {  	[smem:$0x3FB2] =	sst s10  }
0x35: {  	s10 =	sld [smem:$0x3FB1];
	_ =	sdelay $0x3  }
0x36: {  	p1 =	seq.s32 s10, $0x1;
	s10 =	sld [smem:$0x3FB2];
	_ =	sdelay $0x3  }
0x37: {  	[smem:$0x3FB2] =	sst s10  }
0x38: {  	s10 =	sld [smem:$0x3FB3]  }
0x39: {  	_ = 	snop;
	(pc) =	sbr.ind lr, $3  }
0x3a: {  	_ = 	snop  }
0x3b: {  	_ = 	snop  }
0x3c: {  	p2 =	seq.s32 s10, $0x1;
	s10 =	sld [smem:$0x3FB2]  }
0x3d: {  	_ =	shalt  }
0x3e: {  	_ =	shalt  }
0x3f: {  	_ =	shalt  }
0x40: {  	_ =	shalt  }
0x41: {  	_ =	shalt  }
0x42: {  	_ =	shalt  }
0x43: {  	_ =	shalt  }
0x44: {  	_ =	shalt  }
0x45: {  	_ =	shalt  }
0x46: {  	_ =	shalt  }
0x47: {  	_ =	shalt  }
0x48: {  	_ =	shalt  }
0x49: {  	_ =	shalt  }
0x4a: {  	_ =	shalt  }
0x4b: {  	_ =	shalt  }
0x4c: {  	_ =	shalt  }
0x4d: {  	_ =	shalt  }
0x4e: {  	_ =	shalt  }
0x4f: {  	_ =	shalt  }
0x50: {  	_ =	shalt  }
0x51: {  	_ =	shalt  }
0x52: {  	_ =	shalt  }
0x53: {  	_ =	shalt  }
0x54: {  	_ =	shalt  }
0x55: {  	_ =	shalt  }
0x56: {  	_ =	shalt  }
0x57: {  	_ =	shalt  }
0x58: {  	_ =	shalt  }
0x59: {  	_ =	shalt  }
0x5a: {  	_ =	shalt  }
0x5b: {  	_ =	shalt  }
0x5c: {  	_ =	shalt  }
0x5d: {  	_ =	shalt  }
0x5e: {  	_ =	shalt  }
0x5f: {  	_ =	shalt  }
0x60: {  	_ =	shalt  }
0x61: {  	_ =	shalt  }
0x62: {  	_ =	shalt  }
0x63: {  	_ =	shalt  }
0x64: {  	_ =	shalt  }
0x65: {  	_ =	shalt  }
0x66: {  	_ =	shalt  }
0x67: {  	_ =	shalt  }
0x68: {  	_ =	shalt  }
0x69: {  	_ =	shalt  }
0x6a: {  	_ =	shalt  }
0x6b: {  	_ =	shalt  }
0x6c: {  	_ =	shalt  }
0x6d: {  	_ =	shalt  }
0x6e: {  	_ =	shalt  }
0x6f: {  	_ =	shalt  }
0x70: {  	_ =	shalt  }
0x71: {  	_ =	shalt  }
0x72: {  	_ =	shalt  }
0x73: {  	_ =	shalt  }
0x74: {  	_ =	shalt  }
0x75: {  	_ =	shalt  }
0x76: {  	_ =	shalt  }
0x77: {  	_ =	shalt  }
0x78: {  	_ =	shalt  }
0x79: {  	_ =	shalt  }
0x7a: {  	_ =	shalt  }
0x7b: {  	_ =	shalt  }
0x7c: {  	_ =	shalt  }
0x7d: {  	_ =	shalt  }
0x7e: {  	_ =	shalt  }
0x7f: {  	_ =	shalt  }
0x80: {  	_ =	shalt  }
0x81: {  	_ =	shalt  }
0x82: {  	_ =	shalt  }
0x83: {  	_ =	shalt  }
0x84: {  	_ =	shalt  }
0x85: {  	_ =	shalt  }
0x86: {  	_ =	shalt  }
0x87: {  	_ =	shalt  }
.Lfunc_end0:
.L_simem_size_0:
called_computation_lowered:
.L_overlay_start_0:
0x88: {  	s2 =	sld [smem:$0x3FD9]  }
0x89: {  	s3 =	sld [smem:$0x3FFE];
	_ =	sdelay $0x1  }
0x8a: {  	s1 =	srdreg.scid  }
0x8b: {  	s0 =	sand.u32 $0x1, s1  }
0x8c: {  	s17 =	sshll.u32 s0, $0xA;
	s2 =	sadd.s32 s3, s2  }
0x8d: {  	s2 =	sadd.s32 s2, s17  }
0x8e: {  	[smem:$0x3FBE] =	sst s2  }
0x8f: {  	_ = 	snop  }
0x90: {  	s2 =	sld [smem:$0x3FD0];
	(tm) =	ssettm $0x1  }
0x91: {  	s18 =	sld [smem:$0x3FFB];
	_ =	sdelay $0x3  }
0x92: {  	_ =	strace s18  }
0x93: {  	s3 =	sld [smem:$0x3FFC];
	_ =	sdelay $0x3  }
0x94: {  	_ =	strace s3  }
0x95: {  	s3 =	sld [smem:$0x3FFD];
	_ =	sdelay $0x3  }
0x96: {  	_ =	strace s3  }
0x97: {  	_ =	strace $0x8FFFFFFF  }
0x98: {  	s19 =	sld [smem:$0x3FDB];
	_ =	sdelay $0x1  }
0x99: {  	s4 =	simm.s32 $_scs_section_size  }
0x9a: {  	s5 =	simm.s32 $_size__tile_overlayer_lowered;
	s6 =	simm.s32 $_tile_overlayer_lowered  }
0x9b: {  	s22 =	simm.s32 $0x1BFF;
	s21 =	sshll.u32 s6, $0x1;
	s3 =	sadd.s32 s4, s19  }
0x9c: {  	s7 =	simm.s32 $0x0;
	s20 =	sshll.u32 s5, $0x1;
	s5 =	sadd.s32 s21, s3  }
0x9d: {  	[timem:s7], [sflag:s22] =	dma.local [hbm:s5], s20  }
0x9e: {  	_ =	swait.ge [sflag:s22], s20  }
0x9f: {  	s4 =	ssub.s32 $0x0, s20;
	[sflag:s22] =	ssyncset.done $0x0  }
0xa0: {  	[sflag:s22] =	ssyncadd.s32 s4;
	_ =	sdelay $0x1  }
0xa1: {  	s23 =	simm.s32 $0x1B8B  }
0xa2: {  	_ =	swait.ge [sflag:s23], $0x1  }
0xa3: {  	[sflag:s23] =	ssyncset.done $0x0  }
0xa4: {  	s25 =	simm.s32 $0x1B8E;
	s24 =	sld [smem:$0x3FFE];
	[sflag:s23] =	ssyncadd.s32 $0xFFFFFFFF  }
0xa5: {  	s26 =	simm.s32 $execute0_lowered;
	[smem:$0x3FD2] =	sst s25  }
0xa6: {  	s5 =	sshll.u32 s26, $0x1;
	_ =	strace $0x80000046;
	[dreg:$0x1] =	wrdreg $0xFFFFFFFF  }
0xa7: {  	s28 =	simm.s32 $_size_execute0_lowered;
	s3 =	sadd.s32 s3, s5;
	[dreg:$0x0] =	wrdreg $0x0  }
0xa8: {  	s5 =	sshll.u32 s28, $0x1;
	[dreg:$0x2] =	wrdreg s3  }
0xa9: {  	[dreg:$0x3] =	wrdreg s5  }
0xaa: {  	[dreg:$0x4] =	wrdreg $0xC0  }
0xab: {  	_ =	task [dreg:s7], $0x5FFFF  }
0xac: {  	[dreg:$0x1] =	wrdreg $0xFFFFFFFF  }
0xad: {  	[dreg:$0x0] =	wrdreg $0x60  }
0xae: {  	[dreg:$0x2] =	wrdreg s24  }
0xaf: {  	[dreg:$0x3] =	wrdreg s2  }
0xb0: {  	[dreg:$0x4] =	wrdreg $0x54000  }
0xb1: {  	[dreg:$0x5] =	wrdreg $0x11C000  }
0xb2: {  	[dreg:$0x6] =	wrdreg $0x9  }
0xb3: {  	_ =	task.clear_ibuf [dreg:s7], $0x7FFFF;
	_ =	strace $0x90000046  }
0xb4: {  	s29 =	simm.s32 $0x9;
	_ =	strace $0x80000048  }
0xb5: {  	_ =	swait.ge [sflag:s29], $0x1  }
0xb6: {  	[sflag:s29] =	ssyncadd.s32 $0xFFFFFFFF  }
0xb7: {  	_ =	strace $0x90000048  }
0xb8: {  	_ =	sfence  }
0xb9: {  	s30 =	sld [smem:$0x0];
	_ =	sdelay $0x2  }
0xba: {  	s31 =	sshll.u32 s1, $0xD;
	s1 =	sshrl.u32 s1, $0x2  }
0xbb: {  	s3 =	sand.u32 $0x4000, s31;
	s1 =	sadd.s32 s1, s30  }
0xbc: {  	s0 =	sor.u32 s3, s0;
	s1 =	sshll.u32 s1, $0x11  }
0xbd: {  	s0 =	sor.u32 s1, s0  }
0xbe: {  	s0 =	sadd.s32 $0x8F2B, s0  }
0xbf: {  	[sflag:s0] =	ssyncadd.remote.s32 $0x1  }
0xc0: {  	_ =	sfence.sel $0xFFFF  }
0xc1: {  	[dreg:$0x0] =	wrdreg $0xFFFFFFFF;
	(pc) =	sbr.abs _section_cstart, $3  }
0xc2: {  	[dreg:$0x1] =	wrdreg $0xFFFFFFFF  }
0xc3: {  	_ =	task.clear_ibuf [dreg:s7], $0x2FFFF;
	_ =	strace $0x9FFFFFFF  }
0xc4: {  	(tm) =	ssettm $0x7FFFFFFF  }
0xc5: {  	_ =	shalt  }
tec
execute0_lowered:
.L_overlay_start_1:
0x0: {  	(tag) =	ssettag $0x1  }
0x1: {  	s0 =	rddreg [dreg:$0x0]  }
0x2: {  	s1 =	rddreg [dreg:$0x1]  }
0x3: {  	s2 =	rddreg [dreg:$0x2]  }
0x4: {  	s3 =	rddreg [dreg:$0x3]  }
0x5: {  	s5 =	srdreg.scid;
	s14 =	stileid.u32  }
0x6: {  	s4 =	simm.s32 $0x0;
	s28 =	simm.s32 $0x9;
	s29 =	simm.s32 $0x1  }
0x7: {  	s30 =	simm.s32 $0x400;
	s31 =	simm.s32 $0x100;
	s5 =	sand.u32 $0x1, s5  }
0x8: {  	s7 =	smul.u32 $0xC800, s14;
	[smem:$0x7FF] =	sst s4;
	s8 =	sadd.s32 $0x8D800, s0  }
0x9: {  	s9 =	smul.u32 $0xA00, s14;
	s11 =	sadd.s32 $0x1800, s0;
	s25 =	sshll.u32 s14, $0x6  }
0xa: {  	s14 =	simm.s32 $0x6;
	s6 =	smul.u32 $0xC8000, s5;
	s5 =	ssub.s32 $0x2, s5  }
0xb: {  	_ =	strace $0x80000047;
	s18 =	sor.u32 $0x1C09, s25;
	s10 =	sshrl.u32 s5, $0x1  }
0xc: {  	s24 =	sor.u32 $0x10, s9;
	s15 =	sshrl.u32 s7, $0x3;
	s16 =	sor.u32 $0x20, s9  }
0xd: {  	s19 =	sor.u32 $0x30, s9;
	s21 =	sor.u32 $0x40, s9;
	s23 =	sor.u32 $0x50, s9  }
0xe: {  	[dreg:$0x8] =	wrdreg s18;
	s6 =	sadd.s32 s7, s6;
	s13 =	sadd.s32 s8, s24  }
0xf: {  	s12 =	ssub.s32 s5, s10;
	s10 =	sadd.s32 s11, s24;
	[dreg:$0x5] =	wrdreg s13  }
0x10: {  	s5 =	sadd.s32 s8, s9;
	s1 =	sadd.s32 s1, s15;
	[dreg:$0x6] =	wrdreg s10  }
0x11: {  	s17 =	sadd.s32 s8, s16;
	s20 =	sadd.s32 s8, s19;
	[dreg:$0xa] =	wrdreg s1  }
0x12: {  	s22 =	sadd.s32 s8, s21;
	s24 =	sadd.s32 s8, s23;
	[dreg:$0xb] =	wrdreg s17  }
0x13: {  	s8 =	simm.s32 $0x180;
	s15 =	simm.s32 $0x8;
	[dreg:$0xd] =	wrdreg s20  }
0x14: {  	s6 =	sshrl.u32 s6, $0x3;
	s13 =	sadd.s32 s7, s2;
	[dreg:$0xf] =	wrdreg s22  }
0x15: {  	s7 =	sadd.s32 s7, s3;
	s1 =	sadd.s32 s11, s16;
	[dreg:$0x11] =	wrdreg s24  }
0x16: {  	s25 =	smax.u32 s12, $0x1;
	s24 =	simm.s32 $0x80;
	[dreg:$0x9] =	wrdreg s7  }
0x17: {  	s12 =	simm.s32 $0x7;
	s16 =	simm.s32 $0x4;
	[dreg:$0xc] =	wrdreg s1  }
0x18: {  	s0 =	sadd.s32 s6, s0;
	s1 =	sadd.s32 s11, s19;
	[dreg:$0x14] =	wrdreg s25  }
0x19: {  	s17 =	simm.s32 $0x0;
	s26 =	sadd.s32 $0x5B800, s0;
	[dreg:$0xe] =	wrdreg s1  }
0x1a: {  	s6 =	sadd.s32 s11, s9;
	s1 =	sadd.s32 s11, s21;
	[dreg:$0x7] =	wrdreg s26  }
0x1b: {  	s7 =	simm.s32 $0x2C00;
	s0 =	sadd.s32 $0x97800, s0;
	[dreg:$0x10] =	wrdreg s1  }
0x1c: {  	s9 =	simm.s32 $0x380;
	s1 =	sadd.s32 s11, s23;
	[dreg:$0x13] =	wrdreg s0  }
0x1d: {  	s23 =	simm.s32 $0x200;
	s26 =	sshrl.u32 s13, $0x3;
	s0 =	simm.s32 $0x300  }
0x1e: {  	s11 =	simm.s32 $0x5;
	s13 =	simm.s32 $0x3;
	[dreg:$0x12] =	wrdreg s1  }
0x1f: {  	[dreg:$0x15] =	wrdreg s26;
	s26 =	simm.s32 $0x280;
	s1 =	simm.s32 $0x2  }
.LBB2_1:
0x20: {  	[tilespmem:s4], [sflag:$0x1] =	stream.linear.gather [hbm4b:s5+s4], $0x80, $0x38;
	[tilespmem:$0x1E400] =	vst v63  }
0x21: {  	s10 =	rddreg [dreg:$0x5]  }
0x22: {  	s22 =	rddreg [dreg:$0x6]  }
0x23: {  	[tilespmem:s23], [sflag:$0x1] =	stream.linear.gather [hbm4b:s6+s4], $0x80, $0x38;
	[tilespmem:$0x1E400] =	vst v63  }
0x24: {  	s25 =	rddreg [dreg:$0x7]  }
0x25: {  	[tilespmem:s24], [sflag:$0x2] =	stream.linear.gather [hbm4b:s10+s4], $0x80, $0x38;
	[tilespmem:$0x1E400] =	vst v63  }
0x26: {  	s19 =	rddreg [dreg:$0x15]  }
0x27: {  	[tilespmem:s26], [sflag:$0x2] =	stream.linear.gather [hbm4b:s22+s4], $0x80, $0x38;
	[tilespmem:$0x1E400] =	vst v63  }
0x28: {  	[spmem:s19], [sflag:s18] =	dma.local [hbm:s25], $0x1900  }
0x29: {  	_ =	swait.ge [sflag:s28], $0x1900  }
0x2a: {  	s19 =	rddreg [dreg:$0x9]  }
0x2b: {  	[sflag:s28] =	ssyncset.done $0x0;
	s21 =	rddreg [dreg:$0xa];
	s20 =	sshrl.u32 s19, $0x3  }
0x2c: {  	[sflag:s28] =	ssyncadd.s32 $0xFFFFE700;
	[dreg:$0x16] =	wrdreg s20  }
0x2d: {  	[spmem:s20], [sflag:s18] =	dma.local [hbm:s21], $0x1900  }
0x2e: {  	_ =	swait.ge [sflag:s28], $0x1900  }
0x2f: {  	[sflag:s28] =	ssyncset.done $0x0  }
0x30: {  	[sflag:s28] =	ssyncadd.s32 $0xFFFFE700  }
0x31: {  	[bflag:$0x0] =	sbarrier.arrive $0xFFFF  }
0x32: {  	_ =	swait.ge [sflag:s29], $0x80  }
0x33: {  	[sflag:s29] =	ssyncset.done $0x0  }
0x34: {  	[sflag:s29] =	ssyncadd.s32 $0xFFFFFF80  }
0x35: {  	_ =	swait.ge [sflag:s29], $0x80  }
0x36: {  	[sflag:s29] =	ssyncset.done $0x0  }
0x37: {  	[sflag:s29] =	ssyncadd.s32 $0xFFFFFF80  }
0x38: {  	[tilespmem:s30], [sflag:$0x5] =	stream.indirect.gather [spmem:s2], $0x50, s4, s24, $0xb8;
	[tilespmem:$0x1E400] =	vst v63  }
0x39: {  	s22 =	rddreg [dreg:$0xb]  }
0x3a: {  	[tilespmem:s31], [sflag:$0x3] =	stream.linear.gather [hbm4b:s22+s4], $0x80, $0x38;
	[tilespmem:$0x1E400] =	vst v63  }
0x3b: {  	s25 =	rddreg [dreg:$0xc]  }
0x3c: {  	[tilespmem:s0], [sflag:$0x3] =	stream.linear.gather [hbm4b:s25+s4], $0x80, $0x38;
	[tilespmem:$0x1E400] =	vst v63  }
0x3d: {  	_ =	swait.ge [sflag:s1], $0x80  }
0x3e: {  	[sflag:s1] =	ssyncset.done $0x0  }
0x3f: {  	[sflag:s1] =	ssyncadd.s32 $0xFFFFFF80  }
0x40: {  	_ =	swait.ge [sflag:s1], $0x80  }
0x41: {  	[sflag:s1] =	ssyncset.done $0x0  }
0x42: {  	[sflag:s1] =	ssyncadd.s32 $0xFFFFFF80  }
0x43: {  	[tilespmem:s7], [sflag:$0x6] =	stream.indirect.gather [spmem:s2], $0x50, s24, s24, $0xb8;
	[tilespmem:$0x1E400] =	vst v63  }
0x44: {  	s18 =	rddreg [dreg:$0xd]  }
0x45: {  	[tilespmem:s8], [sflag:$0x4] =	stream.linear.gather [hbm4b:s18+s4], $0x80, $0x38;
	[tilespmem:$0x1E400] =	vst v63  }
0x46: {  	s19 =	rddreg [dreg:$0xe]  }
0x47: {  	[tilespmem:s9], [sflag:$0x4] =	stream.linear.gather [hbm4b:s19+s4], $0x80, $0x38;
	[tilespmem:$0x1E400] =	vst v63  }
0x48: {  	_ =	swait.ge [sflag:s11], $0x2800  }
0x49: {  	[sflag:s11] =	ssyncset.done $0x0  }
0x4a: {  	[sflag:s11] =	ssyncadd.s32 $0xFFFFD800  }
0x4b: {  	[spmem:s3] =	stream.indirect.scatter.add.f32 [tilespmem:s30], [sflag:$0x7], $0x50, s23, s24, $0xb8;
	[tilespmem:$0x1E400] =	vst v63  }
0x4c: {  	_ =	swait.ge [sflag:s12], $0x2800  }
0x4d: {  	[sflag:s12] =	ssyncset.done $0x0  }
0x4e: {  	[sflag:s12] =	ssyncadd.s32 $0xFFFFD800  }
0x4f: {  	_ =	swait.ge [sflag:s13], $0x80  }
0x50: {  	[sflag:s13] =	ssyncset.done $0x0  }
0x51: {  	[sflag:s13] =	ssyncadd.s32 $0xFFFFFF80  }
0x52: {  	_ =	swait.ge [sflag:s13], $0x80  }
0x53: {  	[sflag:s13] =	ssyncset.done $0x0  }
0x54: {  	[sflag:s13] =	ssyncadd.s32 $0xFFFFFF80  }
0x55: {  	[tilespmem:s30], [sflag:$0x5] =	stream.indirect.gather [spmem:s2], $0x50, s31, s24, $0xb8;
	[tilespmem:$0x1E400] =	vst v63  }
0x56: {  	s20 =	rddreg [dreg:$0xf]  }
0x57: {  	[tilespmem:s4], [sflag:$0x1] =	stream.linear.gather [hbm4b:s20+s4], $0x80, $0x38;
	[tilespmem:$0x1E400] =	vst v63  }
0x58: {  	s21 =	rddreg [dreg:$0x10]  }
0x59: {  	[tilespmem:s23], [sflag:$0x1] =	stream.linear.gather [hbm4b:s21+s4], $0x80, $0x38;
	[tilespmem:$0x1E400] =	vst v63  }
0x5a: {  	_ =	swait.ge [sflag:s14], $0x2800  }
0x5b: {  	[sflag:s14] =	ssyncset.done $0x0  }
0x5c: {  	[sflag:s14] =	ssyncadd.s32 $0xFFFFD800  }
0x5d: {  	[spmem:s3] =	stream.indirect.scatter.add.f32 [tilespmem:s7], [sflag:$0x8], $0x50, s26, s24, $0xb8;
	[tilespmem:$0x1E400] =	vst v63  }
0x5e: {  	_ =	swait.ge [sflag:s15], $0x2800  }
0x5f: {  	[sflag:s15] =	ssyncset.done $0x0  }
0x60: {  	[sflag:s15] =	ssyncadd.s32 $0xFFFFD800  }
0x61: {  	_ =	swait.ge [sflag:s16], $0x80  }
0x62: {  	[sflag:s16] =	ssyncset.done $0x0  }
0x63: {  	[sflag:s16] =	ssyncadd.s32 $0xFFFFFF80  }
0x64: {  	_ =	swait.ge [sflag:s16], $0x80  }
0x65: {  	[sflag:s16] =	ssyncset.done $0x0  }
0x66: {  	[sflag:s16] =	ssyncadd.s32 $0xFFFFFF80  }
0x67: {  	[tilespmem:s7], [sflag:$0x6] =	stream.indirect.gather [spmem:s2], $0x50, s8, s24, $0xb8;
	[tilespmem:$0x1E400] =	vst v63  }
0x68: {  	s22 =	rddreg [dreg:$0x11]  }
0x69: {  	[tilespmem:s24], [sflag:$0x2] =	stream.linear.gather [hbm4b:s22+s4], $0x80, $0x38;
	[tilespmem:$0x1E400] =	vst v63  }
0x6a: {  	s25 =	rddreg [dreg:$0x12]  }
0x6b: {  	[tilespmem:s26], [sflag:$0x2] =	stream.linear.gather [hbm4b:s25+s4], $0x80, $0x38;
	[tilespmem:$0x1E400] =	vst v63  }
0x6c: {  	_ =	swait.ge [sflag:s11], $0x2800  }
0x6d: {  	[sflag:s11] =	ssyncset.done $0x0  }
0x6e: {  	[sflag:s11] =	ssyncadd.s32 $0xFFFFD800  }
0x6f: {  	[spmem:s3] =	stream.indirect.scatter.add.f32 [tilespmem:s30], [sflag:$0x7], $0x50, s0, s24, $0xb8;
	[tilespmem:$0x1E400] =	vst v63  }
0x70: {  	_ =	swait.ge [sflag:s12], $0x2800  }
0x71: {  	[sflag:s12] =	ssyncset.done $0x0  }
0x72: {  	[sflag:s12] =	ssyncadd.s32 $0xFFFFD800  }
0x73: {  	_ =	swait.ge [sflag:s29], $0x80  }
0x74: {  	[sflag:s29] =	ssyncset.done $0x0  }
0x75: {  	[sflag:s29] =	ssyncadd.s32 $0xFFFFFF80  }
0x76: {  	_ =	swait.ge [sflag:s29], $0x80  }
0x77: {  	[sflag:s29] =	ssyncset.done $0x0  }
0x78: {  	s18 =	sadd.s32 $0x0, s5;
	[sflag:s29] =	ssyncadd.s32 $0xFFFFFF80  }
0x79: {  	[tilespmem:s30], [sflag:$0x5] =	stream.indirect.gather [spmem:s2], $0x50, s4, s24, $0xb8;
	[tilespmem:$0x1E400] =	vst v63  }
0x7a: {  	s20 =	sadd.s32 $0x60, s18;
	s21 =	sadd.s32 $0x0, s6  }
0x7b: {  	[tilespmem:s31], [sflag:$0x3] =	stream.linear.gather [hbm4b:s20+s4], $0x80, $0x38;
	[tilespmem:$0x1E400] =	vst v63  }
0x7c: {  	s22 =	sadd.s32 $0x60, s21  }
0x7d: {  	[tilespmem:s0], [sflag:$0x3] =	stream.linear.gather [hbm4b:s22+s4], $0x80, $0x38;
	[tilespmem:$0x1E400] =	vst v63  }
0x7e: {  	_ =	swait.ge [sflag:s14], $0x2800  }
0x7f: {  	[sflag:s14] =	ssyncset.done $0x0  }
0x80: {  	[sflag:s14] =	ssyncadd.s32 $0xFFFFD800  }
0x81: {  	[spmem:s3] =	stream.indirect.scatter.add.f32 [tilespmem:s7], [sflag:$0x8], $0x50, s9, s24, $0xb8;
	[tilespmem:$0x1E400] =	vst v63  }
0x82: {  	_ =	swait.ge [sflag:s15], $0x2800  }
0x83: {  	[sflag:s15] =	ssyncset.done $0x0  }
0x84: {  	[sflag:s15] =	ssyncadd.s32 $0xFFFFD800  }
0x85: {  	_ =	swait.ge [sflag:s1], $0x80  }
0x86: {  	[sflag:s1] =	ssyncset.done $0x0  }
0x87: {  	[sflag:s1] =	ssyncadd.s32 $0xFFFFFF80  }
0x88: {  	_ =	swait.ge [sflag:s1], $0x80  }
0x89: {  	[sflag:s1] =	ssyncset.done $0x0  }
0x8a: {  	[sflag:s1] =	ssyncadd.s32 $0xFFFFFF80  }
0x8b: {  	[tilespmem:s7], [sflag:$0x6] =	stream.indirect.gather [spmem:s2], $0x50, s24, s24, $0xb8;
	[tilespmem:$0x1E400] =	vst v63  }
0x8c: {  	s19 =	sadd.s32 $0x70, s18  }
0x8d: {  	[tilespmem:s8], [sflag:$0x4] =	stream.linear.gather [hbm4b:s19+s4], $0x80, $0x38;
	[tilespmem:$0x1E400] =	vst v63  }
0x8e: {  	s25 =	sadd.s32 $0x70, s21  }
0x8f: {  	[tilespmem:s9], [sflag:$0x4] =	stream.linear.gather [hbm4b:s25+s4], $0x80, $0x38;
	[tilespmem:$0x1E400] =	vst v63  }
0x90: {  	_ =	swait.ge [sflag:s11], $0x2800  }
0x91: {  	[sflag:s11] =	ssyncset.done $0x0  }
0x92: {  	[sflag:s11] =	ssyncadd.s32 $0xFFFFD800  }
0x93: {  	[spmem:s3] =	stream.indirect.scatter.add.f32 [tilespmem:s30], [sflag:$0x7], $0x50, s23, s24, $0xb8;
	[tilespmem:$0x1E400] =	vst v63  }
0x94: {  	_ =	swait.ge [sflag:s12], $0x2800  }
0x95: {  	[sflag:s12] =	ssyncset.done $0x0  }
0x96: {  	[sflag:s12] =	ssyncadd.s32 $0xFFFFD800  }
0x97: {  	_ =	swait.ge [sflag:s13], $0x80  }
0x98: {  	[sflag:s13] =	ssyncset.done $0x0  }
0x99: {  	[sflag:s13] =	ssyncadd.s32 $0xFFFFFF80  }
0x9a: {  	_ =	swait.ge [sflag:s13], $0x80  }
0x9b: {  	p0 =	por $0x0, $0x0;
	[sflag:s13] =	ssyncset.done $0x0  }
0x9c: {  	s19 =	sadd.s32 @!p0 $0x0, s5;
	[sflag:s13] =	ssyncadd.s32 $0xFFFFFF80  }
0x9d: {  	[tilespmem:s30], [sflag:$0x5] =	stream.indirect.gather [spmem:s2], $0x50, s31, s24, $0xb8;
	[tilespmem:$0x1E400] =	vst v63  }
0x9e: {  	s21 =	sadd.s32 @!p0 $0x0, s6;
	s20 =	simm.s32 @!p0 $0x0;
	s22 =	sadd.s32 @!p0 $0x80, s19  }
0x9f: {  	[tilespmem:s20], [sflag:$0x1] =	stream.linear.gather @!p0 [hbm4b:s22+s20], $0x80, $0x38;
	[tilespmem:$0x1E400] =	vst v63  }
0xa0: {  	s25 =	simm.s32 @!p0 $0x200;
	s22 =	sadd.s32 @!p0 $0x80, s21  }
0xa1: {  	[tilespmem:s25], [sflag:$0x1] =	stream.linear.gather @!p0 [hbm4b:s22+s20], $0x80, $0x38;
	[tilespmem:$0x1E400] =	vst v63  }
0xa2: {  	_ =	swait.ge [sflag:s14], $0x2800  }
0xa3: {  	[sflag:s14] =	ssyncset.done $0x0  }
0xa4: {  	[sflag:s14] =	ssyncadd.s32 $0xFFFFD800  }
0xa5: {  	[spmem:s3] =	stream.indirect.scatter.add.f32 [tilespmem:s7], [sflag:$0x8], $0x50, s26, s24, $0xb8;
	[tilespmem:$0x1E400] =	vst v63  }
0xa6: {  	_ =	swait.ge [sflag:s15], $0x2800  }
0xa7: {  	[sflag:s15] =	ssyncset.done $0x0  }
0xa8: {  	[sflag:s15] =	ssyncadd.s32 $0xFFFFD800  }
0xa9: {  	_ =	swait.ge [sflag:s16], $0x80  }
0xaa: {  	[sflag:s16] =	ssyncset.done $0x0  }
0xab: {  	[sflag:s16] =	ssyncadd.s32 $0xFFFFFF80  }
0xac: {  	_ =	swait.ge [sflag:s16], $0x80  }
0xad: {  	[sflag:s16] =	ssyncset.done $0x0  }
0xae: {  	[sflag:s16] =	ssyncadd.s32 $0xFFFFFF80  }
0xaf: {  	[tilespmem:s7], [sflag:$0x6] =	stream.indirect.gather [spmem:s2], $0x50, s8, s24, $0xb8;
	[tilespmem:$0x1E400] =	vst v63  }
0xb0: {  	s19 =	sadd.s32 @!p0 $0x90, s19;
	s22 =	simm.s32 @!p0 $0x80  }
0xb1: {  	[tilespmem:s22], [sflag:$0x2] =	stream.linear.gather @!p0 [hbm4b:s19+s20], $0x80, $0x38;
	[tilespmem:$0x1E400] =	vst v63  }
0xb2: {  	s19 =	sadd.s32 @!p0 $0x90, s21;
	s21 =	simm.s32 @!p0 $0x280  }
0xb3: {  	[tilespmem:s21], [sflag:$0x2] =	stream.linear.gather @!p0 [hbm4b:s19+s20], $0x80, $0x38;
	[tilespmem:$0x1E400] =	vst v63  }
0xb4: {  	_ =	swait.ge [sflag:s11], $0x2800  }
0xb5: {  	s19 =	simm.s32 $0x40;
	[sflag:s11] =	ssyncset.done $0x0  }
.LBB2_2:
0xb6: {  	[sflag:s11] =	ssyncadd.s32 $0xFFFFD800;
	s20 =	smov.u32 s19;
	s19 =	sadd.s32 $0x40, s19  }
0xb7: {  	[spmem:s3] =	stream.indirect.scatter.add.f32 [tilespmem:s30], [sflag:$0x7], $0x50, s0, s24, $0xb8;
	[tilespmem:$0x1E400] =	vst v63  }
0xb8: {  	p0 =	sne.s32 s19, $0x9C0;
	_ =	swait.ge [sflag:s12], $0x2800  }
0xb9: {  	[sflag:s12] =	ssyncset.done $0x0  }
0xba: {  	[sflag:s12] =	ssyncadd.s32 $0xFFFFD800  }
0xbb: {  	_ =	swait.ge [sflag:s29], $0x80  }
0xbc: {  	[sflag:s29] =	ssyncset.done $0x0  }
0xbd: {  	[sflag:s29] =	ssyncadd.s32 $0xFFFFFF80  }
0xbe: {  	_ =	swait.ge [sflag:s29], $0x80  }
0xbf: {  	[sflag:s29] =	ssyncset.done $0x0  }
0xc0: {  	s21 =	sadd.s32 s20, s5;
	[sflag:s29] =	ssyncadd.s32 $0xFFFFFF80  }
0xc1: {  	[tilespmem:s30], [sflag:$0x5] =	stream.indirect.gather [spmem:s2], $0x50, s4, s24, $0xb8;
	[tilespmem:$0x1E400] =	vst v63  }
0xc2: {  	s25 =	sadd.s32 s20, s6;
	s22 =	sadd.s32 $0x60, s21  }
0xc3: {  	[tilespmem:s31], [sflag:$0x3] =	stream.linear.gather [hbm4b:s22+s4], $0x80, $0x38;
	[tilespmem:$0x1E400] =	vst v63  }
0xc4: {  	s22 =	sadd.s32 $0x60, s25  }
0xc5: {  	[tilespmem:s0], [sflag:$0x3] =	stream.linear.gather [hbm4b:s22+s4], $0x80, $0x38;
	[tilespmem:$0x1E400] =	vst v63  }
0xc6: {  	_ =	swait.ge [sflag:s14], $0x2800  }
0xc7: {  	[sflag:s14] =	ssyncset.done $0x0  }
0xc8: {  	[sflag:s14] =	ssyncadd.s32 $0xFFFFD800  }
0xc9: {  	[spmem:s3] =	stream.indirect.scatter.add.f32 [tilespmem:s7], [sflag:$0x8], $0x50, s9, s24, $0xb8;
	[tilespmem:$0x1E400] =	vst v63  }
0xca: {  	_ =	swait.ge [sflag:s15], $0x2800  }
0xcb: {  	[sflag:s15] =	ssyncset.done $0x0  }
0xcc: {  	[sflag:s15] =	ssyncadd.s32 $0xFFFFD800  }
0xcd: {  	_ =	swait.ge [sflag:s1], $0x80  }
0xce: {  	[sflag:s1] =	ssyncset.done $0x0  }
0xcf: {  	[sflag:s1] =	ssyncadd.s32 $0xFFFFFF80  }
0xd0: {  	_ =	swait.ge [sflag:s1], $0x80  }
0xd1: {  	[sflag:s1] =	ssyncset.done $0x0  }
0xd2: {  	[sflag:s1] =	ssyncadd.s32 $0xFFFFFF80  }
0xd3: {  	[tilespmem:s7], [sflag:$0x6] =	stream.indirect.gather [spmem:s2], $0x50, s24, s24, $0xb8;
	[tilespmem:$0x1E400] =	vst v63  }
0xd4: {  	s21 =	sadd.s32 $0x70, s21  }
0xd5: {  	[tilespmem:s8], [sflag:$0x4] =	stream.linear.gather [hbm4b:s21+s4], $0x80, $0x38;
	[tilespmem:$0x1E400] =	vst v63  }
0xd6: {  	s21 =	sadd.s32 $0x70, s25  }
0xd7: {  	[tilespmem:s9], [sflag:$0x4] =	stream.linear.gather [hbm4b:s21+s4], $0x80, $0x38;
	[tilespmem:$0x1E400] =	vst v63  }
0xd8: {  	_ =	swait.ge [sflag:s11], $0x2800  }
0xd9: {  	[sflag:s11] =	ssyncset.done $0x0  }
0xda: {  	[sflag:s11] =	ssyncadd.s32 $0xFFFFD800  }
0xdb: {  	[spmem:s3] =	stream.indirect.scatter.add.f32 [tilespmem:s30], [sflag:$0x7], $0x50, s23, s24, $0xb8;
	[tilespmem:$0x1E400] =	vst v63  }
0xdc: {  	_ =	swait.ge [sflag:s12], $0x2800  }
0xdd: {  	[sflag:s12] =	ssyncset.done $0x0  }
0xde: {  	[sflag:s12] =	ssyncadd.s32 $0xFFFFD800  }
0xdf: {  	_ =	swait.ge [sflag:s13], $0x80  }
0xe0: {  	[sflag:s13] =	ssyncset.done $0x0  }
0xe1: {  	[sflag:s13] =	ssyncadd.s32 $0xFFFFFF80  }
0xe2: {  	_ =	swait.ge [sflag:s13], $0x80  }
0xe3: {  	[sflag:s13] =	ssyncset.done $0x0  }
0xe4: {  	p1 =	seq.s32 s20, $0x980;
	[sflag:s13] =	ssyncadd.s32 $0xFFFFFF80  }
0xe5: {  	[tilespmem:s30], [sflag:$0x5] =	stream.indirect.gather [spmem:s2], $0x50, s31, s24, $0xb8;
	[tilespmem:$0x1E400] =	vst v63  }
0xe6: {  	s22 =	simm.s32 @!p1 $0x0;
	s21 =	sadd.s32 @!p1 s20, s5;
	s20 =	sadd.s32 @!p1 s20, s6  }
0xe7: {  	s18 =	simm.s32 @!p1 $0x200;
	s25 =	sadd.s32 @!p1 $0x80, s21;
	s10 =	sadd.s32 @!p1 $0x80, s20  }
0xe8: {  	[tilespmem:s22], [sflag:$0x1] =	stream.linear.gather @!p1 [hbm4b:s25+s22], $0x80, $0x38;
	[tilespmem:$0x1E400] =	vst v63  }
0xe9: {  	s21 =	sadd.s32 @!p1 $0x90, s21;
	s20 =	sadd.s32 @!p1 $0x90, s20  }
0xea: {  	[tilespmem:s18], [sflag:$0x1] =	stream.linear.gather @!p1 [hbm4b:s10+s22], $0x80, $0x38;
	[tilespmem:$0x1E400] =	vst v63  }
0xeb: {  	_ =	swait.ge [sflag:s14], $0x2800  }
0xec: {  	[sflag:s14] =	ssyncset.done $0x0  }
0xed: {  	[sflag:s14] =	ssyncadd.s32 $0xFFFFD800  }
0xee: {  	[spmem:s3] =	stream.indirect.scatter.add.f32 [tilespmem:s7], [sflag:$0x8], $0x50, s26, s24, $0xb8;
	[tilespmem:$0x1E400] =	vst v63  }
0xef: {  	_ =	swait.ge [sflag:s15], $0x2800  }
0xf0: {  	[sflag:s15] =	ssyncset.done $0x0  }
0xf1: {  	[sflag:s15] =	ssyncadd.s32 $0xFFFFD800  }
0xf2: {  	_ =	swait.ge [sflag:s16], $0x80  }
0xf3: {  	[sflag:s16] =	ssyncset.done $0x0  }
0xf4: {  	[sflag:s16] =	ssyncadd.s32 $0xFFFFFF80  }
0xf5: {  	_ =	swait.ge [sflag:s16], $0x80  }
0xf6: {  	[sflag:s16] =	ssyncset.done $0x0  }
0xf7: {  	s10 =	simm.s32 @!p1 $0x80;
	[sflag:s16] =	ssyncadd.s32 $0xFFFFFF80  }
0xf8: {  	[tilespmem:s7], [sflag:$0x6] =	stream.indirect.gather [spmem:s2], $0x50, s8, s24, $0xb8;
	[tilespmem:$0x1E400] =	vst v63  }
0xf9: {  	s18 =	simm.s32 @!p1 $0x280  }
0xfa: {  	[tilespmem:s10], [sflag:$0x2] =	stream.linear.gather @!p1 [hbm4b:s21+s22], $0x80, $0x38;
	[tilespmem:$0x1E400] =	vst v63  }
.Ltmp0:
0xfb: {  	_ = 	snop;
	(pc) =	sbr.rel @p0 .LBB2_2-.Ltmp0, $4  }
0xfc: {  	_ = 	snop  }
0xfd: {  	[tilespmem:s18], [sflag:$0x2] =	stream.linear.gather @!p1 [hbm4b:s20+s22], $0x80, $0x38;
	[tilespmem:$0x1E400] =	vst v63  }
0xfe: {  	_ =	swait.ge [sflag:s11], $0x2800  }
0xff: {  	[sflag:s11] =	ssyncset.done $0x0  }
0x100: {  	[sflag:s11] =	ssyncadd.s32 $0xFFFFD800  }
0x101: {  	[spmem:s3] =	stream.indirect.scatter.add.f32 [tilespmem:s30], [sflag:$0x7], $0x50, s0, s24, $0xb8;
	[tilespmem:$0x1E400] =	vst v63  }
0x102: {  	_ =	swait.ge [sflag:s14], $0x2800  }
0x103: {  	[sflag:s14] =	ssyncset.done $0x0  }
0x104: {  	[sflag:s14] =	ssyncadd.s32 $0xFFFFD800  }
0x105: {  	[spmem:s3] =	stream.indirect.scatter.add.f32 [tilespmem:s7], [sflag:$0x8], $0x50, s9, s24, $0xb8;
	[tilespmem:$0x1E400] =	vst v63  }
0x106: {  	_ =	swait.ge [sflag:s12], $0x2800  }
0x107: {  	[sflag:s12] =	ssyncset.done $0x0  }
0x108: {  	[sflag:s12] =	ssyncadd.s32 $0xFFFFD800  }
0x109: {  	_ =	swait.ge [sflag:s15], $0x2800  }
0x10a: {  	[sflag:s15] =	ssyncset.done $0x0  }
0x10b: {  	[sflag:s15] =	ssyncadd.s32 $0xFFFFD800  }
0x10c: {  	[bflag:$0x0] =	sbarrier.arrive $0xFFFF  }
0x10d: {  	s18 =	rddreg [dreg:$0x8]  }
0x10e: {  	s10 =	rddreg [dreg:$0x13]  }
0x10f: {  	s19 =	rddreg [dreg:$0x16]  }
0x110: {  	[hbm:s10], [sflag:s18] =	dma.local [spmem:s19], $0x1900  }
0x111: {  	_ =	swait.ge [sflag:s28], $0x1900  }
0x112: {  	s17 =	sadd.s32 $0x1, s17;
	s25 =	rddreg [dreg:$0x14]  }
0x113: {  	p0 =	sne.s32 s17, s25  }
.Ltmp1:
0x114: {  	_ = 	snop;
	(pc) =	sbr.rel @p0 .LBB2_1-.Ltmp1, $3  }
0x115: {  	_ =	sdelay $0x1  }
0x116: {  	[sflag:s28] =	ssyncset.done $0x0  }
0x117: {  	[sflag:s28] =	ssyncadd.s32 $0xFFFFE700  }
0x118: {  	_ =	sfence.sel $0x180000  }
0x119: {  	[bflag:$0x0] =	sbarrier.arrive $0xFFFF  }
0x11a: {  	_ =	strace $0x90000047  }
0x11b: {  	s0 =	stileid.u32;
	[bflag:$0x2] =	sbarrier.arrive $0xFFFF  }
0x11c: {  	p0 =	sne.s32 s0, $0x0;
	s0 =	rddreg [dreg:$0x4]  }
0x11d: {  	s0 =	sadd.s32 @!p0 $0x100000, s0  }
0x11e: {  	[sflag:s0] =	ssyncadd.tile.s32 @!p0 $0x1;
	_ =	shalt  }
.Lfunc_end2:
_tile_overlayer_lowered:
.L_overlay_start_2:
0x11f: {  	(tag) =	ssettag $0x2  }
0x120: {  	s0 =	rddreg [dreg:$0x0];
	s2 =	stileid.u32  }
0x121: {  	s1 =	rddreg [dreg:$0x1];
	p0 =	sne.s32 s2, $0x0  }
0x122: {  	s3 =	rddreg [dreg:$0x2];
	[bflag:$0x3] =	sbarrier.arrive $0xFFFF;
	s2 =	simm.s32 @!p0 $0x1C09  }
0x123: {  	[timem:s3], [sflag:s2] =	dma.local @!p0 [hbm:s0], s1  }
0x124: {  	s0 =	simm.s32 @!p0 $0x9  }
0x125: {  	_ =	swait.ge @!p0 [sflag:s0], s1  }
0x126: {  	s1 =	ssub.s32 @!p0 $0x0, s1;
	[sflag:s0] =	ssyncset.done @!p0 $0x0  }
0x127: {  	[sflag:s0] =	ssyncadd.s32 @!p0 s1  }
0x128: {  	[bflag:$0x3] =	sbarrier.arrive $0xFFFF  }
0x129: {  	_ =	shalt  }

</sc_bundles>
